<compile_context>
chip_gen: v7x
topology: tpu7x:2x2x1
jax: 0.10.2.dev20260603
libtpu: 0.0.44.dev20260713+nightly
codegen_flags: <defaults>
</compile_context>

<pallas_src>
import functools

import jax
import jax.numpy as jnp
from jax import lax
from jax.experimental import pallas as pl
from jax.experimental.pallas import tpu as pltpu
from jax.experimental.pallas import tpu_sc as plsc

VOCAB = 100000
EMB = 32
WIN = 5
B = 1024
L = 200
NWIN = L - WIN + 1
HALF = 112
NH = 2
SEQ_PAD = 240
NC = 2
NS = 16
NW = NC * NS
ROWS_PER = B // NW
LANES = 16
NCH = HALF // LANES
ABLATE = 3


def _sc_body(seq_hbm, wr_hbm, ww_hbm, out_hbm,
             seqs_v, ridx_v, widx_v, reg_v, word_v, out_v, sem_in, sem_out):
    wid = lax.axis_index("s") * NC + lax.axis_index("c")
    base = wid * ROWS_PER

    pltpu.sync_copy(seq_hbm.at[pl.ds(base, ROWS_PER)], seqs_v)

    def build_fire(t, b):
        for i in range(WIN):
            for h in range(NH):
                for c in range(NCH):
                    off = i + h * HALF + c * LANES
                    ridx_v[b, i, h, pl.ds(c * LANES, LANES)] = (
                        seqs_v[t, pl.ds(off, LANES)] + i * VOCAB)
        for h in range(NH):
            for c in range(NCH):
                off = (WIN // 2) + h * HALF + c * LANES
                widx_v[b, h, pl.ds(c * LANES, LANES)] = seqs_v[t, pl.ds(off, LANES)]
        if ABLATE not in (2, 3):
            for i in range(WIN):
                for h in range(NH):
                    pltpu.async_copy(wr_hbm.at[ridx_v.at[b, i, h]],
                                     reg_v.at[b, i, h], sem_in.at[b])
            for h in range(NH):
                pltpu.async_copy(ww_hbm.at[widx_v.at[b, h]],
                                 word_v.at[b, h], sem_in.at[b])

    def drain_in(b):
        if ABLATE in (2, 3):
            return
        for i in range(WIN):
            for h in range(NH):
                pltpu.make_async_copy(wr_hbm.at[ridx_v.at[b, i, h]],
                                      reg_v.at[b, i, h], sem_in.at[b]).wait()
        for h in range(NH):
            pltpu.make_async_copy(ww_hbm.at[widx_v.at[b, h]],
                                  word_v.at[b, h], sem_in.at[b]).wait()

    def compute(b):
        for h in range(NH):
            n = HALF if h == 0 else NWIN - HALF

            @plsc.parallel_loop(0, n, unroll=4)
            def _(j, b=b, h=h):
                w0 = word_v[b, h, j, pl.ds(0, LANES)]
                w1 = word_v[b, h, j, pl.ds(LANES, LANES)]
                a0 = reg_v[b, 0, h, j, pl.ds(0, LANES)] * w0
                a1 = reg_v[b, 0, h, j, pl.ds(LANES, LANES)] * w1
                for i in range(1, WIN):
                    a0 = jnp.maximum(a0, reg_v[b, i, h, j, pl.ds(0, LANES)] * w0)
                    a1 = jnp.maximum(a1, reg_v[b, i, h, j, pl.ds(LANES, LANES)] * w1)
                out_v[b, h, j, pl.ds(0, LANES)] = a0
                out_v[b, h, j, pl.ds(LANES, LANES)] = a1

    def fire_out(t, b):
        row = base + t
        pltpu.async_copy(out_v.at[b, 0], out_hbm.at[row, pl.ds(0, HALF)],
                         sem_out.at[b])
        pltpu.async_copy(out_v.at[b, 1, pl.ds(0, NWIN - HALF)],
                         out_hbm.at[row, pl.ds(HALF, NWIN - HALF)], sem_out.at[b])

    def drain_out(t, b):
        row = base + t
        pltpu.make_async_copy(out_v.at[b, 0], out_hbm.at[row, pl.ds(0, HALF)],
                              sem_out.at[b]).wait()
        pltpu.make_async_copy(out_v.at[b, 1, pl.ds(0, NWIN - HALF)],
                              out_hbm.at[row, pl.ds(HALF, NWIN - HALF)],
                              sem_out.at[b]).wait()

    build_fire(0, 0)

    def step(g, _):
        for tofs in range(2):
            t = 2 * g + tofs
            b = tofs

            def fire_next():
                build_fire(t + 1, 1 - b)

            if tofs == 0:
                fire_next()
            else:
                pl.when(g < ROWS_PER // 2 - 1)(fire_next)
            drain_in(b)
            pl.when(g >= 1)(lambda t=t, b=b: drain_out(t - 2, b))
            if ABLATE not in (1, 3):
                compute(b)
            fire_out(t, b)
        return _

    lax.fori_loop(0, ROWS_PER // 2, step, 0)
    drain_out(ROWS_PER - 2, 0)
    drain_out(ROWS_PER - 1, 1)


@jax.jit
def _run(seq_pad, w_region, w_word):
    mesh = plsc.VectorSubcoreMesh(core_axis_name="c", subcore_axis_name="s",
                                  num_cores=NC, num_subcores=NS)
    return pl.kernel(
        _sc_body,
        out_type=jax.ShapeDtypeStruct((B, NWIN, EMB), jnp.float32),
        mesh=mesh,
        scratch_types=[
            pltpu.VMEM((ROWS_PER, SEQ_PAD), jnp.int32),
            pltpu.VMEM((2, WIN, NH, HALF), jnp.int32),
            pltpu.VMEM((2, NH, HALF), jnp.int32),
            pltpu.VMEM((2, WIN, NH, HALF, EMB), jnp.float32),
            pltpu.VMEM((2, NH, HALF, EMB), jnp.float32),
            pltpu.VMEM((2, NH, HALF, EMB), jnp.float32),
            pltpu.SemaphoreType.DMA((2,)),
            pltpu.SemaphoreType.DMA((2,)),
        ],
        compiler_params=pltpu.CompilerParams(use_tc_tiling_on_sc=False),
    )(seq_pad, w_region, w_word)


def kernel(seq, W_region, W_word):
    seq_pad = jnp.pad(seq.astype(jnp.int32), ((0, 0), (0, SEQ_PAD - L)))
    return _run(seq_pad, W_region, W_word)

# --- scband reference (transcript-rebuilt; emitter-appended) ---
"""Pipeline reference for scband-context-word-region-embedding-layer-32667521254124 (READ-ONLY COPY).

The authoritative reference and input builder live on the scoring server;
editing this copy changes nothing except your own understanding.
"""

import jax, jax.numpy as jnp
import numpy as np

VOCAB = 100000
EMB = 32
WIN = 5
B = 1024
L = 200


def setup_inputs(seed: int = 0) -> dict:
    key = jax.random.key(seed)
    k1, k2, k3 = jax.random.split(key, 3)
    seq = jax.random.randint(k1, (B, L), 0, VOCAB)
    # Region-unit embedding table of super class: [vocab_size * win_size, emb_size]
    W_region = jax.random.normal(k2, (VOCAB * WIN, EMB), dtype=jnp.float32) * 0.02
    # Center word embedding table: [vocab_size, emb_size]
    W_word = jax.random.normal(k3, (VOCAB, EMB), dtype=jnp.float32) * 0.02
    return {"seq": seq, "W_region": W_region, "W_word": W_word}


def reference(seq, W_region, W_word):
    win_radius = WIN // 2
    nwin = L - WIN + 1  # number of window-aligned positions = L - 2*win_radius
    # WindowAlignmentLayer: sliding windows of size WIN over the sequence
    offs = jnp.arange(nwin)[:, None] + jnp.arange(WIN)[None, :]  # [nwin, WIN]
    windows = seq[:, offs]  # [B, nwin, WIN] gather of token ids
    # Add per-window-position unit id bias: i * vocab_size
    unit_id_bias = (jnp.arange(WIN) * VOCAB)[None, None, :]
    win_aligned_seq = windows + unit_id_bias  # [B, nwin, WIN]
    # Region unit embedding lookup in the [VOCAB*WIN, EMB] table
    win_aligned_unit = jnp.take(W_region, win_aligned_seq, axis=0)  # [B, nwin, WIN, EMB]
    # Center word embedding: seq[:, win_radius : L - win_radius]
    center = seq[:, win_radius:L - win_radius]  # [B, nwin]
    word_emb = jnp.take(W_word, center, axis=0)  # [B, nwin, EMB]
    word_emb = word_emb[:, :, None, :]  # expand dims at axis 2
    embedding = win_aligned_unit * word_emb  # [B, nwin, WIN, EMB]
    # win_merge_fn = max-pooling over the window axis (axis=2)
    embedding = jnp.max(embedding, axis=2)  # [B, nwin, EMB]
    return embedding

if __name__ == "__main__":
    import jax
    _d = setup_inputs()
    print(jax.jit(kernel)(*tuple(_d.values())))

</pallas_src>

<mosaic_0001>
#map = affine_map<(d0, d1) -> (0, 0)>
#map1 = affine_map<(d0, d1) -> (0, 0, 0)>
module attributes {stable_mosaic.version = 14 : i64} {
  func.func @_sc_body(%arg0: i32, %arg1: i32, %arg2: memref<1024x240xi32, #tpu.memory_space<hbm>>, %arg3: memref<500000x32xf32, #tpu.memory_space<hbm>>, %arg4: memref<100000x32xf32, #tpu.memory_space<hbm>>, %arg5: memref<1024x196x32xf32, #tpu.memory_space<hbm>>, %arg6: memref<32x240xi32, #tpu.memory_space<vmem>>, %arg7: memref<2x5x2x112xi32, #tpu.memory_space<vmem>>, %arg8: memref<2x2x112xi32, #tpu.memory_space<vmem>>, %arg9: memref<2x5x2x112x32xf32, #tpu.memory_space<vmem>>, %arg10: memref<2x2x112x32xf32, #tpu.memory_space<vmem>>, %arg11: memref<2x2x112x32xf32, #tpu.memory_space<vmem>>, %arg12: memref<2x!tpu.dma_semaphore, #tpu.memory_space<semaphore_mem>>, %arg13: memref<2x!tpu.dma_semaphore, #tpu.memory_space<semaphore_mem>>) attributes {dimension_semantics = [#tpu.dimension_semantics<core_parallel>, #tpu.dimension_semantics<subcore_parallel>], iteration_bounds = array<i64: 2, 16>, scalar_prefetch = 0 : i64, scratch_operands = 8 : i64, tpu.core_type = #tpu.core_type<sc_vector_subcore>, window_params = [{transform_indices = #map}, {transform_indices = #map}, {transform_indices = #map}, {transform_indices = #map1}]} {
    %mul3A = arith.constant 2 : i32
    %mul3A_0 = arith.muli %arg1, %mul3A : i32
    %add3A = arith.addi %mul3A_0, %arg0 : i32
    %mul3A_1 = arith.constant 32 : i32
    %mul3A_2 = arith.muli %add3A, %mul3A_1 : i32
    "tpu.region"() ({
      %run_scoped3A = tpu.sem_alloc : memref<!tpu.dma_semaphore, #tpu.memory_space<semaphore_mem>>
      %dma_start3A = arith.constant 0 : i32
      %dma_start3A_1535 = tpu.memref_slice %arg2[%mul3A_2, %dma_start3A] : memref<1024x240xi32, #tpu.memory_space<hbm>> -> memref<32x240xi32, #tpu.memory_space<hbm>>
      %dma_start3A_1536 = arith.constant 0 : i32
      %dma_start3A_1537 = tpu.memref_slice %arg2[%mul3A_2, %dma_start3A_1536] : memref<1024x240xi32, #tpu.memory_space<hbm>> -> memref<32x240xi32, #tpu.memory_space<hbm>>
      tpu.enqueue_dma source(%dma_start3A_1537 : memref<32x240xi32, #tpu.memory_space<hbm>>) target(%arg6 : memref<32x240xi32, #tpu.memory_space<vmem>>) target_semaphore(%run_scoped3A : memref<!tpu.dma_semaphore, #tpu.memory_space<semaphore_mem>>)
      %dma_wait3A_1538 = arith.constant 0 : i32
      %dma_wait3A_1539 = tpu.memref_slice %arg2[%mul3A_2, %dma_wait3A_1538] : memref<1024x240xi32, #tpu.memory_space<hbm>> -> memref<32x240xi32, #tpu.memory_space<hbm>>
      %dma_wait3A_1540 = arith.constant 0 : i32
      %dma_wait3A_1541 = tpu.memref_slice %arg2[%mul3A_2, %dma_wait3A_1540] : memref<1024x240xi32, #tpu.memory_space<hbm>> -> memref<32x240xi32, #tpu.memory_space<hbm>>
      tpu.wait_dma2 semaphore(%run_scoped3A : memref<!tpu.dma_semaphore, #tpu.memory_space<semaphore_mem>>) src(%dma_wait3A_1541 : memref<32x240xi32, #tpu.memory_space<hbm>>) dst(%arg6 : memref<32x240xi32, #tpu.memory_space<vmem>>)
      tpu.yield
    }) : () -> ()
    %get3A = arith.constant 0 : i32
    %get3A_3 = arith.index_cast %get3A : i32 to index
    %get3A_4 = arith.constant 0 : index
    %get3A_5 = tpu.vector_load %arg6[%get3A_3, %get3A_4] {strides = array<i32>} : memref<32x240xi32, #tpu.memory_space<vmem>>, vector<1x16xi32>,
    %get3A_6 = vector.shape_cast %get3A_5 : vector<1x16xi32> to vector<16xi32>
    %add3A_7 = arith.constant 0 : i32
    %add3A_8 = vector.broadcast %add3A_7 : i32 to vector<16xi32>
    %add3A_9 = arith.addi %get3A_6, %add3A_8 : vector<16xi32>
    %swap3A = arith.constant 0 : i32
    %swap3A_10 = arith.constant 0 : i32
    %swap3A_11 = arith.constant 0 : i32
    %swap3A_12 = arith.index_cast %swap3A : i32 to index
    %swap3A_13 = arith.index_cast %swap3A_10 : i32 to index
    %swap3A_14 = arith.index_cast %swap3A_11 : i32 to index
    %swap3A_15 = arith.constant 0 : index
    %swap3A_16 = tpu.vector_load %arg7[%swap3A_12, %swap3A_13, %swap3A_14, %swap3A_15] {strides = array<i32>} : memref<2x5x2x112xi32, #tpu.memory_space<vmem>>, vector<1x1x1x16xi32>,
    %swap3A_17 = vector.shape_cast %swap3A_16 : vector<1x1x1x16xi32> to vector<16xi32>
    %swap3A_18 = vector.shape_cast %add3A_9 : vector<16xi32> to vector<1x1x1x16xi32>
    tpu.vector_store %arg7[%swap3A_12, %swap3A_13, %swap3A_14, %swap3A_15], %swap3A_18 {strides = array<i32>} : memref<2x5x2x112xi32, #tpu.memory_space<vmem>>, vector<1x1x1x16xi32>,
    %get3A_19 = arith.constant 0 : i32
    %get3A_20 = arith.index_cast %get3A_19 : i32 to index
    %get3A_21 = arith.constant 16 : index
    %get3A_22 = tpu.vector_load %arg6[%get3A_20, %get3A_21] {strides = array<i32>} : memref<32x240xi32, #tpu.memory_space<vmem>>, vector<1x16xi32>,
    %get3A_23 = vector.shape_cast %get3A_22 : vector<1x16xi32> to vector<16xi32>
    %add3A_24 = arith.constant 0 : i32
    %add3A_25 = vector.broadcast %add3A_24 : i32 to vector<16xi32>
    %add3A_26 = arith.addi %get3A_23, %add3A_25 : vector<16xi32>
    %swap3A_27 = arith.constant 0 : i32
    %swap3A_28 = arith.constant 0 : i32
    %swap3A_29 = arith.constant 0 : i32
    %swap3A_30 = arith.index_cast %swap3A_27 : i32 to index
    %swap3A_31 = arith.index_cast %swap3A_28 : i32 to index
    %swap3A_32 = arith.index_cast %swap3A_29 : i32 to index
    %swap3A_33 = arith.constant 16 : index
    %swap3A_34 = tpu.vector_load %arg7[%swap3A_30, %swap3A_31, %swap3A_32, %swap3A_33] {strides = array<i32>} : memref<2x5x2x112xi32, #tpu.memory_space<vmem>>, vector<1x1x1x16xi32>,
    %swap3A_35 = vector.shape_cast %swap3A_34 : vector<1x1x1x16xi32> to vector<16xi32>
    %swap3A_36 = vector.shape_cast %add3A_26 : vector<16xi32> to vector<1x1x1x16xi32>
    tpu.vector_store %arg7[%swap3A_30, %swap3A_31, %swap3A_32, %swap3A_33], %swap3A_36 {strides = array<i32>} : memref<2x5x2x112xi32, #tpu.memory_space<vmem>>, vector<1x1x1x16xi32>,
    %get3A_37 = arith.constant 0 : i32
    %get3A_38 = arith.index_cast %get3A_37 : i32 to index
    %get3A_39 = arith.constant 32 : index
    %get3A_40 = tpu.vector_load %arg6[%get3A_38, %get3A_39] {strides = array<i32>} : memref<32x240xi32, #tpu.memory_space<vmem>>, vector<1x16xi32>,
    %get3A_41 = vector.shape_cast %get3A_40 : vector<1x16xi32> to vector<16xi32>
    %add3A_42 = arith.constant 0 : i32
    %add3A_43 = vector.broadcast %add3A_42 : i32 to vector<16xi32>
    %add3A_44 = arith.addi %get3A_41, %add3A_43 : vector<16xi32>
    %swap3A_45 = arith.constant 0 : i32
    %swap3A_46 = arith.constant 0 : i32
    %swap3A_47 = arith.constant 0 : i32
    %swap3A_48 = arith.index_cast %swap3A_45 : i32 to index
    %swap3A_49 = arith.index_cast %swap3A_46 : i32 to index
    %swap3A_50 = arith.index_cast %swap3A_47 : i32 to index
    %swap3A_51 = arith.constant 32 : index
    %swap3A_52 = tpu.vector_load %arg7[%swap3A_48, %swap3A_49, %swap3A_50, %swap3A_51] {strides = array<i32>} : memref<2x5x2x112xi32, #tpu.memory_space<vmem>>, vector<1x1x1x16xi32>,
    %swap3A_53 = vector.shape_cast %swap3A_52 : vector<1x1x1x16xi32> to vector<16xi32>
    %swap3A_54 = vector.shape_cast %add3A_44 : vector<16xi32> to vector<1x1x1x16xi32>
    tpu.vector_store %arg7[%swap3A_48, %swap3A_49, %swap3A_50, %swap3A_51], %swap3A_54 {strides = array<i32>} : memref<2x5x2x112xi32, #tpu.memory_space<vmem>>, vector<1x1x1x16xi32>,
    %get3A_55 = arith.constant 0 : i32
    %get3A_56 = arith.index_cast %get3A_55 : i32 to index
    %get3A_57 = arith.constant 48 : index
    %get3A_58 = tpu.vector_load %arg6[%get3A_56, %get3A_57] {strides = array<i32>} : memref<32x240xi32, #tpu.memory_space<vmem>>, vector<1x16xi32>,
    %get3A_59 = vector.shape_cast %get3A_58 : vector<1x16xi32> to vector<16xi32>
    %add3A_60 = arith.constant 0 : i32
    %add3A_61 = vector.broadcast %add3A_60 : i32 to vector<16xi32>
    %add3A_62 = arith.addi %get3A_59, %add3A_61 : vector<16xi32>
    %swap3A_63 = arith.constant 0 : i32
    %swap3A_64 = arith.constant 0 : i32
    %swap3A_65 = arith.constant 0 : i32
    %swap3A_66 = arith.index_cast %swap3A_63 : i32 to index
    %swap3A_67 = arith.index_cast %swap3A_64 : i32 to index
    %swap3A_68 = arith.index_cast %swap3A_65 : i32 to index
    %swap3A_69 = arith.constant 48 : index
    %swap3A_70 = tpu.vector_load %arg7[%swap3A_66, %swap3A_67, %swap3A_68, %swap3A_69] {strides = array<i32>} : memref<2x5x2x112xi32, #tpu.memory_space<vmem>>, vector<1x1x1x16xi32>,
    %swap3A_71 = vector.shape_cast %swap3A_70 : vector<1x1x1x16xi32> to vector<16xi32>
    %swap3A_72 = vector.shape_cast %add3A_62 : vector<16xi32> to vector<1x1x1x16xi32>
    tpu.vector_store %arg7[%swap3A_66, %swap3A_67, %swap3A_68, %swap3A_69], %swap3A_72 {strides = array<i32>} : memref<2x5x2x112xi32, #tpu.memory_space<vmem>>, vector<1x1x1x16xi32>,
    %get3A_73 = arith.constant 0 : i32
    %get3A_74 = arith.index_cast %get3A_73 : i32 to index
    %get3A_75 = arith.constant 64 : index
    %get3A_76 = tpu.vector_load %arg6[%get3A_74, %get3A_75] {strides = array<i32>} : memref<32x240xi32, #tpu.memory_space<vmem>>, vector<1x16xi32>,
    %get3A_77 = vector.shape_cast %get3A_76 : vector<1x16xi32> to vector<16xi32>
    %add3A_78 = arith.constant 0 : i32
    %add3A_79 = vector.broadcast %add3A_78 : i32 to vector<16xi32>
    %add3A_80 = arith.addi %get3A_77, %add3A_79 : vector<16xi32>
    %swap3A_81 = arith.constant 0 : i32
    %swap3A_82 = arith.constant 0 : i32
    %swap3A_83 = arith.constant 0 : i32
    %swap3A_84 = arith.index_cast %swap3A_81 : i32 to index
    %swap3A_85 = arith.index_cast %swap3A_82 : i32 to index
    %swap3A_86 = arith.index_cast %swap3A_83 : i32 to index
    %swap3A_87 = arith.constant 64 : index
    %swap3A_88 = tpu.vector_load %arg7[%swap3A_84, %swap3A_85, %swap3A_86, %swap3A_87] {strides = array<i32>} : memref<2x5x2x112xi32, #tpu.memory_space<vmem>>, vector<1x1x1x16xi32>,
    %swap3A_89 = vector.shape_cast %swap3A_88 : vector<1x1x1x16xi32> to vector<16xi32>
    %swap3A_90 = vector.shape_cast %add3A_80 : vector<16xi32> to vector<1x1x1x16xi32>
    tpu.vector_store %arg7[%swap3A_84, %swap3A_85, %swap3A_86, %swap3A_87], %swap3A_90 {strides = array<i32>} : memref<2x5x2x112xi32, #tpu.memory_space<vmem>>, vector<1x1x1x16xi32>,
    %get3A_91 = arith.constant 0 : i32
    %get3A_92 = arith.index_cast %get3A_91 : i32 to index
    %get3A_93 = arith.constant 80 : index
    %get3A_94 = tpu.vector_load %arg6[%get3A_92, %get3A_93] {strides = array<i32>} : memref<32x240xi32, #tpu.memory_space<vmem>>, vector<1x16xi32>,
    %get3A_95 = vector.shape_cast %get3A_94 : vector<1x16xi32> to vector<16xi32>
    %add3A_96 = arith.constant 0 : i32
    %add3A_97 = vector.broadcast %add3A_96 : i32 to vector<16xi32>
    %add3A_98 = arith.addi %get3A_95, %add3A_97 : vector<16xi32>
    %swap3A_99 = arith.constant 0 : i32
    %swap3A_100 = arith.constant 0 : i32
    %swap3A_101 = arith.constant 0 : i32
    %swap3A_102 = arith.index_cast %swap3A_99 : i32 to index
    %swap3A_103 = arith.index_cast %swap3A_100 : i32 to index
    %swap3A_104 = arith.index_cast %swap3A_101 : i32 to index
    %swap3A_105 = arith.constant 80 : index
    %swap3A_106 = tpu.vector_load %arg7[%swap3A_102, %swap3A_103, %swap3A_104, %swap3A_105] {strides = array<i32>} : memref<2x5x2x112xi32, #tpu.memory_space<vmem>>, vector<1x1x1x16xi32>,
    %swap3A_107 = vector.shape_cast %swap3A_106 : vector<1x1x1x16xi32> to vector<16xi32>
    %swap3A_108 = vector.shape_cast %add3A_98 : vector<16xi32> to vector<1x1x1x16xi32>
    tpu.vector_store %arg7[%swap3A_102, %swap3A_103, %swap3A_104, %swap3A_105], %swap3A_108 {strides = array<i32>} : memref<2x5x2x112xi32, #tpu.memory_space<vmem>>, vector<1x1x1x16xi32>,
    %get3A_109 = arith.constant 0 : i32
    %get3A_110 = arith.index_cast %get3A_109 : i32 to index
    %get3A_111 = arith.constant 96 : index
    %get3A_112 = tpu.vector_load %arg6[%get3A_110, %get3A_111] {strides = array<i32>} : memref<32x240xi32, #tpu.memory_space<vmem>>, vector<1x16xi32>,
    %get3A_113 = vector.shape_cast %get3A_112 : vector<1x16xi32> to vector<16xi32>
    %add3A_114 = arith.constant 0 : i32
    %add3A_115 = vector.broadcast %add3A_114 : i32 to vector<16xi32>
    %add3A_116 = arith.addi %get3A_113, %add3A_115 : vector<16xi32>
    %swap3A_117 = arith.constant 0 : i32
    %swap3A_118 = arith.constant 0 : i32
    %swap3A_119 = arith.constant 0 : i32
    %swap3A_120 = arith.index_cast %swap3A_117 : i32 to index
    %swap3A_121 = arith.index_cast %swap3A_118 : i32 to index
    %swap3A_122 = arith.index_cast %swap3A_119 : i32 to index
    %swap3A_123 = arith.constant 96 : index
    %swap3A_124 = tpu.vector_load %arg7[%swap3A_120, %swap3A_121, %swap3A_122, %swap3A_123] {strides = array<i32>} : memref<2x5x2x112xi32, #tpu.memory_space<vmem>>, vector<1x1x1x16xi32>,
    %swap3A_125 = vector.shape_cast %swap3A_124 : vector<1x1x1x16xi32> to vector<16xi32>
    %swap3A_126 = vector.shape_cast %add3A_116 : vector<16xi32> to vector<1x1x1x16xi32>
    tpu.vector_store %arg7[%swap3A_120, %swap3A_121, %swap3A_122, %swap3A_123], %swap3A_126 {strides = array<i32>} : memref<2x5x2x112xi32, #tpu.memory_space<vmem>>, vector<1x1x1x16xi32>,
    %get3A_127 = arith.constant 0 : i32
    %get3A_128 = arith.index_cast %get3A_127 : i32 to index
    %get3A_129 = arith.constant 112 : index
    %get3A_130 = tpu.vector_load %arg6[%get3A_128, %get3A_129] {strides = array<i32>} : memref<32x240xi32, #tpu.memory_space<vmem>>, vector<1x16xi32>,
    %get3A_131 = vector.shape_cast %get3A_130 : vector<1x16xi32> to vector<16xi32>
    %add3A_132 = arith.constant 0 : i32
    %add3A_133 = vector.broadcast %add3A_132 : i32 to vector<16xi32>
    %add3A_134 = arith.addi %get3A_131, %add3A_133 : vector<16xi32>
    %swap3A_135 = arith.constant 0 : i32
    %swap3A_136 = arith.constant 0 : i32
    %swap3A_137 = arith.constant 1 : i32
    %swap3A_138 = arith.index_cast %swap3A_135 : i32 to index
    %swap3A_139 = arith.index_cast %swap3A_136 : i32 to index
    %swap3A_140 = arith.index_cast %swap3A_137 : i32 to index
    %swap3A_141 = arith.constant 0 : index
    %swap3A_142 = tpu.vector_load %arg7[%swap3A_138, %swap3A_139, %swap3A_140, %swap3A_141] {strides = array<i32>} : memref<2x5x2x112xi32, #tpu.memory_space<vmem>>, vector<1x1x1x16xi32>,
    %swap3A_143 = vector.shape_cast %swap3A_142 : vector<1x1x1x16xi32> to vector<16xi32>
    %swap3A_144 = vector.shape_cast %add3A_134 : vector<16xi32> to vector<1x1x1x16xi32>
    tpu.vector_store %arg7[%swap3A_138, %swap3A_139, %swap3A_140, %swap3A_141], %swap3A_144 {strides = array<i32>} : memref<2x5x2x112xi32, #tpu.memory_space<vmem>>, vector<1x1x1x16xi32>,
    %get3A_145 = arith.constant 0 : i32
    %get3A_146 = arith.index_cast %get3A_145 : i32 to index
    %get3A_147 = arith.constant 128 : index
    %get3A_148 = tpu.vector_load %arg6[%get3A_146, %get3A_147] {strides = array<i32>} : memref<32x240xi32, #tpu.memory_space<vmem>>, vector<1x16xi32>,
    %get3A_149 = vector.shape_cast %get3A_148 : vector<1x16xi32> to vector<16xi32>
    %add3A_150 = arith.constant 0 : i32
    %add3A_151 = vector.broadcast %add3A_150 : i32 to vector<16xi32>
    %add3A_152 = arith.addi %get3A_149, %add3A_151 : vector<16xi32>
    %swap3A_153 = arith.constant 0 : i32
    %swap3A_154 = arith.constant 0 : i32
    %swap3A_155 = arith.constant 1 : i32
    %swap3A_156 = arith.index_cast %swap3A_153 : i32 to index
    %swap3A_157 = arith.index_cast %swap3A_154 : i32 to index
    %swap3A_158 = arith.index_cast %swap3A_155 : i32 to index
    %swap3A_159 = arith.constant 16 : index
    %swap3A_160 = tpu.vector_load %arg7[%swap3A_156, %swap3A_157, %swap3A_158, %swap3A_159] {strides = array<i32>} : memref<2x5x2x112xi32, #tpu.memory_space<vmem>>, vector<1x1x1x16xi32>,
    %swap3A_161 = vector.shape_cast %swap3A_160 : vector<1x1x1x16xi32> to vector<16xi32>
    %swap3A_162 = vector.shape_cast %add3A_152 : vector<16xi32> to vector<1x1x1x16xi32>
    tpu.vector_store %arg7[%swap3A_156, %swap3A_157, %swap3A_158, %swap3A_159], %swap3A_162 {strides = array<i32>} : memref<2x5x2x112xi32, #tpu.memory_space<vmem>>, vector<1x1x1x16xi32>,
    %get3A_163 = arith.constant 0 : i32
    %get3A_164 = arith.index_cast %get3A_163 : i32 to index
    %get3A_165 = arith.constant 144 : index
    %get3A_166 = tpu.vector_load %arg6[%get3A_164, %get3A_165] {strides = array<i32>} : memref<32x240xi32, #tpu.memory_space<vmem>>, vector<1x16xi32>,
    %get3A_167 = vector.shape_cast %get3A_166 : vector<1x16xi32> to vector<16xi32>
    %add3A_168 = arith.constant 0 : i32
    %add3A_169 = vector.broadcast %add3A_168 : i32 to vector<16xi32>
    %add3A_170 = arith.addi %get3A_167, %add3A_169 : vector<16xi32>
    %swap3A_171 = arith.constant 0 : i32
    %swap3A_172 = arith.constant 0 : i32
    %swap3A_173 = arith.constant 1 : i32
    %swap3A_174 = arith.index_cast %swap3A_171 : i32 to index
    %swap3A_175 = arith.index_cast %swap3A_172 : i32 to index
    %swap3A_176 = arith.index_cast %swap3A_173 : i32 to index
    %swap3A_177 = arith.constant 32 : index
    %swap3A_178 = tpu.vector_load %arg7[%swap3A_174, %swap3A_175, %swap3A_176, %swap3A_177] {strides = array<i32>} : memref<2x5x2x112xi32, #tpu.memory_space<vmem>>, vector<1x1x1x16xi32>,
    %swap3A_179 = vector.shape_cast %swap3A_178 : vector<1x1x1x16xi32> to vector<16xi32>
    %swap3A_180 = vector.shape_cast %add3A_170 : vector<16xi32> to vector<1x1x1x16xi32>
    tpu.vector_store %arg7[%swap3A_174, %swap3A_175, %swap3A_176, %swap3A_177], %swap3A_180 {strides = array<i32>} : memref<2x5x2x112xi32, #tpu.memory_space<vmem>>, vector<1x1x1x16xi32>,
    %get3A_181 = arith.constant 0 : i32
    %get3A_182 = arith.index_cast %get3A_181 : i32 to index
    %get3A_183 = arith.constant 160 : index
    %get3A_184 = tpu.vector_load %arg6[%get3A_182, %get3A_183] {strides = array<i32>} : memref<32x240xi32, #tpu.memory_space<vmem>>, vector<1x16xi32>,
    %get3A_185 = vector.shape_cast %get3A_184 : vector<1x16xi32> to vector<16xi32>
    %add3A_186 = arith.constant 0 : i32
    %add3A_187 = vector.broadcast %add3A_186 : i32 to vector<16xi32>
    %add3A_188 = arith.addi %get3A_185, %add3A_187 : vector<16xi32>
    %swap3A_189 = arith.constant 0 : i32
    %swap3A_190 = arith.constant 0 : i32
    %swap3A_191 = arith.constant 1 : i32
    %swap3A_192 = arith.index_cast %swap3A_189 : i32 to index
    %swap3A_193 = arith.index_cast %swap3A_190 : i32 to index
    %swap3A_194 = arith.index_cast %swap3A_191 : i32 to index
    %swap3A_195 = arith.constant 48 : index
    %swap3A_196 = tpu.vector_load %arg7[%swap3A_192, %swap3A_193, %swap3A_194, %swap3A_195] {strides = array<i32>} : memref<2x5x2x112xi32, #tpu.memory_space<vmem>>, vector<1x1x1x16xi32>,
    %swap3A_197 = vector.shape_cast %swap3A_196 : vector<1x1x1x16xi32> to vector<16xi32>
    %swap3A_198 = vector.shape_cast %add3A_188 : vector<16xi32> to vector<1x1x1x16xi32>
    tpu.vector_store %arg7[%swap3A_192, %swap3A_193, %swap3A_194, %swap3A_195], %swap3A_198 {strides = array<i32>} : memref<2x5x2x112xi32, #tpu.memory_space<vmem>>, vector<1x1x1x16xi32>,
    %get3A_199 = arith.constant 0 : i32
    %get3A_200 = arith.index_cast %get3A_199 : i32 to index
    %get3A_201 = arith.constant 176 : index
    %get3A_202 = tpu.vector_load %arg6[%get3A_200, %get3A_201] {strides = array<i32>} : memref<32x240xi32, #tpu.memory_space<vmem>>, vector<1x16xi32>,
    %get3A_203 = vector.shape_cast %get3A_202 : vector<1x16xi32> to vector<16xi32>
    %add3A_204 = arith.constant 0 : i32
    %add3A_205 = vector.broadcast %add3A_204 : i32 to vector<16xi32>
    %add3A_206 = arith.addi %get3A_203, %add3A_205 : vector<16xi32>
    %swap3A_207 = arith.constant 0 : i32
    %swap3A_208 = arith.constant 0 : i32
    %swap3A_209 = arith.constant 1 : i32
    %swap3A_210 = arith.index_cast %swap3A_207 : i32 to index
    %swap3A_211 = arith.index_cast %swap3A_208 : i32 to index
    %swap3A_212 = arith.index_cast %swap3A_209 : i32 to index
    %swap3A_213 = arith.constant 64 : index
    %swap3A_214 = tpu.vector_load %arg7[%swap3A_210, %swap3A_211, %swap3A_212, %swap3A_213] {strides = array<i32>} : memref<2x5x2x112xi32, #tpu.memory_space<vmem>>, vector<1x1x1x16xi32>,
    %swap3A_215 = vector.shape_cast %swap3A_214 : vector<1x1x1x16xi32> to vector<16xi32>
    %swap3A_216 = vector.shape_cast %add3A_206 : vector<16xi32> to vector<1x1x1x16xi32>
    tpu.vector_store %arg7[%swap3A_210, %swap3A_211, %swap3A_212, %swap3A_213], %swap3A_216 {strides = array<i32>} : memref<2x5x2x112xi32, #tpu.memory_space<vmem>>, vector<1x1x1x16xi32>,
    %get3A_217 = arith.constant 0 : i32
    %get3A_218 = arith.index_cast %get3A_217 : i32 to index
    %get3A_219 = arith.constant 192 : index
    %get3A_220 = tpu.vector_load %arg6[%get3A_218, %get3A_219] {strides = array<i32>} : memref<32x240xi32, #tpu.memory_space<vmem>>, vector<1x16xi32>,
    %get3A_221 = vector.shape_cast %get3A_220 : vector<1x16xi32> to vector<16xi32>
    %add3A_222 = arith.constant 0 : i32
    %add3A_223 = vector.broadcast %add3A_222 : i32 to vector<16xi32>
    %add3A_224 = arith.addi %get3A_221, %add3A_223 : vector<16xi32>
    %swap3A_225 = arith.constant 0 : i32
    %swap3A_226 = arith.constant 0 : i32
    %swap3A_227 = arith.constant 1 : i32
    %swap3A_228 = arith.index_cast %swap3A_225 : i32 to index
    %swap3A_229 = arith.index_cast %swap3A_226 : i32 to index
    %swap3A_230 = arith.index_cast %swap3A_227 : i32 to index
    %swap3A_231 = arith.constant 80 : index
    %swap3A_232 = tpu.vector_load %arg7[%swap3A_228, %swap3A_229, %swap3A_230, %swap3A_231] {strides = array<i32>} : memref<2x5x2x112xi32, #tpu.memory_space<vmem>>, vector<1x1x1x16xi32>,
    %swap3A_233 = vector.shape_cast %swap3A_232 : vector<1x1x1x16xi32> to vector<16xi32>
    %swap3A_234 = vector.shape_cast %add3A_224 : vector<16xi32> to vector<1x1x1x16xi32>
    tpu.vector_store %arg7[%swap3A_228, %swap3A_229, %swap3A_230, %swap3A_231], %swap3A_234 {strides = array<i32>} : memref<2x5x2x112xi32, #tpu.memory_space<vmem>>, vector<1x1x1x16xi32>,
    %get3A_235 = arith.constant 0 : i32
    %get3A_236 = arith.index_cast %get3A_235 : i32 to index
    %get3A_237 = arith.constant 208 : index
    %get3A_238 = tpu.vector_load %arg6[%get3A_236, %get3A_237] {strides = array<i32>} : memref<32x240xi32, #tpu.memory_space<vmem>>, vector<1x16xi32>,
    %get3A_239 = vector.shape_cast %get3A_238 : vector<1x16xi32> to vector<16xi32>
    %add3A_240 = arith.constant 0 : i32
    %add3A_241 = vector.broadcast %add3A_240 : i32 to vector<16xi32>
    %add3A_242 = arith.addi %get3A_239, %add3A_241 : vector<16xi32>
    %swap3A_243 = arith.constant 0 : i32
    %swap3A_244 = arith.constant 0 : i32
    %swap3A_245 = arith.constant 1 : i32
    %swap3A_246 = arith.index_cast %swap3A_243 : i32 to index
    %swap3A_247 = arith.index_cast %swap3A_244 : i32 to index
    %swap3A_248 = arith.index_cast %swap3A_245 : i32 to index
    %swap3A_249 = arith.constant 96 : index
    %swap3A_250 = tpu.vector_load %arg7[%swap3A_246, %swap3A_247, %swap3A_248, %swap3A_249] {strides = array<i32>} : memref<2x5x2x112xi32, #tpu.memory_space<vmem>>, vector<1x1x1x16xi32>,
    %swap3A_251 = vector.shape_cast %swap3A_250 : vector<1x1x1x16xi32> to vector<16xi32>
    %swap3A_252 = vector.shape_cast %add3A_242 : vector<16xi32> to vector<1x1x1x16xi32>
    tpu.vector_store %arg7[%swap3A_246, %swap3A_247, %swap3A_248, %swap3A_249], %swap3A_252 {strides = array<i32>} : memref<2x5x2x112xi32, #tpu.memory_space<vmem>>, vector<1x1x1x16xi32>,
    %get3A_253 = arith.constant 0 : i32
    %get3A_254 = arith.index_cast %get3A_253 : i32 to index
    %get3A_255 = arith.constant 1 : index
    %get3A_256 = tpu.vector_load %arg6[%get3A_254, %get3A_255] {strides = array<i32>} : memref<32x240xi32, #tpu.memory_space<vmem>>, vector<1x16xi32>,
    %get3A_257 = vector.shape_cast %get3A_256 : vector<1x16xi32> to vector<16xi32>
    %add3A_258 = arith.constant 100000 : i32
    %add3A_259 = vector.broadcast %add3A_258 : i32 to vector<16xi32>
    %add3A_260 = arith.addi %get3A_257, %add3A_259 : vector<16xi32>
    %swap3A_261 = arith.constant 0 : i32
    %swap3A_262 = arith.constant 1 : i32
    %swap3A_263 = arith.constant 0 : i32
    %swap3A_264 = arith.index_cast %swap3A_261 : i32 to index
    %swap3A_265 = arith.index_cast %swap3A_262 : i32 to index
    %swap3A_266 = arith.index_cast %swap3A_263 : i32 to index
    %swap3A_267 = arith.constant 0 : index
    %swap3A_268 = tpu.vector_load %arg7[%swap3A_264, %swap3A_265, %swap3A_266, %swap3A_267] {strides = array<i32>} : memref<2x5x2x112xi32, #tpu.memory_space<vmem>>, vector<1x1x1x16xi32>,
    %swap3A_269 = vector.shape_cast %swap3A_268 : vector<1x1x1x16xi32> to vector<16xi32>
    %swap3A_270 = vector.shape_cast %add3A_260 : vector<16xi32> to vector<1x1x1x16xi32>
    tpu.vector_store %arg7[%swap3A_264, %swap3A_265, %swap3A_266, %swap3A_267], %swap3A_270 {strides = array<i32>} : memref<2x5x2x112xi32, #tpu.memory_space<vmem>>, vector<1x1x1x16xi32>,
    %get3A_271 = arith.constant 0 : i32
    %get3A_272 = arith.index_cast %get3A_271 : i32 to index
    %get3A_273 = arith.constant 17 : index
    %get3A_274 = tpu.vector_load %arg6[%get3A_272, %get3A_273] {strides = array<i32>} : memref<32x240xi32, #tpu.memory_space<vmem>>, vector<1x16xi32>,
    %get3A_275 = vector.shape_cast %get3A_274 : vector<1x16xi32> to vector<16xi32>
    %add3A_276 = arith.constant 100000 : i32
    %add3A_277 = vector.broadcast %add3A_276 : i32 to vector<16xi32>
    %add3A_278 = arith.addi %get3A_275, %add3A_277 : vector<16xi32>
    %swap3A_279 = arith.constant 0 : i32
    %swap3A_280 = arith.constant 1 : i32
    %swap3A_281 = arith.constant 0 : i32
    %swap3A_282 = arith.index_cast %swap3A_279 : i32 to index
    %swap3A_283 = arith.index_cast %swap3A_280 : i32 to index
    %swap3A_284 = arith.index_cast %swap3A_281 : i32 to index
    %swap3A_285 = arith.constant 16 : index
    %swap3A_286 = tpu.vector_load %arg7[%swap3A_282, %swap3A_283, %swap3A_284, %swap3A_285] {strides = array<i32>} : memref<2x5x2x112xi32, #tpu.memory_space<vmem>>, vector<1x1x1x16xi32>,
    %swap3A_287 = vector.shape_cast %swap3A_286 : vector<1x1x1x16xi32> to vector<16xi32>
    %swap3A_288 = vector.shape_cast %add3A_278 : vector<16xi32> to vector<1x1x1x16xi32>
    tpu.vector_store %arg7[%swap3A_282, %swap3A_283, %swap3A_284, %swap3A_285], %swap3A_288 {strides = array<i32>} : memref<2x5x2x112xi32, #tpu.memory_space<vmem>>, vector<1x1x1x16xi32>,
    %get3A_289 = arith.constant 0 : i32
    %get3A_290 = arith.index_cast %get3A_289 : i32 to index
    %get3A_291 = arith.constant 33 : index
    %get3A_292 = tpu.vector_load %arg6[%get3A_290, %get3A_291] {strides = array<i32>} : memref<32x240xi32, #tpu.memory_space<vmem>>, vector<1x16xi32>,
    %get3A_293 = vector.shape_cast %get3A_292 : vector<1x16xi32> to vector<16xi32>
    %add3A_294 = arith.constant 100000 : i32
    %add3A_295 = vector.broadcast %add3A_294 : i32 to vector<16xi32>
    %add3A_296 = arith.addi %get3A_293, %add3A_295 : vector<16xi32>
    %swap3A_297 = arith.constant 0 : i32
    %swap3A_298 = arith.constant 1 : i32
    %swap3A_299 = arith.constant 0 : i32
    %swap3A_300 = arith.index_cast %swap3A_297 : i32 to index
    %swap3A_301 = arith.index_cast %swap3A_298 : i32 to index
    %swap3A_302 = arith.index_cast %swap3A_299 : i32 to index
    %swap3A_303 = arith.constant 32 : index
    %swap3A_304 = tpu.vector_load %arg7[%swap3A_300, %swap3A_301, %swap3A_302, %swap3A_303] {strides = array<i32>} : memref<2x5x2x112xi32, #tpu.memory_space<vmem>>, vector<1x1x1x16xi32>,
    %swap3A_305 = vector.shape_cast %swap3A_304 : vector<1x1x1x16xi32> to vector<16xi32>
    %swap3A_306 = vector.shape_cast %add3A_296 : vector<16xi32> to vector<1x1x1x16xi32>
    tpu.vector_store %arg7[%swap3A_300, %swap3A_301, %swap3A_302, %swap3A_303], %swap3A_306 {strides = array<i32>} : memref<2x5x2x112xi32, #tpu.memory_space<vmem>>, vector<1x1x1x16xi32>,
    %get3A_307 = arith.constant 0 : i32
    %get3A_308 = arith.index_cast %get3A_307 : i32 to index
    %get3A_309 = arith.constant 49 : index
    %get3A_310 = tpu.vector_load %arg6[%get3A_308, %get3A_309] {strides = array<i32>} : memref<32x240xi32, #tpu.memory_space<vmem>>, vector<1x16xi32>,
    %get3A_311 = vector.shape_cast %get3A_310 : vector<1x16xi32> to vector<16xi32>
    %add3A_312 = arith.constant 100000 : i32
    %add3A_313 = vector.broadcast %add3A_312 : i32 to vector<16xi32>
    %add3A_314 = arith.addi %get3A_311, %add3A_313 : vector<16xi32>
    %swap3A_315 = arith.constant 0 : i32
    %swap3A_316 = arith.constant 1 : i32
    %swap3A_317 = arith.constant 0 : i32
    %swap3A_318 = arith.index_cast %swap3A_315 : i32 to index
    %swap3A_319 = arith.index_cast %swap3A_316 : i32 to index
    %swap3A_320 = arith.index_cast %swap3A_317 : i32 to index
    %swap3A_321 = arith.constant 48 : index
    %swap3A_322 = tpu.vector_load %arg7[%swap3A_318, %swap3A_319, %swap3A_320, %swap3A_321] {strides = array<i32>} : memref<2x5x2x112xi32, #tpu.memory_space<vmem>>, vector<1x1x1x16xi32>,
    %swap3A_323 = vector.shape_cast %swap3A_322 : vector<1x1x1x16xi32> to vector<16xi32>
    %swap3A_324 = vector.shape_cast %add3A_314 : vector<16xi32> to vector<1x1x1x16xi32>
    tpu.vector_store %arg7[%swap3A_318, %swap3A_319, %swap3A_320, %swap3A_321], %swap3A_324 {strides = array<i32>} : memref<2x5x2x112xi32, #tpu.memory_space<vmem>>, vector<1x1x1x16xi32>,
    %get3A_325 = arith.constant 0 : i32
    %get3A_326 = arith.index_cast %get3A_325 : i32 to index
    %get3A_327 = arith.constant 65 : index
    %get3A_328 = tpu.vector_load %arg6[%get3A_326, %get3A_327] {strides = array<i32>} : memref<32x240xi32, #tpu.memory_space<vmem>>, vector<1x16xi32>,
    %get3A_329 = vector.shape_cast %get3A_328 : vector<1x16xi32> to vector<16xi32>
    %add3A_330 = arith.constant 100000 : i32
    %add3A_331 = vector.broadcast %add3A_330 : i32 to vector<16xi32>
    %add3A_332 = arith.addi %get3A_329, %add3A_331 : vector<16xi32>
    %swap3A_333 = arith.constant 0 : i32
    %swap3A_334 = arith.constant 1 : i32
    %swap3A_335 = arith.constant 0 : i32
    %swap3A_336 = arith.index_cast %swap3A_333 : i32 to index
    %swap3A_337 = arith.index_cast %swap3A_334 : i32 to index
    %swap3A_338 = arith.index_cast %swap3A_335 : i32 to index
    %swap3A_339 = arith.constant 64 : index
    %swap3A_340 = tpu.vector_load %arg7[%swap3A_336, %swap3A_337, %swap3A_338, %swap3A_339] {strides = array<i32>} : memref<2x5x2x112xi32, #tpu.memory_space<vmem>>, vector<1x1x1x16xi32>,
    %swap3A_341 = vector.shape_cast %swap3A_340 : vector<1x1x1x16xi32> to vector<16xi32>
    %swap3A_342 = vector.shape_cast %add3A_332 : vector<16xi32> to vector<1x1x1x16xi32>
    tpu.vector_store %arg7[%swap3A_336, %swap3A_337, %swap3A_338, %swap3A_339], %swap3A_342 {strides = array<i32>} : memref<2x5x2x112xi32, #tpu.memory_space<vmem>>, vector<1x1x1x16xi32>,
    %get3A_343 = arith.constant 0 : i32
    %get3A_344 = arith.index_cast %get3A_343 : i32 to index
    %get3A_345 = arith.constant 81 : index
    %get3A_346 = tpu.vector_load %arg6[%get3A_344, %get3A_345] {strides = array<i32>} : memref<32x240xi32, #tpu.memory_space<vmem>>, vector<1x16xi32>,
    %get3A_347 = vector.shape_cast %get3A_346 : vector<1x16xi32> to vector<16xi32>
    %add3A_348 = arith.constant 100000 : i32
    %add3A_349 = vector.broadcast %add3A_348 : i32 to vector<16xi32>
    %add3A_350 = arith.addi %get3A_347, %add3A_349 : vector<16xi32>
    %swap3A_351 = arith.constant 0 : i32
    %swap3A_352 = arith.constant 1 : i32
    %swap3A_353 = arith.constant 0 : i32
    %swap3A_354 = arith.index_cast %swap3A_351 : i32 to index
    %swap3A_355 = arith.index_cast %swap3A_352 : i32 to index
    %swap3A_356 = arith.index_cast %swap3A_353 : i32 to index
    %swap3A_357 = arith.constant 80 : index
    %swap3A_358 = tpu.vector_load %arg7[%swap3A_354, %swap3A_355, %swap3A_356, %swap3A_357] {strides = array<i32>} : memref<2x5x2x112xi32, #tpu.memory_space<vmem>>, vector<1x1x1x16xi32>,
    %swap3A_359 = vector.shape_cast %swap3A_358 : vector<1x1x1x16xi32> to vector<16xi32>
    %swap3A_360 = vector.shape_cast %add3A_350 : vector<16xi32> to vector<1x1x1x16xi32>
    tpu.vector_store %arg7[%swap3A_354, %swap3A_355, %swap3A_356, %swap3A_357], %swap3A_360 {strides = array<i32>} : memref<2x5x2x112xi32, #tpu.memory_space<vmem>>, vector<1x1x1x16xi32>,
    %get3A_361 = arith.constant 0 : i32
    %get3A_362 = arith.index_cast %get3A_361 : i32 to index
    %get3A_363 = arith.constant 97 : index
    %get3A_364 = tpu.vector_load %arg6[%get3A_362, %get3A_363] {strides = array<i32>} : memref<32x240xi32, #tpu.memory_space<vmem>>, vector<1x16xi32>,
    %get3A_365 = vector.shape_cast %get3A_364 : vector<1x16xi32> to vector<16xi32>
    %add3A_366 = arith.constant 100000 : i32
    %add3A_367 = vector.broadcast %add3A_366 : i32 to vector<16xi32>
    %add3A_368 = arith.addi %get3A_365, %add3A_367 : vector<16xi32>
    %swap3A_369 = arith.constant 0 : i32
    %swap3A_370 = arith.constant 1 : i32
    %swap3A_371 = arith.constant 0 : i32
    %swap3A_372 = arith.index_cast %swap3A_369 : i32 to index
    %swap3A_373 = arith.index_cast %swap3A_370 : i32 to index
    %swap3A_374 = arith.index_cast %swap3A_371 : i32 to index
    %swap3A_375 = arith.constant 96 : index
    %swap3A_376 = tpu.vector_load %arg7[%swap3A_372, %swap3A_373, %swap3A_374, %swap3A_375] {strides = array<i32>} : memref<2x5x2x112xi32, #tpu.memory_space<vmem>>, vector<1x1x1x16xi32>,
    %swap3A_377 = vector.shape_cast %swap3A_376 : vector<1x1x1x16xi32> to vector<16xi32>
    %swap3A_378 = vector.shape_cast %add3A_368 : vector<16xi32> to vector<1x1x1x16xi32>
    tpu.vector_store %arg7[%swap3A_372, %swap3A_373, %swap3A_374, %swap3A_375], %swap3A_378 {strides = array<i32>} : memref<2x5x2x112xi32, #tpu.memory_space<vmem>>, vector<1x1x1x16xi32>,
    %get3A_379 = arith.constant 0 : i32
    %get3A_380 = arith.index_cast %get3A_379 : i32 to index
    %get3A_381 = arith.constant 113 : index
    %get3A_382 = tpu.vector_load %arg6[%get3A_380, %get3A_381] {strides = array<i32>} : memref<32x240xi32, #tpu.memory_space<vmem>>, vector<1x16xi32>,
    %get3A_383 = vector.shape_cast %get3A_382 : vector<1x16xi32> to vector<16xi32>
    %add3A_384 = arith.constant 100000 : i32
    %add3A_385 = vector.broadcast %add3A_384 : i32 to vector<16xi32>
    %add3A_386 = arith.addi %get3A_383, %add3A_385 : vector<16xi32>
    %swap3A_387 = arith.constant 0 : i32
    %swap3A_388 = arith.constant 1 : i32
    %swap3A_389 = arith.constant 1 : i32
    %swap3A_390 = arith.index_cast %swap3A_387 : i32 to index
    %swap3A_391 = arith.index_cast %swap3A_388 : i32 to index
    %swap3A_392 = arith.index_cast %swap3A_389 : i32 to index
    %swap3A_393 = arith.constant 0 : index
    %swap3A_394 = tpu.vector_load %arg7[%swap3A_390, %swap3A_391, %swap3A_392, %swap3A_393] {strides = array<i32>} : memref<2x5x2x112xi32, #tpu.memory_space<vmem>>, vector<1x1x1x16xi32>,
    %swap3A_395 = vector.shape_cast %swap3A_394 : vector<1x1x1x16xi32> to vector<16xi32>
    %swap3A_396 = vector.shape_cast %add3A_386 : vector<16xi32> to vector<1x1x1x16xi32>
    tpu.vector_store %arg7[%swap3A_390, %swap3A_391, %swap3A_392, %swap3A_393], %swap3A_396 {strides = array<i32>} : memref<2x5x2x112xi32, #tpu.memory_space<vmem>>, vector<1x1x1x16xi32>,
    %get3A_397 = arith.constant 0 : i32
    %get3A_398 = arith.index_cast %get3A_397 : i32 to index
    %get3A_399 = arith.constant 129 : index
    %get3A_400 = tpu.vector_load %arg6[%get3A_398, %get3A_399] {strides = array<i32>} : memref<32x240xi32, #tpu.memory_space<vmem>>, vector<1x16xi32>,
    %get3A_401 = vector.shape_cast %get3A_400 : vector<1x16xi32> to vector<16xi32>
    %add3A_402 = arith.constant 100000 : i32
    %add3A_403 = vector.broadcast %add3A_402 : i32 to vector<16xi32>
    %add3A_404 = arith.addi %get3A_401, %add3A_403 : vector<16xi32>
    %swap3A_405 = arith.constant 0 : i32
    %swap3A_406 = arith.constant 1 : i32
    %swap3A_407 = arith.constant 1 : i32
    %swap3A_408 = arith.index_cast %swap3A_405 : i32 to index
    %swap3A_409 = arith.index_cast %swap3A_406 : i32 to index
    %swap3A_410 = arith.index_cast %swap3A_407 : i32 to index
    %swap3A_411 = arith.constant 16 : index
    %swap3A_412 = tpu.vector_load %arg7[%swap3A_408, %swap3A_409, %swap3A_410, %swap3A_411] {strides = array<i32>} : memref<2x5x2x112xi32, #tpu.memory_space<vmem>>, vector<1x1x1x16xi32>,
    %swap3A_413 = vector.shape_cast %swap3A_412 : vector<1x1x1x16xi32> to vector<16xi32>
    %swap3A_414 = vector.shape_cast %add3A_404 : vector<16xi32> to vector<1x1x1x16xi32>
    tpu.vector_store %arg7[%swap3A_408, %swap3A_409, %swap3A_410, %swap3A_411], %swap3A_414 {strides = array<i32>} : memref<2x5x2x112xi32, #tpu.memory_space<vmem>>, vector<1x1x1x16xi32>,
    %get3A_415 = arith.constant 0 : i32
    %get3A_416 = arith.index_cast %get3A_415 : i32 to index
    %get3A_417 = arith.constant 145 : index
    %get3A_418 = tpu.vector_load %arg6[%get3A_416, %get3A_417] {strides = array<i32>} : memref<32x240xi32, #tpu.memory_space<vmem>>, vector<1x16xi32>,
    %get3A_419 = vector.shape_cast %get3A_418 : vector<1x16xi32> to vector<16xi32>
    %add3A_420 = arith.constant 100000 : i32
    %add3A_421 = vector.broadcast %add3A_420 : i32 to vector<16xi32>
    %add3A_422 = arith.addi %get3A_419, %add3A_421 : vector<16xi32>
    %swap3A_423 = arith.constant 0 : i32
    %swap3A_424 = arith.constant 1 : i32
    %swap3A_425 = arith.constant 1 : i32
    %swap3A_426 = arith.index_cast %swap3A_423 : i32 to index
    %swap3A_427 = arith.index_cast %swap3A_424 : i32 to index
    %swap3A_428 = arith.index_cast %swap3A_425 : i32 to index
    %swap3A_429 = arith.constant 32 : index
    %swap3A_430 = tpu.vector_load %arg7[%swap3A_426, %swap3A_427, %swap3A_428, %swap3A_429] {strides = array<i32>} : memref<2x5x2x112xi32, #tpu.memory_space<vmem>>, vector<1x1x1x16xi32>,
    %swap3A_431 = vector.shape_cast %swap3A_430 : vector<1x1x1x16xi32> to vector<16xi32>
    %swap3A_432 = vector.shape_cast %add3A_422 : vector<16xi32> to vector<1x1x1x16xi32>
    tpu.vector_store %arg7[%swap3A_426, %swap3A_427, %swap3A_428, %swap3A_429], %swap3A_432 {strides = array<i32>} : memref<2x5x2x112xi32, #tpu.memory_space<vmem>>, vector<1x1x1x16xi32>,
    %get3A_433 = arith.constant 0 : i32
    %get3A_434 = arith.index_cast %get3A_433 : i32 to index
    %get3A_435 = arith.constant 161 : index
    %get3A_436 = tpu.vector_load %arg6[%get3A_434, %get3A_435] {strides = array<i32>} : memref<32x240xi32, #tpu.memory_space<vmem>>, vector<1x16xi32>,
    %get3A_437 = vector.shape_cast %get3A_436 : vector<1x16xi32> to vector<16xi32>
    %add3A_438 = arith.constant 100000 : i32
    %add3A_439 = vector.broadcast %add3A_438 : i32 to vector<16xi32>
    %add3A_440 = arith.addi %get3A_437, %add3A_439 : vector<16xi32>
    %swap3A_441 = arith.constant 0 : i32
    %swap3A_442 = arith.constant 1 : i32
    %swap3A_443 = arith.constant 1 : i32
    %swap3A_444 = arith.index_cast %swap3A_441 : i32 to index
    %swap3A_445 = arith.index_cast %swap3A_442 : i32 to index
    %swap3A_446 = arith.index_cast %swap3A_443 : i32 to index
    %swap3A_447 = arith.constant 48 : index
    %swap3A_448 = tpu.vector_load %arg7[%swap3A_444, %swap3A_445, %swap3A_446, %swap3A_447] {strides = array<i32>} : memref<2x5x2x112xi32, #tpu.memory_space<vmem>>, vector<1x1x1x16xi32>,
    %swap3A_449 = vector.shape_cast %swap3A_448 : vector<1x1x1x16xi32> to vector<16xi32>
    %swap3A_450 = vector.shape_cast %add3A_440 : vector<16xi32> to vector<1x1x1x16xi32>
    tpu.vector_store %arg7[%swap3A_444, %swap3A_445, %swap3A_446, %swap3A_447], %swap3A_450 {strides = array<i32>} : memref<2x5x2x112xi32, #tpu.memory_space<vmem>>, vector<1x1x1x16xi32>,
    %get3A_451 = arith.constant 0 : i32
    %get3A_452 = arith.index_cast %get3A_451 : i32 to index
    %get3A_453 = arith.constant 177 : index
    %get3A_454 = tpu.vector_load %arg6[%get3A_452, %get3A_453] {strides = array<i32>} : memref<32x240xi32, #tpu.memory_space<vmem>>, vector<1x16xi32>,
    %get3A_455 = vector.shape_cast %get3A_454 : vector<1x16xi32> to vector<16xi32>
    %add3A_456 = arith.constant 100000 : i32
    %add3A_457 = vector.broadcast %add3A_456 : i32 to vector<16xi32>
    %add3A_458 = arith.addi %get3A_455, %add3A_457 : vector<16xi32>
    %swap3A_459 = arith.constant 0 : i32
    %swap3A_460 = arith.constant 1 : i32
    %swap3A_461 = arith.constant 1 : i32
    %swap3A_462 = arith.index_cast %swap3A_459 : i32 to index
    %swap3A_463 = arith.index_cast %swap3A_460 : i32 to index
    %swap3A_464 = arith.index_cast %swap3A_461 : i32 to index
    %swap3A_465 = arith.constant 64 : index
    %swap3A_466 = tpu.vector_load %arg7[%swap3A_462, %swap3A_463, %swap3A_464, %swap3A_465] {strides = array<i32>} : memref<2x5x2x112xi32, #tpu.memory_space<vmem>>, vector<1x1x1x16xi32>,
    %swap3A_467 = vector.shape_cast %swap3A_466 : vector<1x1x1x16xi32> to vector<16xi32>
    %swap3A_468 = vector.shape_cast %add3A_458 : vector<16xi32> to vector<1x1x1x16xi32>
    tpu.vector_store %arg7[%swap3A_462, %swap3A_463, %swap3A_464, %swap3A_465], %swap3A_468 {strides = array<i32>} : memref<2x5x2x112xi32, #tpu.memory_space<vmem>>, vector<1x1x1x16xi32>,
    %get3A_469 = arith.constant 0 : i32
    %get3A_470 = arith.index_cast %get3A_469 : i32 to index
    %get3A_471 = arith.constant 193 : index
    %get3A_472 = tpu.vector_load %arg6[%get3A_470, %get3A_471] {strides = array<i32>} : memref<32x240xi32, #tpu.memory_space<vmem>>, vector<1x16xi32>,
    %get3A_473 = vector.shape_cast %get3A_472 : vector<1x16xi32> to vector<16xi32>
    %add3A_474 = arith.constant 100000 : i32
    %add3A_475 = vector.broadcast %add3A_474 : i32 to vector<16xi32>
    %add3A_476 = arith.addi %get3A_473, %add3A_475 : vector<16xi32>
    %swap3A_477 = arith.constant 0 : i32
    %swap3A_478 = arith.constant 1 : i32
    %swap3A_479 = arith.constant 1 : i32
    %swap3A_480 = arith.index_cast %swap3A_477 : i32 to index
    %swap3A_481 = arith.index_cast %swap3A_478 : i32 to index
    %swap3A_482 = arith.index_cast %swap3A_479 : i32 to index
    %swap3A_483 = arith.constant 80 : index
    %swap3A_484 = tpu.vector_load %arg7[%swap3A_480, %swap3A_481, %swap3A_482, %swap3A_483] {strides = array<i32>} : memref<2x5x2x112xi32, #tpu.memory_space<vmem>>, vector<1x1x1x16xi32>,
    %swap3A_485 = vector.shape_cast %swap3A_484 : vector<1x1x1x16xi32> to vector<16xi32>
    %swap3A_486 = vector.shape_cast %add3A_476 : vector<16xi32> to vector<1x1x1x16xi32>
    tpu.vector_store %arg7[%swap3A_480, %swap3A_481, %swap3A_482, %swap3A_483], %swap3A_486 {strides = array<i32>} : memref<2x5x2x112xi32, #tpu.memory_space<vmem>>, vector<1x1x1x16xi32>,
    %get3A_487 = arith.constant 0 : i32
    %get3A_488 = arith.index_cast %get3A_487 : i32 to index
    %get3A_489 = arith.constant 209 : index
    %get3A_490 = tpu.vector_load %arg6[%get3A_488, %get3A_489] {strides = array<i32>} : memref<32x240xi32, #tpu.memory_space<vmem>>, vector<1x16xi32>,
    %get3A_491 = vector.shape_cast %get3A_490 : vector<1x16xi32> to vector<16xi32>
    %add3A_492 = arith.constant 100000 : i32
    %add3A_493 = vector.broadcast %add3A_492 : i32 to vector<16xi32>
    %add3A_494 = arith.addi %get3A_491, %add3A_493 : vector<16xi32>
    %swap3A_495 = arith.constant 0 : i32
    %swap3A_496 = arith.constant 1 : i32
    %swap3A_497 = arith.constant 1 : i32
    %swap3A_498 = arith.index_cast %swap3A_495 : i32 to index
    %swap3A_499 = arith.index_cast %swap3A_496 : i32 to index
    %swap3A_500 = arith.index_cast %swap3A_497 : i32 to index
    %swap3A_501 = arith.constant 96 : index
    %swap3A_502 = tpu.vector_load %arg7[%swap3A_498, %swap3A_499, %swap3A_500, %swap3A_501] {strides = array<i32>} : memref<2x5x2x112xi32, #tpu.memory_space<vmem>>, vector<1x1x1x16xi32>,
    %swap3A_503 = vector.shape_cast %swap3A_502 : vector<1x1x1x16xi32> to vector<16xi32>
    %swap3A_504 = vector.shape_cast %add3A_494 : vector<16xi32> to vector<1x1x1x16xi32>
    tpu.vector_store %arg7[%swap3A_498, %swap3A_499, %swap3A_500, %swap3A_501], %swap3A_504 {strides = array<i32>} : memref<2x5x2x112xi32, #tpu.memory_space<vmem>>, vector<1x1x1x16xi32>,
    %get3A_505 = arith.constant 0 : i32
    %get3A_506 = arith.index_cast %get3A_505 : i32 to index
    %get3A_507 = arith.constant 2 : index
    %get3A_508 = tpu.vector_load %arg6[%get3A_506, %get3A_507] {strides = array<i32>} : memref<32x240xi32, #tpu.memory_space<vmem>>, vector<1x16xi32>,
    %get3A_509 = vector.shape_cast %get3A_508 : vector<1x16xi32> to vector<16xi32>
    %add3A_510 = arith.constant 200000 : i32
    %add3A_511 = vector.broadcast %add3A_510 : i32 to vector<16xi32>
    %add3A_512 = arith.addi %get3A_509, %add3A_511 : vector<16xi32>
    %swap3A_513 = arith.constant 0 : i32
    %swap3A_514 = arith.constant 2 : i32
    %swap3A_515 = arith.constant 0 : i32
    %swap3A_516 = arith.index_cast %swap3A_513 : i32 to index
    %swap3A_517 = arith.index_cast %swap3A_514 : i32 to index
    %swap3A_518 = arith.index_cast %swap3A_515 : i32 to index
    %swap3A_519 = arith.constant 0 : index
    %swap3A_520 = tpu.vector_load %arg7[%swap3A_516, %swap3A_517, %swap3A_518, %swap3A_519] {strides = array<i32>} : memref<2x5x2x112xi32, #tpu.memory_space<vmem>>, vector<1x1x1x16xi32>,
    %swap3A_521 = vector.shape_cast %swap3A_520 : vector<1x1x1x16xi32> to vector<16xi32>
    %swap3A_522 = vector.shape_cast %add3A_512 : vector<16xi32> to vector<1x1x1x16xi32>
    tpu.vector_store %arg7[%swap3A_516, %swap3A_517, %swap3A_518, %swap3A_519], %swap3A_522 {strides = array<i32>} : memref<2x5x2x112xi32, #tpu.memory_space<vmem>>, vector<1x1x1x16xi32>,
    %get3A_523 = arith.constant 0 : i32
    %get3A_524 = arith.index_cast %get3A_523 : i32 to index
    %get3A_525 = arith.constant 18 : index
    %get3A_526 = tpu.vector_load %arg6[%get3A_524, %get3A_525] {strides = array<i32>} : memref<32x240xi32, #tpu.memory_space<vmem>>, vector<1x16xi32>,
    %get3A_527 = vector.shape_cast %get3A_526 : vector<1x16xi32> to vector<16xi32>
    %add3A_528 = arith.constant 200000 : i32
    %add3A_529 = vector.broadcast %add3A_528 : i32 to vector<16xi32>
    %add3A_530 = arith.addi %get3A_527, %add3A_529 : vector<16xi32>
    %swap3A_531 = arith.constant 0 : i32
    %swap3A_532 = arith.constant 2 : i32
    %swap3A_533 = arith.constant 0 : i32
    %swap3A_534 = arith.index_cast %swap3A_531 : i32 to index
    %swap3A_535 = arith.index_cast %swap3A_532 : i32 to index
    %swap3A_536 = arith.index_cast %swap3A_533 : i32 to index
    %swap3A_537 = arith.constant 16 : index
    %swap3A_538 = tpu.vector_load %arg7[%swap3A_534, %swap3A_535, %swap3A_536, %swap3A_537] {strides = array<i32>} : memref<2x5x2x112xi32, #tpu.memory_space<vmem>>, vector<1x1x1x16xi32>,
    %swap3A_539 = vector.shape_cast %swap3A_538 : vector<1x1x1x16xi32> to vector<16xi32>
    %swap3A_540 = vector.shape_cast %add3A_530 : vector<16xi32> to vector<1x1x1x16xi32>
    tpu.vector_store %arg7[%swap3A_534, %swap3A_535, %swap3A_536, %swap3A_537], %swap3A_540 {strides = array<i32>} : memref<2x5x2x112xi32, #tpu.memory_space<vmem>>, vector<1x1x1x16xi32>,
    %get3A_541 = arith.constant 0 : i32
    %get3A_542 = arith.index_cast %get3A_541 : i32 to index
    %get3A_543 = arith.constant 34 : index
    %get3A_544 = tpu.vector_load %arg6[%get3A_542, %get3A_543] {strides = array<i32>} : memref<32x240xi32, #tpu.memory_space<vmem>>, vector<1x16xi32>,
    %get3A_545 = vector.shape_cast %get3A_544 : vector<1x16xi32> to vector<16xi32>
    %add3A_546 = arith.constant 200000 : i32
    %add3A_547 = vector.broadcast %add3A_546 : i32 to vector<16xi32>
    %add3A_548 = arith.addi %get3A_545, %add3A_547 : vector<16xi32>
    %swap3A_549 = arith.constant 0 : i32
    %swap3A_550 = arith.constant 2 : i32
    %swap3A_551 = arith.constant 0 : i32
    %swap3A_552 = arith.index_cast %swap3A_549 : i32 to index
    %swap3A_553 = arith.index_cast %swap3A_550 : i32 to index
    %swap3A_554 = arith.index_cast %swap3A_551 : i32 to index
    %swap3A_555 = arith.constant 32 : index
    %swap3A_556 = tpu.vector_load %arg7[%swap3A_552, %swap3A_553, %swap3A_554, %swap3A_555] {strides = array<i32>} : memref<2x5x2x112xi32, #tpu.memory_space<vmem>>, vector<1x1x1x16xi32>,
    %swap3A_557 = vector.shape_cast %swap3A_556 : vector<1x1x1x16xi32> to vector<16xi32>
    %swap3A_558 = vector.shape_cast %add3A_548 : vector<16xi32> to vector<1x1x1x16xi32>
    tpu.vector_store %arg7[%swap3A_552, %swap3A_553, %swap3A_554, %swap3A_555], %swap3A_558 {strides = array<i32>} : memref<2x5x2x112xi32, #tpu.memory_space<vmem>>, vector<1x1x1x16xi32>,
    %get3A_559 = arith.constant 0 : i32
    %get3A_560 = arith.index_cast %get3A_559 : i32 to index
    %get3A_561 = arith.constant 50 : index
    %get3A_562 = tpu.vector_load %arg6[%get3A_560, %get3A_561] {strides = array<i32>} : memref<32x240xi32, #tpu.memory_space<vmem>>, vector<1x16xi32>,
    %get3A_563 = vector.shape_cast %get3A_562 : vector<1x16xi32> to vector<16xi32>
    %add3A_564 = arith.constant 200000 : i32
    %add3A_565 = vector.broadcast %add3A_564 : i32 to vector<16xi32>
    %add3A_566 = arith.addi %get3A_563, %add3A_565 : vector<16xi32>
    %swap3A_567 = arith.constant 0 : i32
    %swap3A_568 = arith.constant 2 : i32
    %swap3A_569 = arith.constant 0 : i32
    %swap3A_570 = arith.index_cast %swap3A_567 : i32 to index
    %swap3A_571 = arith.index_cast %swap3A_568 : i32 to index
    %swap3A_572 = arith.index_cast %swap3A_569 : i32 to index
    %swap3A_573 = arith.constant 48 : index
    %swap3A_574 = tpu.vector_load %arg7[%swap3A_570, %swap3A_571, %swap3A_572, %swap3A_573] {strides = array<i32>} : memref<2x5x2x112xi32, #tpu.memory_space<vmem>>, vector<1x1x1x16xi32>,
    %swap3A_575 = vector.shape_cast %swap3A_574 : vector<1x1x1x16xi32> to vector<16xi32>
    %swap3A_576 = vector.shape_cast %add3A_566 : vector<16xi32> to vector<1x1x1x16xi32>
    tpu.vector_store %arg7[%swap3A_570, %swap3A_571, %swap3A_572, %swap3A_573], %swap3A_576 {strides = array<i32>} : memref<2x5x2x112xi32, #tpu.memory_space<vmem>>, vector<1x1x1x16xi32>,
    %get3A_577 = arith.constant 0 : i32
    %get3A_578 = arith.index_cast %get3A_577 : i32 to index
    %get3A_579 = arith.constant 66 : index
    %get3A_580 = tpu.vector_load %arg6[%get3A_578, %get3A_579] {strides = array<i32>} : memref<32x240xi32, #tpu.memory_space<vmem>>, vector<1x16xi32>,
    %get3A_581 = vector.shape_cast %get3A_580 : vector<1x16xi32> to vector<16xi32>
    %add3A_582 = arith.constant 200000 : i32
    %add3A_583 = vector.broadcast %add3A_582 : i32 to vector<16xi32>
    %add3A_584 = arith.addi %get3A_581, %add3A_583 : vector<16xi32>
    %swap3A_585 = arith.constant 0 : i32
    %swap3A_586 = arith.constant 2 : i32
    %swap3A_587 = arith.constant 0 : i32
    %swap3A_588 = arith.index_cast %swap3A_585 : i32 to index
    %swap3A_589 = arith.index_cast %swap3A_586 : i32 to index
    %swap3A_590 = arith.index_cast %swap3A_587 : i32 to index
    %swap3A_591 = arith.constant 64 : index
    %swap3A_592 = tpu.vector_load %arg7[%swap3A_588, %swap3A_589, %swap3A_590, %swap3A_591] {strides = array<i32>} : memref<2x5x2x112xi32, #tpu.memory_space<vmem>>, vector<1x1x1x16xi32>,
    %swap3A_593 = vector.shape_cast %swap3A_592 : vector<1x1x1x16xi32> to vector<16xi32>
    %swap3A_594 = vector.shape_cast %add3A_584 : vector<16xi32> to vector<1x1x1x16xi32>
    tpu.vector_store %arg7[%swap3A_588, %swap3A_589, %swap3A_590, %swap3A_591], %swap3A_594 {strides = array<i32>} : memref<2x5x2x112xi32, #tpu.memory_space<vmem>>, vector<1x1x1x16xi32>,
    %get3A_595 = arith.constant 0 : i32
    %get3A_596 = arith.index_cast %get3A_595 : i32 to index
    %get3A_597 = arith.constant 82 : index
    %get3A_598 = tpu.vector_load %arg6[%get3A_596, %get3A_597] {strides = array<i32>} : memref<32x240xi32, #tpu.memory_space<vmem>>, vector<1x16xi32>,
    %get3A_599 = vector.shape_cast %get3A_598 : vector<1x16xi32> to vector<16xi32>
    %add3A_600 = arith.constant 200000 : i32
    %add3A_601 = vector.broadcast %add3A_600 : i32 to vector<16xi32>
    %add3A_602 = arith.addi %get3A_599, %add3A_601 : vector<16xi32>
    %swap3A_603 = arith.constant 0 : i32
    %swap3A_604 = arith.constant 2 : i32
    %swap3A_605 = arith.constant 0 : i32
    %swap3A_606 = arith.index_cast %swap3A_603 : i32 to index
    %swap3A_607 = arith.index_cast %swap3A_604 : i32 to index
    %swap3A_608 = arith.index_cast %swap3A_605 : i32 to index
    %swap3A_609 = arith.constant 80 : index
    %swap3A_610 = tpu.vector_load %arg7[%swap3A_606, %swap3A_607, %swap3A_608, %swap3A_609] {strides = array<i32>} : memref<2x5x2x112xi32, #tpu.memory_space<vmem>>, vector<1x1x1x16xi32>,
    %swap3A_611 = vector.shape_cast %swap3A_610 : vector<1x1x1x16xi32> to vector<16xi32>
    %swap3A_612 = vector.shape_cast %add3A_602 : vector<16xi32> to vector<1x1x1x16xi32>
    tpu.vector_store %arg7[%swap3A_606, %swap3A_607, %swap3A_608, %swap3A_609], %swap3A_612 {strides = array<i32>} : memref<2x5x2x112xi32, #tpu.memory_space<vmem>>, vector<1x1x1x16xi32>,
    %get3A_613 = arith.constant 0 : i32
    %get3A_614 = arith.index_cast %get3A_613 : i32 to index
    %get3A_615 = arith.constant 98 : index
    %get3A_616 = tpu.vector_load %arg6[%get3A_614, %get3A_615] {strides = array<i32>} : memref<32x240xi32, #tpu.memory_space<vmem>>, vector<1x16xi32>,
    %get3A_617 = vector.shape_cast %get3A_616 : vector<1x16xi32> to vector<16xi32>
    %add3A_618 = arith.constant 200000 : i32
    %add3A_619 = vector.broadcast %add3A_618 : i32 to vector<16xi32>
    %add3A_620 = arith.addi %get3A_617, %add3A_619 : vector<16xi32>
    %swap3A_621 = arith.constant 0 : i32
    %swap3A_622 = arith.constant 2 : i32
    %swap3A_623 = arith.constant 0 : i32
    %swap3A_624 = arith.index_cast %swap3A_621 : i32 to index
    %swap3A_625 = arith.index_cast %swap3A_622 : i32 to index
    %swap3A_626 = arith.index_cast %swap3A_623 : i32 to index
    %swap3A_627 = arith.constant 96 : index
    %swap3A_628 = tpu.vector_load %arg7[%swap3A_624, %swap3A_625, %swap3A_626, %swap3A_627] {strides = array<i32>} : memref<2x5x2x112xi32, #tpu.memory_space<vmem>>, vector<1x1x1x16xi32>,
    %swap3A_629 = vector.shape_cast %swap3A_628 : vector<1x1x1x16xi32> to vector<16xi32>
    %swap3A_630 = vector.shape_cast %add3A_620 : vector<16xi32> to vector<1x1x1x16xi32>
    tpu.vector_store %arg7[%swap3A_624, %swap3A_625, %swap3A_626, %swap3A_627], %swap3A_630 {strides = array<i32>} : memref<2x5x2x112xi32, #tpu.memory_space<vmem>>, vector<1x1x1x16xi32>,
    %get3A_631 = arith.constant 0 : i32
    %get3A_632 = arith.index_cast %get3A_631 : i32 to index
    %get3A_633 = arith.constant 114 : index
    %get3A_634 = tpu.vector_load %arg6[%get3A_632, %get3A_633] {strides = array<i32>} : memref<32x240xi32, #tpu.memory_space<vmem>>, vector<1x16xi32>,
    %get3A_635 = vector.shape_cast %get3A_634 : vector<1x16xi32> to vector<16xi32>
    %add3A_636 = arith.constant 200000 : i32
    %add3A_637 = vector.broadcast %add3A_636 : i32 to vector<16xi32>
    %add3A_638 = arith.addi %get3A_635, %add3A_637 : vector<16xi32>
    %swap3A_639 = arith.constant 0 : i32
    %swap3A_640 = arith.constant 2 : i32
    %swap3A_641 = arith.constant 1 : i32
    %swap3A_642 = arith.index_cast %swap3A_639 : i32 to index
    %swap3A_643 = arith.index_cast %swap3A_640 : i32 to index
    %swap3A_644 = arith.index_cast %swap3A_641 : i32 to index
    %swap3A_645 = arith.constant 0 : index
    %swap3A_646 = tpu.vector_load %arg7[%swap3A_642, %swap3A_643, %swap3A_644, %swap3A_645] {strides = array<i32>} : memref<2x5x2x112xi32, #tpu.memory_space<vmem>>, vector<1x1x1x16xi32>,
    %swap3A_647 = vector.shape_cast %swap3A_646 : vector<1x1x1x16xi32> to vector<16xi32>
    %swap3A_648 = vector.shape_cast %add3A_638 : vector<16xi32> to vector<1x1x1x16xi32>
    tpu.vector_store %arg7[%swap3A_642, %swap3A_643, %swap3A_644, %swap3A_645], %swap3A_648 {strides = array<i32>} : memref<2x5x2x112xi32, #tpu.memory_space<vmem>>, vector<1x1x1x16xi32>,
    %get3A_649 = arith.constant 0 : i32
    %get3A_650 = arith.index_cast %get3A_649 : i32 to index
    %get3A_651 = arith.constant 130 : index
    %get3A_652 = tpu.vector_load %arg6[%get3A_650, %get3A_651] {strides = array<i32>} : memref<32x240xi32, #tpu.memory_space<vmem>>, vector<1x16xi32>,
    %get3A_653 = vector.shape_cast %get3A_652 : vector<1x16xi32> to vector<16xi32>
    %add3A_654 = arith.constant 200000 : i32
    %add3A_655 = vector.broadcast %add3A_654 : i32 to vector<16xi32>
    %add3A_656 = arith.addi %get3A_653, %add3A_655 : vector<16xi32>
    %swap3A_657 = arith.constant 0 : i32
    %swap3A_658 = arith.constant 2 : i32
    %swap3A_659 = arith.constant 1 : i32
    %swap3A_660 = arith.index_cast %swap3A_657 : i32 to index
    %swap3A_661 = arith.index_cast %swap3A_658 : i32 to index
    %swap3A_662 = arith.index_cast %swap3A_659 : i32 to index
    %swap3A_663 = arith.constant 16 : index
    %swap3A_664 = tpu.vector_load %arg7[%swap3A_660, %swap3A_661, %swap3A_662, %swap3A_663] {strides = array<i32>} : memref<2x5x2x112xi32, #tpu.memory_space<vmem>>, vector<1x1x1x16xi32>,
    %swap3A_665 = vector.shape_cast %swap3A_664 : vector<1x1x1x16xi32> to vector<16xi32>
    %swap3A_666 = vector.shape_cast %add3A_656 : vector<16xi32> to vector<1x1x1x16xi32>
    tpu.vector_store %arg7[%swap3A_660, %swap3A_661, %swap3A_662, %swap3A_663], %swap3A_666 {strides = array<i32>} : memref<2x5x2x112xi32, #tpu.memory_space<vmem>>, vector<1x1x1x16xi32>,
    %get3A_667 = arith.constant 0 : i32
    %get3A_668 = arith.index_cast %get3A_667 : i32 to index
    %get3A_669 = arith.constant 146 : index
    %get3A_670 = tpu.vector_load %arg6[%get3A_668, %get3A_669] {strides = array<i32>} : memref<32x240xi32, #tpu.memory_space<vmem>>, vector<1x16xi32>,
    %get3A_671 = vector.shape_cast %get3A_670 : vector<1x16xi32> to vector<16xi32>
    %add3A_672 = arith.constant 200000 : i32
    %add3A_673 = vector.broadcast %add3A_672 : i32 to vector<16xi32>
    %add3A_674 = arith.addi %get3A_671, %add3A_673 : vector<16xi32>
    %swap3A_675 = arith.constant 0 : i32
    %swap3A_676 = arith.constant 2 : i32
    %swap3A_677 = arith.constant 1 : i32
    %swap3A_678 = arith.index_cast %swap3A_675 : i32 to index
    %swap3A_679 = arith.index_cast %swap3A_676 : i32 to index
    %swap3A_680 = arith.index_cast %swap3A_677 : i32 to index
    %swap3A_681 = arith.constant 32 : index
    %swap3A_682 = tpu.vector_load %arg7[%swap3A_678, %swap3A_679, %swap3A_680, %swap3A_681] {strides = array<i32>} : memref<2x5x2x112xi32, #tpu.memory_space<vmem>>, vector<1x1x1x16xi32>,
    %swap3A_683 = vector.shape_cast %swap3A_682 : vector<1x1x1x16xi32> to vector<16xi32>
    %swap3A_684 = vector.shape_cast %add3A_674 : vector<16xi32> to vector<1x1x1x16xi32>
    tpu.vector_store %arg7[%swap3A_678, %swap3A_679, %swap3A_680, %swap3A_681], %swap3A_684 {strides = array<i32>} : memref<2x5x2x112xi32, #tpu.memory_space<vmem>>, vector<1x1x1x16xi32>,
    %get3A_685 = arith.constant 0 : i32
    %get3A_686 = arith.index_cast %get3A_685 : i32 to index
    %get3A_687 = arith.constant 162 : index
    %get3A_688 = tpu.vector_load %arg6[%get3A_686, %get3A_687] {strides = array<i32>} : memref<32x240xi32, #tpu.memory_space<vmem>>, vector<1x16xi32>,
    %get3A_689 = vector.shape_cast %get3A_688 : vector<1x16xi32> to vector<16xi32>
    %add3A_690 = arith.constant 200000 : i32
    %add3A_691 = vector.broadcast %add3A_690 : i32 to vector<16xi32>
    %add3A_692 = arith.addi %get3A_689, %add3A_691 : vector<16xi32>
    %swap3A_693 = arith.constant 0 : i32
    %swap3A_694 = arith.constant 2 : i32
    %swap3A_695 = arith.constant 1 : i32
    %swap3A_696 = arith.index_cast %swap3A_693 : i32 to index
    %swap3A_697 = arith.index_cast %swap3A_694 : i32 to index
    %swap3A_698 = arith.index_cast %swap3A_695 : i32 to index
    %swap3A_699 = arith.constant 48 : index
    %swap3A_700 = tpu.vector_load %arg7[%swap3A_696, %swap3A_697, %swap3A_698, %swap3A_699] {strides = array<i32>} : memref<2x5x2x112xi32, #tpu.memory_space<vmem>>, vector<1x1x1x16xi32>,
    %swap3A_701 = vector.shape_cast %swap3A_700 : vector<1x1x1x16xi32> to vector<16xi32>
    %swap3A_702 = vector.shape_cast %add3A_692 : vector<16xi32> to vector<1x1x1x16xi32>
    tpu.vector_store %arg7[%swap3A_696, %swap3A_697, %swap3A_698, %swap3A_699], %swap3A_702 {strides = array<i32>} : memref<2x5x2x112xi32, #tpu.memory_space<vmem>>, vector<1x1x1x16xi32>,
    %get3A_703 = arith.constant 0 : i32
    %get3A_704 = arith.index_cast %get3A_703 : i32 to index
    %get3A_705 = arith.constant 178 : index
    %get3A_706 = tpu.vector_load %arg6[%get3A_704, %get3A_705] {strides = array<i32>} : memref<32x240xi32, #tpu.memory_space<vmem>>, vector<1x16xi32>,
    %get3A_707 = vector.shape_cast %get3A_706 : vector<1x16xi32> to vector<16xi32>
    %add3A_708 = arith.constant 200000 : i32
    %add3A_709 = vector.broadcast %add3A_708 : i32 to vector<16xi32>
    %add3A_710 = arith.addi %get3A_707, %add3A_709 : vector<16xi32>
    %swap3A_711 = arith.constant 0 : i32
    %swap3A_712 = arith.constant 2 : i32
    %swap3A_713 = arith.constant 1 : i32
    %swap3A_714 = arith.index_cast %swap3A_711 : i32 to index
    %swap3A_715 = arith.index_cast %swap3A_712 : i32 to index
    %swap3A_716 = arith.index_cast %swap3A_713 : i32 to index
    %swap3A_717 = arith.constant 64 : index
    %swap3A_718 = tpu.vector_load %arg7[%swap3A_714, %swap3A_715, %swap3A_716, %swap3A_717] {strides = array<i32>} : memref<2x5x2x112xi32, #tpu.memory_space<vmem>>, vector<1x1x1x16xi32>,
    %swap3A_719 = vector.shape_cast %swap3A_718 : vector<1x1x1x16xi32> to vector<16xi32>
    %swap3A_720 = vector.shape_cast %add3A_710 : vector<16xi32> to vector<1x1x1x16xi32>
    tpu.vector_store %arg7[%swap3A_714, %swap3A_715, %swap3A_716, %swap3A_717], %swap3A_720 {strides = array<i32>} : memref<2x5x2x112xi32, #tpu.memory_space<vmem>>, vector<1x1x1x16xi32>,
    %get3A_721 = arith.constant 0 : i32
    %get3A_722 = arith.index_cast %get3A_721 : i32 to index
    %get3A_723 = arith.constant 194 : index
    %get3A_724 = tpu.vector_load %arg6[%get3A_722, %get3A_723] {strides = array<i32>} : memref<32x240xi32, #tpu.memory_space<vmem>>, vector<1x16xi32>,
    %get3A_725 = vector.shape_cast %get3A_724 : vector<1x16xi32> to vector<16xi32>
    %add3A_726 = arith.constant 200000 : i32
    %add3A_727 = vector.broadcast %add3A_726 : i32 to vector<16xi32>
    %add3A_728 = arith.addi %get3A_725, %add3A_727 : vector<16xi32>
    %swap3A_729 = arith.constant 0 : i32
    %swap3A_730 = arith.constant 2 : i32
    %swap3A_731 = arith.constant 1 : i32
    %swap3A_732 = arith.index_cast %swap3A_729 : i32 to index
    %swap3A_733 = arith.index_cast %swap3A_730 : i32 to index
    %swap3A_734 = arith.index_cast %swap3A_731 : i32 to index
    %swap3A_735 = arith.constant 80 : index
    %swap3A_736 = tpu.vector_load %arg7[%swap3A_732, %swap3A_733, %swap3A_734, %swap3A_735] {strides = array<i32>} : memref<2x5x2x112xi32, #tpu.memory_space<vmem>>, vector<1x1x1x16xi32>,
    %swap3A_737 = vector.shape_cast %swap3A_736 : vector<1x1x1x16xi32> to vector<16xi32>
    %swap3A_738 = vector.shape_cast %add3A_728 : vector<16xi32> to vector<1x1x1x16xi32>
    tpu.vector_store %arg7[%swap3A_732, %swap3A_733, %swap3A_734, %swap3A_735], %swap3A_738 {strides = array<i32>} : memref<2x5x2x112xi32, #tpu.memory_space<vmem>>, vector<1x1x1x16xi32>,
    %get3A_739 = arith.constant 0 : i32
    %get3A_740 = arith.index_cast %get3A_739 : i32 to index
    %get3A_741 = arith.constant 210 : index
    %get3A_742 = tpu.vector_load %arg6[%get3A_740, %get3A_741] {strides = array<i32>} : memref<32x240xi32, #tpu.memory_space<vmem>>, vector<1x16xi32>,
    %get3A_743 = vector.shape_cast %get3A_742 : vector<1x16xi32> to vector<16xi32>
    %add3A_744 = arith.constant 200000 : i32
    %add3A_745 = vector.broadcast %add3A_744 : i32 to vector<16xi32>
    %add3A_746 = arith.addi %get3A_743, %add3A_745 : vector<16xi32>
    %swap3A_747 = arith.constant 0 : i32
    %swap3A_748 = arith.constant 2 : i32
    %swap3A_749 = arith.constant 1 : i32
    %swap3A_750 = arith.index_cast %swap3A_747 : i32 to index
    %swap3A_751 = arith.index_cast %swap3A_748 : i32 to index
    %swap3A_752 = arith.index_cast %swap3A_749 : i32 to index
    %swap3A_753 = arith.constant 96 : index
    %swap3A_754 = tpu.vector_load %arg7[%swap3A_750, %swap3A_751, %swap3A_752, %swap3A_753] {strides = array<i32>} : memref<2x5x2x112xi32, #tpu.memory_space<vmem>>, vector<1x1x1x16xi32>,
    %swap3A_755 = vector.shape_cast %swap3A_754 : vector<1x1x1x16xi32> to vector<16xi32>
    %swap3A_756 = vector.shape_cast %add3A_746 : vector<16xi32> to vector<1x1x1x16xi32>
    tpu.vector_store %arg7[%swap3A_750, %swap3A_751, %swap3A_752, %swap3A_753], %swap3A_756 {strides = array<i32>} : memref<2x5x2x112xi32, #tpu.memory_space<vmem>>, vector<1x1x1x16xi32>,
    %get3A_757 = arith.constant 0 : i32
    %get3A_758 = arith.index_cast %get3A_757 : i32 to index
    %get3A_759 = arith.constant 3 : index
    %get3A_760 = tpu.vector_load %arg6[%get3A_758, %get3A_759] {strides = array<i32>} : memref<32x240xi32, #tpu.memory_space<vmem>>, vector<1x16xi32>,
    %get3A_761 = vector.shape_cast %get3A_760 : vector<1x16xi32> to vector<16xi32>
    %add3A_762 = arith.constant 300000 : i32
    %add3A_763 = vector.broadcast %add3A_762 : i32 to vector<16xi32>
    %add3A_764 = arith.addi %get3A_761, %add3A_763 : vector<16xi32>
    %swap3A_765 = arith.constant 0 : i32
    %swap3A_766 = arith.constant 3 : i32
    %swap3A_767 = arith.constant 0 : i32
    %swap3A_768 = arith.index_cast %swap3A_765 : i32 to index
    %swap3A_769 = arith.index_cast %swap3A_766 : i32 to index
    %swap3A_770 = arith.index_cast %swap3A_767 : i32 to index
    %swap3A_771 = arith.constant 0 : index
    %swap3A_772 = tpu.vector_load %arg7[%swap3A_768, %swap3A_769, %swap3A_770, %swap3A_771] {strides = array<i32>} : memref<2x5x2x112xi32, #tpu.memory_space<vmem>>, vector<1x1x1x16xi32>,
    %swap3A_773 = vector.shape_cast %swap3A_772 : vector<1x1x1x16xi32> to vector<16xi32>
    %swap3A_774 = vector.shape_cast %add3A_764 : vector<16xi32> to vector<1x1x1x16xi32>
    tpu.vector_store %arg7[%swap3A_768, %swap3A_769, %swap3A_770, %swap3A_771], %swap3A_774 {strides = array<i32>} : memref<2x5x2x112xi32, #tpu.memory_space<vmem>>, vector<1x1x1x16xi32>,
    %get3A_775 = arith.constant 0 : i32
    %get3A_776 = arith.index_cast %get3A_775 : i32 to index
    %get3A_777 = arith.constant 19 : index
    %get3A_778 = tpu.vector_load %arg6[%get3A_776, %get3A_777] {strides = array<i32>} : memref<32x240xi32, #tpu.memory_space<vmem>>, vector<1x16xi32>,
    %get3A_779 = vector.shape_cast %get3A_778 : vector<1x16xi32> to vector<16xi32>
    %add3A_780 = arith.constant 300000 : i32
    %add3A_781 = vector.broadcast %add3A_780 : i32 to vector<16xi32>
    %add3A_782 = arith.addi %get3A_779, %add3A_781 : vector<16xi32>
    %swap3A_783 = arith.constant 0 : i32
    %swap3A_784 = arith.constant 3 : i32
    %swap3A_785 = arith.constant 0 : i32
    %swap3A_786 = arith.index_cast %swap3A_783 : i32 to index
    %swap3A_787 = arith.index_cast %swap3A_784 : i32 to index
    %swap3A_788 = arith.index_cast %swap3A_785 : i32 to index
    %swap3A_789 = arith.constant 16 : index
    %swap3A_790 = tpu.vector_load %arg7[%swap3A_786, %swap3A_787, %swap3A_788, %swap3A_789] {strides = array<i32>} : memref<2x5x2x112xi32, #tpu.memory_space<vmem>>, vector<1x1x1x16xi32>,
    %swap3A_791 = vector.shape_cast %swap3A_790 : vector<1x1x1x16xi32> to vector<16xi32>
    %swap3A_792 = vector.shape_cast %add3A_782 : vector<16xi32> to vector<1x1x1x16xi32>
    tpu.vector_store %arg7[%swap3A_786, %swap3A_787, %swap3A_788, %swap3A_789], %swap3A_792 {strides = array<i32>} : memref<2x5x2x112xi32, #tpu.memory_space<vmem>>, vector<1x1x1x16xi32>,
    %get3A_793 = arith.constant 0 : i32
    %get3A_794 = arith.index_cast %get3A_793 : i32 to index
    %get3A_795 = arith.constant 35 : index
    %get3A_796 = tpu.vector_load %arg6[%get3A_794, %get3A_795] {strides = array<i32>} : memref<32x240xi32, #tpu.memory_space<vmem>>, vector<1x16xi32>,
    %get3A_797 = vector.shape_cast %get3A_796 : vector<1x16xi32> to vector<16xi32>
    %add3A_798 = arith.constant 300000 : i32
    %add3A_799 = vector.broadcast %add3A_798 : i32 to vector<16xi32>
    %add3A_800 = arith.addi %get3A_797, %add3A_799 : vector<16xi32>
    %swap3A_801 = arith.constant 0 : i32
    %swap3A_802 = arith.constant 3 : i32
    %swap3A_803 = arith.constant 0 : i32
    %swap3A_804 = arith.index_cast %swap3A_801 : i32 to index
    %swap3A_805 = arith.index_cast %swap3A_802 : i32 to index
    %swap3A_806 = arith.index_cast %swap3A_803 : i32 to index
    %swap3A_807 = arith.constant 32 : index
    %swap3A_808 = tpu.vector_load %arg7[%swap3A_804, %swap3A_805, %swap3A_806, %swap3A_807] {strides = array<i32>} : memref<2x5x2x112xi32, #tpu.memory_space<vmem>>, vector<1x1x1x16xi32>,
    %swap3A_809 = vector.shape_cast %swap3A_808 : vector<1x1x1x16xi32> to vector<16xi32>
    %swap3A_810 = vector.shape_cast %add3A_800 : vector<16xi32> to vector<1x1x1x16xi32>
    tpu.vector_store %arg7[%swap3A_804, %swap3A_805, %swap3A_806, %swap3A_807], %swap3A_810 {strides = array<i32>} : memref<2x5x2x112xi32, #tpu.memory_space<vmem>>, vector<1x1x1x16xi32>,
    %get3A_811 = arith.constant 0 : i32
    %get3A_812 = arith.index_cast %get3A_811 : i32 to index
    %get3A_813 = arith.constant 51 : index
    %get3A_814 = tpu.vector_load %arg6[%get3A_812, %get3A_813] {strides = array<i32>} : memref<32x240xi32, #tpu.memory_space<vmem>>, vector<1x16xi32>,
    %get3A_815 = vector.shape_cast %get3A_814 : vector<1x16xi32> to vector<16xi32>
    %add3A_816 = arith.constant 300000 : i32
    %add3A_817 = vector.broadcast %add3A_816 : i32 to vector<16xi32>
    %add3A_818 = arith.addi %get3A_815, %add3A_817 : vector<16xi32>
    %swap3A_819 = arith.constant 0 : i32
    %swap3A_820 = arith.constant 3 : i32
    %swap3A_821 = arith.constant 0 : i32
    %swap3A_822 = arith.index_cast %swap3A_819 : i32 to index
    %swap3A_823 = arith.index_cast %swap3A_820 : i32 to index
    %swap3A_824 = arith.index_cast %swap3A_821 : i32 to index
    %swap3A_825 = arith.constant 48 : index
    %swap3A_826 = tpu.vector_load %arg7[%swap3A_822, %swap3A_823, %swap3A_824, %swap3A_825] {strides = array<i32>} : memref<2x5x2x112xi32, #tpu.memory_space<vmem>>, vector<1x1x1x16xi32>,
    %swap3A_827 = vector.shape_cast %swap3A_826 : vector<1x1x1x16xi32> to vector<16xi32>
    %swap3A_828 = vector.shape_cast %add3A_818 : vector<16xi32> to vector<1x1x1x16xi32>
    tpu.vector_store %arg7[%swap3A_822, %swap3A_823, %swap3A_824, %swap3A_825], %swap3A_828 {strides = array<i32>} : memref<2x5x2x112xi32, #tpu.memory_space<vmem>>, vector<1x1x1x16xi32>,
    %get3A_829 = arith.constant 0 : i32
    %get3A_830 = arith.index_cast %get3A_829 : i32 to index
    %get3A_831 = arith.constant 67 : index
    %get3A_832 = tpu.vector_load %arg6[%get3A_830, %get3A_831] {strides = array<i32>} : memref<32x240xi32, #tpu.memory_space<vmem>>, vector<1x16xi32>,
    %get3A_833 = vector.shape_cast %get3A_832 : vector<1x16xi32> to vector<16xi32>
    %add3A_834 = arith.constant 300000 : i32
    %add3A_835 = vector.broadcast %add3A_834 : i32 to vector<16xi32>
    %add3A_836 = arith.addi %get3A_833, %add3A_835 : vector<16xi32>
    %swap3A_837 = arith.constant 0 : i32
    %swap3A_838 = arith.constant 3 : i32
    %swap3A_839 = arith.constant 0 : i32
    %swap3A_840 = arith.index_cast %swap3A_837 : i32 to index
    %swap3A_841 = arith.index_cast %swap3A_838 : i32 to index
    %swap3A_842 = arith.index_cast %swap3A_839 : i32 to index
    %swap3A_843 = arith.constant 64 : index
    %swap3A_844 = tpu.vector_load %arg7[%swap3A_840, %swap3A_841, %swap3A_842, %swap3A_843] {strides = array<i32>} : memref<2x5x2x112xi32, #tpu.memory_space<vmem>>, vector<1x1x1x16xi32>,
    %swap3A_845 = vector.shape_cast %swap3A_844 : vector<1x1x1x16xi32> to vector<16xi32>
    %swap3A_846 = vector.shape_cast %add3A_836 : vector<16xi32> to vector<1x1x1x16xi32>
    tpu.vector_store %arg7[%swap3A_840, %swap3A_841, %swap3A_842, %swap3A_843], %swap3A_846 {strides = array<i32>} : memref<2x5x2x112xi32, #tpu.memory_space<vmem>>, vector<1x1x1x16xi32>,
    %get3A_847 = arith.constant 0 : i32
    %get3A_848 = arith.index_cast %get3A_847 : i32 to index
    %get3A_849 = arith.constant 83 : index
    %get3A_850 = tpu.vector_load %arg6[%get3A_848, %get3A_849] {strides = array<i32>} : memref<32x240xi32, #tpu.memory_space<vmem>>, vector<1x16xi32>,
    %get3A_851 = vector.shape_cast %get3A_850 : vector<1x16xi32> to vector<16xi32>
    %add3A_852 = arith.constant 300000 : i32
    %add3A_853 = vector.broadcast %add3A_852 : i32 to vector<16xi32>
    %add3A_854 = arith.addi %get3A_851, %add3A_853 : vector<16xi32>
    %swap3A_855 = arith.constant 0 : i32
    %swap3A_856 = arith.constant 3 : i32
    %swap3A_857 = arith.constant 0 : i32
    %swap3A_858 = arith.index_cast %swap3A_855 : i32 to index
    %swap3A_859 = arith.index_cast %swap3A_856 : i32 to index
    %swap3A_860 = arith.index_cast %swap3A_857 : i32 to index
    %swap3A_861 = arith.constant 80 : index
    %swap3A_862 = tpu.vector_load %arg7[%swap3A_858, %swap3A_859, %swap3A_860, %swap3A_861] {strides = array<i32>} : memref<2x5x2x112xi32, #tpu.memory_space<vmem>>, vector<1x1x1x16xi32>,
    %swap3A_863 = vector.shape_cast %swap3A_862 : vector<1x1x1x16xi32> to vector<16xi32>
    %swap3A_864 = vector.shape_cast %add3A_854 : vector<16xi32> to vector<1x1x1x16xi32>
    tpu.vector_store %arg7[%swap3A_858, %swap3A_859, %swap3A_860, %swap3A_861], %swap3A_864 {strides = array<i32>} : memref<2x5x2x112xi32, #tpu.memory_space<vmem>>, vector<1x1x1x16xi32>,
    %get3A_865 = arith.constant 0 : i32
    %get3A_866 = arith.index_cast %get3A_865 : i32 to index
    %get3A_867 = arith.constant 99 : index
    %get3A_868 = tpu.vector_load %arg6[%get3A_866, %get3A_867] {strides = array<i32>} : memref<32x240xi32, #tpu.memory_space<vmem>>, vector<1x16xi32>,
    %get3A_869 = vector.shape_cast %get3A_868 : vector<1x16xi32> to vector<16xi32>
    %add3A_870 = arith.constant 300000 : i32
    %add3A_871 = vector.broadcast %add3A_870 : i32 to vector<16xi32>
    %add3A_872 = arith.addi %get3A_869, %add3A_871 : vector<16xi32>
    %swap3A_873 = arith.constant 0 : i32
    %swap3A_874 = arith.constant 3 : i32
    %swap3A_875 = arith.constant 0 : i32
    %swap3A_876 = arith.index_cast %swap3A_873 : i32 to index
    %swap3A_877 = arith.index_cast %swap3A_874 : i32 to index
    %swap3A_878 = arith.index_cast %swap3A_875 : i32 to index
    %swap3A_879 = arith.constant 96 : index
    %swap3A_880 = tpu.vector_load %arg7[%swap3A_876, %swap3A_877, %swap3A_878, %swap3A_879] {strides = array<i32>} : memref<2x5x2x112xi32, #tpu.memory_space<vmem>>, vector<1x1x1x16xi32>,
    %swap3A_881 = vector.shape_cast %swap3A_880 : vector<1x1x1x16xi32> to vector<16xi32>
    %swap3A_882 = vector.shape_cast %add3A_872 : vector<16xi32> to vector<1x1x1x16xi32>
    tpu.vector_store %arg7[%swap3A_876, %swap3A_877, %swap3A_878, %swap3A_879], %swap3A_882 {strides = array<i32>} : memref<2x5x2x112xi32, #tpu.memory_space<vmem>>, vector<1x1x1x16xi32>,
    %get3A_883 = arith.constant 0 : i32
    %get3A_884 = arith.index_cast %get3A_883 : i32 to index
    %get3A_885 = arith.constant 115 : index
    %get3A_886 = tpu.vector_load %arg6[%get3A_884, %get3A_885] {strides = array<i32>} : memref<32x240xi32, #tpu.memory_space<vmem>>, vector<1x16xi32>,
    %get3A_887 = vector.shape_cast %get3A_886 : vector<1x16xi32> to vector<16xi32>
    %add3A_888 = arith.constant 300000 : i32
    %add3A_889 = vector.broadcast %add3A_888 : i32 to vector<16xi32>
    %add3A_890 = arith.addi %get3A_887, %add3A_889 : vector<16xi32>
    %swap3A_891 = arith.constant 0 : i32
    %swap3A_892 = arith.constant 3 : i32
    %swap3A_893 = arith.constant 1 : i32
    %swap3A_894 = arith.index_cast %swap3A_891 : i32 to index
    %swap3A_895 = arith.index_cast %swap3A_892 : i32 to index
    %swap3A_896 = arith.index_cast %swap3A_893 : i32 to index
    %swap3A_897 = arith.constant 0 : index
    %swap3A_898 = tpu.vector_load %arg7[%swap3A_894, %swap3A_895, %swap3A_896, %swap3A_897] {strides = array<i32>} : memref<2x5x2x112xi32, #tpu.memory_space<vmem>>, vector<1x1x1x16xi32>,
    %swap3A_899 = vector.shape_cast %swap3A_898 : vector<1x1x1x16xi32> to vector<16xi32>
    %swap3A_900 = vector.shape_cast %add3A_890 : vector<16xi32> to vector<1x1x1x16xi32>
    tpu.vector_store %arg7[%swap3A_894, %swap3A_895, %swap3A_896, %swap3A_897], %swap3A_900 {strides = array<i32>} : memref<2x5x2x112xi32, #tpu.memory_space<vmem>>, vector<1x1x1x16xi32>,
    %get3A_901 = arith.constant 0 : i32
    %get3A_902 = arith.index_cast %get3A_901 : i32 to index
    %get3A_903 = arith.constant 131 : index
    %get3A_904 = tpu.vector_load %arg6[%get3A_902, %get3A_903] {strides = array<i32>} : memref<32x240xi32, #tpu.memory_space<vmem>>, vector<1x16xi32>,
    %get3A_905 = vector.shape_cast %get3A_904 : vector<1x16xi32> to vector<16xi32>
    %add3A_906 = arith.constant 300000 : i32
    %add3A_907 = vector.broadcast %add3A_906 : i32 to vector<16xi32>
    %add3A_908 = arith.addi %get3A_905, %add3A_907 : vector<16xi32>
    %swap3A_909 = arith.constant 0 : i32
    %swap3A_910 = arith.constant 3 : i32
    %swap3A_911 = arith.constant 1 : i32
    %swap3A_912 = arith.index_cast %swap3A_909 : i32 to index
    %swap3A_913 = arith.index_cast %swap3A_910 : i32 to index
    %swap3A_914 = arith.index_cast %swap3A_911 : i32 to index
    %swap3A_915 = arith.constant 16 : index
    %swap3A_916 = tpu.vector_load %arg7[%swap3A_912, %swap3A_913, %swap3A_914, %swap3A_915] {strides = array<i32>} : memref<2x5x2x112xi32, #tpu.memory_space<vmem>>, vector<1x1x1x16xi32>,
    %swap3A_917 = vector.shape_cast %swap3A_916 : vector<1x1x1x16xi32> to vector<16xi32>
    %swap3A_918 = vector.shape_cast %add3A_908 : vector<16xi32> to vector<1x1x1x16xi32>
    tpu.vector_store %arg7[%swap3A_912, %swap3A_913, %swap3A_914, %swap3A_915], %swap3A_918 {strides = array<i32>} : memref<2x5x2x112xi32, #tpu.memory_space<vmem>>, vector<1x1x1x16xi32>,
    %get3A_919 = arith.constant 0 : i32
    %get3A_920 = arith.index_cast %get3A_919 : i32 to index
    %get3A_921 = arith.constant 147 : index
    %get3A_922 = tpu.vector_load %arg6[%get3A_920, %get3A_921] {strides = array<i32>} : memref<32x240xi32, #tpu.memory_space<vmem>>, vector<1x16xi32>,
    %get3A_923 = vector.shape_cast %get3A_922 : vector<1x16xi32> to vector<16xi32>
    %add3A_924 = arith.constant 300000 : i32
    %add3A_925 = vector.broadcast %add3A_924 : i32 to vector<16xi32>
    %add3A_926 = arith.addi %get3A_923, %add3A_925 : vector<16xi32>
    %swap3A_927 = arith.constant 0 : i32
    %swap3A_928 = arith.constant 3 : i32
    %swap3A_929 = arith.constant 1 : i32
    %swap3A_930 = arith.index_cast %swap3A_927 : i32 to index
    %swap3A_931 = arith.index_cast %swap3A_928 : i32 to index
    %swap3A_932 = arith.index_cast %swap3A_929 : i32 to index
    %swap3A_933 = arith.constant 32 : index
    %swap3A_934 = tpu.vector_load %arg7[%swap3A_930, %swap3A_931, %swap3A_932, %swap3A_933] {strides = array<i32>} : memref<2x5x2x112xi32, #tpu.memory_space<vmem>>, vector<1x1x1x16xi32>,
    %swap3A_935 = vector.shape_cast %swap3A_934 : vector<1x1x1x16xi32> to vector<16xi32>
    %swap3A_936 = vector.shape_cast %add3A_926 : vector<16xi32> to vector<1x1x1x16xi32>
    tpu.vector_store %arg7[%swap3A_930, %swap3A_931, %swap3A_932, %swap3A_933], %swap3A_936 {strides = array<i32>} : memref<2x5x2x112xi32, #tpu.memory_space<vmem>>, vector<1x1x1x16xi32>,
    %get3A_937 = arith.constant 0 : i32
    %get3A_938 = arith.index_cast %get3A_937 : i32 to index
    %get3A_939 = arith.constant 163 : index
    %get3A_940 = tpu.vector_load %arg6[%get3A_938, %get3A_939] {strides = array<i32>} : memref<32x240xi32, #tpu.memory_space<vmem>>, vector<1x16xi32>,
    %get3A_941 = vector.shape_cast %get3A_940 : vector<1x16xi32> to vector<16xi32>
    %add3A_942 = arith.constant 300000 : i32
    %add3A_943 = vector.broadcast %add3A_942 : i32 to vector<16xi32>
    %add3A_944 = arith.addi %get3A_941, %add3A_943 : vector<16xi32>
    %swap3A_945 = arith.constant 0 : i32
    %swap3A_946 = arith.constant 3 : i32
    %swap3A_947 = arith.constant 1 : i32
    %swap3A_948 = arith.index_cast %swap3A_945 : i32 to index
    %swap3A_949 = arith.index_cast %swap3A_946 : i32 to index
    %swap3A_950 = arith.index_cast %swap3A_947 : i32 to index
    %swap3A_951 = arith.constant 48 : index
    %swap3A_952 = tpu.vector_load %arg7[%swap3A_948, %swap3A_949, %swap3A_950, %swap3A_951] {strides = array<i32>} : memref<2x5x2x112xi32, #tpu.memory_space<vmem>>, vector<1x1x1x16xi32>,
    %swap3A_953 = vector.shape_cast %swap3A_952 : vector<1x1x1x16xi32> to vector<16xi32>
    %swap3A_954 = vector.shape_cast %add3A_944 : vector<16xi32> to vector<1x1x1x16xi32>
    tpu.vector_store %arg7[%swap3A_948, %swap3A_949, %swap3A_950, %swap3A_951], %swap3A_954 {strides = array<i32>} : memref<2x5x2x112xi32, #tpu.memory_space<vmem>>, vector<1x1x1x16xi32>,
    %get3A_955 = arith.constant 0 : i32
    %get3A_956 = arith.index_cast %get3A_955 : i32 to index
    %get3A_957 = arith.constant 179 : index
    %get3A_958 = tpu.vector_load %arg6[%get3A_956, %get3A_957] {strides = array<i32>} : memref<32x240xi32, #tpu.memory_space<vmem>>, vector<1x16xi32>,
    %get3A_959 = vector.shape_cast %get3A_958 : vector<1x16xi32> to vector<16xi32>
    %add3A_960 = arith.constant 300000 : i32
    %add3A_961 = vector.broadcast %add3A_960 : i32 to vector<16xi32>
    %add3A_962 = arith.addi %get3A_959, %add3A_961 : vector<16xi32>
    %swap3A_963 = arith.constant 0 : i32
    %swap3A_964 = arith.constant 3 : i32
    %swap3A_965 = arith.constant 1 : i32
    %swap3A_966 = arith.index_cast %swap3A_963 : i32 to index
    %swap3A_967 = arith.index_cast %swap3A_964 : i32 to index
    %swap3A_968 = arith.index_cast %swap3A_965 : i32 to index
    %swap3A_969 = arith.constant 64 : index
    %swap3A_970 = tpu.vector_load %arg7[%swap3A_966, %swap3A_967, %swap3A_968, %swap3A_969] {strides = array<i32>} : memref<2x5x2x112xi32, #tpu.memory_space<vmem>>, vector<1x1x1x16xi32>,
    %swap3A_971 = vector.shape_cast %swap3A_970 : vector<1x1x1x16xi32> to vector<16xi32>
    %swap3A_972 = vector.shape_cast %add3A_962 : vector<16xi32> to vector<1x1x1x16xi32>
    tpu.vector_store %arg7[%swap3A_966, %swap3A_967, %swap3A_968, %swap3A_969], %swap3A_972 {strides = array<i32>} : memref<2x5x2x112xi32, #tpu.memory_space<vmem>>, vector<1x1x1x16xi32>,
    %get3A_973 = arith.constant 0 : i32
    %get3A_974 = arith.index_cast %get3A_973 : i32 to index
    %get3A_975 = arith.constant 195 : index
    %get3A_976 = tpu.vector_load %arg6[%get3A_974, %get3A_975] {strides = array<i32>} : memref<32x240xi32, #tpu.memory_space<vmem>>, vector<1x16xi32>,
    %get3A_977 = vector.shape_cast %get3A_976 : vector<1x16xi32> to vector<16xi32>
    %add3A_978 = arith.constant 300000 : i32
    %add3A_979 = vector.broadcast %add3A_978 : i32 to vector<16xi32>
    %add3A_980 = arith.addi %get3A_977, %add3A_979 : vector<16xi32>
    %swap3A_981 = arith.constant 0 : i32
    %swap3A_982 = arith.constant 3 : i32
    %swap3A_983 = arith.constant 1 : i32
    %swap3A_984 = arith.index_cast %swap3A_981 : i32 to index
    %swap3A_985 = arith.index_cast %swap3A_982 : i32 to index
    %swap3A_986 = arith.index_cast %swap3A_983 : i32 to index
    %swap3A_987 = arith.constant 80 : index
    %swap3A_988 = tpu.vector_load %arg7[%swap3A_984, %swap3A_985, %swap3A_986, %swap3A_987] {strides = array<i32>} : memref<2x5x2x112xi32, #tpu.memory_space<vmem>>, vector<1x1x1x16xi32>,
    %swap3A_989 = vector.shape_cast %swap3A_988 : vector<1x1x1x16xi32> to vector<16xi32>
    %swap3A_990 = vector.shape_cast %add3A_980 : vector<16xi32> to vector<1x1x1x16xi32>
    tpu.vector_store %arg7[%swap3A_984, %swap3A_985, %swap3A_986, %swap3A_987], %swap3A_990 {strides = array<i32>} : memref<2x5x2x112xi32, #tpu.memory_space<vmem>>, vector<1x1x1x16xi32>,
    %get3A_991 = arith.constant 0 : i32
    %get3A_992 = arith.index_cast %get3A_991 : i32 to index
    %get3A_993 = arith.constant 211 : index
    %get3A_994 = tpu.vector_load %arg6[%get3A_992, %get3A_993] {strides = array<i32>} : memref<32x240xi32, #tpu.memory_space<vmem>>, vector<1x16xi32>,
    %get3A_995 = vector.shape_cast %get3A_994 : vector<1x16xi32> to vector<16xi32>
    %add3A_996 = arith.constant 300000 : i32
    %add3A_997 = vector.broadcast %add3A_996 : i32 to vector<16xi32>
    %add3A_998 = arith.addi %get3A_995, %add3A_997 : vector<16xi32>
    %swap3A_999 = arith.constant 0 : i32
    %swap3A_1000 = arith.constant 3 : i32
    %swap3A_1001 = arith.constant 1 : i32
    %swap3A_1002 = arith.index_cast %swap3A_999 : i32 to index
    %swap3A_1003 = arith.index_cast %swap3A_1000 : i32 to index
    %swap3A_1004 = arith.index_cast %swap3A_1001 : i32 to index
    %swap3A_1005 = arith.constant 96 : index
    %swap3A_1006 = tpu.vector_load %arg7[%swap3A_1002, %swap3A_1003, %swap3A_1004, %swap3A_1005] {strides = array<i32>} : memref<2x5x2x112xi32, #tpu.memory_space<vmem>>, vector<1x1x1x16xi32>,
    %swap3A_1007 = vector.shape_cast %swap3A_1006 : vector<1x1x1x16xi32> to vector<16xi32>
    %swap3A_1008 = vector.shape_cast %add3A_998 : vector<16xi32> to vector<1x1x1x16xi32>
    tpu.vector_store %arg7[%swap3A_1002, %swap3A_1003, %swap3A_1004, %swap3A_1005], %swap3A_1008 {strides = array<i32>} : memref<2x5x2x112xi32, #tpu.memory_space<vmem>>, vector<1x1x1x16xi32>,
    %get3A_1009 = arith.constant 0 : i32
    %get3A_1010 = arith.index_cast %get3A_1009 : i32 to index
    %get3A_1011 = arith.constant 4 : index
    %get3A_1012 = tpu.vector_load %arg6[%get3A_1010, %get3A_1011] {strides = array<i32>} : memref<32x240xi32, #tpu.memory_space<vmem>>, vector<1x16xi32>,
    %get3A_1013 = vector.shape_cast %get3A_1012 : vector<1x16xi32> to vector<16xi32>
    %add3A_1014 = arith.constant 400000 : i32
    %add3A_1015 = vector.broadcast %add3A_1014 : i32 to vector<16xi32>
    %add3A_1016 = arith.addi %get3A_1013, %add3A_1015 : vector<16xi32>
    %swap3A_1017 = arith.constant 0 : i32
    %swap3A_1018 = arith.constant 4 : i32
    %swap3A_1019 = arith.constant 0 : i32
    %swap3A_1020 = arith.index_cast %swap3A_1017 : i32 to index
    %swap3A_1021 = arith.index_cast %swap3A_1018 : i32 to index
    %swap3A_1022 = arith.index_cast %swap3A_1019 : i32 to index
    %swap3A_1023 = arith.constant 0 : index
    %swap3A_1024 = tpu.vector_load %arg7[%swap3A_1020, %swap3A_1021, %swap3A_1022, %swap3A_1023] {strides = array<i32>} : memref<2x5x2x112xi32, #tpu.memory_space<vmem>>, vector<1x1x1x16xi32>,
    %swap3A_1025 = vector.shape_cast %swap3A_1024 : vector<1x1x1x16xi32> to vector<16xi32>
    %swap3A_1026 = vector.shape_cast %add3A_1016 : vector<16xi32> to vector<1x1x1x16xi32>
    tpu.vector_store %arg7[%swap3A_1020, %swap3A_1021, %swap3A_1022, %swap3A_1023], %swap3A_1026 {strides = array<i32>} : memref<2x5x2x112xi32, #tpu.memory_space<vmem>>, vector<1x1x1x16xi32>,
    %get3A_1027 = arith.constant 0 : i32
    %get3A_1028 = arith.index_cast %get3A_1027 : i32 to index
    %get3A_1029 = arith.constant 20 : index
    %get3A_1030 = tpu.vector_load %arg6[%get3A_1028, %get3A_1029] {strides = array<i32>} : memref<32x240xi32, #tpu.memory_space<vmem>>, vector<1x16xi32>,
    %get3A_1031 = vector.shape_cast %get3A_1030 : vector<1x16xi32> to vector<16xi32>
    %add3A_1032 = arith.constant 400000 : i32
    %add3A_1033 = vector.broadcast %add3A_1032 : i32 to vector<16xi32>
    %add3A_1034 = arith.addi %get3A_1031, %add3A_1033 : vector<16xi32>
    %swap3A_1035 = arith.constant 0 : i32
    %swap3A_1036 = arith.constant 4 : i32
    %swap3A_1037 = arith.constant 0 : i32
    %swap3A_1038 = arith.index_cast %swap3A_1035 : i32 to index
    %swap3A_1039 = arith.index_cast %swap3A_1036 : i32 to index
    %swap3A_1040 = arith.index_cast %swap3A_1037 : i32 to index
    %swap3A_1041 = arith.constant 16 : index
    %swap3A_1042 = tpu.vector_load %arg7[%swap3A_1038, %swap3A_1039, %swap3A_1040, %swap3A_1041] {strides = array<i32>} : memref<2x5x2x112xi32, #tpu.memory_space<vmem>>, vector<1x1x1x16xi32>,
    %swap3A_1043 = vector.shape_cast %swap3A_1042 : vector<1x1x1x16xi32> to vector<16xi32>
    %swap3A_1044 = vector.shape_cast %add3A_1034 : vector<16xi32> to vector<1x1x1x16xi32>
    tpu.vector_store %arg7[%swap3A_1038, %swap3A_1039, %swap3A_1040, %swap3A_1041], %swap3A_1044 {strides = array<i32>} : memref<2x5x2x112xi32, #tpu.memory_space<vmem>>, vector<1x1x1x16xi32>,
    %get3A_1045 = arith.constant 0 : i32
    %get3A_1046 = arith.index_cast %get3A_1045 : i32 to index
    %get3A_1047 = arith.constant 36 : index
    %get3A_1048 = tpu.vector_load %arg6[%get3A_1046, %get3A_1047] {strides = array<i32>} : memref<32x240xi32, #tpu.memory_space<vmem>>, vector<1x16xi32>,
    %get3A_1049 = vector.shape_cast %get3A_1048 : vector<1x16xi32> to vector<16xi32>
    %add3A_1050 = arith.constant 400000 : i32
    %add3A_1051 = vector.broadcast %add3A_1050 : i32 to vector<16xi32>
    %add3A_1052 = arith.addi %get3A_1049, %add3A_1051 : vector<16xi32>
    %swap3A_1053 = arith.constant 0 : i32
    %swap3A_1054 = arith.constant 4 : i32
    %swap3A_1055 = arith.constant 0 : i32
    %swap3A_1056 = arith.index_cast %swap3A_1053 : i32 to index
    %swap3A_1057 = arith.index_cast %swap3A_1054 : i32 to index
    %swap3A_1058 = arith.index_cast %swap3A_1055 : i32 to index
    %swap3A_1059 = arith.constant 32 : index
    %swap3A_1060 = tpu.vector_load %arg7[%swap3A_1056, %swap3A_1057, %swap3A_1058, %swap3A_1059] {strides = array<i32>} : memref<2x5x2x112xi32, #tpu.memory_space<vmem>>, vector<1x1x1x16xi32>,
    %swap3A_1061 = vector.shape_cast %swap3A_1060 : vector<1x1x1x16xi32> to vector<16xi32>
    %swap3A_1062 = vector.shape_cast %add3A_1052 : vector<16xi32> to vector<1x1x1x16xi32>
    tpu.vector_store %arg7[%swap3A_1056, %swap3A_1057, %swap3A_1058, %swap3A_1059], %swap3A_1062 {strides = array<i32>} : memref<2x5x2x112xi32, #tpu.memory_space<vmem>>, vector<1x1x1x16xi32>,
    %get3A_1063 = arith.constant 0 : i32
    %get3A_1064 = arith.index_cast %get3A_1063 : i32 to index
    %get3A_1065 = arith.constant 52 : index
    %get3A_1066 = tpu.vector_load %arg6[%get3A_1064, %get3A_1065] {strides = array<i32>} : memref<32x240xi32, #tpu.memory_space<vmem>>, vector<1x16xi32>,
    %get3A_1067 = vector.shape_cast %get3A_1066 : vector<1x16xi32> to vector<16xi32>
    %add3A_1068 = arith.constant 400000 : i32
    %add3A_1069 = vector.broadcast %add3A_1068 : i32 to vector<16xi32>
    %add3A_1070 = arith.addi %get3A_1067, %add3A_1069 : vector<16xi32>
    %swap3A_1071 = arith.constant 0 : i32
    %swap3A_1072 = arith.constant 4 : i32
    %swap3A_1073 = arith.constant 0 : i32
    %swap3A_1074 = arith.index_cast %swap3A_1071 : i32 to index
    %swap3A_1075 = arith.index_cast %swap3A_1072 : i32 to index
    %swap3A_1076 = arith.index_cast %swap3A_1073 : i32 to index
    %swap3A_1077 = arith.constant 48 : index
    %swap3A_1078 = tpu.vector_load %arg7[%swap3A_1074, %swap3A_1075, %swap3A_1076, %swap3A_1077] {strides = array<i32>} : memref<2x5x2x112xi32, #tpu.memory_space<vmem>>, vector<1x1x1x16xi32>,
    %swap3A_1079 = vector.shape_cast %swap3A_1078 : vector<1x1x1x16xi32> to vector<16xi32>
    %swap3A_1080 = vector.shape_cast %add3A_1070 : vector<16xi32> to vector<1x1x1x16xi32>
    tpu.vector_store %arg7[%swap3A_1074, %swap3A_1075, %swap3A_1076, %swap3A_1077], %swap3A_1080 {strides = array<i32>} : memref<2x5x2x112xi32, #tpu.memory_space<vmem>>, vector<1x1x1x16xi32>,
    %get3A_1081 = arith.constant 0 : i32
    %get3A_1082 = arith.index_cast %get3A_1081 : i32 to index
    %get3A_1083 = arith.constant 68 : index
    %get3A_1084 = tpu.vector_load %arg6[%get3A_1082, %get3A_1083] {strides = array<i32>} : memref<32x240xi32, #tpu.memory_space<vmem>>, vector<1x16xi32>,
    %get3A_1085 = vector.shape_cast %get3A_1084 : vector<1x16xi32> to vector<16xi32>
    %add3A_1086 = arith.constant 400000 : i32
    %add3A_1087 = vector.broadcast %add3A_1086 : i32 to vector<16xi32>
    %add3A_1088 = arith.addi %get3A_1085, %add3A_1087 : vector<16xi32>
    %swap3A_1089 = arith.constant 0 : i32
    %swap3A_1090 = arith.constant 4 : i32
    %swap3A_1091 = arith.constant 0 : i32
    %swap3A_1092 = arith.index_cast %swap3A_1089 : i32 to index
    %swap3A_1093 = arith.index_cast %swap3A_1090 : i32 to index
    %swap3A_1094 = arith.index_cast %swap3A_1091 : i32 to index
    %swap3A_1095 = arith.constant 64 : index
    %swap3A_1096 = tpu.vector_load %arg7[%swap3A_1092, %swap3A_1093, %swap3A_1094, %swap3A_1095] {strides = array<i32>} : memref<2x5x2x112xi32, #tpu.memory_space<vmem>>, vector<1x1x1x16xi32>,
    %swap3A_1097 = vector.shape_cast %swap3A_1096 : vector<1x1x1x16xi32> to vector<16xi32>
    %swap3A_1098 = vector.shape_cast %add3A_1088 : vector<16xi32> to vector<1x1x1x16xi32>
    tpu.vector_store %arg7[%swap3A_1092, %swap3A_1093, %swap3A_1094, %swap3A_1095], %swap3A_1098 {strides = array<i32>} : memref<2x5x2x112xi32, #tpu.memory_space<vmem>>, vector<1x1x1x16xi32>,
    %get3A_1099 = arith.constant 0 : i32
    %get3A_1100 = arith.index_cast %get3A_1099 : i32 to index
    %get3A_1101 = arith.constant 84 : index
    %get3A_1102 = tpu.vector_load %arg6[%get3A_1100, %get3A_1101] {strides = array<i32>} : memref<32x240xi32, #tpu.memory_space<vmem>>, vector<1x16xi32>,
    %get3A_1103 = vector.shape_cast %get3A_1102 : vector<1x16xi32> to vector<16xi32>
    %add3A_1104 = arith.constant 400000 : i32
    %add3A_1105 = vector.broadcast %add3A_1104 : i32 to vector<16xi32>
    %add3A_1106 = arith.addi %get3A_1103, %add3A_1105 : vector<16xi32>
    %swap3A_1107 = arith.constant 0 : i32
    %swap3A_1108 = arith.constant 4 : i32
    %swap3A_1109 = arith.constant 0 : i32
    %swap3A_1110 = arith.index_cast %swap3A_1107 : i32 to index
    %swap3A_1111 = arith.index_cast %swap3A_1108 : i32 to index
    %swap3A_1112 = arith.index_cast %swap3A_1109 : i32 to index
    %swap3A_1113 = arith.constant 80 : index
    %swap3A_1114 = tpu.vector_load %arg7[%swap3A_1110, %swap3A_1111, %swap3A_1112, %swap3A_1113] {strides = array<i32>} : memref<2x5x2x112xi32, #tpu.memory_space<vmem>>, vector<1x1x1x16xi32>,
    %swap3A_1115 = vector.shape_cast %swap3A_1114 : vector<1x1x1x16xi32> to vector<16xi32>
    %swap3A_1116 = vector.shape_cast %add3A_1106 : vector<16xi32> to vector<1x1x1x16xi32>
    tpu.vector_store %arg7[%swap3A_1110, %swap3A_1111, %swap3A_1112, %swap3A_1113], %swap3A_1116 {strides = array<i32>} : memref<2x5x2x112xi32, #tpu.memory_space<vmem>>, vector<1x1x1x16xi32>,
    %get3A_1117 = arith.constant 0 : i32
    %get3A_1118 = arith.index_cast %get3A_1117 : i32 to index
    %get3A_1119 = arith.constant 100 : index
    %get3A_1120 = tpu.vector_load %arg6[%get3A_1118, %get3A_1119] {strides = array<i32>} : memref<32x240xi32, #tpu.memory_space<vmem>>, vector<1x16xi32>,
    %get3A_1121 = vector.shape_cast %get3A_1120 : vector<1x16xi32> to vector<16xi32>
    %add3A_1122 = arith.constant 400000 : i32
    %add3A_1123 = vector.broadcast %add3A_1122 : i32 to vector<16xi32>
    %add3A_1124 = arith.addi %get3A_1121, %add3A_1123 : vector<16xi32>
    %swap3A_1125 = arith.constant 0 : i32
    %swap3A_1126 = arith.constant 4 : i32
    %swap3A_1127 = arith.constant 0 : i32
    %swap3A_1128 = arith.index_cast %swap3A_1125 : i32 to index
    %swap3A_1129 = arith.index_cast %swap3A_1126 : i32 to index
    %swap3A_1130 = arith.index_cast %swap3A_1127 : i32 to index
    %swap3A_1131 = arith.constant 96 : index
    %swap3A_1132 = tpu.vector_load %arg7[%swap3A_1128, %swap3A_1129, %swap3A_1130, %swap3A_1131] {strides = array<i32>} : memref<2x5x2x112xi32, #tpu.memory_space<vmem>>, vector<1x1x1x16xi32>,
    %swap3A_1133 = vector.shape_cast %swap3A_1132 : vector<1x1x1x16xi32> to vector<16xi32>
    %swap3A_1134 = vector.shape_cast %add3A_1124 : vector<16xi32> to vector<1x1x1x16xi32>
    tpu.vector_store %arg7[%swap3A_1128, %swap3A_1129, %swap3A_1130, %swap3A_1131], %swap3A_1134 {strides = array<i32>} : memref<2x5x2x112xi32, #tpu.memory_space<vmem>>, vector<1x1x1x16xi32>,
    %get3A_1135 = arith.constant 0 : i32
    %get3A_1136 = arith.index_cast %get3A_1135 : i32 to index
    %get3A_1137 = arith.constant 116 : index
    %get3A_1138 = tpu.vector_load %arg6[%get3A_1136, %get3A_1137] {strides = array<i32>} : memref<32x240xi32, #tpu.memory_space<vmem>>, vector<1x16xi32>,
    %get3A_1139 = vector.shape_cast %get3A_1138 : vector<1x16xi32> to vector<16xi32>
    %add3A_1140 = arith.constant 400000 : i32
    %add3A_1141 = vector.broadcast %add3A_1140 : i32 to vector<16xi32>
    %add3A_1142 = arith.addi %get3A_1139, %add3A_1141 : vector<16xi32>
    %swap3A_1143 = arith.constant 0 : i32
    %swap3A_1144 = arith.constant 4 : i32
    %swap3A_1145 = arith.constant 1 : i32
    %swap3A_1146 = arith.index_cast %swap3A_1143 : i32 to index
    %swap3A_1147 = arith.index_cast %swap3A_1144 : i32 to index
    %swap3A_1148 = arith.index_cast %swap3A_1145 : i32 to index
    %swap3A_1149 = arith.constant 0 : index
    %swap3A_1150 = tpu.vector_load %arg7[%swap3A_1146, %swap3A_1147, %swap3A_1148, %swap3A_1149] {strides = array<i32>} : memref<2x5x2x112xi32, #tpu.memory_space<vmem>>, vector<1x1x1x16xi32>,
    %swap3A_1151 = vector.shape_cast %swap3A_1150 : vector<1x1x1x16xi32> to vector<16xi32>
    %swap3A_1152 = vector.shape_cast %add3A_1142 : vector<16xi32> to vector<1x1x1x16xi32>
    tpu.vector_store %arg7[%swap3A_1146, %swap3A_1147, %swap3A_1148, %swap3A_1149], %swap3A_1152 {strides = array<i32>} : memref<2x5x2x112xi32, #tpu.memory_space<vmem>>, vector<1x1x1x16xi32>,
    %get3A_1153 = arith.constant 0 : i32
    %get3A_1154 = arith.index_cast %get3A_1153 : i32 to index
    %get3A_1155 = arith.constant 132 : index
    %get3A_1156 = tpu.vector_load %arg6[%get3A_1154, %get3A_1155] {strides = array<i32>} : memref<32x240xi32, #tpu.memory_space<vmem>>, vector<1x16xi32>,
    %get3A_1157 = vector.shape_cast %get3A_1156 : vector<1x16xi32> to vector<16xi32>
    %add3A_1158 = arith.constant 400000 : i32
    %add3A_1159 = vector.broadcast %add3A_1158 : i32 to vector<16xi32>
    %add3A_1160 = arith.addi %get3A_1157, %add3A_1159 : vector<16xi32>
    %swap3A_1161 = arith.constant 0 : i32
    %swap3A_1162 = arith.constant 4 : i32
    %swap3A_1163 = arith.constant 1 : i32
    %swap3A_1164 = arith.index_cast %swap3A_1161 : i32 to index
    %swap3A_1165 = arith.index_cast %swap3A_1162 : i32 to index
    %swap3A_1166 = arith.index_cast %swap3A_1163 : i32 to index
    %swap3A_1167 = arith.constant 16 : index
    %swap3A_1168 = tpu.vector_load %arg7[%swap3A_1164, %swap3A_1165, %swap3A_1166, %swap3A_1167] {strides = array<i32>} : memref<2x5x2x112xi32, #tpu.memory_space<vmem>>, vector<1x1x1x16xi32>,
    %swap3A_1169 = vector.shape_cast %swap3A_1168 : vector<1x1x1x16xi32> to vector<16xi32>
    %swap3A_1170 = vector.shape_cast %add3A_1160 : vector<16xi32> to vector<1x1x1x16xi32>
    tpu.vector_store %arg7[%swap3A_1164, %swap3A_1165, %swap3A_1166, %swap3A_1167], %swap3A_1170 {strides = array<i32>} : memref<2x5x2x112xi32, #tpu.memory_space<vmem>>, vector<1x1x1x16xi32>,
    %get3A_1171 = arith.constant 0 : i32
    %get3A_1172 = arith.index_cast %get3A_1171 : i32 to index
    %get3A_1173 = arith.constant 148 : index
    %get3A_1174 = tpu.vector_load %arg6[%get3A_1172, %get3A_1173] {strides = array<i32>} : memref<32x240xi32, #tpu.memory_space<vmem>>, vector<1x16xi32>,
    %get3A_1175 = vector.shape_cast %get3A_1174 : vector<1x16xi32> to vector<16xi32>
    %add3A_1176 = arith.constant 400000 : i32
    %add3A_1177 = vector.broadcast %add3A_1176 : i32 to vector<16xi32>
    %add3A_1178 = arith.addi %get3A_1175, %add3A_1177 : vector<16xi32>
    %swap3A_1179 = arith.constant 0 : i32
    %swap3A_1180 = arith.constant 4 : i32
    %swap3A_1181 = arith.constant 1 : i32
    %swap3A_1182 = arith.index_cast %swap3A_1179 : i32 to index
    %swap3A_1183 = arith.index_cast %swap3A_1180 : i32 to index
    %swap3A_1184 = arith.index_cast %swap3A_1181 : i32 to index
    %swap3A_1185 = arith.constant 32 : index
    %swap3A_1186 = tpu.vector_load %arg7[%swap3A_1182, %swap3A_1183, %swap3A_1184, %swap3A_1185] {strides = array<i32>} : memref<2x5x2x112xi32, #tpu.memory_space<vmem>>, vector<1x1x1x16xi32>,
    %swap3A_1187 = vector.shape_cast %swap3A_1186 : vector<1x1x1x16xi32> to vector<16xi32>
    %swap3A_1188 = vector.shape_cast %add3A_1178 : vector<16xi32> to vector<1x1x1x16xi32>
    tpu.vector_store %arg7[%swap3A_1182, %swap3A_1183, %swap3A_1184, %swap3A_1185], %swap3A_1188 {strides = array<i32>} : memref<2x5x2x112xi32, #tpu.memory_space<vmem>>, vector<1x1x1x16xi32>,
    %get3A_1189 = arith.constant 0 : i32
    %get3A_1190 = arith.index_cast %get3A_1189 : i32 to index
    %get3A_1191 = arith.constant 164 : index
    %get3A_1192 = tpu.vector_load %arg6[%get3A_1190, %get3A_1191] {strides = array<i32>} : memref<32x240xi32, #tpu.memory_space<vmem>>, vector<1x16xi32>,
    %get3A_1193 = vector.shape_cast %get3A_1192 : vector<1x16xi32> to vector<16xi32>
    %add3A_1194 = arith.constant 400000 : i32
    %add3A_1195 = vector.broadcast %add3A_1194 : i32 to vector<16xi32>
    %add3A_1196 = arith.addi %get3A_1193, %add3A_1195 : vector<16xi32>
    %swap3A_1197 = arith.constant 0 : i32
    %swap3A_1198 = arith.constant 4 : i32
    %swap3A_1199 = arith.constant 1 : i32
    %swap3A_1200 = arith.index_cast %swap3A_1197 : i32 to index
    %swap3A_1201 = arith.index_cast %swap3A_1198 : i32 to index
    %swap3A_1202 = arith.index_cast %swap3A_1199 : i32 to index
    %swap3A_1203 = arith.constant 48 : index
    %swap3A_1204 = tpu.vector_load %arg7[%swap3A_1200, %swap3A_1201, %swap3A_1202, %swap3A_1203] {strides = array<i32>} : memref<2x5x2x112xi32, #tpu.memory_space<vmem>>, vector<1x1x1x16xi32>,
    %swap3A_1205 = vector.shape_cast %swap3A_1204 : vector<1x1x1x16xi32> to vector<16xi32>
    %swap3A_1206 = vector.shape_cast %add3A_1196 : vector<16xi32> to vector<1x1x1x16xi32>
    tpu.vector_store %arg7[%swap3A_1200, %swap3A_1201, %swap3A_1202, %swap3A_1203], %swap3A_1206 {strides = array<i32>} : memref<2x5x2x112xi32, #tpu.memory_space<vmem>>, vector<1x1x1x16xi32>,
    %get3A_1207 = arith.constant 0 : i32
    %get3A_1208 = arith.index_cast %get3A_1207 : i32 to index
    %get3A_1209 = arith.constant 180 : index
    %get3A_1210 = tpu.vector_load %arg6[%get3A_1208, %get3A_1209] {strides = array<i32>} : memref<32x240xi32, #tpu.memory_space<vmem>>, vector<1x16xi32>,
    %get3A_1211 = vector.shape_cast %get3A_1210 : vector<1x16xi32> to vector<16xi32>
    %add3A_1212 = arith.constant 400000 : i32
    %add3A_1213 = vector.broadcast %add3A_1212 : i32 to vector<16xi32>
    %add3A_1214 = arith.addi %get3A_1211, %add3A_1213 : vector<16xi32>
    %swap3A_1215 = arith.constant 0 : i32
    %swap3A_1216 = arith.constant 4 : i32
    %swap3A_1217 = arith.constant 1 : i32
    %swap3A_1218 = arith.index_cast %swap3A_1215 : i32 to index
    %swap3A_1219 = arith.index_cast %swap3A_1216 : i32 to index
    %swap3A_1220 = arith.index_cast %swap3A_1217 : i32 to index
    %swap3A_1221 = arith.constant 64 : index
    %swap3A_1222 = tpu.vector_load %arg7[%swap3A_1218, %swap3A_1219, %swap3A_1220, %swap3A_1221] {strides = array<i32>} : memref<2x5x2x112xi32, #tpu.memory_space<vmem>>, vector<1x1x1x16xi32>,
    %swap3A_1223 = vector.shape_cast %swap3A_1222 : vector<1x1x1x16xi32> to vector<16xi32>
    %swap3A_1224 = vector.shape_cast %add3A_1214 : vector<16xi32> to vector<1x1x1x16xi32>
    tpu.vector_store %arg7[%swap3A_1218, %swap3A_1219, %swap3A_1220, %swap3A_1221], %swap3A_1224 {strides = array<i32>} : memref<2x5x2x112xi32, #tpu.memory_space<vmem>>, vector<1x1x1x16xi32>,
    %get3A_1225 = arith.constant 0 : i32
    %get3A_1226 = arith.index_cast %get3A_1225 : i32 to index
    %get3A_1227 = arith.constant 196 : index
    %get3A_1228 = tpu.vector_load %arg6[%get3A_1226, %get3A_1227] {strides = array<i32>} : memref<32x240xi32, #tpu.memory_space<vmem>>, vector<1x16xi32>,
    %get3A_1229 = vector.shape_cast %get3A_1228 : vector<1x16xi32> to vector<16xi32>
    %add3A_1230 = arith.constant 400000 : i32
    %add3A_1231 = vector.broadcast %add3A_1230 : i32 to vector<16xi32>
    %add3A_1232 = arith.addi %get3A_1229, %add3A_1231 : vector<16xi32>
    %swap3A_1233 = arith.constant 0 : i32
    %swap3A_1234 = arith.constant 4 : i32
    %swap3A_1235 = arith.constant 1 : i32
    %swap3A_1236 = arith.index_cast %swap3A_1233 : i32 to index
    %swap3A_1237 = arith.index_cast %swap3A_1234 : i32 to index
    %swap3A_1238 = arith.index_cast %swap3A_1235 : i32 to index
    %swap3A_1239 = arith.constant 80 : index
    %swap3A_1240 = tpu.vector_load %arg7[%swap3A_1236, %swap3A_1237, %swap3A_1238, %swap3A_1239] {strides = array<i32>} : memref<2x5x2x112xi32, #tpu.memory_space<vmem>>, vector<1x1x1x16xi32>,
    %swap3A_1241 = vector.shape_cast %swap3A_1240 : vector<1x1x1x16xi32> to vector<16xi32>
    %swap3A_1242 = vector.shape_cast %add3A_1232 : vector<16xi32> to vector<1x1x1x16xi32>
    tpu.vector_store %arg7[%swap3A_1236, %swap3A_1237, %swap3A_1238, %swap3A_1239], %swap3A_1242 {strides = array<i32>} : memref<2x5x2x112xi32, #tpu.memory_space<vmem>>, vector<1x1x1x16xi32>,
    %get3A_1243 = arith.constant 0 : i32
    %get3A_1244 = arith.index_cast %get3A_1243 : i32 to index
    %get3A_1245 = arith.constant 212 : index
    %get3A_1246 = tpu.vector_load %arg6[%get3A_1244, %get3A_1245] {strides = array<i32>} : memref<32x240xi32, #tpu.memory_space<vmem>>, vector<1x16xi32>,
    %get3A_1247 = vector.shape_cast %get3A_1246 : vector<1x16xi32> to vector<16xi32>
    %add3A_1248 = arith.constant 400000 : i32
    %add3A_1249 = vector.broadcast %add3A_1248 : i32 to vector<16xi32>
    %add3A_1250 = arith.addi %get3A_1247, %add3A_1249 : vector<16xi32>
    %swap3A_1251 = arith.constant 0 : i32
    %swap3A_1252 = arith.constant 4 : i32
    %swap3A_1253 = arith.constant 1 : i32
    %swap3A_1254 = arith.index_cast %swap3A_1251 : i32 to index
    %swap3A_1255 = arith.index_cast %swap3A_1252 : i32 to index
    %swap3A_1256 = arith.index_cast %swap3A_1253 : i32 to index
    %swap3A_1257 = arith.constant 96 : index
    %swap3A_1258 = tpu.vector_load %arg7[%swap3A_1254, %swap3A_1255, %swap3A_1256, %swap3A_1257] {strides = array<i32>} : memref<2x5x2x112xi32, #tpu.memory_space<vmem>>, vector<1x1x1x16xi32>,
    %swap3A_1259 = vector.shape_cast %swap3A_1258 : vector<1x1x1x16xi32> to vector<16xi32>
    %swap3A_1260 = vector.shape_cast %add3A_1250 : vector<16xi32> to vector<1x1x1x16xi32>
    tpu.vector_store %arg7[%swap3A_1254, %swap3A_1255, %swap3A_1256, %swap3A_1257], %swap3A_1260 {strides = array<i32>} : memref<2x5x2x112xi32, #tpu.memory_space<vmem>>, vector<1x1x1x16xi32>,
    %get3A_1261 = arith.constant 0 : i32
    %get3A_1262 = arith.index_cast %get3A_1261 : i32 to index
    %get3A_1263 = arith.constant 2 : index
    %get3A_1264 = tpu.vector_load %arg6[%get3A_1262, %get3A_1263] {strides = array<i32>} : memref<32x240xi32, #tpu.memory_space<vmem>>, vector<1x16xi32>,
    %get3A_1265 = vector.shape_cast %get3A_1264 : vector<1x16xi32> to vector<16xi32>
    %swap3A_1266 = arith.constant 0 : i32
    %swap3A_1267 = arith.constant 0 : i32
    %swap3A_1268 = arith.index_cast %swap3A_1266 : i32 to index
    %swap3A_1269 = arith.index_cast %swap3A_1267 : i32 to index
    %swap3A_1270 = arith.constant 0 : index
    %swap3A_1271 = tpu.vector_load %arg8[%swap3A_1268, %swap3A_1269, %swap3A_1270] {strides = array<i32>} : memref<2x2x112xi32, #tpu.memory_space<vmem>>, vector<1x1x16xi32>,
    %swap3A_1272 = vector.shape_cast %swap3A_1271 : vector<1x1x16xi32> to vector<16xi32>
    %swap3A_1273 = vector.shape_cast %get3A_1265 : vector<16xi32> to vector<1x1x16xi32>
    tpu.vector_store %arg8[%swap3A_1268, %swap3A_1269, %swap3A_1270], %swap3A_1273 {strides = array<i32>} : memref<2x2x112xi32, #tpu.memory_space<vmem>>, vector<1x1x16xi32>,
    %get3A_1274 = arith.constant 0 : i32
    %get3A_1275 = arith.index_cast %get3A_1274 : i32 to index
    %get3A_1276 = arith.constant 18 : index
    %get3A_1277 = tpu.vector_load %arg6[%get3A_1275, %get3A_1276] {strides = array<i32>} : memref<32x240xi32, #tpu.memory_space<vmem>>, vector<1x16xi32>,
    %get3A_1278 = vector.shape_cast %get3A_1277 : vector<1x16xi32> to vector<16xi32>
    %swap3A_1279 = arith.constant 0 : i32
    %swap3A_1280 = arith.constant 0 : i32
    %swap3A_1281 = arith.index_cast %swap3A_1279 : i32 to index
    %swap3A_1282 = arith.index_cast %swap3A_1280 : i32 to index
    %swap3A_1283 = arith.constant 16 : index
    %swap3A_1284 = tpu.vector_load %arg8[%swap3A_1281, %swap3A_1282, %swap3A_1283] {strides = array<i32>} : memref<2x2x112xi32, #tpu.memory_space<vmem>>, vector<1x1x16xi32>,
    %swap3A_1285 = vector.shape_cast %swap3A_1284 : vector<1x1x16xi32> to vector<16xi32>
    %swap3A_1286 = vector.shape_cast %get3A_1278 : vector<16xi32> to vector<1x1x16xi32>
    tpu.vector_store %arg8[%swap3A_1281, %swap3A_1282, %swap3A_1283], %swap3A_1286 {strides = array<i32>} : memref<2x2x112xi32, #tpu.memory_space<vmem>>, vector<1x1x16xi32>,
    %get3A_1287 = arith.constant 0 : i32
    %get3A_1288 = arith.index_cast %get3A_1287 : i32 to index
    %get3A_1289 = arith.constant 34 : index
    %get3A_1290 = tpu.vector_load %arg6[%get3A_1288, %get3A_1289] {strides = array<i32>} : memref<32x240xi32, #tpu.memory_space<vmem>>, vector<1x16xi32>,
    %get3A_1291 = vector.shape_cast %get3A_1290 : vector<1x16xi32> to vector<16xi32>
    %swap3A_1292 = arith.constant 0 : i32
    %swap3A_1293 = arith.constant 0 : i32
    %swap3A_1294 = arith.index_cast %swap3A_1292 : i32 to index
    %swap3A_1295 = arith.index_cast %swap3A_1293 : i32 to index
    %swap3A_1296 = arith.constant 32 : index
    %swap3A_1297 = tpu.vector_load %arg8[%swap3A_1294, %swap3A_1295, %swap3A_1296] {strides = array<i32>} : memref<2x2x112xi32, #tpu.memory_space<vmem>>, vector<1x1x16xi32>,
    %swap3A_1298 = vector.shape_cast %swap3A_1297 : vector<1x1x16xi32> to vector<16xi32>
    %swap3A_1299 = vector.shape_cast %get3A_1291 : vector<16xi32> to vector<1x1x16xi32>
    tpu.vector_store %arg8[%swap3A_1294, %swap3A_1295, %swap3A_1296], %swap3A_1299 {strides = array<i32>} : memref<2x2x112xi32, #tpu.memory_space<vmem>>, vector<1x1x16xi32>,
    %get3A_1300 = arith.constant 0 : i32
    %get3A_1301 = arith.index_cast %get3A_1300 : i32 to index
    %get3A_1302 = arith.constant 50 : index
    %get3A_1303 = tpu.vector_load %arg6[%get3A_1301, %get3A_1302] {strides = array<i32>} : memref<32x240xi32, #tpu.memory_space<vmem>>, vector<1x16xi32>,
    %get3A_1304 = vector.shape_cast %get3A_1303 : vector<1x16xi32> to vector<16xi32>
    %swap3A_1305 = arith.constant 0 : i32
    %swap3A_1306 = arith.constant 0 : i32
    %swap3A_1307 = arith.index_cast %swap3A_1305 : i32 to index
    %swap3A_1308 = arith.index_cast %swap3A_1306 : i32 to index
    %swap3A_1309 = arith.constant 48 : index
    %swap3A_1310 = tpu.vector_load %arg8[%swap3A_1307, %swap3A_1308, %swap3A_1309] {strides = array<i32>} : memref<2x2x112xi32, #tpu.memory_space<vmem>>, vector<1x1x16xi32>,
    %swap3A_1311 = vector.shape_cast %swap3A_1310 : vector<1x1x16xi32> to vector<16xi32>
    %swap3A_1312 = vector.shape_cast %get3A_1304 : vector<16xi32> to vector<1x1x16xi32>
    tpu.vector_store %arg8[%swap3A_1307, %swap3A_1308, %swap3A_1309], %swap3A_1312 {strides = array<i32>} : memref<2x2x112xi32, #tpu.memory_space<vmem>>, vector<1x1x16xi32>,
    %get3A_1313 = arith.constant 0 : i32
    %get3A_1314 = arith.index_cast %get3A_1313 : i32 to index
    %get3A_1315 = arith.constant 66 : index
    %get3A_1316 = tpu.vector_load %arg6[%get3A_1314, %get3A_1315] {strides = array<i32>} : memref<32x240xi32, #tpu.memory_space<vmem>>, vector<1x16xi32>,
    %get3A_1317 = vector.shape_cast %get3A_1316 : vector<1x16xi32> to vector<16xi32>
    %swap3A_1318 = arith.constant 0 : i32
    %swap3A_1319 = arith.constant 0 : i32
    %swap3A_1320 = arith.index_cast %swap3A_1318 : i32 to index
    %swap3A_1321 = arith.index_cast %swap3A_1319 : i32 to index
    %swap3A_1322 = arith.constant 64 : index
    %swap3A_1323 = tpu.vector_load %arg8[%swap3A_1320, %swap3A_1321, %swap3A_1322] {strides = array<i32>} : memref<2x2x112xi32, #tpu.memory_space<vmem>>, vector<1x1x16xi32>,
    %swap3A_1324 = vector.shape_cast %swap3A_1323 : vector<1x1x16xi32> to vector<16xi32>
    %swap3A_1325 = vector.shape_cast %get3A_1317 : vector<16xi32> to vector<1x1x16xi32>
    tpu.vector_store %arg8[%swap3A_1320, %swap3A_1321, %swap3A_1322], %swap3A_1325 {strides = array<i32>} : memref<2x2x112xi32, #tpu.memory_space<vmem>>, vector<1x1x16xi32>,
    %get3A_1326 = arith.constant 0 : i32
    %get3A_1327 = arith.index_cast %get3A_1326 : i32 to index
    %get3A_1328 = arith.constant 82 : index
    %get3A_1329 = tpu.vector_load %arg6[%get3A_1327, %get3A_1328] {strides = array<i32>} : memref<32x240xi32, #tpu.memory_space<vmem>>, vector<1x16xi32>,
    %get3A_1330 = vector.shape_cast %get3A_1329 : vector<1x16xi32> to vector<16xi32>
    %swap3A_1331 = arith.constant 0 : i32
    %swap3A_1332 = arith.constant 0 : i32
    %swap3A_1333 = arith.index_cast %swap3A_1331 : i32 to index
    %swap3A_1334 = arith.index_cast %swap3A_1332 : i32 to index
    %swap3A_1335 = arith.constant 80 : index
    %swap3A_1336 = tpu.vector_load %arg8[%swap3A_1333, %swap3A_1334, %swap3A_1335] {strides = array<i32>} : memref<2x2x112xi32, #tpu.memory_space<vmem>>, vector<1x1x16xi32>,
    %swap3A_1337 = vector.shape_cast %swap3A_1336 : vector<1x1x16xi32> to vector<16xi32>
    %swap3A_1338 = vector.shape_cast %get3A_1330 : vector<16xi32> to vector<1x1x16xi32>
    tpu.vector_store %arg8[%swap3A_1333, %swap3A_1334, %swap3A_1335], %swap3A_1338 {strides = array<i32>} : memref<2x2x112xi32, #tpu.memory_space<vmem>>, vector<1x1x16xi32>,
    %get3A_1339 = arith.constant 0 : i32
    %get3A_1340 = arith.index_cast %get3A_1339 : i32 to index
    %get3A_1341 = arith.constant 98 : index
    %get3A_1342 = tpu.vector_load %arg6[%get3A_1340, %get3A_1341] {strides = array<i32>} : memref<32x240xi32, #tpu.memory_space<vmem>>, vector<1x16xi32>,
    %get3A_1343 = vector.shape_cast %get3A_1342 : vector<1x16xi32> to vector<16xi32>
    %swap3A_1344 = arith.constant 0 : i32
    %swap3A_1345 = arith.constant 0 : i32
    %swap3A_1346 = arith.index_cast %swap3A_1344 : i32 to index
    %swap3A_1347 = arith.index_cast %swap3A_1345 : i32 to index
    %swap3A_1348 = arith.constant 96 : index
    %swap3A_1349 = tpu.vector_load %arg8[%swap3A_1346, %swap3A_1347, %swap3A_1348] {strides = array<i32>} : memref<2x2x112xi32, #tpu.memory_space<vmem>>, vector<1x1x16xi32>,
    %swap3A_1350 = vector.shape_cast %swap3A_1349 : vector<1x1x16xi32> to vector<16xi32>
    %swap3A_1351 = vector.shape_cast %get3A_1343 : vector<16xi32> to vector<1x1x16xi32>
    tpu.vector_store %arg8[%swap3A_1346, %swap3A_1347, %swap3A_1348], %swap3A_1351 {strides = array<i32>} : memref<2x2x112xi32, #tpu.memory_space<vmem>>, vector<1x1x16xi32>,
    %get3A_1352 = arith.constant 0 : i32
    %get3A_1353 = arith.index_cast %get3A_1352 : i32 to index
    %get3A_1354 = arith.constant 114 : index
    %get3A_1355 = tpu.vector_load %arg6[%get3A_1353, %get3A_1354] {strides = array<i32>} : memref<32x240xi32, #tpu.memory_space<vmem>>, vector<1x16xi32>,
    %get3A_1356 = vector.shape_cast %get3A_1355 : vector<1x16xi32> to vector<16xi32>
    %swap3A_1357 = arith.constant 0 : i32
    %swap3A_1358 = arith.constant 1 : i32
    %swap3A_1359 = arith.index_cast %swap3A_1357 : i32 to index
    %swap3A_1360 = arith.index_cast %swap3A_1358 : i32 to index
    %swap3A_1361 = arith.constant 0 : index
    %swap3A_1362 = tpu.vector_load %arg8[%swap3A_1359, %swap3A_1360, %swap3A_1361] {strides = array<i32>} : memref<2x2x112xi32, #tpu.memory_space<vmem>>, vector<1x1x16xi32>,
    %swap3A_1363 = vector.shape_cast %swap3A_1362 : vector<1x1x16xi32> to vector<16xi32>
    %swap3A_1364 = vector.shape_cast %get3A_1356 : vector<16xi32> to vector<1x1x16xi32>
    tpu.vector_store %arg8[%swap3A_1359, %swap3A_1360, %swap3A_1361], %swap3A_1364 {strides = array<i32>} : memref<2x2x112xi32, #tpu.memory_space<vmem>>, vector<1x1x16xi32>,
    %get3A_1365 = arith.constant 0 : i32
    %get3A_1366 = arith.index_cast %get3A_1365 : i32 to index
    %get3A_1367 = arith.constant 130 : index
    %get3A_1368 = tpu.vector_load %arg6[%get3A_1366, %get3A_1367] {strides = array<i32>} : memref<32x240xi32, #tpu.memory_space<vmem>>, vector<1x16xi32>,
    %get3A_1369 = vector.shape_cast %get3A_1368 : vector<1x16xi32> to vector<16xi32>
    %swap3A_1370 = arith.constant 0 : i32
    %swap3A_1371 = arith.constant 1 : i32
    %swap3A_1372 = arith.index_cast %swap3A_1370 : i32 to index
    %swap3A_1373 = arith.index_cast %swap3A_1371 : i32 to index
    %swap3A_1374 = arith.constant 16 : index
    %swap3A_1375 = tpu.vector_load %arg8[%swap3A_1372, %swap3A_1373, %swap3A_1374] {strides = array<i32>} : memref<2x2x112xi32, #tpu.memory_space<vmem>>, vector<1x1x16xi32>,
    %swap3A_1376 = vector.shape_cast %swap3A_1375 : vector<1x1x16xi32> to vector<16xi32>
    %swap3A_1377 = vector.shape_cast %get3A_1369 : vector<16xi32> to vector<1x1x16xi32>
    tpu.vector_store %arg8[%swap3A_1372, %swap3A_1373, %swap3A_1374], %swap3A_1377 {strides = array<i32>} : memref<2x2x112xi32, #tpu.memory_space<vmem>>, vector<1x1x16xi32>,
    %get3A_1378 = arith.constant 0 : i32
    %get3A_1379 = arith.index_cast %get3A_1378 : i32 to index
    %get3A_1380 = arith.constant 146 : index
    %get3A_1381 = tpu.vector_load %arg6[%get3A_1379, %get3A_1380] {strides = array<i32>} : memref<32x240xi32, #tpu.memory_space<vmem>>, vector<1x16xi32>,
    %get3A_1382 = vector.shape_cast %get3A_1381 : vector<1x16xi32> to vector<16xi32>
    %swap3A_1383 = arith.constant 0 : i32
    %swap3A_1384 = arith.constant 1 : i32
    %swap3A_1385 = arith.index_cast %swap3A_1383 : i32 to index
    %swap3A_1386 = arith.index_cast %swap3A_1384 : i32 to index
    %swap3A_1387 = arith.constant 32 : index
    %swap3A_1388 = tpu.vector_load %arg8[%swap3A_1385, %swap3A_1386, %swap3A_1387] {strides = array<i32>} : memref<2x2x112xi32, #tpu.memory_space<vmem>>, vector<1x1x16xi32>,
    %swap3A_1389 = vector.shape_cast %swap3A_1388 : vector<1x1x16xi32> to vector<16xi32>
    %swap3A_1390 = vector.shape_cast %get3A_1382 : vector<16xi32> to vector<1x1x16xi32>
    tpu.vector_store %arg8[%swap3A_1385, %swap3A_1386, %swap3A_1387], %swap3A_1390 {strides = array<i32>} : memref<2x2x112xi32, #tpu.memory_space<vmem>>, vector<1x1x16xi32>,
    %get3A_1391 = arith.constant 0 : i32
    %get3A_1392 = arith.index_cast %get3A_1391 : i32 to index
    %get3A_1393 = arith.constant 162 : index
    %get3A_1394 = tpu.vector_load %arg6[%get3A_1392, %get3A_1393] {strides = array<i32>} : memref<32x240xi32, #tpu.memory_space<vmem>>, vector<1x16xi32>,
    %get3A_1395 = vector.shape_cast %get3A_1394 : vector<1x16xi32> to vector<16xi32>
    %swap3A_1396 = arith.constant 0 : i32
    %swap3A_1397 = arith.constant 1 : i32
    %swap3A_1398 = arith.index_cast %swap3A_1396 : i32 to index
    %swap3A_1399 = arith.index_cast %swap3A_1397 : i32 to index
    %swap3A_1400 = arith.constant 48 : index
    %swap3A_1401 = tpu.vector_load %arg8[%swap3A_1398, %swap3A_1399, %swap3A_1400] {strides = array<i32>} : memref<2x2x112xi32, #tpu.memory_space<vmem>>, vector<1x1x16xi32>,
    %swap3A_1402 = vector.shape_cast %swap3A_1401 : vector<1x1x16xi32> to vector<16xi32>
    %swap3A_1403 = vector.shape_cast %get3A_1395 : vector<16xi32> to vector<1x1x16xi32>
    tpu.vector_store %arg8[%swap3A_1398, %swap3A_1399, %swap3A_1400], %swap3A_1403 {strides = array<i32>} : memref<2x2x112xi32, #tpu.memory_space<vmem>>, vector<1x1x16xi32>,
    %get3A_1404 = arith.constant 0 : i32
    %get3A_1405 = arith.index_cast %get3A_1404 : i32 to index
    %get3A_1406 = arith.constant 178 : index
    %get3A_1407 = tpu.vector_load %arg6[%get3A_1405, %get3A_1406] {strides = array<i32>} : memref<32x240xi32, #tpu.memory_space<vmem>>, vector<1x16xi32>,
    %get3A_1408 = vector.shape_cast %get3A_1407 : vector<1x16xi32> to vector<16xi32>
    %swap3A_1409 = arith.constant 0 : i32
    %swap3A_1410 = arith.constant 1 : i32
    %swap3A_1411 = arith.index_cast %swap3A_1409 : i32 to index
    %swap3A_1412 = arith.index_cast %swap3A_1410 : i32 to index
    %swap3A_1413 = arith.constant 64 : index
    %swap3A_1414 = tpu.vector_load %arg8[%swap3A_1411, %swap3A_1412, %swap3A_1413] {strides = array<i32>} : memref<2x2x112xi32, #tpu.memory_space<vmem>>, vector<1x1x16xi32>,
    %swap3A_1415 = vector.shape_cast %swap3A_1414 : vector<1x1x16xi32> to vector<16xi32>
    %swap3A_1416 = vector.shape_cast %get3A_1408 : vector<16xi32> to vector<1x1x16xi32>
    tpu.vector_store %arg8[%swap3A_1411, %swap3A_1412, %swap3A_1413], %swap3A_1416 {strides = array<i32>} : memref<2x2x112xi32, #tpu.memory_space<vmem>>, vector<1x1x16xi32>,
    %get3A_1417 = arith.constant 0 : i32
    %get3A_1418 = arith.index_cast %get3A_1417 : i32 to index
    %get3A_1419 = arith.constant 194 : index
    %get3A_1420 = tpu.vector_load %arg6[%get3A_1418, %get3A_1419] {strides = array<i32>} : memref<32x240xi32, #tpu.memory_space<vmem>>, vector<1x16xi32>,
    %get3A_1421 = vector.shape_cast %get3A_1420 : vector<1x16xi32> to vector<16xi32>
    %swap3A_1422 = arith.constant 0 : i32
    %swap3A_1423 = arith.constant 1 : i32
    %swap3A_1424 = arith.index_cast %swap3A_1422 : i32 to index
    %swap3A_1425 = arith.index_cast %swap3A_1423 : i32 to index
    %swap3A_1426 = arith.constant 80 : index
    %swap3A_1427 = tpu.vector_load %arg8[%swap3A_1424, %swap3A_1425, %swap3A_1426] {strides = array<i32>} : memref<2x2x112xi32, #tpu.memory_space<vmem>>, vector<1x1x16xi32>,
    %swap3A_1428 = vector.shape_cast %swap3A_1427 : vector<1x1x16xi32> to vector<16xi32>
    %swap3A_1429 = vector.shape_cast %get3A_1421 : vector<16xi32> to vector<1x1x16xi32>
    tpu.vector_store %arg8[%swap3A_1424, %swap3A_1425, %swap3A_1426], %swap3A_1429 {strides = array<i32>} : memref<2x2x112xi32, #tpu.memory_space<vmem>>, vector<1x1x16xi32>,
    %get3A_1430 = arith.constant 0 : i32
    %get3A_1431 = arith.index_cast %get3A_1430 : i32 to index
    %get3A_1432 = arith.constant 210 : index
    %get3A_1433 = tpu.vector_load %arg6[%get3A_1431, %get3A_1432] {strides = array<i32>} : memref<32x240xi32, #tpu.memory_space<vmem>>, vector<1x16xi32>,
    %get3A_1434 = vector.shape_cast %get3A_1433 : vector<1x16xi32> to vector<16xi32>
    %swap3A_1435 = arith.constant 0 : i32
    %swap3A_1436 = arith.constant 1 : i32
    %swap3A_1437 = arith.index_cast %swap3A_1435 : i32 to index
    %swap3A_1438 = arith.index_cast %swap3A_1436 : i32 to index
    %swap3A_1439 = arith.constant 96 : index
    %swap3A_1440 = tpu.vector_load %arg8[%swap3A_1437, %swap3A_1438, %swap3A_1439] {strides = array<i32>} : memref<2x2x112xi32, #tpu.memory_space<vmem>>, vector<1x1x16xi32>,
    %swap3A_1441 = vector.shape_cast %swap3A_1440 : vector<1x1x16xi32> to vector<16xi32>
    %swap3A_1442 = vector.shape_cast %get3A_1434 : vector<16xi32> to vector<1x1x16xi32>
    tpu.vector_store %arg8[%swap3A_1437, %swap3A_1438, %swap3A_1439], %swap3A_1442 {strides = array<i32>} : memref<2x2x112xi32, #tpu.memory_space<vmem>>, vector<1x1x16xi32>,
    %scan3A = arith.constant 0 : i32
    %scan3A_1443 = arith.constant 0 : i32
    %scan3A_1444 = arith.constant 16 : i32
    %scan3A_1445 = arith.addi %scan3A_1443, %scan3A_1444 : i32
    %scan3A_1446 = arith.constant 1 : i32
    scf.for %scan3A_1535 = %scan3A_1443 to %scan3A_1445 step %scan3A_1446  : i32 {
      %mul3A_1536 = arith.constant 2 : i32
      %mul3A_1537 = arith.muli %mul3A_1536, %scan3A_1535 : i32
      %add3A_1538 = arith.constant 0 : i32
      %add3A_1539 = arith.addi %mul3A_1537, %add3A_1538 : i32
      %add3A_1540 = arith.constant 1 : i32
      %add3A_1541 = arith.addi %add3A_1539, %add3A_1540 : i32
      %get3A_1542 = arith.index_cast %add3A_1541 : i32 to index
      %get3A_1543 = arith.constant 0 : index
      %get3A_1544 = tpu.vector_load %arg6[%get3A_1542, %get3A_1543] {strides = array<i32>} : memref<32x240xi32, #tpu.memory_space<vmem>>, vector<1x16xi32>,
      %get3A_1545 = vector.shape_cast %get3A_1544 : vector<1x16xi32> to vector<16xi32>
      %add3A_1546 = arith.constant 0 : i32
      %add3A_1547 = vector.broadcast %add3A_1546 : i32 to vector<16xi32>
      %add3A_1548 = arith.addi %get3A_1545, %add3A_1547 : vector<16xi32>
      %swap3A_1549 = arith.constant 1 : i32
      %swap3A_1550 = arith.constant 0 : i32
      %swap3A_1551 = arith.constant 0 : i32
      %swap3A_1552 = arith.index_cast %swap3A_1549 : i32 to index
      %swap3A_1553 = arith.index_cast %swap3A_1550 : i32 to index
      %swap3A_1554 = arith.index_cast %swap3A_1551 : i32 to index
      %swap3A_1555 = arith.constant 0 : index
      %swap3A_1556 = tpu.vector_load %arg7[%swap3A_1552, %swap3A_1553, %swap3A_1554, %swap3A_1555] {strides = array<i32>} : memref<2x5x2x112xi32, #tpu.memory_space<vmem>>, vector<1x1x1x16xi32>,
      %swap3A_1557 = vector.shape_cast %swap3A_1556 : vector<1x1x1x16xi32> to vector<16xi32>
      %swap3A_1558 = vector.shape_cast %add3A_1548 : vector<16xi32> to vector<1x1x1x16xi32>
      tpu.vector_store %arg7[%swap3A_1552, %swap3A_1553, %swap3A_1554, %swap3A_1555], %swap3A_1558 {strides = array<i32>} : memref<2x5x2x112xi32, #tpu.memory_space<vmem>>, vector<1x1x1x16xi32>,
      %get3A_1559 = arith.index_cast %add3A_1541 : i32 to index
      %get3A_1560 = arith.constant 16 : index
      %get3A_1561 = tpu.vector_load %arg6[%get3A_1559, %get3A_1560] {strides = array<i32>} : memref<32x240xi32, #tpu.memory_space<vmem>>, vector<1x16xi32>,
      %get3A_1562 = vector.shape_cast %get3A_1561 : vector<1x16xi32> to vector<16xi32>
      %add3A_1563 = arith.constant 0 : i32
      %add3A_1564 = vector.broadcast %add3A_1563 : i32 to vector<16xi32>
      %add3A_1565 = arith.addi %get3A_1562, %add3A_1564 : vector<16xi32>
      %swap3A_1566 = arith.constant 1 : i32
      %swap3A_1567 = arith.constant 0 : i32
      %swap3A_1568 = arith.constant 0 : i32
      %swap3A_1569 = arith.index_cast %swap3A_1566 : i32 to index
      %swap3A_1570 = arith.index_cast %swap3A_1567 : i32 to index
      %swap3A_1571 = arith.index_cast %swap3A_1568 : i32 to index
      %swap3A_1572 = arith.constant 16 : index
      %swap3A_1573 = tpu.vector_load %arg7[%swap3A_1569, %swap3A_1570, %swap3A_1571, %swap3A_1572] {strides = array<i32>} : memref<2x5x2x112xi32, #tpu.memory_space<vmem>>, vector<1x1x1x16xi32>,
      %swap3A_1574 = vector.shape_cast %swap3A_1573 : vector<1x1x1x16xi32> to vector<16xi32>
      %swap3A_1575 = vector.shape_cast %add3A_1565 : vector<16xi32> to vector<1x1x1x16xi32>
      tpu.vector_store %arg7[%swap3A_1569, %swap3A_1570, %swap3A_1571, %swap3A_1572], %swap3A_1575 {strides = array<i32>} : memref<2x5x2x112xi32, #tpu.memory_space<vmem>>, vector<1x1x1x16xi32>,
      %get3A_1576 = arith.index_cast %add3A_1541 : i32 to index
      %get3A_1577 = arith.constant 32 : index
      %get3A_1578 = tpu.vector_load %arg6[%get3A_1576, %get3A_1577] {strides = array<i32>} : memref<32x240xi32, #tpu.memory_space<vmem>>, vector<1x16xi32>,
      %get3A_1579 = vector.shape_cast %get3A_1578 : vector<1x16xi32> to vector<16xi32>
      %add3A_1580 = arith.constant 0 : i32
      %add3A_1581 = vector.broadcast %add3A_1580 : i32 to vector<16xi32>
      %add3A_1582 = arith.addi %get3A_1579, %add3A_1581 : vector<16xi32>
      %swap3A_1583 = arith.constant 1 : i32
      %swap3A_1584 = arith.constant 0 : i32
      %swap3A_1585 = arith.constant 0 : i32
      %swap3A_1586 = arith.index_cast %swap3A_1583 : i32 to index
      %swap3A_1587 = arith.index_cast %swap3A_1584 : i32 to index
      %swap3A_1588 = arith.index_cast %swap3A_1585 : i32 to index
      %swap3A_1589 = arith.constant 32 : index
      %swap3A_1590 = tpu.vector_load %arg7[%swap3A_1586, %swap3A_1587, %swap3A_1588, %swap3A_1589] {strides = array<i32>} : memref<2x5x2x112xi32, #tpu.memory_space<vmem>>, vector<1x1x1x16xi32>,
      %swap3A_1591 = vector.shape_cast %swap3A_1590 : vector<1x1x1x16xi32> to vector<16xi32>
      %swap3A_1592 = vector.shape_cast %add3A_1582 : vector<16xi32> to vector<1x1x1x16xi32>
      tpu.vector_store %arg7[%swap3A_1586, %swap3A_1587, %swap3A_1588, %swap3A_1589], %swap3A_1592 {strides = array<i32>} : memref<2x5x2x112xi32, #tpu.memory_space<vmem>>, vector<1x1x1x16xi32>,
      %get3A_1593 = arith.index_cast %add3A_1541 : i32 to index
      %get3A_1594 = arith.constant 48 : index
      %get3A_1595 = tpu.vector_load %arg6[%get3A_1593, %get3A_1594] {strides = array<i32>} : memref<32x240xi32, #tpu.memory_space<vmem>>, vector<1x16xi32>,
      %get3A_1596 = vector.shape_cast %get3A_1595 : vector<1x16xi32> to vector<16xi32>
      %add3A_1597 = arith.constant 0 : i32
      %add3A_1598 = vector.broadcast %add3A_1597 : i32 to vector<16xi32>
      %add3A_1599 = arith.addi %get3A_1596, %add3A_1598 : vector<16xi32>
      %swap3A_1600 = arith.constant 1 : i32
      %swap3A_1601 = arith.constant 0 : i32
      %swap3A_1602 = arith.constant 0 : i32
      %swap3A_1603 = arith.index_cast %swap3A_1600 : i32 to index
      %swap3A_1604 = arith.index_cast %swap3A_1601 : i32 to index
      %swap3A_1605 = arith.index_cast %swap3A_1602 : i32 to index
      %swap3A_1606 = arith.constant 48 : index
      %swap3A_1607 = tpu.vector_load %arg7[%swap3A_1603, %swap3A_1604, %swap3A_1605, %swap3A_1606] {strides = array<i32>} : memref<2x5x2x112xi32, #tpu.memory_space<vmem>>, vector<1x1x1x16xi32>,
      %swap3A_1608 = vector.shape_cast %swap3A_1607 : vector<1x1x1x16xi32> to vector<16xi32>
      %swap3A_1609 = vector.shape_cast %add3A_1599 : vector<16xi32> to vector<1x1x1x16xi32>
      tpu.vector_store %arg7[%swap3A_1603, %swap3A_1604, %swap3A_1605, %swap3A_1606], %swap3A_1609 {strides = array<i32>} : memref<2x5x2x112xi32, #tpu.memory_space<vmem>>, vector<1x1x1x16xi32>,
      %get3A_1610 = arith.index_cast %add3A_1541 : i32 to index
      %get3A_1611 = arith.constant 64 : index
      %get3A_1612 = tpu.vector_load %arg6[%get3A_1610, %get3A_1611] {strides = array<i32>} : memref<32x240xi32, #tpu.memory_space<vmem>>, vector<1x16xi32>,
      %get3A_1613 = vector.shape_cast %get3A_1612 : vector<1x16xi32> to vector<16xi32>
      %add3A_1614 = arith.constant 0 : i32
      %add3A_1615 = vector.broadcast %add3A_1614 : i32 to vector<16xi32>
      %add3A_1616 = arith.addi %get3A_1613, %add3A_1615 : vector<16xi32>
      %swap3A_1617 = arith.constant 1 : i32
      %swap3A_1618 = arith.constant 0 : i32
      %swap3A_1619 = arith.constant 0 : i32
      %swap3A_1620 = arith.index_cast %swap3A_1617 : i32 to index
      %swap3A_1621 = arith.index_cast %swap3A_1618 : i32 to index
      %swap3A_1622 = arith.index_cast %swap3A_1619 : i32 to index
      %swap3A_1623 = arith.constant 64 : index
      %swap3A_1624 = tpu.vector_load %arg7[%swap3A_1620, %swap3A_1621, %swap3A_1622, %swap3A_1623] {strides = array<i32>} : memref<2x5x2x112xi32, #tpu.memory_space<vmem>>, vector<1x1x1x16xi32>,
      %swap3A_1625 = vector.shape_cast %swap3A_1624 : vector<1x1x1x16xi32> to vector<16xi32>
      %swap3A_1626 = vector.shape_cast %add3A_1616 : vector<16xi32> to vector<1x1x1x16xi32>
      tpu.vector_store %arg7[%swap3A_1620, %swap3A_1621, %swap3A_1622, %swap3A_1623], %swap3A_1626 {strides = array<i32>} : memref<2x5x2x112xi32, #tpu.memory_space<vmem>>, vector<1x1x1x16xi32>,
      %get3A_1627 = arith.index_cast %add3A_1541 : i32 to index
      %get3A_1628 = arith.constant 80 : index
      %get3A_1629 = tpu.vector_load %arg6[%get3A_1627, %get3A_1628] {strides = array<i32>} : memref<32x240xi32, #tpu.memory_space<vmem>>, vector<1x16xi32>,
      %get3A_1630 = vector.shape_cast %get3A_1629 : vector<1x16xi32> to vector<16xi32>
      %add3A_1631 = arith.constant 0 : i32
      %add3A_1632 = vector.broadcast %add3A_1631 : i32 to vector<16xi32>
      %add3A_1633 = arith.addi %get3A_1630, %add3A_1632 : vector<16xi32>
      %swap3A_1634 = arith.constant 1 : i32
      %swap3A_1635 = arith.constant 0 : i32
      %swap3A_1636 = arith.constant 0 : i32
      %swap3A_1637 = arith.index_cast %swap3A_1634 : i32 to index
      %swap3A_1638 = arith.index_cast %swap3A_1635 : i32 to index
      %swap3A_1639 = arith.index_cast %swap3A_1636 : i32 to index
      %swap3A_1640 = arith.constant 80 : index
      %swap3A_1641 = tpu.vector_load %arg7[%swap3A_1637, %swap3A_1638, %swap3A_1639, %swap3A_1640] {strides = array<i32>} : memref<2x5x2x112xi32, #tpu.memory_space<vmem>>, vector<1x1x1x16xi32>,
      %swap3A_1642 = vector.shape_cast %swap3A_1641 : vector<1x1x1x16xi32> to vector<16xi32>
      %swap3A_1643 = vector.shape_cast %add3A_1633 : vector<16xi32> to vector<1x1x1x16xi32>
      tpu.vector_store %arg7[%swap3A_1637, %swap3A_1638, %swap3A_1639, %swap3A_1640], %swap3A_1643 {strides = array<i32>} : memref<2x5x2x112xi32, #tpu.memory_space<vmem>>, vector<1x1x1x16xi32>,
      %get3A_1644 = arith.index_cast %add3A_1541 : i32 to index
      %get3A_1645 = arith.constant 96 : index
      %get3A_1646 = tpu.vector_load %arg6[%get3A_1644, %get3A_1645] {strides = array<i32>} : memref<32x240xi32, #tpu.memory_space<vmem>>, vector<1x16xi32>,
      %get3A_1647 = vector.shape_cast %get3A_1646 : vector<1x16xi32> to vector<16xi32>
      %add3A_1648 = arith.constant 0 : i32
      %add3A_1649 = vector.broadcast %add3A_1648 : i32 to vector<16xi32>
      %add3A_1650 = arith.addi %get3A_1647, %add3A_1649 : vector<16xi32>
      %swap3A_1651 = arith.constant 1 : i32
      %swap3A_1652 = arith.constant 0 : i32
      %swap3A_1653 = arith.constant 0 : i32
      %swap3A_1654 = arith.index_cast %swap3A_1651 : i32 to index
      %swap3A_1655 = arith.index_cast %swap3A_1652 : i32 to index
      %swap3A_1656 = arith.index_cast %swap3A_1653 : i32 to index
      %swap3A_1657 = arith.constant 96 : index
      %swap3A_1658 = tpu.vector_load %arg7[%swap3A_1654, %swap3A_1655, %swap3A_1656, %swap3A_1657] {strides = array<i32>} : memref<2x5x2x112xi32, #tpu.memory_space<vmem>>, vector<1x1x1x16xi32>,
      %swap3A_1659 = vector.shape_cast %swap3A_1658 : vector<1x1x1x16xi32> to vector<16xi32>
      %swap3A_1660 = vector.shape_cast %add3A_1650 : vector<16xi32> to vector<1x1x1x16xi32>
      tpu.vector_store %arg7[%swap3A_1654, %swap3A_1655, %swap3A_1656, %swap3A_1657], %swap3A_1660 {strides = array<i32>} : memref<2x5x2x112xi32, #tpu.memory_space<vmem>>, vector<1x1x1x16xi32>,
      %get3A_1661 = arith.index_cast %add3A_1541 : i32 to index
      %get3A_1662 = arith.constant 112 : index
      %get3A_1663 = tpu.vector_load %arg6[%get3A_1661, %get3A_1662] {strides = array<i32>} : memref<32x240xi32, #tpu.memory_space<vmem>>, vector<1x16xi32>,
      %get3A_1664 = vector.shape_cast %get3A_1663 : vector<1x16xi32> to vector<16xi32>
      %add3A_1665 = arith.constant 0 : i32
      %add3A_1666 = vector.broadcast %add3A_1665 : i32 to vector<16xi32>
      %add3A_1667 = arith.addi %get3A_1664, %add3A_1666 : vector<16xi32>
      %swap3A_1668 = arith.constant 1 : i32
      %swap3A_1669 = arith.constant 0 : i32
      %swap3A_1670 = arith.constant 1 : i32
      %swap3A_1671 = arith.index_cast %swap3A_1668 : i32 to index
      %swap3A_1672 = arith.index_cast %swap3A_1669 : i32 to index
      %swap3A_1673 = arith.index_cast %swap3A_1670 : i32 to index
      %swap3A_1674 = arith.constant 0 : index
      %swap3A_1675 = tpu.vector_load %arg7[%swap3A_1671, %swap3A_1672, %swap3A_1673, %swap3A_1674] {strides = array<i32>} : memref<2x5x2x112xi32, #tpu.memory_space<vmem>>, vector<1x1x1x16xi32>,
      %swap3A_1676 = vector.shape_cast %swap3A_1675 : vector<1x1x1x16xi32> to vector<16xi32>
      %swap3A_1677 = vector.shape_cast %add3A_1667 : vector<16xi32> to vector<1x1x1x16xi32>
      tpu.vector_store %arg7[%swap3A_1671, %swap3A_1672, %swap3A_1673, %swap3A_1674], %swap3A_1677 {strides = array<i32>} : memref<2x5x2x112xi32, #tpu.memory_space<vmem>>, vector<1x1x1x16xi32>,
      %get3A_1678 = arith.index_cast %add3A_1541 : i32 to index
      %get3A_1679 = arith.constant 128 : index
      %get3A_1680 = tpu.vector_load %arg6[%get3A_1678, %get3A_1679] {strides = array<i32>} : memref<32x240xi32, #tpu.memory_space<vmem>>, vector<1x16xi32>,
      %get3A_1681 = vector.shape_cast %get3A_1680 : vector<1x16xi32> to vector<16xi32>
      %add3A_1682 = arith.constant 0 : i32
      %add3A_1683 = vector.broadcast %add3A_1682 : i32 to vector<16xi32>
      %add3A_1684 = arith.addi %get3A_1681, %add3A_1683 : vector<16xi32>
      %swap3A_1685 = arith.constant 1 : i32
      %swap3A_1686 = arith.constant 0 : i32
      %swap3A_1687 = arith.constant 1 : i32
      %swap3A_1688 = arith.index_cast %swap3A_1685 : i32 to index
      %swap3A_1689 = arith.index_cast %swap3A_1686 : i32 to index
      %swap3A_1690 = arith.index_cast %swap3A_1687 : i32 to index
      %swap3A_1691 = arith.constant 16 : index
      %swap3A_1692 = tpu.vector_load %arg7[%swap3A_1688, %swap3A_1689, %swap3A_1690, %swap3A_1691] {strides = array<i32>} : memref<2x5x2x112xi32, #tpu.memory_space<vmem>>, vector<1x1x1x16xi32>,
      %swap3A_1693 = vector.shape_cast %swap3A_1692 : vector<1x1x1x16xi32> to vector<16xi32>
      %swap3A_1694 = vector.shape_cast %add3A_1684 : vector<16xi32> to vector<1x1x1x16xi32>
      tpu.vector_store %arg7[%swap3A_1688, %swap3A_1689, %swap3A_1690, %swap3A_1691], %swap3A_1694 {strides = array<i32>} : memref<2x5x2x112xi32, #tpu.memory_space<vmem>>, vector<1x1x1x16xi32>,
      %get3A_1695 = arith.index_cast %add3A_1541 : i32 to index
      %get3A_1696 = arith.constant 144 : index
      %get3A_1697 = tpu.vector_load %arg6[%get3A_1695, %get3A_1696] {strides = array<i32>} : memref<32x240xi32, #tpu.memory_space<vmem>>, vector<1x16xi32>,
      %get3A_1698 = vector.shape_cast %get3A_1697 : vector<1x16xi32> to vector<16xi32>
      %add3A_1699 = arith.constant 0 : i32
      %add3A_1700 = vector.broadcast %add3A_1699 : i32 to vector<16xi32>
      %add3A_1701 = arith.addi %get3A_1698, %add3A_1700 : vector<16xi32>
      %swap3A_1702 = arith.constant 1 : i32
      %swap3A_1703 = arith.constant 0 : i32
      %swap3A_1704 = arith.constant 1 : i32
      %swap3A_1705 = arith.index_cast %swap3A_1702 : i32 to index
      %swap3A_1706 = arith.index_cast %swap3A_1703 : i32 to index
      %swap3A_1707 = arith.index_cast %swap3A_1704 : i32 to index
      %swap3A_1708 = arith.constant 32 : index
      %swap3A_1709 = tpu.vector_load %arg7[%swap3A_1705, %swap3A_1706, %swap3A_1707, %swap3A_1708] {strides = array<i32>} : memref<2x5x2x112xi32, #tpu.memory_space<vmem>>, vector<1x1x1x16xi32>,
      %swap3A_1710 = vector.shape_cast %swap3A_1709 : vector<1x1x1x16xi32> to vector<16xi32>
      %swap3A_1711 = vector.shape_cast %add3A_1701 : vector<16xi32> to vector<1x1x1x16xi32>
      tpu.vector_store %arg7[%swap3A_1705, %swap3A_1706, %swap3A_1707, %swap3A_1708], %swap3A_1711 {strides = array<i32>} : memref<2x5x2x112xi32, #tpu.memory_space<vmem>>, vector<1x1x1x16xi32>,
      %get3A_1712 = arith.index_cast %add3A_1541 : i32 to index
      %get3A_1713 = arith.constant 160 : index
      %get3A_1714 = tpu.vector_load %arg6[%get3A_1712, %get3A_1713] {strides = array<i32>} : memref<32x240xi32, #tpu.memory_space<vmem>>, vector<1x16xi32>,
      %get3A_1715 = vector.shape_cast %get3A_1714 : vector<1x16xi32> to vector<16xi32>
      %add3A_1716 = arith.constant 0 : i32
      %add3A_1717 = vector.broadcast %add3A_1716 : i32 to vector<16xi32>
      %add3A_1718 = arith.addi %get3A_1715, %add3A_1717 : vector<16xi32>
      %swap3A_1719 = arith.constant 1 : i32
      %swap3A_1720 = arith.constant 0 : i32
      %swap3A_1721 = arith.constant 1 : i32
      %swap3A_1722 = arith.index_cast %swap3A_1719 : i32 to index
      %swap3A_1723 = arith.index_cast %swap3A_1720 : i32 to index
      %swap3A_1724 = arith.index_cast %swap3A_1721 : i32 to index
      %swap3A_1725 = arith.constant 48 : index
      %swap3A_1726 = tpu.vector_load %arg7[%swap3A_1722, %swap3A_1723, %swap3A_1724, %swap3A_1725] {strides = array<i32>} : memref<2x5x2x112xi32, #tpu.memory_space<vmem>>, vector<1x1x1x16xi32>,
      %swap3A_1727 = vector.shape_cast %swap3A_1726 : vector<1x1x1x16xi32> to vector<16xi32>
      %swap3A_1728 = vector.shape_cast %add3A_1718 : vector<16xi32> to vector<1x1x1x16xi32>
      tpu.vector_store %arg7[%swap3A_1722, %swap3A_1723, %swap3A_1724, %swap3A_1725], %swap3A_1728 {strides = array<i32>} : memref<2x5x2x112xi32, #tpu.memory_space<vmem>>, vector<1x1x1x16xi32>,
      %get3A_1729 = arith.index_cast %add3A_1541 : i32 to index
      %get3A_1730 = arith.constant 176 : index
      %get3A_1731 = tpu.vector_load %arg6[%get3A_1729, %get3A_1730] {strides = array<i32>} : memref<32x240xi32, #tpu.memory_space<vmem>>, vector<1x16xi32>,
      %get3A_1732 = vector.shape_cast %get3A_1731 : vector<1x16xi32> to vector<16xi32>
      %add3A_1733 = arith.constant 0 : i32
      %add3A_1734 = vector.broadcast %add3A_1733 : i32 to vector<16xi32>
      %add3A_1735 = arith.addi %get3A_1732, %add3A_1734 : vector<16xi32>
      %swap3A_1736 = arith.constant 1 : i32
      %swap3A_1737 = arith.constant 0 : i32
      %swap3A_1738 = arith.constant 1 : i32
      %swap3A_1739 = arith.index_cast %swap3A_1736 : i32 to index
      %swap3A_1740 = arith.index_cast %swap3A_1737 : i32 to index
      %swap3A_1741 = arith.index_cast %swap3A_1738 : i32 to index
      %swap3A_1742 = arith.constant 64 : index
      %swap3A_1743 = tpu.vector_load %arg7[%swap3A_1739, %swap3A_1740, %swap3A_1741, %swap3A_1742] {strides = array<i32>} : memref<2x5x2x112xi32, #tpu.memory_space<vmem>>, vector<1x1x1x16xi32>,
      %swap3A_1744 = vector.shape_cast %swap3A_1743 : vector<1x1x1x16xi32> to vector<16xi32>
      %swap3A_1745 = vector.shape_cast %add3A_1735 : vector<16xi32> to vector<1x1x1x16xi32>
      tpu.vector_store %arg7[%swap3A_1739, %swap3A_1740, %swap3A_1741, %swap3A_1742], %swap3A_1745 {strides = array<i32>} : memref<2x5x2x112xi32, #tpu.memory_space<vmem>>, vector<1x1x1x16xi32>,
      %get3A_1746 = arith.index_cast %add3A_1541 : i32 to index
      %get3A_1747 = arith.constant 192 : index
      %get3A_1748 = tpu.vector_load %arg6[%get3A_1746, %get3A_1747] {strides = array<i32>} : memref<32x240xi32, #tpu.memory_space<vmem>>, vector<1x16xi32>,
      %get3A_1749 = vector.shape_cast %get3A_1748 : vector<1x16xi32> to vector<16xi32>
      %add3A_1750 = arith.constant 0 : i32
      %add3A_1751 = vector.broadcast %add3A_1750 : i32 to vector<16xi32>
      %add3A_1752 = arith.addi %get3A_1749, %add3A_1751 : vector<16xi32>
      %swap3A_1753 = arith.constant 1 : i32
      %swap3A_1754 = arith.constant 0 : i32
      %swap3A_1755 = arith.constant 1 : i32
      %swap3A_1756 = arith.index_cast %swap3A_1753 : i32 to index
      %swap3A_1757 = arith.index_cast %swap3A_1754 : i32 to index
      %swap3A_1758 = arith.index_cast %swap3A_1755 : i32 to index
      %swap3A_1759 = arith.constant 80 : index
      %swap3A_1760 = tpu.vector_load %arg7[%swap3A_1756, %swap3A_1757, %swap3A_1758, %swap3A_1759] {strides = array<i32>} : memref<2x5x2x112xi32, #tpu.memory_space<vmem>>, vector<1x1x1x16xi32>,
      %swap3A_1761 = vector.shape_cast %swap3A_1760 : vector<1x1x1x16xi32> to vector<16xi32>
      %swap3A_1762 = vector.shape_cast %add3A_1752 : vector<16xi32> to vector<1x1x1x16xi32>
      tpu.vector_store %arg7[%swap3A_1756, %swap3A_1757, %swap3A_1758, %swap3A_1759], %swap3A_1762 {strides = array<i32>} : memref<2x5x2x112xi32, #tpu.memory_space<vmem>>, vector<1x1x1x16xi32>,
      %get3A_1763 = arith.index_cast %add3A_1541 : i32 to index
      %get3A_1764 = arith.constant 208 : index
      %get3A_1765 = tpu.vector_load %arg6[%get3A_1763, %get3A_1764] {strides = array<i32>} : memref<32x240xi32, #tpu.memory_space<vmem>>, vector<1x16xi32>,
      %get3A_1766 = vector.shape_cast %get3A_1765 : vector<1x16xi32> to vector<16xi32>
      %add3A_1767 = arith.constant 0 : i32
      %add3A_1768 = vector.broadcast %add3A_1767 : i32 to vector<16xi32>
      %add3A_1769 = arith.addi %get3A_1766, %add3A_1768 : vector<16xi32>
      %swap3A_1770 = arith.constant 1 : i32
      %swap3A_1771 = arith.constant 0 : i32
      %swap3A_1772 = arith.constant 1 : i32
      %swap3A_1773 = arith.index_cast %swap3A_1770 : i32 to index
      %swap3A_1774 = arith.index_cast %swap3A_1771 : i32 to index
      %swap3A_1775 = arith.index_cast %swap3A_1772 : i32 to index
      %swap3A_1776 = arith.constant 96 : index
      %swap3A_1777 = tpu.vector_load %arg7[%swap3A_1773, %swap3A_1774, %swap3A_1775, %swap3A_1776] {strides = array<i32>} : memref<2x5x2x112xi32, #tpu.memory_space<vmem>>, vector<1x1x1x16xi32>,
      %swap3A_1778 = vector.shape_cast %swap3A_1777 : vector<1x1x1x16xi32> to vector<16xi32>
      %swap3A_1779 = vector.shape_cast %add3A_1769 : vector<16xi32> to vector<1x1x1x16xi32>
      tpu.vector_store %arg7[%swap3A_1773, %swap3A_1774, %swap3A_1775, %swap3A_1776], %swap3A_1779 {strides = array<i32>} : memref<2x5x2x112xi32, #tpu.memory_space<vmem>>, vector<1x1x1x16xi32>,
      %get3A_1780 = arith.index_cast %add3A_1541 : i32 to index
      %get3A_1781 = arith.constant 1 : index
      %get3A_1782 = tpu.vector_load %arg6[%get3A_1780, %get3A_1781] {strides = array<i32>} : memref<32x240xi32, #tpu.memory_space<vmem>>, vector<1x16xi32>,
      %get3A_1783 = vector.shape_cast %get3A_1782 : vector<1x16xi32> to vector<16xi32>
      %add3A_1784 = arith.constant 100000 : i32
      %add3A_1785 = vector.broadcast %add3A_1784 : i32 to vector<16xi32>
      %add3A_1786 = arith.addi %get3A_1783, %add3A_1785 : vector<16xi32>
      %swap3A_1787 = arith.constant 1 : i32
      %swap3A_1788 = arith.constant 1 : i32
      %swap3A_1789 = arith.constant 0 : i32
      %swap3A_1790 = arith.index_cast %swap3A_1787 : i32 to index
      %swap3A_1791 = arith.index_cast %swap3A_1788 : i32 to index
      %swap3A_1792 = arith.index_cast %swap3A_1789 : i32 to index
      %swap3A_1793 = arith.constant 0 : index
      %swap3A_1794 = tpu.vector_load %arg7[%swap3A_1790, %swap3A_1791, %swap3A_1792, %swap3A_1793] {strides = array<i32>} : memref<2x5x2x112xi32, #tpu.memory_space<vmem>>, vector<1x1x1x16xi32>,
      %swap3A_1795 = vector.shape_cast %swap3A_1794 : vector<1x1x1x16xi32> to vector<16xi32>
      %swap3A_1796 = vector.shape_cast %add3A_1786 : vector<16xi32> to vector<1x1x1x16xi32>
      tpu.vector_store %arg7[%swap3A_1790, %swap3A_1791, %swap3A_1792, %swap3A_1793], %swap3A_1796 {strides = array<i32>} : memref<2x5x2x112xi32, #tpu.memory_space<vmem>>, vector<1x1x1x16xi32>,
      %get3A_1797 = arith.index_cast %add3A_1541 : i32 to index
      %get3A_1798 = arith.constant 17 : index
      %get3A_1799 = tpu.vector_load %arg6[%get3A_1797, %get3A_1798] {strides = array<i32>} : memref<32x240xi32, #tpu.memory_space<vmem>>, vector<1x16xi32>,
      %get3A_1800 = vector.shape_cast %get3A_1799 : vector<1x16xi32> to vector<16xi32>
      %add3A_1801 = arith.constant 100000 : i32
      %add3A_1802 = vector.broadcast %add3A_1801 : i32 to vector<16xi32>
      %add3A_1803 = arith.addi %get3A_1800, %add3A_1802 : vector<16xi32>
      %swap3A_1804 = arith.constant 1 : i32
      %swap3A_1805 = arith.constant 1 : i32
      %swap3A_1806 = arith.constant 0 : i32
      %swap3A_1807 = arith.index_cast %swap3A_1804 : i32 to index
      %swap3A_1808 = arith.index_cast %swap3A_1805 : i32 to index
      %swap3A_1809 = arith.index_cast %swap3A_1806 : i32 to index
      %swap3A_1810 = arith.constant 16 : index
      %swap3A_1811 = tpu.vector_load %arg7[%swap3A_1807, %swap3A_1808, %swap3A_1809, %swap3A_1810] {strides = array<i32>} : memref<2x5x2x112xi32, #tpu.memory_space<vmem>>, vector<1x1x1x16xi32>,
      %swap3A_1812 = vector.shape_cast %swap3A_1811 : vector<1x1x1x16xi32> to vector<16xi32>
      %swap3A_1813 = vector.shape_cast %add3A_1803 : vector<16xi32> to vector<1x1x1x16xi32>
      tpu.vector_store %arg7[%swap3A_1807, %swap3A_1808, %swap3A_1809, %swap3A_1810], %swap3A_1813 {strides = array<i32>} : memref<2x5x2x112xi32, #tpu.memory_space<vmem>>, vector<1x1x1x16xi32>,
      %get3A_1814 = arith.index_cast %add3A_1541 : i32 to index
      %get3A_1815 = arith.constant 33 : index
      %get3A_1816 = tpu.vector_load %arg6[%get3A_1814, %get3A_1815] {strides = array<i32>} : memref<32x240xi32, #tpu.memory_space<vmem>>, vector<1x16xi32>,
      %get3A_1817 = vector.shape_cast %get3A_1816 : vector<1x16xi32> to vector<16xi32>
      %add3A_1818 = arith.constant 100000 : i32
      %add3A_1819 = vector.broadcast %add3A_1818 : i32 to vector<16xi32>
      %add3A_1820 = arith.addi %get3A_1817, %add3A_1819 : vector<16xi32>
      %swap3A_1821 = arith.constant 1 : i32
      %swap3A_1822 = arith.constant 1 : i32
      %swap3A_1823 = arith.constant 0 : i32
      %swap3A_1824 = arith.index_cast %swap3A_1821 : i32 to index
      %swap3A_1825 = arith.index_cast %swap3A_1822 : i32 to index
      %swap3A_1826 = arith.index_cast %swap3A_1823 : i32 to index
      %swap3A_1827 = arith.constant 32 : index
      %swap3A_1828 = tpu.vector_load %arg7[%swap3A_1824, %swap3A_1825, %swap3A_1826, %swap3A_1827] {strides = array<i32>} : memref<2x5x2x112xi32, #tpu.memory_space<vmem>>, vector<1x1x1x16xi32>,
      %swap3A_1829 = vector.shape_cast %swap3A_1828 : vector<1x1x1x16xi32> to vector<16xi32>
      %swap3A_1830 = vector.shape_cast %add3A_1820 : vector<16xi32> to vector<1x1x1x16xi32>
      tpu.vector_store %arg7[%swap3A_1824, %swap3A_1825, %swap3A_1826, %swap3A_1827], %swap3A_1830 {strides = array<i32>} : memref<2x5x2x112xi32, #tpu.memory_space<vmem>>, vector<1x1x1x16xi32>,
      %get3A_1831 = arith.index_cast %add3A_1541 : i32 to index
      %get3A_1832 = arith.constant 49 : index
      %get3A_1833 = tpu.vector_load %arg6[%get3A_1831, %get3A_1832] {strides = array<i32>} : memref<32x240xi32, #tpu.memory_space<vmem>>, vector<1x16xi32>,
      %get3A_1834 = vector.shape_cast %get3A_1833 : vector<1x16xi32> to vector<16xi32>
      %add3A_1835 = arith.constant 100000 : i32
      %add3A_1836 = vector.broadcast %add3A_1835 : i32 to vector<16xi32>
      %add3A_1837 = arith.addi %get3A_1834, %add3A_1836 : vector<16xi32>
      %swap3A_1838 = arith.constant 1 : i32
      %swap3A_1839 = arith.constant 1 : i32
      %swap3A_1840 = arith.constant 0 : i32
      %swap3A_1841 = arith.index_cast %swap3A_1838 : i32 to index
      %swap3A_1842 = arith.index_cast %swap3A_1839 : i32 to index
      %swap3A_1843 = arith.index_cast %swap3A_1840 : i32 to index
      %swap3A_1844 = arith.constant 48 : index
      %swap3A_1845 = tpu.vector_load %arg7[%swap3A_1841, %swap3A_1842, %swap3A_1843, %swap3A_1844] {strides = array<i32>} : memref<2x5x2x112xi32, #tpu.memory_space<vmem>>, vector<1x1x1x16xi32>,
      %swap3A_1846 = vector.shape_cast %swap3A_1845 : vector<1x1x1x16xi32> to vector<16xi32>
      %swap3A_1847 = vector.shape_cast %add3A_1837 : vector<16xi32> to vector<1x1x1x16xi32>
      tpu.vector_store %arg7[%swap3A_1841, %swap3A_1842, %swap3A_1843, %swap3A_1844], %swap3A_1847 {strides = array<i32>} : memref<2x5x2x112xi32, #tpu.memory_space<vmem>>, vector<1x1x1x16xi32>,
      %get3A_1848 = arith.index_cast %add3A_1541 : i32 to index
      %get3A_1849 = arith.constant 65 : index
      %get3A_1850 = tpu.vector_load %arg6[%get3A_1848, %get3A_1849] {strides = array<i32>} : memref<32x240xi32, #tpu.memory_space<vmem>>, vector<1x16xi32>,
      %get3A_1851 = vector.shape_cast %get3A_1850 : vector<1x16xi32> to vector<16xi32>
      %add3A_1852 = arith.constant 100000 : i32
      %add3A_1853 = vector.broadcast %add3A_1852 : i32 to vector<16xi32>
      %add3A_1854 = arith.addi %get3A_1851, %add3A_1853 : vector<16xi32>
      %swap3A_1855 = arith.constant 1 : i32
      %swap3A_1856 = arith.constant 1 : i32
      %swap3A_1857 = arith.constant 0 : i32
      %swap3A_1858 = arith.index_cast %swap3A_1855 : i32 to index
      %swap3A_1859 = arith.index_cast %swap3A_1856 : i32 to index
      %swap3A_1860 = arith.index_cast %swap3A_1857 : i32 to index
      %swap3A_1861 = arith.constant 64 : index
      %swap3A_1862 = tpu.vector_load %arg7[%swap3A_1858, %swap3A_1859, %swap3A_1860, %swap3A_1861] {strides = array<i32>} : memref<2x5x2x112xi32, #tpu.memory_space<vmem>>, vector<1x1x1x16xi32>,
      %swap3A_1863 = vector.shape_cast %swap3A_1862 : vector<1x1x1x16xi32> to vector<16xi32>
      %swap3A_1864 = vector.shape_cast %add3A_1854 : vector<16xi32> to vector<1x1x1x16xi32>
      tpu.vector_store %arg7[%swap3A_1858, %swap3A_1859, %swap3A_1860, %swap3A_1861], %swap3A_1864 {strides = array<i32>} : memref<2x5x2x112xi32, #tpu.memory_space<vmem>>, vector<1x1x1x16xi32>,
      %get3A_1865 = arith.index_cast %add3A_1541 : i32 to index
      %get3A_1866 = arith.constant 81 : index
      %get3A_1867 = tpu.vector_load %arg6[%get3A_1865, %get3A_1866] {strides = array<i32>} : memref<32x240xi32, #tpu.memory_space<vmem>>, vector<1x16xi32>,
      %get3A_1868 = vector.shape_cast %get3A_1867 : vector<1x16xi32> to vector<16xi32>
      %add3A_1869 = arith.constant 100000 : i32
      %add3A_1870 = vector.broadcast %add3A_1869 : i32 to vector<16xi32>
      %add3A_1871 = arith.addi %get3A_1868, %add3A_1870 : vector<16xi32>
      %swap3A_1872 = arith.constant 1 : i32
      %swap3A_1873 = arith.constant 1 : i32
      %swap3A_1874 = arith.constant 0 : i32
      %swap3A_1875 = arith.index_cast %swap3A_1872 : i32 to index
      %swap3A_1876 = arith.index_cast %swap3A_1873 : i32 to index
      %swap3A_1877 = arith.index_cast %swap3A_1874 : i32 to index
      %swap3A_1878 = arith.constant 80 : index
      %swap3A_1879 = tpu.vector_load %arg7[%swap3A_1875, %swap3A_1876, %swap3A_1877, %swap3A_1878] {strides = array<i32>} : memref<2x5x2x112xi32, #tpu.memory_space<vmem>>, vector<1x1x1x16xi32>,
      %swap3A_1880 = vector.shape_cast %swap3A_1879 : vector<1x1x1x16xi32> to vector<16xi32>
      %swap3A_1881 = vector.shape_cast %add3A_1871 : vector<16xi32> to vector<1x1x1x16xi32>
      tpu.vector_store %arg7[%swap3A_1875, %swap3A_1876, %swap3A_1877, %swap3A_1878], %swap3A_1881 {strides = array<i32>} : memref<2x5x2x112xi32, #tpu.memory_space<vmem>>, vector<1x1x1x16xi32>,
      %get3A_1882 = arith.index_cast %add3A_1541 : i32 to index
      %get3A_1883 = arith.constant 97 : index
      %get3A_1884 = tpu.vector_load %arg6[%get3A_1882, %get3A_1883] {strides = array<i32>} : memref<32x240xi32, #tpu.memory_space<vmem>>, vector<1x16xi32>,
      %get3A_1885 = vector.shape_cast %get3A_1884 : vector<1x16xi32> to vector<16xi32>
      %add3A_1886 = arith.constant 100000 : i32
      %add3A_1887 = vector.broadcast %add3A_1886 : i32 to vector<16xi32>
      %add3A_1888 = arith.addi %get3A_1885, %add3A_1887 : vector<16xi32>
      %swap3A_1889 = arith.constant 1 : i32
      %swap3A_1890 = arith.constant 1 : i32
      %swap3A_1891 = arith.constant 0 : i32
      %swap3A_1892 = arith.index_cast %swap3A_1889 : i32 to index
      %swap3A_1893 = arith.index_cast %swap3A_1890 : i32 to index
      %swap3A_1894 = arith.index_cast %swap3A_1891 : i32 to index
      %swap3A_1895 = arith.constant 96 : index
      %swap3A_1896 = tpu.vector_load %arg7[%swap3A_1892, %swap3A_1893, %swap3A_1894, %swap3A_1895] {strides = array<i32>} : memref<2x5x2x112xi32, #tpu.memory_space<vmem>>, vector<1x1x1x16xi32>,
      %swap3A_1897 = vector.shape_cast %swap3A_1896 : vector<1x1x1x16xi32> to vector<16xi32>
      %swap3A_1898 = vector.shape_cast %add3A_1888 : vector<16xi32> to vector<1x1x1x16xi32>
      tpu.vector_store %arg7[%swap3A_1892, %swap3A_1893, %swap3A_1894, %swap3A_1895], %swap3A_1898 {strides = array<i32>} : memref<2x5x2x112xi32, #tpu.memory_space<vmem>>, vector<1x1x1x16xi32>,
      %get3A_1899 = arith.index_cast %add3A_1541 : i32 to index
      %get3A_1900 = arith.constant 113 : index
      %get3A_1901 = tpu.vector_load %arg6[%get3A_1899, %get3A_1900] {strides = array<i32>} : memref<32x240xi32, #tpu.memory_space<vmem>>, vector<1x16xi32>,
      %get3A_1902 = vector.shape_cast %get3A_1901 : vector<1x16xi32> to vector<16xi32>
      %add3A_1903 = arith.constant 100000 : i32
      %add3A_1904 = vector.broadcast %add3A_1903 : i32 to vector<16xi32>
      %add3A_1905 = arith.addi %get3A_1902, %add3A_1904 : vector<16xi32>
      %swap3A_1906 = arith.constant 1 : i32
      %swap3A_1907 = arith.constant 1 : i32
      %swap3A_1908 = arith.constant 1 : i32
      %swap3A_1909 = arith.index_cast %swap3A_1906 : i32 to index
      %swap3A_1910 = arith.index_cast %swap3A_1907 : i32 to index
      %swap3A_1911 = arith.index_cast %swap3A_1908 : i32 to index
      %swap3A_1912 = arith.constant 0 : index
      %swap3A_1913 = tpu.vector_load %arg7[%swap3A_1909, %swap3A_1910, %swap3A_1911, %swap3A_1912] {strides = array<i32>} : memref<2x5x2x112xi32, #tpu.memory_space<vmem>>, vector<1x1x1x16xi32>,
      %swap3A_1914 = vector.shape_cast %swap3A_1913 : vector<1x1x1x16xi32> to vector<16xi32>
      %swap3A_1915 = vector.shape_cast %add3A_1905 : vector<16xi32> to vector<1x1x1x16xi32>
      tpu.vector_store %arg7[%swap3A_1909, %swap3A_1910, %swap3A_1911, %swap3A_1912], %swap3A_1915 {strides = array<i32>} : memref<2x5x2x112xi32, #tpu.memory_space<vmem>>, vector<1x1x1x16xi32>,
      %get3A_1916 = arith.index_cast %add3A_1541 : i32 to index
      %get3A_1917 = arith.constant 129 : index
      %get3A_1918 = tpu.vector_load %arg6[%get3A_1916, %get3A_1917] {strides = array<i32>} : memref<32x240xi32, #tpu.memory_space<vmem>>, vector<1x16xi32>,
      %get3A_1919 = vector.shape_cast %get3A_1918 : vector<1x16xi32> to vector<16xi32>
      %add3A_1920 = arith.constant 100000 : i32
      %add3A_1921 = vector.broadcast %add3A_1920 : i32 to vector<16xi32>
      %add3A_1922 = arith.addi %get3A_1919, %add3A_1921 : vector<16xi32>
      %swap3A_1923 = arith.constant 1 : i32
      %swap3A_1924 = arith.constant 1 : i32
      %swap3A_1925 = arith.constant 1 : i32
      %swap3A_1926 = arith.index_cast %swap3A_1923 : i32 to index
      %swap3A_1927 = arith.index_cast %swap3A_1924 : i32 to index
      %swap3A_1928 = arith.index_cast %swap3A_1925 : i32 to index
      %swap3A_1929 = arith.constant 16 : index
      %swap3A_1930 = tpu.vector_load %arg7[%swap3A_1926, %swap3A_1927, %swap3A_1928, %swap3A_1929] {strides = array<i32>} : memref<2x5x2x112xi32, #tpu.memory_space<vmem>>, vector<1x1x1x16xi32>,
      %swap3A_1931 = vector.shape_cast %swap3A_1930 : vector<1x1x1x16xi32> to vector<16xi32>
      %swap3A_1932 = vector.shape_cast %add3A_1922 : vector<16xi32> to vector<1x1x1x16xi32>
      tpu.vector_store %arg7[%swap3A_1926, %swap3A_1927, %swap3A_1928, %swap3A_1929], %swap3A_1932 {strides = array<i32>} : memref<2x5x2x112xi32, #tpu.memory_space<vmem>>, vector<1x1x1x16xi32>,
      %get3A_1933 = arith.index_cast %add3A_1541 : i32 to index
      %get3A_1934 = arith.constant 145 : index
      %get3A_1935 = tpu.vector_load %arg6[%get3A_1933, %get3A_1934] {strides = array<i32>} : memref<32x240xi32, #tpu.memory_space<vmem>>, vector<1x16xi32>,
      %get3A_1936 = vector.shape_cast %get3A_1935 : vector<1x16xi32> to vector<16xi32>
      %add3A_1937 = arith.constant 100000 : i32
      %add3A_1938 = vector.broadcast %add3A_1937 : i32 to vector<16xi32>
      %add3A_1939 = arith.addi %get3A_1936, %add3A_1938 : vector<16xi32>
      %swap3A_1940 = arith.constant 1 : i32
      %swap3A_1941 = arith.constant 1 : i32
      %swap3A_1942 = arith.constant 1 : i32
      %swap3A_1943 = arith.index_cast %swap3A_1940 : i32 to index
      %swap3A_1944 = arith.index_cast %swap3A_1941 : i32 to index
      %swap3A_1945 = arith.index_cast %swap3A_1942 : i32 to index
      %swap3A_1946 = arith.constant 32 : index
      %swap3A_1947 = tpu.vector_load %arg7[%swap3A_1943, %swap3A_1944, %swap3A_1945, %swap3A_1946] {strides = array<i32>} : memref<2x5x2x112xi32, #tpu.memory_space<vmem>>, vector<1x1x1x16xi32>,
      %swap3A_1948 = vector.shape_cast %swap3A_1947 : vector<1x1x1x16xi32> to vector<16xi32>
      %swap3A_1949 = vector.shape_cast %add3A_1939 : vector<16xi32> to vector<1x1x1x16xi32>
      tpu.vector_store %arg7[%swap3A_1943, %swap3A_1944, %swap3A_1945, %swap3A_1946], %swap3A_1949 {strides = array<i32>} : memref<2x5x2x112xi32, #tpu.memory_space<vmem>>, vector<1x1x1x16xi32>,
      %get3A_1950 = arith.index_cast %add3A_1541 : i32 to index
      %get3A_1951 = arith.constant 161 : index
      %get3A_1952 = tpu.vector_load %arg6[%get3A_1950, %get3A_1951] {strides = array<i32>} : memref<32x240xi32, #tpu.memory_space<vmem>>, vector<1x16xi32>,
      %get3A_1953 = vector.shape_cast %get3A_1952 : vector<1x16xi32> to vector<16xi32>
      %add3A_1954 = arith.constant 100000 : i32
      %add3A_1955 = vector.broadcast %add3A_1954 : i32 to vector<16xi32>
      %add3A_1956 = arith.addi %get3A_1953, %add3A_1955 : vector<16xi32>
      %swap3A_1957 = arith.constant 1 : i32
      %swap3A_1958 = arith.constant 1 : i32
      %swap3A_1959 = arith.constant 1 : i32
      %swap3A_1960 = arith.index_cast %swap3A_1957 : i32 to index
      %swap3A_1961 = arith.index_cast %swap3A_1958 : i32 to index
      %swap3A_1962 = arith.index_cast %swap3A_1959 : i32 to index
      %swap3A_1963 = arith.constant 48 : index
      %swap3A_1964 = tpu.vector_load %arg7[%swap3A_1960, %swap3A_1961, %swap3A_1962, %swap3A_1963] {strides = array<i32>} : memref<2x5x2x112xi32, #tpu.memory_space<vmem>>, vector<1x1x1x16xi32>,
      %swap3A_1965 = vector.shape_cast %swap3A_1964 : vector<1x1x1x16xi32> to vector<16xi32>
      %swap3A_1966 = vector.shape_cast %add3A_1956 : vector<16xi32> to vector<1x1x1x16xi32>
      tpu.vector_store %arg7[%swap3A_1960, %swap3A_1961, %swap3A_1962, %swap3A_1963], %swap3A_1966 {strides = array<i32>} : memref<2x5x2x112xi32, #tpu.memory_space<vmem>>, vector<1x1x1x16xi32>,
      %get3A_1967 = arith.index_cast %add3A_1541 : i32 to index
      %get3A_1968 = arith.constant 177 : index
      %get3A_1969 = tpu.vector_load %arg6[%get3A_1967, %get3A_1968] {strides = array<i32>} : memref<32x240xi32, #tpu.memory_space<vmem>>, vector<1x16xi32>,
      %get3A_1970 = vector.shape_cast %get3A_1969 : vector<1x16xi32> to vector<16xi32>
      %add3A_1971 = arith.constant 100000 : i32
      %add3A_1972 = vector.broadcast %add3A_1971 : i32 to vector<16xi32>
      %add3A_1973 = arith.addi %get3A_1970, %add3A_1972 : vector<16xi32>
      %swap3A_1974 = arith.constant 1 : i32
      %swap3A_1975 = arith.constant 1 : i32
      %swap3A_1976 = arith.constant 1 : i32
      %swap3A_1977 = arith.index_cast %swap3A_1974 : i32 to index
      %swap3A_1978 = arith.index_cast %swap3A_1975 : i32 to index
      %swap3A_1979 = arith.index_cast %swap3A_1976 : i32 to index
      %swap3A_1980 = arith.constant 64 : index
      %swap3A_1981 = tpu.vector_load %arg7[%swap3A_1977, %swap3A_1978, %swap3A_1979, %swap3A_1980] {strides = array<i32>} : memref<2x5x2x112xi32, #tpu.memory_space<vmem>>, vector<1x1x1x16xi32>,
      %swap3A_1982 = vector.shape_cast %swap3A_1981 : vector<1x1x1x16xi32> to vector<16xi32>
      %swap3A_1983 = vector.shape_cast %add3A_1973 : vector<16xi32> to vector<1x1x1x16xi32>
      tpu.vector_store %arg7[%swap3A_1977, %swap3A_1978, %swap3A_1979, %swap3A_1980], %swap3A_1983 {strides = array<i32>} : memref<2x5x2x112xi32, #tpu.memory_space<vmem>>, vector<1x1x1x16xi32>,
      %get3A_1984 = arith.index_cast %add3A_1541 : i32 to index
      %get3A_1985 = arith.constant 193 : index
      %get3A_1986 = tpu.vector_load %arg6[%get3A_1984, %get3A_1985] {strides = array<i32>} : memref<32x240xi32, #tpu.memory_space<vmem>>, vector<1x16xi32>,
      %get3A_1987 = vector.shape_cast %get3A_1986 : vector<1x16xi32> to vector<16xi32>
      %add3A_1988 = arith.constant 100000 : i32
      %add3A_1989 = vector.broadcast %add3A_1988 : i32 to vector<16xi32>
      %add3A_1990 = arith.addi %get3A_1987, %add3A_1989 : vector<16xi32>
      %swap3A_1991 = arith.constant 1 : i32
      %swap3A_1992 = arith.constant 1 : i32
      %swap3A_1993 = arith.constant 1 : i32
      %swap3A_1994 = arith.index_cast %swap3A_1991 : i32 to index
      %swap3A_1995 = arith.index_cast %swap3A_1992 : i32 to index
      %swap3A_1996 = arith.index_cast %swap3A_1993 : i32 to index
      %swap3A_1997 = arith.constant 80 : index
      %swap3A_1998 = tpu.vector_load %arg7[%swap3A_1994, %swap3A_1995, %swap3A_1996, %swap3A_1997] {strides = array<i32>} : memref<2x5x2x112xi32, #tpu.memory_space<vmem>>, vector<1x1x1x16xi32>,
      %swap3A_1999 = vector.shape_cast %swap3A_1998 : vector<1x1x1x16xi32> to vector<16xi32>
      %swap3A_2000 = vector.shape_cast %add3A_1990 : vector<16xi32> to vector<1x1x1x16xi32>
      tpu.vector_store %arg7[%swap3A_1994, %swap3A_1995, %swap3A_1996, %swap3A_1997], %swap3A_2000 {strides = array<i32>} : memref<2x5x2x112xi32, #tpu.memory_space<vmem>>, vector<1x1x1x16xi32>,
      %get3A_2001 = arith.index_cast %add3A_1541 : i32 to index
      %get3A_2002 = arith.constant 209 : index
      %get3A_2003 = tpu.vector_load %arg6[%get3A_2001, %get3A_2002] {strides = array<i32>} : memref<32x240xi32, #tpu.memory_space<vmem>>, vector<1x16xi32>,
      %get3A_2004 = vector.shape_cast %get3A_2003 : vector<1x16xi32> to vector<16xi32>
      %add3A_2005 = arith.constant 100000 : i32
      %add3A_2006 = vector.broadcast %add3A_2005 : i32 to vector<16xi32>
      %add3A_2007 = arith.addi %get3A_2004, %add3A_2006 : vector<16xi32>
      %swap3A_2008 = arith.constant 1 : i32
      %swap3A_2009 = arith.constant 1 : i32
      %swap3A_2010 = arith.constant 1 : i32
      %swap3A_2011 = arith.index_cast %swap3A_2008 : i32 to index
      %swap3A_2012 = arith.index_cast %swap3A_2009 : i32 to index
      %swap3A_2013 = arith.index_cast %swap3A_2010 : i32 to index
      %swap3A_2014 = arith.constant 96 : index
      %swap3A_2015 = tpu.vector_load %arg7[%swap3A_2011, %swap3A_2012, %swap3A_2013, %swap3A_2014] {strides = array<i32>} : memref<2x5x2x112xi32, #tpu.memory_space<vmem>>, vector<1x1x1x16xi32>,
      %swap3A_2016 = vector.shape_cast %swap3A_2015 : vector<1x1x1x16xi32> to vector<16xi32>
      %swap3A_2017 = vector.shape_cast %add3A_2007 : vector<16xi32> to vector<1x1x1x16xi32>
      tpu.vector_store %arg7[%swap3A_2011, %swap3A_2012, %swap3A_2013, %swap3A_2014], %swap3A_2017 {strides = array<i32>} : memref<2x5x2x112xi32, #tpu.memory_space<vmem>>, vector<1x1x1x16xi32>,
      %get3A_2018 = arith.index_cast %add3A_1541 : i32 to index
      %get3A_2019 = arith.constant 2 : index
      %get3A_2020 = tpu.vector_load %arg6[%get3A_2018, %get3A_2019] {strides = array<i32>} : memref<32x240xi32, #tpu.memory_space<vmem>>, vector<1x16xi32>,
      %get3A_2021 = vector.shape_cast %get3A_2020 : vector<1x16xi32> to vector<16xi32>
      %add3A_2022 = arith.constant 200000 : i32
      %add3A_2023 = vector.broadcast %add3A_2022 : i32 to vector<16xi32>
      %add3A_2024 = arith.addi %get3A_2021, %add3A_2023 : vector<16xi32>
      %swap3A_2025 = arith.constant 1 : i32
      %swap3A_2026 = arith.constant 2 : i32
      %swap3A_2027 = arith.constant 0 : i32
      %swap3A_2028 = arith.index_cast %swap3A_2025 : i32 to index
      %swap3A_2029 = arith.index_cast %swap3A_2026 : i32 to index
      %swap3A_2030 = arith.index_cast %swap3A_2027 : i32 to index
      %swap3A_2031 = arith.constant 0 : index
      %swap3A_2032 = tpu.vector_load %arg7[%swap3A_2028, %swap3A_2029, %swap3A_2030, %swap3A_2031] {strides = array<i32>} : memref<2x5x2x112xi32, #tpu.memory_space<vmem>>, vector<1x1x1x16xi32>,
      %swap3A_2033 = vector.shape_cast %swap3A_2032 : vector<1x1x1x16xi32> to vector<16xi32>
      %swap3A_2034 = vector.shape_cast %add3A_2024 : vector<16xi32> to vector<1x1x1x16xi32>
      tpu.vector_store %arg7[%swap3A_2028, %swap3A_2029, %swap3A_2030, %swap3A_2031], %swap3A_2034 {strides = array<i32>} : memref<2x5x2x112xi32, #tpu.memory_space<vmem>>, vector<1x1x1x16xi32>,
      %get3A_2035 = arith.index_cast %add3A_1541 : i32 to index
      %get3A_2036 = arith.constant 18 : index
      %get3A_2037 = tpu.vector_load %arg6[%get3A_2035, %get3A_2036] {strides = array<i32>} : memref<32x240xi32, #tpu.memory_space<vmem>>, vector<1x16xi32>,
      %get3A_2038 = vector.shape_cast %get3A_2037 : vector<1x16xi32> to vector<16xi32>
      %add3A_2039 = arith.constant 200000 : i32
      %add3A_2040 = vector.broadcast %add3A_2039 : i32 to vector<16xi32>
      %add3A_2041 = arith.addi %get3A_2038, %add3A_2040 : vector<16xi32>
      %swap3A_2042 = arith.constant 1 : i32
      %swap3A_2043 = arith.constant 2 : i32
      %swap3A_2044 = arith.constant 0 : i32
      %swap3A_2045 = arith.index_cast %swap3A_2042 : i32 to index
      %swap3A_2046 = arith.index_cast %swap3A_2043 : i32 to index
      %swap3A_2047 = arith.index_cast %swap3A_2044 : i32 to index
      %swap3A_2048 = arith.constant 16 : index
      %swap3A_2049 = tpu.vector_load %arg7[%swap3A_2045, %swap3A_2046, %swap3A_2047, %swap3A_2048] {strides = array<i32>} : memref<2x5x2x112xi32, #tpu.memory_space<vmem>>, vector<1x1x1x16xi32>,
      %swap3A_2050 = vector.shape_cast %swap3A_2049 : vector<1x1x1x16xi32> to vector<16xi32>
      %swap3A_2051 = vector.shape_cast %add3A_2041 : vector<16xi32> to vector<1x1x1x16xi32>
      tpu.vector_store %arg7[%swap3A_2045, %swap3A_2046, %swap3A_2047, %swap3A_2048], %swap3A_2051 {strides = array<i32>} : memref<2x5x2x112xi32, #tpu.memory_space<vmem>>, vector<1x1x1x16xi32>,
      %get3A_2052 = arith.index_cast %add3A_1541 : i32 to index
      %get3A_2053 = arith.constant 34 : index
      %get3A_2054 = tpu.vector_load %arg6[%get3A_2052, %get3A_2053] {strides = array<i32>} : memref<32x240xi32, #tpu.memory_space<vmem>>, vector<1x16xi32>,
      %get3A_2055 = vector.shape_cast %get3A_2054 : vector<1x16xi32> to vector<16xi32>
      %add3A_2056 = arith.constant 200000 : i32
      %add3A_2057 = vector.broadcast %add3A_2056 : i32 to vector<16xi32>
      %add3A_2058 = arith.addi %get3A_2055, %add3A_2057 : vector<16xi32>
      %swap3A_2059 = arith.constant 1 : i32
      %swap3A_2060 = arith.constant 2 : i32
      %swap3A_2061 = arith.constant 0 : i32
      %swap3A_2062 = arith.index_cast %swap3A_2059 : i32 to index
      %swap3A_2063 = arith.index_cast %swap3A_2060 : i32 to index
      %swap3A_2064 = arith.index_cast %swap3A_2061 : i32 to index
      %swap3A_2065 = arith.constant 32 : index
      %swap3A_2066 = tpu.vector_load %arg7[%swap3A_2062, %swap3A_2063, %swap3A_2064, %swap3A_2065] {strides = array<i32>} : memref<2x5x2x112xi32, #tpu.memory_space<vmem>>, vector<1x1x1x16xi32>,
      %swap3A_2067 = vector.shape_cast %swap3A_2066 : vector<1x1x1x16xi32> to vector<16xi32>
      %swap3A_2068 = vector.shape_cast %add3A_2058 : vector<16xi32> to vector<1x1x1x16xi32>
      tpu.vector_store %arg7[%swap3A_2062, %swap3A_2063, %swap3A_2064, %swap3A_2065], %swap3A_2068 {strides = array<i32>} : memref<2x5x2x112xi32, #tpu.memory_space<vmem>>, vector<1x1x1x16xi32>,
      %get3A_2069 = arith.index_cast %add3A_1541 : i32 to index
      %get3A_2070 = arith.constant 50 : index
      %get3A_2071 = tpu.vector_load %arg6[%get3A_2069, %get3A_2070] {strides = array<i32>} : memref<32x240xi32, #tpu.memory_space<vmem>>, vector<1x16xi32>,
      %get3A_2072 = vector.shape_cast %get3A_2071 : vector<1x16xi32> to vector<16xi32>
      %add3A_2073 = arith.constant 200000 : i32
      %add3A_2074 = vector.broadcast %add3A_2073 : i32 to vector<16xi32>
      %add3A_2075 = arith.addi %get3A_2072, %add3A_2074 : vector<16xi32>
      %swap3A_2076 = arith.constant 1 : i32
      %swap3A_2077 = arith.constant 2 : i32
      %swap3A_2078 = arith.constant 0 : i32
      %swap3A_2079 = arith.index_cast %swap3A_2076 : i32 to index
      %swap3A_2080 = arith.index_cast %swap3A_2077 : i32 to index
      %swap3A_2081 = arith.index_cast %swap3A_2078 : i32 to index
      %swap3A_2082 = arith.constant 48 : index
      %swap3A_2083 = tpu.vector_load %arg7[%swap3A_2079, %swap3A_2080, %swap3A_2081, %swap3A_2082] {strides = array<i32>} : memref<2x5x2x112xi32, #tpu.memory_space<vmem>>, vector<1x1x1x16xi32>,
      %swap3A_2084 = vector.shape_cast %swap3A_2083 : vector<1x1x1x16xi32> to vector<16xi32>
      %swap3A_2085 = vector.shape_cast %add3A_2075 : vector<16xi32> to vector<1x1x1x16xi32>
      tpu.vector_store %arg7[%swap3A_2079, %swap3A_2080, %swap3A_2081, %swap3A_2082], %swap3A_2085 {strides = array<i32>} : memref<2x5x2x112xi32, #tpu.memory_space<vmem>>, vector<1x1x1x16xi32>,
      %get3A_2086 = arith.index_cast %add3A_1541 : i32 to index
      %get3A_2087 = arith.constant 66 : index
      %get3A_2088 = tpu.vector_load %arg6[%get3A_2086, %get3A_2087] {strides = array<i32>} : memref<32x240xi32, #tpu.memory_space<vmem>>, vector<1x16xi32>,
      %get3A_2089 = vector.shape_cast %get3A_2088 : vector<1x16xi32> to vector<16xi32>
      %add3A_2090 = arith.constant 200000 : i32
      %add3A_2091 = vector.broadcast %add3A_2090 : i32 to vector<16xi32>
      %add3A_2092 = arith.addi %get3A_2089, %add3A_2091 : vector<16xi32>
      %swap3A_2093 = arith.constant 1 : i32
      %swap3A_2094 = arith.constant 2 : i32
      %swap3A_2095 = arith.constant 0 : i32
      %swap3A_2096 = arith.index_cast %swap3A_2093 : i32 to index
      %swap3A_2097 = arith.index_cast %swap3A_2094 : i32 to index
      %swap3A_2098 = arith.index_cast %swap3A_2095 : i32 to index
      %swap3A_2099 = arith.constant 64 : index
      %swap3A_2100 = tpu.vector_load %arg7[%swap3A_2096, %swap3A_2097, %swap3A_2098, %swap3A_2099] {strides = array<i32>} : memref<2x5x2x112xi32, #tpu.memory_space<vmem>>, vector<1x1x1x16xi32>,
      %swap3A_2101 = vector.shape_cast %swap3A_2100 : vector<1x1x1x16xi32> to vector<16xi32>
      %swap3A_2102 = vector.shape_cast %add3A_2092 : vector<16xi32> to vector<1x1x1x16xi32>
      tpu.vector_store %arg7[%swap3A_2096, %swap3A_2097, %swap3A_2098, %swap3A_2099], %swap3A_2102 {strides = array<i32>} : memref<2x5x2x112xi32, #tpu.memory_space<vmem>>, vector<1x1x1x16xi32>,
      %get3A_2103 = arith.index_cast %add3A_1541 : i32 to index
      %get3A_2104 = arith.constant 82 : index
      %get3A_2105 = tpu.vector_load %arg6[%get3A_2103, %get3A_2104] {strides = array<i32>} : memref<32x240xi32, #tpu.memory_space<vmem>>, vector<1x16xi32>,
      %get3A_2106 = vector.shape_cast %get3A_2105 : vector<1x16xi32> to vector<16xi32>
      %add3A_2107 = arith.constant 200000 : i32
      %add3A_2108 = vector.broadcast %add3A_2107 : i32 to vector<16xi32>
      %add3A_2109 = arith.addi %get3A_2106, %add3A_2108 : vector<16xi32>
      %swap3A_2110 = arith.constant 1 : i32
      %swap3A_2111 = arith.constant 2 : i32
      %swap3A_2112 = arith.constant 0 : i32
      %swap3A_2113 = arith.index_cast %swap3A_2110 : i32 to index
      %swap3A_2114 = arith.index_cast %swap3A_2111 : i32 to index
      %swap3A_2115 = arith.index_cast %swap3A_2112 : i32 to index
      %swap3A_2116 = arith.constant 80 : index
      %swap3A_2117 = tpu.vector_load %arg7[%swap3A_2113, %swap3A_2114, %swap3A_2115, %swap3A_2116] {strides = array<i32>} : memref<2x5x2x112xi32, #tpu.memory_space<vmem>>, vector<1x1x1x16xi32>,
      %swap3A_2118 = vector.shape_cast %swap3A_2117 : vector<1x1x1x16xi32> to vector<16xi32>
      %swap3A_2119 = vector.shape_cast %add3A_2109 : vector<16xi32> to vector<1x1x1x16xi32>
      tpu.vector_store %arg7[%swap3A_2113, %swap3A_2114, %swap3A_2115, %swap3A_2116], %swap3A_2119 {strides = array<i32>} : memref<2x5x2x112xi32, #tpu.memory_space<vmem>>, vector<1x1x1x16xi32>,
      %get3A_2120 = arith.index_cast %add3A_1541 : i32 to index
      %get3A_2121 = arith.constant 98 : index
      %get3A_2122 = tpu.vector_load %arg6[%get3A_2120, %get3A_2121] {strides = array<i32>} : memref<32x240xi32, #tpu.memory_space<vmem>>, vector<1x16xi32>,
      %get3A_2123 = vector.shape_cast %get3A_2122 : vector<1x16xi32> to vector<16xi32>
      %add3A_2124 = arith.constant 200000 : i32
      %add3A_2125 = vector.broadcast %add3A_2124 : i32 to vector<16xi32>
      %add3A_2126 = arith.addi %get3A_2123, %add3A_2125 : vector<16xi32>
      %swap3A_2127 = arith.constant 1 : i32
      %swap3A_2128 = arith.constant 2 : i32
      %swap3A_2129 = arith.constant 0 : i32
      %swap3A_2130 = arith.index_cast %swap3A_2127 : i32 to index
      %swap3A_2131 = arith.index_cast %swap3A_2128 : i32 to index
      %swap3A_2132 = arith.index_cast %swap3A_2129 : i32 to index
      %swap3A_2133 = arith.constant 96 : index
      %swap3A_2134 = tpu.vector_load %arg7[%swap3A_2130, %swap3A_2131, %swap3A_2132, %swap3A_2133] {strides = array<i32>} : memref<2x5x2x112xi32, #tpu.memory_space<vmem>>, vector<1x1x1x16xi32>,
      %swap3A_2135 = vector.shape_cast %swap3A_2134 : vector<1x1x1x16xi32> to vector<16xi32>
      %swap3A_2136 = vector.shape_cast %add3A_2126 : vector<16xi32> to vector<1x1x1x16xi32>
      tpu.vector_store %arg7[%swap3A_2130, %swap3A_2131, %swap3A_2132, %swap3A_2133], %swap3A_2136 {strides = array<i32>} : memref<2x5x2x112xi32, #tpu.memory_space<vmem>>, vector<1x1x1x16xi32>,
      %get3A_2137 = arith.index_cast %add3A_1541 : i32 to index
      %get3A_2138 = arith.constant 114 : index
      %get3A_2139 = tpu.vector_load %arg6[%get3A_2137, %get3A_2138] {strides = array<i32>} : memref<32x240xi32, #tpu.memory_space<vmem>>, vector<1x16xi32>,
      %get3A_2140 = vector.shape_cast %get3A_2139 : vector<1x16xi32> to vector<16xi32>
      %add3A_2141 = arith.constant 200000 : i32
      %add3A_2142 = vector.broadcast %add3A_2141 : i32 to vector<16xi32>
      %add3A_2143 = arith.addi %get3A_2140, %add3A_2142 : vector<16xi32>
      %swap3A_2144 = arith.constant 1 : i32
      %swap3A_2145 = arith.constant 2 : i32
      %swap3A_2146 = arith.constant 1 : i32
      %swap3A_2147 = arith.index_cast %swap3A_2144 : i32 to index
      %swap3A_2148 = arith.index_cast %swap3A_2145 : i32 to index
      %swap3A_2149 = arith.index_cast %swap3A_2146 : i32 to index
      %swap3A_2150 = arith.constant 0 : index
      %swap3A_2151 = tpu.vector_load %arg7[%swap3A_2147, %swap3A_2148, %swap3A_2149, %swap3A_2150] {strides = array<i32>} : memref<2x5x2x112xi32, #tpu.memory_space<vmem>>, vector<1x1x1x16xi32>,
      %swap3A_2152 = vector.shape_cast %swap3A_2151 : vector<1x1x1x16xi32> to vector<16xi32>
      %swap3A_2153 = vector.shape_cast %add3A_2143 : vector<16xi32> to vector<1x1x1x16xi32>
      tpu.vector_store %arg7[%swap3A_2147, %swap3A_2148, %swap3A_2149, %swap3A_2150], %swap3A_2153 {strides = array<i32>} : memref<2x5x2x112xi32, #tpu.memory_space<vmem>>, vector<1x1x1x16xi32>,
      %get3A_2154 = arith.index_cast %add3A_1541 : i32 to index
      %get3A_2155 = arith.constant 130 : index
      %get3A_2156 = tpu.vector_load %arg6[%get3A_2154, %get3A_2155] {strides = array<i32>} : memref<32x240xi32, #tpu.memory_space<vmem>>, vector<1x16xi32>,
      %get3A_2157 = vector.shape_cast %get3A_2156 : vector<1x16xi32> to vector<16xi32>
      %add3A_2158 = arith.constant 200000 : i32
      %add3A_2159 = vector.broadcast %add3A_2158 : i32 to vector<16xi32>
      %add3A_2160 = arith.addi %get3A_2157, %add3A_2159 : vector<16xi32>
      %swap3A_2161 = arith.constant 1 : i32
      %swap3A_2162 = arith.constant 2 : i32
      %swap3A_2163 = arith.constant 1 : i32
      %swap3A_2164 = arith.index_cast %swap3A_2161 : i32 to index
      %swap3A_2165 = arith.index_cast %swap3A_2162 : i32 to index
      %swap3A_2166 = arith.index_cast %swap3A_2163 : i32 to index
      %swap3A_2167 = arith.constant 16 : index
      %swap3A_2168 = tpu.vector_load %arg7[%swap3A_2164, %swap3A_2165, %swap3A_2166, %swap3A_2167] {strides = array<i32>} : memref<2x5x2x112xi32, #tpu.memory_space<vmem>>, vector<1x1x1x16xi32>,
      %swap3A_2169 = vector.shape_cast %swap3A_2168 : vector<1x1x1x16xi32> to vector<16xi32>
      %swap3A_2170 = vector.shape_cast %add3A_2160 : vector<16xi32> to vector<1x1x1x16xi32>
      tpu.vector_store %arg7[%swap3A_2164, %swap3A_2165, %swap3A_2166, %swap3A_2167], %swap3A_2170 {strides = array<i32>} : memref<2x5x2x112xi32, #tpu.memory_space<vmem>>, vector<1x1x1x16xi32>,
      %get3A_2171 = arith.index_cast %add3A_1541 : i32 to index
      %get3A_2172 = arith.constant 146 : index
      %get3A_2173 = tpu.vector_load %arg6[%get3A_2171, %get3A_2172] {strides = array<i32>} : memref<32x240xi32, #tpu.memory_space<vmem>>, vector<1x16xi32>,
      %get3A_2174 = vector.shape_cast %get3A_2173 : vector<1x16xi32> to vector<16xi32>
      %add3A_2175 = arith.constant 200000 : i32
      %add3A_2176 = vector.broadcast %add3A_2175 : i32 to vector<16xi32>
      %add3A_2177 = arith.addi %get3A_2174, %add3A_2176 : vector<16xi32>
      %swap3A_2178 = arith.constant 1 : i32
      %swap3A_2179 = arith.constant 2 : i32
      %swap3A_2180 = arith.constant 1 : i32
      %swap3A_2181 = arith.index_cast %swap3A_2178 : i32 to index
      %swap3A_2182 = arith.index_cast %swap3A_2179 : i32 to index
      %swap3A_2183 = arith.index_cast %swap3A_2180 : i32 to index
      %swap3A_2184 = arith.constant 32 : index
      %swap3A_2185 = tpu.vector_load %arg7[%swap3A_2181, %swap3A_2182, %swap3A_2183, %swap3A_2184] {strides = array<i32>} : memref<2x5x2x112xi32, #tpu.memory_space<vmem>>, vector<1x1x1x16xi32>,
      %swap3A_2186 = vector.shape_cast %swap3A_2185 : vector<1x1x1x16xi32> to vector<16xi32>
      %swap3A_2187 = vector.shape_cast %add3A_2177 : vector<16xi32> to vector<1x1x1x16xi32>
      tpu.vector_store %arg7[%swap3A_2181, %swap3A_2182, %swap3A_2183, %swap3A_2184], %swap3A_2187 {strides = array<i32>} : memref<2x5x2x112xi32, #tpu.memory_space<vmem>>, vector<1x1x1x16xi32>,
      %get3A_2188 = arith.index_cast %add3A_1541 : i32 to index
      %get3A_2189 = arith.constant 162 : index
      %get3A_2190 = tpu.vector_load %arg6[%get3A_2188, %get3A_2189] {strides = array<i32>} : memref<32x240xi32, #tpu.memory_space<vmem>>, vector<1x16xi32>,
      %get3A_2191 = vector.shape_cast %get3A_2190 : vector<1x16xi32> to vector<16xi32>
      %add3A_2192 = arith.constant 200000 : i32
      %add3A_2193 = vector.broadcast %add3A_2192 : i32 to vector<16xi32>
      %add3A_2194 = arith.addi %get3A_2191, %add3A_2193 : vector<16xi32>
      %swap3A_2195 = arith.constant 1 : i32
      %swap3A_2196 = arith.constant 2 : i32
      %swap3A_2197 = arith.constant 1 : i32
      %swap3A_2198 = arith.index_cast %swap3A_2195 : i32 to index
      %swap3A_2199 = arith.index_cast %swap3A_2196 : i32 to index
      %swap3A_2200 = arith.index_cast %swap3A_2197 : i32 to index
      %swap3A_2201 = arith.constant 48 : index
      %swap3A_2202 = tpu.vector_load %arg7[%swap3A_2198, %swap3A_2199, %swap3A_2200, %swap3A_2201] {strides = array<i32>} : memref<2x5x2x112xi32, #tpu.memory_space<vmem>>, vector<1x1x1x16xi32>,
      %swap3A_2203 = vector.shape_cast %swap3A_2202 : vector<1x1x1x16xi32> to vector<16xi32>
      %swap3A_2204 = vector.shape_cast %add3A_2194 : vector<16xi32> to vector<1x1x1x16xi32>
      tpu.vector_store %arg7[%swap3A_2198, %swap3A_2199, %swap3A_2200, %swap3A_2201], %swap3A_2204 {strides = array<i32>} : memref<2x5x2x112xi32, #tpu.memory_space<vmem>>, vector<1x1x1x16xi32>,
      %get3A_2205 = arith.index_cast %add3A_1541 : i32 to index
      %get3A_2206 = arith.constant 178 : index
      %get3A_2207 = tpu.vector_load %arg6[%get3A_2205, %get3A_2206] {strides = array<i32>} : memref<32x240xi32, #tpu.memory_space<vmem>>, vector<1x16xi32>,
      %get3A_2208 = vector.shape_cast %get3A_2207 : vector<1x16xi32> to vector<16xi32>
      %add3A_2209 = arith.constant 200000 : i32
      %add3A_2210 = vector.broadcast %add3A_2209 : i32 to vector<16xi32>
      %add3A_2211 = arith.addi %get3A_2208, %add3A_2210 : vector<16xi32>
      %swap3A_2212 = arith.constant 1 : i32
      %swap3A_2213 = arith.constant 2 : i32
      %swap3A_2214 = arith.constant 1 : i32
      %swap3A_2215 = arith.index_cast %swap3A_2212 : i32 to index
      %swap3A_2216 = arith.index_cast %swap3A_2213 : i32 to index
      %swap3A_2217 = arith.index_cast %swap3A_2214 : i32 to index
      %swap3A_2218 = arith.constant 64 : index
      %swap3A_2219 = tpu.vector_load %arg7[%swap3A_2215, %swap3A_2216, %swap3A_2217, %swap3A_2218] {strides = array<i32>} : memref<2x5x2x112xi32, #tpu.memory_space<vmem>>, vector<1x1x1x16xi32>,
      %swap3A_2220 = vector.shape_cast %swap3A_2219 : vector<1x1x1x16xi32> to vector<16xi32>
      %swap3A_2221 = vector.shape_cast %add3A_2211 : vector<16xi32> to vector<1x1x1x16xi32>
      tpu.vector_store %arg7[%swap3A_2215, %swap3A_2216, %swap3A_2217, %swap3A_2218], %swap3A_2221 {strides = array<i32>} : memref<2x5x2x112xi32, #tpu.memory_space<vmem>>, vector<1x1x1x16xi32>,
      %get3A_2222 = arith.index_cast %add3A_1541 : i32 to index
      %get3A_2223 = arith.constant 194 : index
      %get3A_2224 = tpu.vector_load %arg6[%get3A_2222, %get3A_2223] {strides = array<i32>} : memref<32x240xi32, #tpu.memory_space<vmem>>, vector<1x16xi32>,
      %get3A_2225 = vector.shape_cast %get3A_2224 : vector<1x16xi32> to vector<16xi32>
      %add3A_2226 = arith.constant 200000 : i32
      %add3A_2227 = vector.broadcast %add3A_2226 : i32 to vector<16xi32>
      %add3A_2228 = arith.addi %get3A_2225, %add3A_2227 : vector<16xi32>
      %swap3A_2229 = arith.constant 1 : i32
      %swap3A_2230 = arith.constant 2 : i32
      %swap3A_2231 = arith.constant 1 : i32
      %swap3A_2232 = arith.index_cast %swap3A_2229 : i32 to index
      %swap3A_2233 = arith.index_cast %swap3A_2230 : i32 to index
      %swap3A_2234 = arith.index_cast %swap3A_2231 : i32 to index
      %swap3A_2235 = arith.constant 80 : index
      %swap3A_2236 = tpu.vector_load %arg7[%swap3A_2232, %swap3A_2233, %swap3A_2234, %swap3A_2235] {strides = array<i32>} : memref<2x5x2x112xi32, #tpu.memory_space<vmem>>, vector<1x1x1x16xi32>,
      %swap3A_2237 = vector.shape_cast %swap3A_2236 : vector<1x1x1x16xi32> to vector<16xi32>
      %swap3A_2238 = vector.shape_cast %add3A_2228 : vector<16xi32> to vector<1x1x1x16xi32>
      tpu.vector_store %arg7[%swap3A_2232, %swap3A_2233, %swap3A_2234, %swap3A_2235], %swap3A_2238 {strides = array<i32>} : memref<2x5x2x112xi32, #tpu.memory_space<vmem>>, vector<1x1x1x16xi32>,
      %get3A_2239 = arith.index_cast %add3A_1541 : i32 to index
      %get3A_2240 = arith.constant 210 : index
      %get3A_2241 = tpu.vector_load %arg6[%get3A_2239, %get3A_2240] {strides = array<i32>} : memref<32x240xi32, #tpu.memory_space<vmem>>, vector<1x16xi32>,
      %get3A_2242 = vector.shape_cast %get3A_2241 : vector<1x16xi32> to vector<16xi32>
      %add3A_2243 = arith.constant 200000 : i32
      %add3A_2244 = vector.broadcast %add3A_2243 : i32 to vector<16xi32>
      %add3A_2245 = arith.addi %get3A_2242, %add3A_2244 : vector<16xi32>
      %swap3A_2246 = arith.constant 1 : i32
      %swap3A_2247 = arith.constant 2 : i32
      %swap3A_2248 = arith.constant 1 : i32
      %swap3A_2249 = arith.index_cast %swap3A_2246 : i32 to index
      %swap3A_2250 = arith.index_cast %swap3A_2247 : i32 to index
      %swap3A_2251 = arith.index_cast %swap3A_2248 : i32 to index
      %swap3A_2252 = arith.constant 96 : index
      %swap3A_2253 = tpu.vector_load %arg7[%swap3A_2249, %swap3A_2250, %swap3A_2251, %swap3A_2252] {strides = array<i32>} : memref<2x5x2x112xi32, #tpu.memory_space<vmem>>, vector<1x1x1x16xi32>,
      %swap3A_2254 = vector.shape_cast %swap3A_2253 : vector<1x1x1x16xi32> to vector<16xi32>
      %swap3A_2255 = vector.shape_cast %add3A_2245 : vector<16xi32> to vector<1x1x1x16xi32>
      tpu.vector_store %arg7[%swap3A_2249, %swap3A_2250, %swap3A_2251, %swap3A_2252], %swap3A_2255 {strides = array<i32>} : memref<2x5x2x112xi32, #tpu.memory_space<vmem>>, vector<1x1x1x16xi32>,
      %get3A_2256 = arith.index_cast %add3A_1541 : i32 to index
      %get3A_2257 = arith.constant 3 : index
      %get3A_2258 = tpu.vector_load %arg6[%get3A_2256, %get3A_2257] {strides = array<i32>} : memref<32x240xi32, #tpu.memory_space<vmem>>, vector<1x16xi32>,
      %get3A_2259 = vector.shape_cast %get3A_2258 : vector<1x16xi32> to vector<16xi32>
      %add3A_2260 = arith.constant 300000 : i32
      %add3A_2261 = vector.broadcast %add3A_2260 : i32 to vector<16xi32>
      %add3A_2262 = arith.addi %get3A_2259, %add3A_2261 : vector<16xi32>
      %swap3A_2263 = arith.constant 1 : i32
      %swap3A_2264 = arith.constant 3 : i32
      %swap3A_2265 = arith.constant 0 : i32
      %swap3A_2266 = arith.index_cast %swap3A_2263 : i32 to index
      %swap3A_2267 = arith.index_cast %swap3A_2264 : i32 to index
      %swap3A_2268 = arith.index_cast %swap3A_2265 : i32 to index
      %swap3A_2269 = arith.constant 0 : index
      %swap3A_2270 = tpu.vector_load %arg7[%swap3A_2266, %swap3A_2267, %swap3A_2268, %swap3A_2269] {strides = array<i32>} : memref<2x5x2x112xi32, #tpu.memory_space<vmem>>, vector<1x1x1x16xi32>,
      %swap3A_2271 = vector.shape_cast %swap3A_2270 : vector<1x1x1x16xi32> to vector<16xi32>
      %swap3A_2272 = vector.shape_cast %add3A_2262 : vector<16xi32> to vector<1x1x1x16xi32>
      tpu.vector_store %arg7[%swap3A_2266, %swap3A_2267, %swap3A_2268, %swap3A_2269], %swap3A_2272 {strides = array<i32>} : memref<2x5x2x112xi32, #tpu.memory_space<vmem>>, vector<1x1x1x16xi32>,
      %get3A_2273 = arith.index_cast %add3A_1541 : i32 to index
      %get3A_2274 = arith.constant 19 : index
      %get3A_2275 = tpu.vector_load %arg6[%get3A_2273, %get3A_2274] {strides = array<i32>} : memref<32x240xi32, #tpu.memory_space<vmem>>, vector<1x16xi32>,
      %get3A_2276 = vector.shape_cast %get3A_2275 : vector<1x16xi32> to vector<16xi32>
      %add3A_2277 = arith.constant 300000 : i32
      %add3A_2278 = vector.broadcast %add3A_2277 : i32 to vector<16xi32>
      %add3A_2279 = arith.addi %get3A_2276, %add3A_2278 : vector<16xi32>
      %swap3A_2280 = arith.constant 1 : i32
      %swap3A_2281 = arith.constant 3 : i32
      %swap3A_2282 = arith.constant 0 : i32
      %swap3A_2283 = arith.index_cast %swap3A_2280 : i32 to index
      %swap3A_2284 = arith.index_cast %swap3A_2281 : i32 to index
      %swap3A_2285 = arith.index_cast %swap3A_2282 : i32 to index
      %swap3A_2286 = arith.constant 16 : index
      %swap3A_2287 = tpu.vector_load %arg7[%swap3A_2283, %swap3A_2284, %swap3A_2285, %swap3A_2286] {strides = array<i32>} : memref<2x5x2x112xi32, #tpu.memory_space<vmem>>, vector<1x1x1x16xi32>,
      %swap3A_2288 = vector.shape_cast %swap3A_2287 : vector<1x1x1x16xi32> to vector<16xi32>
      %swap3A_2289 = vector.shape_cast %add3A_2279 : vector<16xi32> to vector<1x1x1x16xi32>
      tpu.vector_store %arg7[%swap3A_2283, %swap3A_2284, %swap3A_2285, %swap3A_2286], %swap3A_2289 {strides = array<i32>} : memref<2x5x2x112xi32, #tpu.memory_space<vmem>>, vector<1x1x1x16xi32>,
      %get3A_2290 = arith.index_cast %add3A_1541 : i32 to index
      %get3A_2291 = arith.constant 35 : index
      %get3A_2292 = tpu.vector_load %arg6[%get3A_2290, %get3A_2291] {strides = array<i32>} : memref<32x240xi32, #tpu.memory_space<vmem>>, vector<1x16xi32>,
      %get3A_2293 = vector.shape_cast %get3A_2292 : vector<1x16xi32> to vector<16xi32>
      %add3A_2294 = arith.constant 300000 : i32
      %add3A_2295 = vector.broadcast %add3A_2294 : i32 to vector<16xi32>
      %add3A_2296 = arith.addi %get3A_2293, %add3A_2295 : vector<16xi32>
      %swap3A_2297 = arith.constant 1 : i32
      %swap3A_2298 = arith.constant 3 : i32
      %swap3A_2299 = arith.constant 0 : i32
      %swap3A_2300 = arith.index_cast %swap3A_2297 : i32 to index
      %swap3A_2301 = arith.index_cast %swap3A_2298 : i32 to index
      %swap3A_2302 = arith.index_cast %swap3A_2299 : i32 to index
      %swap3A_2303 = arith.constant 32 : index
      %swap3A_2304 = tpu.vector_load %arg7[%swap3A_2300, %swap3A_2301, %swap3A_2302, %swap3A_2303] {strides = array<i32>} : memref<2x5x2x112xi32, #tpu.memory_space<vmem>>, vector<1x1x1x16xi32>,
      %swap3A_2305 = vector.shape_cast %swap3A_2304 : vector<1x1x1x16xi32> to vector<16xi32>
      %swap3A_2306 = vector.shape_cast %add3A_2296 : vector<16xi32> to vector<1x1x1x16xi32>
      tpu.vector_store %arg7[%swap3A_2300, %swap3A_2301, %swap3A_2302, %swap3A_2303], %swap3A_2306 {strides = array<i32>} : memref<2x5x2x112xi32, #tpu.memory_space<vmem>>, vector<1x1x1x16xi32>,
      %get3A_2307 = arith.index_cast %add3A_1541 : i32 to index
      %get3A_2308 = arith.constant 51 : index
      %get3A_2309 = tpu.vector_load %arg6[%get3A_2307, %get3A_2308] {strides = array<i32>} : memref<32x240xi32, #tpu.memory_space<vmem>>, vector<1x16xi32>,
      %get3A_2310 = vector.shape_cast %get3A_2309 : vector<1x16xi32> to vector<16xi32>
      %add3A_2311 = arith.constant 300000 : i32
      %add3A_2312 = vector.broadcast %add3A_2311 : i32 to vector<16xi32>
      %add3A_2313 = arith.addi %get3A_2310, %add3A_2312 : vector<16xi32>
      %swap3A_2314 = arith.constant 1 : i32
      %swap3A_2315 = arith.constant 3 : i32
      %swap3A_2316 = arith.constant 0 : i32
      %swap3A_2317 = arith.index_cast %swap3A_2314 : i32 to index
      %swap3A_2318 = arith.index_cast %swap3A_2315 : i32 to index
      %swap3A_2319 = arith.index_cast %swap3A_2316 : i32 to index
      %swap3A_2320 = arith.constant 48 : index
      %swap3A_2321 = tpu.vector_load %arg7[%swap3A_2317, %swap3A_2318, %swap3A_2319, %swap3A_2320] {strides = array<i32>} : memref<2x5x2x112xi32, #tpu.memory_space<vmem>>, vector<1x1x1x16xi32>,
      %swap3A_2322 = vector.shape_cast %swap3A_2321 : vector<1x1x1x16xi32> to vector<16xi32>
      %swap3A_2323 = vector.shape_cast %add3A_2313 : vector<16xi32> to vector<1x1x1x16xi32>
      tpu.vector_store %arg7[%swap3A_2317, %swap3A_2318, %swap3A_2319, %swap3A_2320], %swap3A_2323 {strides = array<i32>} : memref<2x5x2x112xi32, #tpu.memory_space<vmem>>, vector<1x1x1x16xi32>,
      %get3A_2324 = arith.index_cast %add3A_1541 : i32 to index
      %get3A_2325 = arith.constant 67 : index
      %get3A_2326 = tpu.vector_load %arg6[%get3A_2324, %get3A_2325] {strides = array<i32>} : memref<32x240xi32, #tpu.memory_space<vmem>>, vector<1x16xi32>,
      %get3A_2327 = vector.shape_cast %get3A_2326 : vector<1x16xi32> to vector<16xi32>
      %add3A_2328 = arith.constant 300000 : i32
      %add3A_2329 = vector.broadcast %add3A_2328 : i32 to vector<16xi32>
      %add3A_2330 = arith.addi %get3A_2327, %add3A_2329 : vector<16xi32>
      %swap3A_2331 = arith.constant 1 : i32
      %swap3A_2332 = arith.constant 3 : i32
      %swap3A_2333 = arith.constant 0 : i32
      %swap3A_2334 = arith.index_cast %swap3A_2331 : i32 to index
      %swap3A_2335 = arith.index_cast %swap3A_2332 : i32 to index
      %swap3A_2336 = arith.index_cast %swap3A_2333 : i32 to index
      %swap3A_2337 = arith.constant 64 : index
      %swap3A_2338 = tpu.vector_load %arg7[%swap3A_2334, %swap3A_2335, %swap3A_2336, %swap3A_2337] {strides = array<i32>} : memref<2x5x2x112xi32, #tpu.memory_space<vmem>>, vector<1x1x1x16xi32>,
      %swap3A_2339 = vector.shape_cast %swap3A_2338 : vector<1x1x1x16xi32> to vector<16xi32>
      %swap3A_2340 = vector.shape_cast %add3A_2330 : vector<16xi32> to vector<1x1x1x16xi32>
      tpu.vector_store %arg7[%swap3A_2334, %swap3A_2335, %swap3A_2336, %swap3A_2337], %swap3A_2340 {strides = array<i32>} : memref<2x5x2x112xi32, #tpu.memory_space<vmem>>, vector<1x1x1x16xi32>,
      %get3A_2341 = arith.index_cast %add3A_1541 : i32 to index
      %get3A_2342 = arith.constant 83 : index
      %get3A_2343 = tpu.vector_load %arg6[%get3A_2341, %get3A_2342] {strides = array<i32>} : memref<32x240xi32, #tpu.memory_space<vmem>>, vector<1x16xi32>,
      %get3A_2344 = vector.shape_cast %get3A_2343 : vector<1x16xi32> to vector<16xi32>
      %add3A_2345 = arith.constant 300000 : i32
      %add3A_2346 = vector.broadcast %add3A_2345 : i32 to vector<16xi32>
      %add3A_2347 = arith.addi %get3A_2344, %add3A_2346 : vector<16xi32>
      %swap3A_2348 = arith.constant 1 : i32
      %swap3A_2349 = arith.constant 3 : i32
      %swap3A_2350 = arith.constant 0 : i32
      %swap3A_2351 = arith.index_cast %swap3A_2348 : i32 to index
      %swap3A_2352 = arith.index_cast %swap3A_2349 : i32 to index
      %swap3A_2353 = arith.index_cast %swap3A_2350 : i32 to index
      %swap3A_2354 = arith.constant 80 : index
      %swap3A_2355 = tpu.vector_load %arg7[%swap3A_2351, %swap3A_2352, %swap3A_2353, %swap3A_2354] {strides = array<i32>} : memref<2x5x2x112xi32, #tpu.memory_space<vmem>>, vector<1x1x1x16xi32>,
      %swap3A_2356 = vector.shape_cast %swap3A_2355 : vector<1x1x1x16xi32> to vector<16xi32>
      %swap3A_2357 = vector.shape_cast %add3A_2347 : vector<16xi32> to vector<1x1x1x16xi32>
      tpu.vector_store %arg7[%swap3A_2351, %swap3A_2352, %swap3A_2353, %swap3A_2354], %swap3A_2357 {strides = array<i32>} : memref<2x5x2x112xi32, #tpu.memory_space<vmem>>, vector<1x1x1x16xi32>,
      %get3A_2358 = arith.index_cast %add3A_1541 : i32 to index
      %get3A_2359 = arith.constant 99 : index
      %get3A_2360 = tpu.vector_load %arg6[%get3A_2358, %get3A_2359] {strides = array<i32>} : memref<32x240xi32, #tpu.memory_space<vmem>>, vector<1x16xi32>,
      %get3A_2361 = vector.shape_cast %get3A_2360 : vector<1x16xi32> to vector<16xi32>
      %add3A_2362 = arith.constant 300000 : i32
      %add3A_2363 = vector.broadcast %add3A_2362 : i32 to vector<16xi32>
      %add3A_2364 = arith.addi %get3A_2361, %add3A_2363 : vector<16xi32>
      %swap3A_2365 = arith.constant 1 : i32
      %swap3A_2366 = arith.constant 3 : i32
      %swap3A_2367 = arith.constant 0 : i32
      %swap3A_2368 = arith.index_cast %swap3A_2365 : i32 to index
      %swap3A_2369 = arith.index_cast %swap3A_2366 : i32 to index
      %swap3A_2370 = arith.index_cast %swap3A_2367 : i32 to index
      %swap3A_2371 = arith.constant 96 : index
      %swap3A_2372 = tpu.vector_load %arg7[%swap3A_2368, %swap3A_2369, %swap3A_2370, %swap3A_2371] {strides = array<i32>} : memref<2x5x2x112xi32, #tpu.memory_space<vmem>>, vector<1x1x1x16xi32>,
      %swap3A_2373 = vector.shape_cast %swap3A_2372 : vector<1x1x1x16xi32> to vector<16xi32>
      %swap3A_2374 = vector.shape_cast %add3A_2364 : vector<16xi32> to vector<1x1x1x16xi32>
      tpu.vector_store %arg7[%swap3A_2368, %swap3A_2369, %swap3A_2370, %swap3A_2371], %swap3A_2374 {strides = array<i32>} : memref<2x5x2x112xi32, #tpu.memory_space<vmem>>, vector<1x1x1x16xi32>,
      %get3A_2375 = arith.index_cast %add3A_1541 : i32 to index
      %get3A_2376 = arith.constant 115 : index
      %get3A_2377 = tpu.vector_load %arg6[%get3A_2375, %get3A_2376] {strides = array<i32>} : memref<32x240xi32, #tpu.memory_space<vmem>>, vector<1x16xi32>,
      %get3A_2378 = vector.shape_cast %get3A_2377 : vector<1x16xi32> to vector<16xi32>
      %add3A_2379 = arith.constant 300000 : i32
      %add3A_2380 = vector.broadcast %add3A_2379 : i32 to vector<16xi32>
      %add3A_2381 = arith.addi %get3A_2378, %add3A_2380 : vector<16xi32>
      %swap3A_2382 = arith.constant 1 : i32
      %swap3A_2383 = arith.constant 3 : i32
      %swap3A_2384 = arith.constant 1 : i32
      %swap3A_2385 = arith.index_cast %swap3A_2382 : i32 to index
      %swap3A_2386 = arith.index_cast %swap3A_2383 : i32 to index
      %swap3A_2387 = arith.index_cast %swap3A_2384 : i32 to index
      %swap3A_2388 = arith.constant 0 : index
      %swap3A_2389 = tpu.vector_load %arg7[%swap3A_2385, %swap3A_2386, %swap3A_2387, %swap3A_2388] {strides = array<i32>} : memref<2x5x2x112xi32, #tpu.memory_space<vmem>>, vector<1x1x1x16xi32>,
      %swap3A_2390 = vector.shape_cast %swap3A_2389 : vector<1x1x1x16xi32> to vector<16xi32>
      %swap3A_2391 = vector.shape_cast %add3A_2381 : vector<16xi32> to vector<1x1x1x16xi32>
      tpu.vector_store %arg7[%swap3A_2385, %swap3A_2386, %swap3A_2387, %swap3A_2388], %swap3A_2391 {strides = array<i32>} : memref<2x5x2x112xi32, #tpu.memory_space<vmem>>, vector<1x1x1x16xi32>,
      %get3A_2392 = arith.index_cast %add3A_1541 : i32 to index
      %get3A_2393 = arith.constant 131 : index
      %get3A_2394 = tpu.vector_load %arg6[%get3A_2392, %get3A_2393] {strides = array<i32>} : memref<32x240xi32, #tpu.memory_space<vmem>>, vector<1x16xi32>,
      %get3A_2395 = vector.shape_cast %get3A_2394 : vector<1x16xi32> to vector<16xi32>
      %add3A_2396 = arith.constant 300000 : i32
      %add3A_2397 = vector.broadcast %add3A_2396 : i32 to vector<16xi32>
      %add3A_2398 = arith.addi %get3A_2395, %add3A_2397 : vector<16xi32>
      %swap3A_2399 = arith.constant 1 : i32
      %swap3A_2400 = arith.constant 3 : i32
      %swap3A_2401 = arith.constant 1 : i32
      %swap3A_2402 = arith.index_cast %swap3A_2399 : i32 to index
      %swap3A_2403 = arith.index_cast %swap3A_2400 : i32 to index
      %swap3A_2404 = arith.index_cast %swap3A_2401 : i32 to index
      %swap3A_2405 = arith.constant 16 : index
      %swap3A_2406 = tpu.vector_load %arg7[%swap3A_2402, %swap3A_2403, %swap3A_2404, %swap3A_2405] {strides = array<i32>} : memref<2x5x2x112xi32, #tpu.memory_space<vmem>>, vector<1x1x1x16xi32>,
      %swap3A_2407 = vector.shape_cast %swap3A_2406 : vector<1x1x1x16xi32> to vector<16xi32>
      %swap3A_2408 = vector.shape_cast %add3A_2398 : vector<16xi32> to vector<1x1x1x16xi32>
      tpu.vector_store %arg7[%swap3A_2402, %swap3A_2403, %swap3A_2404, %swap3A_2405], %swap3A_2408 {strides = array<i32>} : memref<2x5x2x112xi32, #tpu.memory_space<vmem>>, vector<1x1x1x16xi32>,
      %get3A_2409 = arith.index_cast %add3A_1541 : i32 to index
      %get3A_2410 = arith.constant 147 : index
      %get3A_2411 = tpu.vector_load %arg6[%get3A_2409, %get3A_2410] {strides = array<i32>} : memref<32x240xi32, #tpu.memory_space<vmem>>, vector<1x16xi32>,
      %get3A_2412 = vector.shape_cast %get3A_2411 : vector<1x16xi32> to vector<16xi32>
      %add3A_2413 = arith.constant 300000 : i32
      %add3A_2414 = vector.broadcast %add3A_2413 : i32 to vector<16xi32>
      %add3A_2415 = arith.addi %get3A_2412, %add3A_2414 : vector<16xi32>
      %swap3A_2416 = arith.constant 1 : i32
      %swap3A_2417 = arith.constant 3 : i32
      %swap3A_2418 = arith.constant 1 : i32
      %swap3A_2419 = arith.index_cast %swap3A_2416 : i32 to index
      %swap3A_2420 = arith.index_cast %swap3A_2417 : i32 to index
      %swap3A_2421 = arith.index_cast %swap3A_2418 : i32 to index
      %swap3A_2422 = arith.constant 32 : index
      %swap3A_2423 = tpu.vector_load %arg7[%swap3A_2419, %swap3A_2420, %swap3A_2421, %swap3A_2422] {strides = array<i32>} : memref<2x5x2x112xi32, #tpu.memory_space<vmem>>, vector<1x1x1x16xi32>,
      %swap3A_2424 = vector.shape_cast %swap3A_2423 : vector<1x1x1x16xi32> to vector<16xi32>
      %swap3A_2425 = vector.shape_cast %add3A_2415 : vector<16xi32> to vector<1x1x1x16xi32>
      tpu.vector_store %arg7[%swap3A_2419, %swap3A_2420, %swap3A_2421, %swap3A_2422], %swap3A_2425 {strides = array<i32>} : memref<2x5x2x112xi32, #tpu.memory_space<vmem>>, vector<1x1x1x16xi32>,
      %get3A_2426 = arith.index_cast %add3A_1541 : i32 to index
      %get3A_2427 = arith.constant 163 : index
      %get3A_2428 = tpu.vector_load %arg6[%get3A_2426, %get3A_2427] {strides = array<i32>} : memref<32x240xi32, #tpu.memory_space<vmem>>, vector<1x16xi32>,
      %get3A_2429 = vector.shape_cast %get3A_2428 : vector<1x16xi32> to vector<16xi32>
      %add3A_2430 = arith.constant 300000 : i32
      %add3A_2431 = vector.broadcast %add3A_2430 : i32 to vector<16xi32>
      %add3A_2432 = arith.addi %get3A_2429, %add3A_2431 : vector<16xi32>
      %swap3A_2433 = arith.constant 1 : i32
      %swap3A_2434 = arith.constant 3 : i32
      %swap3A_2435 = arith.constant 1 : i32
      %swap3A_2436 = arith.index_cast %swap3A_2433 : i32 to index
      %swap3A_2437 = arith.index_cast %swap3A_2434 : i32 to index
      %swap3A_2438 = arith.index_cast %swap3A_2435 : i32 to index
      %swap3A_2439 = arith.constant 48 : index
      %swap3A_2440 = tpu.vector_load %arg7[%swap3A_2436, %swap3A_2437, %swap3A_2438, %swap3A_2439] {strides = array<i32>} : memref<2x5x2x112xi32, #tpu.memory_space<vmem>>, vector<1x1x1x16xi32>,
      %swap3A_2441 = vector.shape_cast %swap3A_2440 : vector<1x1x1x16xi32> to vector<16xi32>
      %swap3A_2442 = vector.shape_cast %add3A_2432 : vector<16xi32> to vector<1x1x1x16xi32>
      tpu.vector_store %arg7[%swap3A_2436, %swap3A_2437, %swap3A_2438, %swap3A_2439], %swap3A_2442 {strides = array<i32>} : memref<2x5x2x112xi32, #tpu.memory_space<vmem>>, vector<1x1x1x16xi32>,
      %get3A_2443 = arith.index_cast %add3A_1541 : i32 to index
      %get3A_2444 = arith.constant 179 : index
      %get3A_2445 = tpu.vector_load %arg6[%get3A_2443, %get3A_2444] {strides = array<i32>} : memref<32x240xi32, #tpu.memory_space<vmem>>, vector<1x16xi32>,
      %get3A_2446 = vector.shape_cast %get3A_2445 : vector<1x16xi32> to vector<16xi32>
      %add3A_2447 = arith.constant 300000 : i32
      %add3A_2448 = vector.broadcast %add3A_2447 : i32 to vector<16xi32>
      %add3A_2449 = arith.addi %get3A_2446, %add3A_2448 : vector<16xi32>
      %swap3A_2450 = arith.constant 1 : i32
      %swap3A_2451 = arith.constant 3 : i32
      %swap3A_2452 = arith.constant 1 : i32
      %swap3A_2453 = arith.index_cast %swap3A_2450 : i32 to index
      %swap3A_2454 = arith.index_cast %swap3A_2451 : i32 to index
      %swap3A_2455 = arith.index_cast %swap3A_2452 : i32 to index
      %swap3A_2456 = arith.constant 64 : index
      %swap3A_2457 = tpu.vector_load %arg7[%swap3A_2453, %swap3A_2454, %swap3A_2455, %swap3A_2456] {strides = array<i32>} : memref<2x5x2x112xi32, #tpu.memory_space<vmem>>, vector<1x1x1x16xi32>,
      %swap3A_2458 = vector.shape_cast %swap3A_2457 : vector<1x1x1x16xi32> to vector<16xi32>
      %swap3A_2459 = vector.shape_cast %add3A_2449 : vector<16xi32> to vector<1x1x1x16xi32>
      tpu.vector_store %arg7[%swap3A_2453, %swap3A_2454, %swap3A_2455, %swap3A_2456], %swap3A_2459 {strides = array<i32>} : memref<2x5x2x112xi32, #tpu.memory_space<vmem>>, vector<1x1x1x16xi32>,
      %get3A_2460 = arith.index_cast %add3A_1541 : i32 to index
      %get3A_2461 = arith.constant 195 : index
      %get3A_2462 = tpu.vector_load %arg6[%get3A_2460, %get3A_2461] {strides = array<i32>} : memref<32x240xi32, #tpu.memory_space<vmem>>, vector<1x16xi32>,
      %get3A_2463 = vector.shape_cast %get3A_2462 : vector<1x16xi32> to vector<16xi32>
      %add3A_2464 = arith.constant 300000 : i32
      %add3A_2465 = vector.broadcast %add3A_2464 : i32 to vector<16xi32>
      %add3A_2466 = arith.addi %get3A_2463, %add3A_2465 : vector<16xi32>
      %swap3A_2467 = arith.constant 1 : i32
      %swap3A_2468 = arith.constant 3 : i32
      %swap3A_2469 = arith.constant 1 : i32
      %swap3A_2470 = arith.index_cast %swap3A_2467 : i32 to index
      %swap3A_2471 = arith.index_cast %swap3A_2468 : i32 to index
      %swap3A_2472 = arith.index_cast %swap3A_2469 : i32 to index
      %swap3A_2473 = arith.constant 80 : index
      %swap3A_2474 = tpu.vector_load %arg7[%swap3A_2470, %swap3A_2471, %swap3A_2472, %swap3A_2473] {strides = array<i32>} : memref<2x5x2x112xi32, #tpu.memory_space<vmem>>, vector<1x1x1x16xi32>,
      %swap3A_2475 = vector.shape_cast %swap3A_2474 : vector<1x1x1x16xi32> to vector<16xi32>
      %swap3A_2476 = vector.shape_cast %add3A_2466 : vector<16xi32> to vector<1x1x1x16xi32>
      tpu.vector_store %arg7[%swap3A_2470, %swap3A_2471, %swap3A_2472, %swap3A_2473], %swap3A_2476 {strides = array<i32>} : memref<2x5x2x112xi32, #tpu.memory_space<vmem>>, vector<1x1x1x16xi32>,
      %get3A_2477 = arith.index_cast %add3A_1541 : i32 to index
      %get3A_2478 = arith.constant 211 : index
      %get3A_2479 = tpu.vector_load %arg6[%get3A_2477, %get3A_2478] {strides = array<i32>} : memref<32x240xi32, #tpu.memory_space<vmem>>, vector<1x16xi32>,
      %get3A_2480 = vector.shape_cast %get3A_2479 : vector<1x16xi32> to vector<16xi32>
      %add3A_2481 = arith.constant 300000 : i32
      %add3A_2482 = vector.broadcast %add3A_2481 : i32 to vector<16xi32>
      %add3A_2483 = arith.addi %get3A_2480, %add3A_2482 : vector<16xi32>
      %swap3A_2484 = arith.constant 1 : i32
      %swap3A_2485 = arith.constant 3 : i32
      %swap3A_2486 = arith.constant 1 : i32
      %swap3A_2487 = arith.index_cast %swap3A_2484 : i32 to index
      %swap3A_2488 = arith.index_cast %swap3A_2485 : i32 to index
      %swap3A_2489 = arith.index_cast %swap3A_2486 : i32 to index
      %swap3A_2490 = arith.constant 96 : index
      %swap3A_2491 = tpu.vector_load %arg7[%swap3A_2487, %swap3A_2488, %swap3A_2489, %swap3A_2490] {strides = array<i32>} : memref<2x5x2x112xi32, #tpu.memory_space<vmem>>, vector<1x1x1x16xi32>,
      %swap3A_2492 = vector.shape_cast %swap3A_2491 : vector<1x1x1x16xi32> to vector<16xi32>
      %swap3A_2493 = vector.shape_cast %add3A_2483 : vector<16xi32> to vector<1x1x1x16xi32>
      tpu.vector_store %arg7[%swap3A_2487, %swap3A_2488, %swap3A_2489, %swap3A_2490], %swap3A_2493 {strides = array<i32>} : memref<2x5x2x112xi32, #tpu.memory_space<vmem>>, vector<1x1x1x16xi32>,
      %get3A_2494 = arith.index_cast %add3A_1541 : i32 to index
      %get3A_2495 = arith.constant 4 : index
      %get3A_2496 = tpu.vector_load %arg6[%get3A_2494, %get3A_2495] {strides = array<i32>} : memref<32x240xi32, #tpu.memory_space<vmem>>, vector<1x16xi32>,
      %get3A_2497 = vector.shape_cast %get3A_2496 : vector<1x16xi32> to vector<16xi32>
      %add3A_2498 = arith.constant 400000 : i32
      %add3A_2499 = vector.broadcast %add3A_2498 : i32 to vector<16xi32>
      %add3A_2500 = arith.addi %get3A_2497, %add3A_2499 : vector<16xi32>
      %swap3A_2501 = arith.constant 1 : i32
      %swap3A_2502 = arith.constant 4 : i32
      %swap3A_2503 = arith.constant 0 : i32
      %swap3A_2504 = arith.index_cast %swap3A_2501 : i32 to index
      %swap3A_2505 = arith.index_cast %swap3A_2502 : i32 to index
      %swap3A_2506 = arith.index_cast %swap3A_2503 : i32 to index
      %swap3A_2507 = arith.constant 0 : index
      %swap3A_2508 = tpu.vector_load %arg7[%swap3A_2504, %swap3A_2505, %swap3A_2506, %swap3A_2507] {strides = array<i32>} : memref<2x5x2x112xi32, #tpu.memory_space<vmem>>, vector<1x1x1x16xi32>,
      %swap3A_2509 = vector.shape_cast %swap3A_2508 : vector<1x1x1x16xi32> to vector<16xi32>
      %swap3A_2510 = vector.shape_cast %add3A_2500 : vector<16xi32> to vector<1x1x1x16xi32>
      tpu.vector_store %arg7[%swap3A_2504, %swap3A_2505, %swap3A_2506, %swap3A_2507], %swap3A_2510 {strides = array<i32>} : memref<2x5x2x112xi32, #tpu.memory_space<vmem>>, vector<1x1x1x16xi32>,
      %get3A_2511 = arith.index_cast %add3A_1541 : i32 to index
      %get3A_2512 = arith.constant 20 : index
      %get3A_2513 = tpu.vector_load %arg6[%get3A_2511, %get3A_2512] {strides = array<i32>} : memref<32x240xi32, #tpu.memory_space<vmem>>, vector<1x16xi32>,
      %get3A_2514 = vector.shape_cast %get3A_2513 : vector<1x16xi32> to vector<16xi32>
      %add3A_2515 = arith.constant 400000 : i32
      %add3A_2516 = vector.broadcast %add3A_2515 : i32 to vector<16xi32>
      %add3A_2517 = arith.addi %get3A_2514, %add3A_2516 : vector<16xi32>
      %swap3A_2518 = arith.constant 1 : i32
      %swap3A_2519 = arith.constant 4 : i32
      %swap3A_2520 = arith.constant 0 : i32
      %swap3A_2521 = arith.index_cast %swap3A_2518 : i32 to index
      %swap3A_2522 = arith.index_cast %swap3A_2519 : i32 to index
      %swap3A_2523 = arith.index_cast %swap3A_2520 : i32 to index
      %swap3A_2524 = arith.constant 16 : index
      %swap3A_2525 = tpu.vector_load %arg7[%swap3A_2521, %swap3A_2522, %swap3A_2523, %swap3A_2524] {strides = array<i32>} : memref<2x5x2x112xi32, #tpu.memory_space<vmem>>, vector<1x1x1x16xi32>,
      %swap3A_2526 = vector.shape_cast %swap3A_2525 : vector<1x1x1x16xi32> to vector<16xi32>
      %swap3A_2527 = vector.shape_cast %add3A_2517 : vector<16xi32> to vector<1x1x1x16xi32>
      tpu.vector_store %arg7[%swap3A_2521, %swap3A_2522, %swap3A_2523, %swap3A_2524], %swap3A_2527 {strides = array<i32>} : memref<2x5x2x112xi32, #tpu.memory_space<vmem>>, vector<1x1x1x16xi32>,
      %get3A_2528 = arith.index_cast %add3A_1541 : i32 to index
      %get3A_2529 = arith.constant 36 : index
      %get3A_2530 = tpu.vector_load %arg6[%get3A_2528, %get3A_2529] {strides = array<i32>} : memref<32x240xi32, #tpu.memory_space<vmem>>, vector<1x16xi32>,
      %get3A_2531 = vector.shape_cast %get3A_2530 : vector<1x16xi32> to vector<16xi32>
      %add3A_2532 = arith.constant 400000 : i32
      %add3A_2533 = vector.broadcast %add3A_2532 : i32 to vector<16xi32>
      %add3A_2534 = arith.addi %get3A_2531, %add3A_2533 : vector<16xi32>
      %swap3A_2535 = arith.constant 1 : i32
      %swap3A_2536 = arith.constant 4 : i32
      %swap3A_2537 = arith.constant 0 : i32
      %swap3A_2538 = arith.index_cast %swap3A_2535 : i32 to index
      %swap3A_2539 = arith.index_cast %swap3A_2536 : i32 to index
      %swap3A_2540 = arith.index_cast %swap3A_2537 : i32 to index
      %swap3A_2541 = arith.constant 32 : index
      %swap3A_2542 = tpu.vector_load %arg7[%swap3A_2538, %swap3A_2539, %swap3A_2540, %swap3A_2541] {strides = array<i32>} : memref<2x5x2x112xi32, #tpu.memory_space<vmem>>, vector<1x1x1x16xi32>,
      %swap3A_2543 = vector.shape_cast %swap3A_2542 : vector<1x1x1x16xi32> to vector<16xi32>
      %swap3A_2544 = vector.shape_cast %add3A_2534 : vector<16xi32> to vector<1x1x1x16xi32>
      tpu.vector_store %arg7[%swap3A_2538, %swap3A_2539, %swap3A_2540, %swap3A_2541], %swap3A_2544 {strides = array<i32>} : memref<2x5x2x112xi32, #tpu.memory_space<vmem>>, vector<1x1x1x16xi32>,
      %get3A_2545 = arith.index_cast %add3A_1541 : i32 to index
      %get3A_2546 = arith.constant 52 : index
      %get3A_2547 = tpu.vector_load %arg6[%get3A_2545, %get3A_2546] {strides = array<i32>} : memref<32x240xi32, #tpu.memory_space<vmem>>, vector<1x16xi32>,
      %get3A_2548 = vector.shape_cast %get3A_2547 : vector<1x16xi32> to vector<16xi32>
      %add3A_2549 = arith.constant 400000 : i32
      %add3A_2550 = vector.broadcast %add3A_2549 : i32 to vector<16xi32>
      %add3A_2551 = arith.addi %get3A_2548, %add3A_2550 : vector<16xi32>
      %swap3A_2552 = arith.constant 1 : i32
      %swap3A_2553 = arith.constant 4 : i32
      %swap3A_2554 = arith.constant 0 : i32
      %swap3A_2555 = arith.index_cast %swap3A_2552 : i32 to index
      %swap3A_2556 = arith.index_cast %swap3A_2553 : i32 to index
      %swap3A_2557 = arith.index_cast %swap3A_2554 : i32 to index
      %swap3A_2558 = arith.constant 48 : index
      %swap3A_2559 = tpu.vector_load %arg7[%swap3A_2555, %swap3A_2556, %swap3A_2557, %swap3A_2558] {strides = array<i32>} : memref<2x5x2x112xi32, #tpu.memory_space<vmem>>, vector<1x1x1x16xi32>,
      %swap3A_2560 = vector.shape_cast %swap3A_2559 : vector<1x1x1x16xi32> to vector<16xi32>
      %swap3A_2561 = vector.shape_cast %add3A_2551 : vector<16xi32> to vector<1x1x1x16xi32>
      tpu.vector_store %arg7[%swap3A_2555, %swap3A_2556, %swap3A_2557, %swap3A_2558], %swap3A_2561 {strides = array<i32>} : memref<2x5x2x112xi32, #tpu.memory_space<vmem>>, vector<1x1x1x16xi32>,
      %get3A_2562 = arith.index_cast %add3A_1541 : i32 to index
      %get3A_2563 = arith.constant 68 : index
      %get3A_2564 = tpu.vector_load %arg6[%get3A_2562, %get3A_2563] {strides = array<i32>} : memref<32x240xi32, #tpu.memory_space<vmem>>, vector<1x16xi32>,
      %get3A_2565 = vector.shape_cast %get3A_2564 : vector<1x16xi32> to vector<16xi32>
      %add3A_2566 = arith.constant 400000 : i32
      %add3A_2567 = vector.broadcast %add3A_2566 : i32 to vector<16xi32>
      %add3A_2568 = arith.addi %get3A_2565, %add3A_2567 : vector<16xi32>
      %swap3A_2569 = arith.constant 1 : i32
      %swap3A_2570 = arith.constant 4 : i32
      %swap3A_2571 = arith.constant 0 : i32
      %swap3A_2572 = arith.index_cast %swap3A_2569 : i32 to index
      %swap3A_2573 = arith.index_cast %swap3A_2570 : i32 to index
      %swap3A_2574 = arith.index_cast %swap3A_2571 : i32 to index
      %swap3A_2575 = arith.constant 64 : index
      %swap3A_2576 = tpu.vector_load %arg7[%swap3A_2572, %swap3A_2573, %swap3A_2574, %swap3A_2575] {strides = array<i32>} : memref<2x5x2x112xi32, #tpu.memory_space<vmem>>, vector<1x1x1x16xi32>,
      %swap3A_2577 = vector.shape_cast %swap3A_2576 : vector<1x1x1x16xi32> to vector<16xi32>
      %swap3A_2578 = vector.shape_cast %add3A_2568 : vector<16xi32> to vector<1x1x1x16xi32>
      tpu.vector_store %arg7[%swap3A_2572, %swap3A_2573, %swap3A_2574, %swap3A_2575], %swap3A_2578 {strides = array<i32>} : memref<2x5x2x112xi32, #tpu.memory_space<vmem>>, vector<1x1x1x16xi32>,
      %get3A_2579 = arith.index_cast %add3A_1541 : i32 to index
      %get3A_2580 = arith.constant 84 : index
      %get3A_2581 = tpu.vector_load %arg6[%get3A_2579, %get3A_2580] {strides = array<i32>} : memref<32x240xi32, #tpu.memory_space<vmem>>, vector<1x16xi32>,
      %get3A_2582 = vector.shape_cast %get3A_2581 : vector<1x16xi32> to vector<16xi32>
      %add3A_2583 = arith.constant 400000 : i32
      %add3A_2584 = vector.broadcast %add3A_2583 : i32 to vector<16xi32>
      %add3A_2585 = arith.addi %get3A_2582, %add3A_2584 : vector<16xi32>
      %swap3A_2586 = arith.constant 1 : i32
      %swap3A_2587 = arith.constant 4 : i32
      %swap3A_2588 = arith.constant 0 : i32
      %swap3A_2589 = arith.index_cast %swap3A_2586 : i32 to index
      %swap3A_2590 = arith.index_cast %swap3A_2587 : i32 to index
      %swap3A_2591 = arith.index_cast %swap3A_2588 : i32 to index
      %swap3A_2592 = arith.constant 80 : index
      %swap3A_2593 = tpu.vector_load %arg7[%swap3A_2589, %swap3A_2590, %swap3A_2591, %swap3A_2592] {strides = array<i32>} : memref<2x5x2x112xi32, #tpu.memory_space<vmem>>, vector<1x1x1x16xi32>,
      %swap3A_2594 = vector.shape_cast %swap3A_2593 : vector<1x1x1x16xi32> to vector<16xi32>
      %swap3A_2595 = vector.shape_cast %add3A_2585 : vector<16xi32> to vector<1x1x1x16xi32>
      tpu.vector_store %arg7[%swap3A_2589, %swap3A_2590, %swap3A_2591, %swap3A_2592], %swap3A_2595 {strides = array<i32>} : memref<2x5x2x112xi32, #tpu.memory_space<vmem>>, vector<1x1x1x16xi32>,
      %get3A_2596 = arith.index_cast %add3A_1541 : i32 to index
      %get3A_2597 = arith.constant 100 : index
      %get3A_2598 = tpu.vector_load %arg6[%get3A_2596, %get3A_2597] {strides = array<i32>} : memref<32x240xi32, #tpu.memory_space<vmem>>, vector<1x16xi32>,
      %get3A_2599 = vector.shape_cast %get3A_2598 : vector<1x16xi32> to vector<16xi32>
      %add3A_2600 = arith.constant 400000 : i32
      %add3A_2601 = vector.broadcast %add3A_2600 : i32 to vector<16xi32>
      %add3A_2602 = arith.addi %get3A_2599, %add3A_2601 : vector<16xi32>
      %swap3A_2603 = arith.constant 1 : i32
      %swap3A_2604 = arith.constant 4 : i32
      %swap3A_2605 = arith.constant 0 : i32
      %swap3A_2606 = arith.index_cast %swap3A_2603 : i32 to index
      %swap3A_2607 = arith.index_cast %swap3A_2604 : i32 to index
      %swap3A_2608 = arith.index_cast %swap3A_2605 : i32 to index
      %swap3A_2609 = arith.constant 96 : index
      %swap3A_2610 = tpu.vector_load %arg7[%swap3A_2606, %swap3A_2607, %swap3A_2608, %swap3A_2609] {strides = array<i32>} : memref<2x5x2x112xi32, #tpu.memory_space<vmem>>, vector<1x1x1x16xi32>,
      %swap3A_2611 = vector.shape_cast %swap3A_2610 : vector<1x1x1x16xi32> to vector<16xi32>
      %swap3A_2612 = vector.shape_cast %add3A_2602 : vector<16xi32> to vector<1x1x1x16xi32>
      tpu.vector_store %arg7[%swap3A_2606, %swap3A_2607, %swap3A_2608, %swap3A_2609], %swap3A_2612 {strides = array<i32>} : memref<2x5x2x112xi32, #tpu.memory_space<vmem>>, vector<1x1x1x16xi32>,
      %get3A_2613 = arith.index_cast %add3A_1541 : i32 to index
      %get3A_2614 = arith.constant 116 : index
      %get3A_2615 = tpu.vector_load %arg6[%get3A_2613, %get3A_2614] {strides = array<i32>} : memref<32x240xi32, #tpu.memory_space<vmem>>, vector<1x16xi32>,
      %get3A_2616 = vector.shape_cast %get3A_2615 : vector<1x16xi32> to vector<16xi32>
      %add3A_2617 = arith.constant 400000 : i32
      %add3A_2618 = vector.broadcast %add3A_2617 : i32 to vector<16xi32>
      %add3A_2619 = arith.addi %get3A_2616, %add3A_2618 : vector<16xi32>
      %swap3A_2620 = arith.constant 1 : i32
      %swap3A_2621 = arith.constant 4 : i32
      %swap3A_2622 = arith.constant 1 : i32
      %swap3A_2623 = arith.index_cast %swap3A_2620 : i32 to index
      %swap3A_2624 = arith.index_cast %swap3A_2621 : i32 to index
      %swap3A_2625 = arith.index_cast %swap3A_2622 : i32 to index
      %swap3A_2626 = arith.constant 0 : index
      %swap3A_2627 = tpu.vector_load %arg7[%swap3A_2623, %swap3A_2624, %swap3A_2625, %swap3A_2626] {strides = array<i32>} : memref<2x5x2x112xi32, #tpu.memory_space<vmem>>, vector<1x1x1x16xi32>,
      %swap3A_2628 = vector.shape_cast %swap3A_2627 : vector<1x1x1x16xi32> to vector<16xi32>
      %swap3A_2629 = vector.shape_cast %add3A_2619 : vector<16xi32> to vector<1x1x1x16xi32>
      tpu.vector_store %arg7[%swap3A_2623, %swap3A_2624, %swap3A_2625, %swap3A_2626], %swap3A_2629 {strides = array<i32>} : memref<2x5x2x112xi32, #tpu.memory_space<vmem>>, vector<1x1x1x16xi32>,
      %get3A_2630 = arith.index_cast %add3A_1541 : i32 to index
      %get3A_2631 = arith.constant 132 : index
      %get3A_2632 = tpu.vector_load %arg6[%get3A_2630, %get3A_2631] {strides = array<i32>} : memref<32x240xi32, #tpu.memory_space<vmem>>, vector<1x16xi32>,
      %get3A_2633 = vector.shape_cast %get3A_2632 : vector<1x16xi32> to vector<16xi32>
      %add3A_2634 = arith.constant 400000 : i32
      %add3A_2635 = vector.broadcast %add3A_2634 : i32 to vector<16xi32>
      %add3A_2636 = arith.addi %get3A_2633, %add3A_2635 : vector<16xi32>
      %swap3A_2637 = arith.constant 1 : i32
      %swap3A_2638 = arith.constant 4 : i32
      %swap3A_2639 = arith.constant 1 : i32
      %swap3A_2640 = arith.index_cast %swap3A_2637 : i32 to index
      %swap3A_2641 = arith.index_cast %swap3A_2638 : i32 to index
      %swap3A_2642 = arith.index_cast %swap3A_2639 : i32 to index
      %swap3A_2643 = arith.constant 16 : index
      %swap3A_2644 = tpu.vector_load %arg7[%swap3A_2640, %swap3A_2641, %swap3A_2642, %swap3A_2643] {strides = array<i32>} : memref<2x5x2x112xi32, #tpu.memory_space<vmem>>, vector<1x1x1x16xi32>,
      %swap3A_2645 = vector.shape_cast %swap3A_2644 : vector<1x1x1x16xi32> to vector<16xi32>
      %swap3A_2646 = vector.shape_cast %add3A_2636 : vector<16xi32> to vector<1x1x1x16xi32>
      tpu.vector_store %arg7[%swap3A_2640, %swap3A_2641, %swap3A_2642, %swap3A_2643], %swap3A_2646 {strides = array<i32>} : memref<2x5x2x112xi32, #tpu.memory_space<vmem>>, vector<1x1x1x16xi32>,
      %get3A_2647 = arith.index_cast %add3A_1541 : i32 to index
      %get3A_2648 = arith.constant 148 : index
      %get3A_2649 = tpu.vector_load %arg6[%get3A_2647, %get3A_2648] {strides = array<i32>} : memref<32x240xi32, #tpu.memory_space<vmem>>, vector<1x16xi32>,
      %get3A_2650 = vector.shape_cast %get3A_2649 : vector<1x16xi32> to vector<16xi32>
      %add3A_2651 = arith.constant 400000 : i32
      %add3A_2652 = vector.broadcast %add3A_2651 : i32 to vector<16xi32>
      %add3A_2653 = arith.addi %get3A_2650, %add3A_2652 : vector<16xi32>
      %swap3A_2654 = arith.constant 1 : i32
      %swap3A_2655 = arith.constant 4 : i32
      %swap3A_2656 = arith.constant 1 : i32
      %swap3A_2657 = arith.index_cast %swap3A_2654 : i32 to index
      %swap3A_2658 = arith.index_cast %swap3A_2655 : i32 to index
      %swap3A_2659 = arith.index_cast %swap3A_2656 : i32 to index
      %swap3A_2660 = arith.constant 32 : index
      %swap3A_2661 = tpu.vector_load %arg7[%swap3A_2657, %swap3A_2658, %swap3A_2659, %swap3A_2660] {strides = array<i32>} : memref<2x5x2x112xi32, #tpu.memory_space<vmem>>, vector<1x1x1x16xi32>,
      %swap3A_2662 = vector.shape_cast %swap3A_2661 : vector<1x1x1x16xi32> to vector<16xi32>
      %swap3A_2663 = vector.shape_cast %add3A_2653 : vector<16xi32> to vector<1x1x1x16xi32>
      tpu.vector_store %arg7[%swap3A_2657, %swap3A_2658, %swap3A_2659, %swap3A_2660], %swap3A_2663 {strides = array<i32>} : memref<2x5x2x112xi32, #tpu.memory_space<vmem>>, vector<1x1x1x16xi32>,
      %get3A_2664 = arith.index_cast %add3A_1541 : i32 to index
      %get3A_2665 = arith.constant 164 : index
      %get3A_2666 = tpu.vector_load %arg6[%get3A_2664, %get3A_2665] {strides = array<i32>} : memref<32x240xi32, #tpu.memory_space<vmem>>, vector<1x16xi32>,
      %get3A_2667 = vector.shape_cast %get3A_2666 : vector<1x16xi32> to vector<16xi32>
      %add3A_2668 = arith.constant 400000 : i32
      %add3A_2669 = vector.broadcast %add3A_2668 : i32 to vector<16xi32>
      %add3A_2670 = arith.addi %get3A_2667, %add3A_2669 : vector<16xi32>
      %swap3A_2671 = arith.constant 1 : i32
      %swap3A_2672 = arith.constant 4 : i32
      %swap3A_2673 = arith.constant 1 : i32
      %swap3A_2674 = arith.index_cast %swap3A_2671 : i32 to index
      %swap3A_2675 = arith.index_cast %swap3A_2672 : i32 to index
      %swap3A_2676 = arith.index_cast %swap3A_2673 : i32 to index
      %swap3A_2677 = arith.constant 48 : index
      %swap3A_2678 = tpu.vector_load %arg7[%swap3A_2674, %swap3A_2675, %swap3A_2676, %swap3A_2677] {strides = array<i32>} : memref<2x5x2x112xi32, #tpu.memory_space<vmem>>, vector<1x1x1x16xi32>,
      %swap3A_2679 = vector.shape_cast %swap3A_2678 : vector<1x1x1x16xi32> to vector<16xi32>
      %swap3A_2680 = vector.shape_cast %add3A_2670 : vector<16xi32> to vector<1x1x1x16xi32>
      tpu.vector_store %arg7[%swap3A_2674, %swap3A_2675, %swap3A_2676, %swap3A_2677], %swap3A_2680 {strides = array<i32>} : memref<2x5x2x112xi32, #tpu.memory_space<vmem>>, vector<1x1x1x16xi32>,
      %get3A_2681 = arith.index_cast %add3A_1541 : i32 to index
      %get3A_2682 = arith.constant 180 : index
      %get3A_2683 = tpu.vector_load %arg6[%get3A_2681, %get3A_2682] {strides = array<i32>} : memref<32x240xi32, #tpu.memory_space<vmem>>, vector<1x16xi32>,
      %get3A_2684 = vector.shape_cast %get3A_2683 : vector<1x16xi32> to vector<16xi32>
      %add3A_2685 = arith.constant 400000 : i32
      %add3A_2686 = vector.broadcast %add3A_2685 : i32 to vector<16xi32>
      %add3A_2687 = arith.addi %get3A_2684, %add3A_2686 : vector<16xi32>
      %swap3A_2688 = arith.constant 1 : i32
      %swap3A_2689 = arith.constant 4 : i32
      %swap3A_2690 = arith.constant 1 : i32
      %swap3A_2691 = arith.index_cast %swap3A_2688 : i32 to index
      %swap3A_2692 = arith.index_cast %swap3A_2689 : i32 to index
      %swap3A_2693 = arith.index_cast %swap3A_2690 : i32 to index
      %swap3A_2694 = arith.constant 64 : index
      %swap3A_2695 = tpu.vector_load %arg7[%swap3A_2691, %swap3A_2692, %swap3A_2693, %swap3A_2694] {strides = array<i32>} : memref<2x5x2x112xi32, #tpu.memory_space<vmem>>, vector<1x1x1x16xi32>,
      %swap3A_2696 = vector.shape_cast %swap3A_2695 : vector<1x1x1x16xi32> to vector<16xi32>
      %swap3A_2697 = vector.shape_cast %add3A_2687 : vector<16xi32> to vector<1x1x1x16xi32>
      tpu.vector_store %arg7[%swap3A_2691, %swap3A_2692, %swap3A_2693, %swap3A_2694], %swap3A_2697 {strides = array<i32>} : memref<2x5x2x112xi32, #tpu.memory_space<vmem>>, vector<1x1x1x16xi32>,
      %get3A_2698 = arith.index_cast %add3A_1541 : i32 to index
      %get3A_2699 = arith.constant 196 : index
      %get3A_2700 = tpu.vector_load %arg6[%get3A_2698, %get3A_2699] {strides = array<i32>} : memref<32x240xi32, #tpu.memory_space<vmem>>, vector<1x16xi32>,
      %get3A_2701 = vector.shape_cast %get3A_2700 : vector<1x16xi32> to vector<16xi32>
      %add3A_2702 = arith.constant 400000 : i32
      %add3A_2703 = vector.broadcast %add3A_2702 : i32 to vector<16xi32>
      %add3A_2704 = arith.addi %get3A_2701, %add3A_2703 : vector<16xi32>
      %swap3A_2705 = arith.constant 1 : i32
      %swap3A_2706 = arith.constant 4 : i32
      %swap3A_2707 = arith.constant 1 : i32
      %swap3A_2708 = arith.index_cast %swap3A_2705 : i32 to index
      %swap3A_2709 = arith.index_cast %swap3A_2706 : i32 to index
      %swap3A_2710 = arith.index_cast %swap3A_2707 : i32 to index
      %swap3A_2711 = arith.constant 80 : index
      %swap3A_2712 = tpu.vector_load %arg7[%swap3A_2708, %swap3A_2709, %swap3A_2710, %swap3A_2711] {strides = array<i32>} : memref<2x5x2x112xi32, #tpu.memory_space<vmem>>, vector<1x1x1x16xi32>,
      %swap3A_2713 = vector.shape_cast %swap3A_2712 : vector<1x1x1x16xi32> to vector<16xi32>
      %swap3A_2714 = vector.shape_cast %add3A_2704 : vector<16xi32> to vector<1x1x1x16xi32>
      tpu.vector_store %arg7[%swap3A_2708, %swap3A_2709, %swap3A_2710, %swap3A_2711], %swap3A_2714 {strides = array<i32>} : memref<2x5x2x112xi32, #tpu.memory_space<vmem>>, vector<1x1x1x16xi32>,
      %get3A_2715 = arith.index_cast %add3A_1541 : i32 to index
      %get3A_2716 = arith.constant 212 : index
      %get3A_2717 = tpu.vector_load %arg6[%get3A_2715, %get3A_2716] {strides = array<i32>} : memref<32x240xi32, #tpu.memory_space<vmem>>, vector<1x16xi32>,
      %get3A_2718 = vector.shape_cast %get3A_2717 : vector<1x16xi32> to vector<16xi32>
      %add3A_2719 = arith.constant 400000 : i32
      %add3A_2720 = vector.broadcast %add3A_2719 : i32 to vector<16xi32>
      %add3A_2721 = arith.addi %get3A_2718, %add3A_2720 : vector<16xi32>
      %swap3A_2722 = arith.constant 1 : i32
      %swap3A_2723 = arith.constant 4 : i32
      %swap3A_2724 = arith.constant 1 : i32
      %swap3A_2725 = arith.index_cast %swap3A_2722 : i32 to index
      %swap3A_2726 = arith.index_cast %swap3A_2723 : i32 to index
      %swap3A_2727 = arith.index_cast %swap3A_2724 : i32 to index
      %swap3A_2728 = arith.constant 96 : index
      %swap3A_2729 = tpu.vector_load %arg7[%swap3A_2725, %swap3A_2726, %swap3A_2727, %swap3A_2728] {strides = array<i32>} : memref<2x5x2x112xi32, #tpu.memory_space<vmem>>, vector<1x1x1x16xi32>,
      %swap3A_2730 = vector.shape_cast %swap3A_2729 : vector<1x1x1x16xi32> to vector<16xi32>
      %swap3A_2731 = vector.shape_cast %add3A_2721 : vector<16xi32> to vector<1x1x1x16xi32>
      tpu.vector_store %arg7[%swap3A_2725, %swap3A_2726, %swap3A_2727, %swap3A_2728], %swap3A_2731 {strides = array<i32>} : memref<2x5x2x112xi32, #tpu.memory_space<vmem>>, vector<1x1x1x16xi32>,
      %get3A_2732 = arith.index_cast %add3A_1541 : i32 to index
      %get3A_2733 = arith.constant 2 : index
      %get3A_2734 = tpu.vector_load %arg6[%get3A_2732, %get3A_2733] {strides = array<i32>} : memref<32x240xi32, #tpu.memory_space<vmem>>, vector<1x16xi32>,
      %get3A_2735 = vector.shape_cast %get3A_2734 : vector<1x16xi32> to vector<16xi32>
      %swap3A_2736 = arith.constant 1 : i32
      %swap3A_2737 = arith.constant 0 : i32
      %swap3A_2738 = arith.index_cast %swap3A_2736 : i32 to index
      %swap3A_2739 = arith.index_cast %swap3A_2737 : i32 to index
      %swap3A_2740 = arith.constant 0 : index
      %swap3A_2741 = tpu.vector_load %arg8[%swap3A_2738, %swap3A_2739, %swap3A_2740] {strides = array<i32>} : memref<2x2x112xi32, #tpu.memory_space<vmem>>, vector<1x1x16xi32>,
      %swap3A_2742 = vector.shape_cast %swap3A_2741 : vector<1x1x16xi32> to vector<16xi32>
      %swap3A_2743 = vector.shape_cast %get3A_2735 : vector<16xi32> to vector<1x1x16xi32>
      tpu.vector_store %arg8[%swap3A_2738, %swap3A_2739, %swap3A_2740], %swap3A_2743 {strides = array<i32>} : memref<2x2x112xi32, #tpu.memory_space<vmem>>, vector<1x1x16xi32>,
      %get3A_2744 = arith.index_cast %add3A_1541 : i32 to index
      %get3A_2745 = arith.constant 18 : index
      %get3A_2746 = tpu.vector_load %arg6[%get3A_2744, %get3A_2745] {strides = array<i32>} : memref<32x240xi32, #tpu.memory_space<vmem>>, vector<1x16xi32>,
      %get3A_2747 = vector.shape_cast %get3A_2746 : vector<1x16xi32> to vector<16xi32>
      %swap3A_2748 = arith.constant 1 : i32
      %swap3A_2749 = arith.constant 0 : i32
      %swap3A_2750 = arith.index_cast %swap3A_2748 : i32 to index
      %swap3A_2751 = arith.index_cast %swap3A_2749 : i32 to index
      %swap3A_2752 = arith.constant 16 : index
      %swap3A_2753 = tpu.vector_load %arg8[%swap3A_2750, %swap3A_2751, %swap3A_2752] {strides = array<i32>} : memref<2x2x112xi32, #tpu.memory_space<vmem>>, vector<1x1x16xi32>,
      %swap3A_2754 = vector.shape_cast %swap3A_2753 : vector<1x1x16xi32> to vector<16xi32>
      %swap3A_2755 = vector.shape_cast %get3A_2747 : vector<16xi32> to vector<1x1x16xi32>
      tpu.vector_store %arg8[%swap3A_2750, %swap3A_2751, %swap3A_2752], %swap3A_2755 {strides = array<i32>} : memref<2x2x112xi32, #tpu.memory_space<vmem>>, vector<1x1x16xi32>,
      %get3A_2756 = arith.index_cast %add3A_1541 : i32 to index
      %get3A_2757 = arith.constant 34 : index
      %get3A_2758 = tpu.vector_load %arg6[%get3A_2756, %get3A_2757] {strides = array<i32>} : memref<32x240xi32, #tpu.memory_space<vmem>>, vector<1x16xi32>,
      %get3A_2759 = vector.shape_cast %get3A_2758 : vector<1x16xi32> to vector<16xi32>
      %swap3A_2760 = arith.constant 1 : i32
      %swap3A_2761 = arith.constant 0 : i32
      %swap3A_2762 = arith.index_cast %swap3A_2760 : i32 to index
      %swap3A_2763 = arith.index_cast %swap3A_2761 : i32 to index
      %swap3A_2764 = arith.constant 32 : index
      %swap3A_2765 = tpu.vector_load %arg8[%swap3A_2762, %swap3A_2763, %swap3A_2764] {strides = array<i32>} : memref<2x2x112xi32, #tpu.memory_space<vmem>>, vector<1x1x16xi32>,
      %swap3A_2766 = vector.shape_cast %swap3A_2765 : vector<1x1x16xi32> to vector<16xi32>
      %swap3A_2767 = vector.shape_cast %get3A_2759 : vector<16xi32> to vector<1x1x16xi32>
      tpu.vector_store %arg8[%swap3A_2762, %swap3A_2763, %swap3A_2764], %swap3A_2767 {strides = array<i32>} : memref<2x2x112xi32, #tpu.memory_space<vmem>>, vector<1x1x16xi32>,
      %get3A_2768 = arith.index_cast %add3A_1541 : i32 to index
      %get3A_2769 = arith.constant 50 : index
      %get3A_2770 = tpu.vector_load %arg6[%get3A_2768, %get3A_2769] {strides = array<i32>} : memref<32x240xi32, #tpu.memory_space<vmem>>, vector<1x16xi32>,
      %get3A_2771 = vector.shape_cast %get3A_2770 : vector<1x16xi32> to vector<16xi32>
      %swap3A_2772 = arith.constant 1 : i32
      %swap3A_2773 = arith.constant 0 : i32
      %swap3A_2774 = arith.index_cast %swap3A_2772 : i32 to index
      %swap3A_2775 = arith.index_cast %swap3A_2773 : i32 to index
      %swap3A_2776 = arith.constant 48 : index
      %swap3A_2777 = tpu.vector_load %arg8[%swap3A_2774, %swap3A_2775, %swap3A_2776] {strides = array<i32>} : memref<2x2x112xi32, #tpu.memory_space<vmem>>, vector<1x1x16xi32>,
      %swap3A_2778 = vector.shape_cast %swap3A_2777 : vector<1x1x16xi32> to vector<16xi32>
      %swap3A_2779 = vector.shape_cast %get3A_2771 : vector<16xi32> to vector<1x1x16xi32>
      tpu.vector_store %arg8[%swap3A_2774, %swap3A_2775, %swap3A_2776], %swap3A_2779 {strides = array<i32>} : memref<2x2x112xi32, #tpu.memory_space<vmem>>, vector<1x1x16xi32>,
      %get3A_2780 = arith.index_cast %add3A_1541 : i32 to index
      %get3A_2781 = arith.constant 66 : index
      %get3A_2782 = tpu.vector_load %arg6[%get3A_2780, %get3A_2781] {strides = array<i32>} : memref<32x240xi32, #tpu.memory_space<vmem>>, vector<1x16xi32>,
      %get3A_2783 = vector.shape_cast %get3A_2782 : vector<1x16xi32> to vector<16xi32>
      %swap3A_2784 = arith.constant 1 : i32
      %swap3A_2785 = arith.constant 0 : i32
      %swap3A_2786 = arith.index_cast %swap3A_2784 : i32 to index
      %swap3A_2787 = arith.index_cast %swap3A_2785 : i32 to index
      %swap3A_2788 = arith.constant 64 : index
      %swap3A_2789 = tpu.vector_load %arg8[%swap3A_2786, %swap3A_2787, %swap3A_2788] {strides = array<i32>} : memref<2x2x112xi32, #tpu.memory_space<vmem>>, vector<1x1x16xi32>,
      %swap3A_2790 = vector.shape_cast %swap3A_2789 : vector<1x1x16xi32> to vector<16xi32>
      %swap3A_2791 = vector.shape_cast %get3A_2783 : vector<16xi32> to vector<1x1x16xi32>
      tpu.vector_store %arg8[%swap3A_2786, %swap3A_2787, %swap3A_2788], %swap3A_2791 {strides = array<i32>} : memref<2x2x112xi32, #tpu.memory_space<vmem>>, vector<1x1x16xi32>,
      %get3A_2792 = arith.index_cast %add3A_1541 : i32 to index
      %get3A_2793 = arith.constant 82 : index
      %get3A_2794 = tpu.vector_load %arg6[%get3A_2792, %get3A_2793] {strides = array<i32>} : memref<32x240xi32, #tpu.memory_space<vmem>>, vector<1x16xi32>,
      %get3A_2795 = vector.shape_cast %get3A_2794 : vector<1x16xi32> to vector<16xi32>
      %swap3A_2796 = arith.constant 1 : i32
      %swap3A_2797 = arith.constant 0 : i32
      %swap3A_2798 = arith.index_cast %swap3A_2796 : i32 to index
      %swap3A_2799 = arith.index_cast %swap3A_2797 : i32 to index
      %swap3A_2800 = arith.constant 80 : index
      %swap3A_2801 = tpu.vector_load %arg8[%swap3A_2798, %swap3A_2799, %swap3A_2800] {strides = array<i32>} : memref<2x2x112xi32, #tpu.memory_space<vmem>>, vector<1x1x16xi32>,
      %swap3A_2802 = vector.shape_cast %swap3A_2801 : vector<1x1x16xi32> to vector<16xi32>
      %swap3A_2803 = vector.shape_cast %get3A_2795 : vector<16xi32> to vector<1x1x16xi32>
      tpu.vector_store %arg8[%swap3A_2798, %swap3A_2799, %swap3A_2800], %swap3A_2803 {strides = array<i32>} : memref<2x2x112xi32, #tpu.memory_space<vmem>>, vector<1x1x16xi32>,
      %get3A_2804 = arith.index_cast %add3A_1541 : i32 to index
      %get3A_2805 = arith.constant 98 : index
      %get3A_2806 = tpu.vector_load %arg6[%get3A_2804, %get3A_2805] {strides = array<i32>} : memref<32x240xi32, #tpu.memory_space<vmem>>, vector<1x16xi32>,
      %get3A_2807 = vector.shape_cast %get3A_2806 : vector<1x16xi32> to vector<16xi32>
      %swap3A_2808 = arith.constant 1 : i32
      %swap3A_2809 = arith.constant 0 : i32
      %swap3A_2810 = arith.index_cast %swap3A_2808 : i32 to index
      %swap3A_2811 = arith.index_cast %swap3A_2809 : i32 to index
      %swap3A_2812 = arith.constant 96 : index
      %swap3A_2813 = tpu.vector_load %arg8[%swap3A_2810, %swap3A_2811, %swap3A_2812] {strides = array<i32>} : memref<2x2x112xi32, #tpu.memory_space<vmem>>, vector<1x1x16xi32>,
      %swap3A_2814 = vector.shape_cast %swap3A_2813 : vector<1x1x16xi32> to vector<16xi32>
      %swap3A_2815 = vector.shape_cast %get3A_2807 : vector<16xi32> to vector<1x1x16xi32>
      tpu.vector_store %arg8[%swap3A_2810, %swap3A_2811, %swap3A_2812], %swap3A_2815 {strides = array<i32>} : memref<2x2x112xi32, #tpu.memory_space<vmem>>, vector<1x1x16xi32>,
      %get3A_2816 = arith.index_cast %add3A_1541 : i32 to index
      %get3A_2817 = arith.constant 114 : index
      %get3A_2818 = tpu.vector_load %arg6[%get3A_2816, %get3A_2817] {strides = array<i32>} : memref<32x240xi32, #tpu.memory_space<vmem>>, vector<1x16xi32>,
      %get3A_2819 = vector.shape_cast %get3A_2818 : vector<1x16xi32> to vector<16xi32>
      %swap3A_2820 = arith.constant 1 : i32
      %swap3A_2821 = arith.constant 1 : i32
      %swap3A_2822 = arith.index_cast %swap3A_2820 : i32 to index
      %swap3A_2823 = arith.index_cast %swap3A_2821 : i32 to index
      %swap3A_2824 = arith.constant 0 : index
      %swap3A_2825 = tpu.vector_load %arg8[%swap3A_2822, %swap3A_2823, %swap3A_2824] {strides = array<i32>} : memref<2x2x112xi32, #tpu.memory_space<vmem>>, vector<1x1x16xi32>,
      %swap3A_2826 = vector.shape_cast %swap3A_2825 : vector<1x1x16xi32> to vector<16xi32>
      %swap3A_2827 = vector.shape_cast %get3A_2819 : vector<16xi32> to vector<1x1x16xi32>
      tpu.vector_store %arg8[%swap3A_2822, %swap3A_2823, %swap3A_2824], %swap3A_2827 {strides = array<i32>} : memref<2x2x112xi32, #tpu.memory_space<vmem>>, vector<1x1x16xi32>,
      %get3A_2828 = arith.index_cast %add3A_1541 : i32 to index
      %get3A_2829 = arith.constant 130 : index
      %get3A_2830 = tpu.vector_load %arg6[%get3A_2828, %get3A_2829] {strides = array<i32>} : memref<32x240xi32, #tpu.memory_space<vmem>>, vector<1x16xi32>,
      %get3A_2831 = vector.shape_cast %get3A_2830 : vector<1x16xi32> to vector<16xi32>
      %swap3A_2832 = arith.constant 1 : i32
      %swap3A_2833 = arith.constant 1 : i32
      %swap3A_2834 = arith.index_cast %swap3A_2832 : i32 to index
      %swap3A_2835 = arith.index_cast %swap3A_2833 : i32 to index
      %swap3A_2836 = arith.constant 16 : index
      %swap3A_2837 = tpu.vector_load %arg8[%swap3A_2834, %swap3A_2835, %swap3A_2836] {strides = array<i32>} : memref<2x2x112xi32, #tpu.memory_space<vmem>>, vector<1x1x16xi32>,
      %swap3A_2838 = vector.shape_cast %swap3A_2837 : vector<1x1x16xi32> to vector<16xi32>
      %swap3A_2839 = vector.shape_cast %get3A_2831 : vector<16xi32> to vector<1x1x16xi32>
      tpu.vector_store %arg8[%swap3A_2834, %swap3A_2835, %swap3A_2836], %swap3A_2839 {strides = array<i32>} : memref<2x2x112xi32, #tpu.memory_space<vmem>>, vector<1x1x16xi32>,
      %get3A_2840 = arith.index_cast %add3A_1541 : i32 to index
      %get3A_2841 = arith.constant 146 : index
      %get3A_2842 = tpu.vector_load %arg6[%get3A_2840, %get3A_2841] {strides = array<i32>} : memref<32x240xi32, #tpu.memory_space<vmem>>, vector<1x16xi32>,
      %get3A_2843 = vector.shape_cast %get3A_2842 : vector<1x16xi32> to vector<16xi32>
      %swap3A_2844 = arith.constant 1 : i32
      %swap3A_2845 = arith.constant 1 : i32
      %swap3A_2846 = arith.index_cast %swap3A_2844 : i32 to index
      %swap3A_2847 = arith.index_cast %swap3A_2845 : i32 to index
      %swap3A_2848 = arith.constant 32 : index
      %swap3A_2849 = tpu.vector_load %arg8[%swap3A_2846, %swap3A_2847, %swap3A_2848] {strides = array<i32>} : memref<2x2x112xi32, #tpu.memory_space<vmem>>, vector<1x1x16xi32>,
      %swap3A_2850 = vector.shape_cast %swap3A_2849 : vector<1x1x16xi32> to vector<16xi32>
      %swap3A_2851 = vector.shape_cast %get3A_2843 : vector<16xi32> to vector<1x1x16xi32>
      tpu.vector_store %arg8[%swap3A_2846, %swap3A_2847, %swap3A_2848], %swap3A_2851 {strides = array<i32>} : memref<2x2x112xi32, #tpu.memory_space<vmem>>, vector<1x1x16xi32>,
      %get3A_2852 = arith.index_cast %add3A_1541 : i32 to index
      %get3A_2853 = arith.constant 162 : index
      %get3A_2854 = tpu.vector_load %arg6[%get3A_2852, %get3A_2853] {strides = array<i32>} : memref<32x240xi32, #tpu.memory_space<vmem>>, vector<1x16xi32>,
      %get3A_2855 = vector.shape_cast %get3A_2854 : vector<1x16xi32> to vector<16xi32>
      %swap3A_2856 = arith.constant 1 : i32
      %swap3A_2857 = arith.constant 1 : i32
      %swap3A_2858 = arith.index_cast %swap3A_2856 : i32 to index
      %swap3A_2859 = arith.index_cast %swap3A_2857 : i32 to index
      %swap3A_2860 = arith.constant 48 : index
      %swap3A_2861 = tpu.vector_load %arg8[%swap3A_2858, %swap3A_2859, %swap3A_2860] {strides = array<i32>} : memref<2x2x112xi32, #tpu.memory_space<vmem>>, vector<1x1x16xi32>,
      %swap3A_2862 = vector.shape_cast %swap3A_2861 : vector<1x1x16xi32> to vector<16xi32>
      %swap3A_2863 = vector.shape_cast %get3A_2855 : vector<16xi32> to vector<1x1x16xi32>
      tpu.vector_store %arg8[%swap3A_2858, %swap3A_2859, %swap3A_2860], %swap3A_2863 {strides = array<i32>} : memref<2x2x112xi32, #tpu.memory_space<vmem>>, vector<1x1x16xi32>,
      %get3A_2864 = arith.index_cast %add3A_1541 : i32 to index
      %get3A_2865 = arith.constant 178 : index
      %get3A_2866 = tpu.vector_load %arg6[%get3A_2864, %get3A_2865] {strides = array<i32>} : memref<32x240xi32, #tpu.memory_space<vmem>>, vector<1x16xi32>,
      %get3A_2867 = vector.shape_cast %get3A_2866 : vector<1x16xi32> to vector<16xi32>
      %swap3A_2868 = arith.constant 1 : i32
      %swap3A_2869 = arith.constant 1 : i32
      %swap3A_2870 = arith.index_cast %swap3A_2868 : i32 to index
      %swap3A_2871 = arith.index_cast %swap3A_2869 : i32 to index
      %swap3A_2872 = arith.constant 64 : index
      %swap3A_2873 = tpu.vector_load %arg8[%swap3A_2870, %swap3A_2871, %swap3A_2872] {strides = array<i32>} : memref<2x2x112xi32, #tpu.memory_space<vmem>>, vector<1x1x16xi32>,
      %swap3A_2874 = vector.shape_cast %swap3A_2873 : vector<1x1x16xi32> to vector<16xi32>
      %swap3A_2875 = vector.shape_cast %get3A_2867 : vector<16xi32> to vector<1x1x16xi32>
      tpu.vector_store %arg8[%swap3A_2870, %swap3A_2871, %swap3A_2872], %swap3A_2875 {strides = array<i32>} : memref<2x2x112xi32, #tpu.memory_space<vmem>>, vector<1x1x16xi32>,
      %get3A_2876 = arith.index_cast %add3A_1541 : i32 to index
      %get3A_2877 = arith.constant 194 : index
      %get3A_2878 = tpu.vector_load %arg6[%get3A_2876, %get3A_2877] {strides = array<i32>} : memref<32x240xi32, #tpu.memory_space<vmem>>, vector<1x16xi32>,
      %get3A_2879 = vector.shape_cast %get3A_2878 : vector<1x16xi32> to vector<16xi32>
      %swap3A_2880 = arith.constant 1 : i32
      %swap3A_2881 = arith.constant 1 : i32
      %swap3A_2882 = arith.index_cast %swap3A_2880 : i32 to index
      %swap3A_2883 = arith.index_cast %swap3A_2881 : i32 to index
      %swap3A_2884 = arith.constant 80 : index
      %swap3A_2885 = tpu.vector_load %arg8[%swap3A_2882, %swap3A_2883, %swap3A_2884] {strides = array<i32>} : memref<2x2x112xi32, #tpu.memory_space<vmem>>, vector<1x1x16xi32>,
      %swap3A_2886 = vector.shape_cast %swap3A_2885 : vector<1x1x16xi32> to vector<16xi32>
      %swap3A_2887 = vector.shape_cast %get3A_2879 : vector<16xi32> to vector<1x1x16xi32>
      tpu.vector_store %arg8[%swap3A_2882, %swap3A_2883, %swap3A_2884], %swap3A_2887 {strides = array<i32>} : memref<2x2x112xi32, #tpu.memory_space<vmem>>, vector<1x1x16xi32>,
      %get3A_2888 = arith.index_cast %add3A_1541 : i32 to index
      %get3A_2889 = arith.constant 210 : index
      %get3A_2890 = tpu.vector_load %arg6[%get3A_2888, %get3A_2889] {strides = array<i32>} : memref<32x240xi32, #tpu.memory_space<vmem>>, vector<1x16xi32>,
      %get3A_2891 = vector.shape_cast %get3A_2890 : vector<1x16xi32> to vector<16xi32>
      %swap3A_2892 = arith.constant 1 : i32
      %swap3A_2893 = arith.constant 1 : i32
      %swap3A_2894 = arith.index_cast %swap3A_2892 : i32 to index
      %swap3A_2895 = arith.index_cast %swap3A_2893 : i32 to index
      %swap3A_2896 = arith.constant 96 : index
      %swap3A_2897 = tpu.vector_load %arg8[%swap3A_2894, %swap3A_2895, %swap3A_2896] {strides = array<i32>} : memref<2x2x112xi32, #tpu.memory_space<vmem>>, vector<1x1x16xi32>,
      %swap3A_2898 = vector.shape_cast %swap3A_2897 : vector<1x1x16xi32> to vector<16xi32>
      %swap3A_2899 = vector.shape_cast %get3A_2891 : vector<16xi32> to vector<1x1x16xi32>
      tpu.vector_store %arg8[%swap3A_2894, %swap3A_2895, %swap3A_2896], %swap3A_2899 {strides = array<i32>} : memref<2x2x112xi32, #tpu.memory_space<vmem>>, vector<1x1x16xi32>,
      %ge3A = arith.constant 1 : i32
      %ge3A_2900 = arith.cmpi sge, %scan3A_1535, %ge3A : i32
      %convert_element_type3A = arith.extui %ge3A_2900 : i1 to i32
      %cond3A = arith.constant 0 : i32
      %cond3A_2901 = arith.cmpi ne, %convert_element_type3A, %cond3A : i32
      scf.if %cond3A_2901 {
        %sub3A = arith.constant 2 : i32
        %sub3A_3000 = arith.subi %add3A_1539, %sub3A : i32
        %add3A_3001 = arith.addi %mul3A_2, %sub3A_3000 : i32
        %dma_wait3A_3002 = arith.constant 0 : i32
        %dma_wait3A_3003 = arith.constant 0 : i32
        %dma_wait3A_3004 = arith.constant 0 : i32
        %dma_wait3A_3005 = arith.constant 0 : i32
        %dma_wait3A_3006 = arith.constant 0 : i32
        %dma_wait3A_3007 = tpu.memref_slice %arg11[%dma_wait3A_3002, %dma_wait3A_3003, %dma_wait3A_3005, %dma_wait3A_3006] : memref<2x2x112x32xf32, #tpu.memory_space<vmem>> -> memref<1x1x112x32xf32, #tpu.memory_space<vmem>>
        %dma_wait3A_3008 = tpu.memref_squeeze %dma_wait3A_3007 : memref<1x1x112x32xf32, #tpu.memory_space<vmem>> -> memref<112x32xf32, #tpu.memory_space<vmem>>
        %dma_wait3A_3009 = arith.constant 0 : i32
        %dma_wait3A_3010 = arith.constant 0 : i32
        %dma_wait3A_3011 = tpu.memref_slice %arg5[%add3A_3001, %dma_wait3A_3009, %dma_wait3A_3010] : memref<1024x196x32xf32, #tpu.memory_space<hbm>> -> memref<1x112x32xf32, #tpu.memory_space<hbm>>
        %dma_wait3A_3012 = tpu.memref_squeeze %dma_wait3A_3011 : memref<1x112x32xf32, #tpu.memory_space<hbm>> -> memref<112x32xf32, #tpu.memory_space<hbm>>
        %dma_wait3A_3013 = tpu.memref_slice %arg13[%dma_wait3A_3004] : memref<2x!tpu.dma_semaphore, #tpu.memory_space<semaphore_mem>> -> memref<1x!tpu.dma_semaphore, #tpu.memory_space<semaphore_mem>>
        %dma_wait3A_3014 = tpu.memref_squeeze %dma_wait3A_3013 : memref<1x!tpu.dma_semaphore, #tpu.memory_space<semaphore_mem>> -> memref<!tpu.dma_semaphore, #tpu.memory_space<semaphore_mem>>
        %dma_wait3A_3015 = arith.constant 0 : i32
        %dma_wait3A_3016 = arith.constant 0 : i32
        %dma_wait3A_3017 = tpu.memref_slice %arg5[%add3A_3001, %dma_wait3A_3015, %dma_wait3A_3016] : memref<1024x196x32xf32, #tpu.memory_space<hbm>> -> memref<1x112x32xf32, #tpu.memory_space<hbm>>
        %dma_wait3A_3018 = tpu.memref_squeeze %dma_wait3A_3017 : memref<1x112x32xf32, #tpu.memory_space<hbm>> -> memref<112x32xf32, #tpu.memory_space<hbm>>
        %dma_wait3A_3019 = arith.constant 0 : i32
        %dma_wait3A_3020 = arith.constant 0 : i32
        %dma_wait3A_3021 = tpu.memref_slice %arg11[%dma_wait3A_3002, %dma_wait3A_3003, %dma_wait3A_3019, %dma_wait3A_3020] : memref<2x2x112x32xf32, #tpu.memory_space<vmem>> -> memref<1x1x112x32xf32, #tpu.memory_space<vmem>>
        %dma_wait3A_3022 = tpu.memref_squeeze %dma_wait3A_3021 : memref<1x1x112x32xf32, #tpu.memory_space<vmem>> -> memref<112x32xf32, #tpu.memory_space<vmem>>
        tpu.wait_dma2 semaphore(%dma_wait3A_3014 : memref<!tpu.dma_semaphore, #tpu.memory_space<semaphore_mem>>) src(%dma_wait3A_3022 : memref<112x32xf32, #tpu.memory_space<vmem>>) dst(%dma_wait3A_3018 : memref<112x32xf32, #tpu.memory_space<hbm>>)
        %dma_wait3A_3023 = arith.constant 0 : i32
        %dma_wait3A_3024 = arith.constant 1 : i32
        %dma_wait3A_3025 = arith.constant 0 : i32
        %dma_wait3A_3026 = arith.constant 0 : i32
        %dma_wait3A_3027 = arith.constant 0 : i32
        %dma_wait3A_3028 = tpu.memref_slice %arg11[%dma_wait3A_3023, %dma_wait3A_3024, %dma_wait3A_3026, %dma_wait3A_3027] : memref<2x2x112x32xf32, #tpu.memory_space<vmem>> -> memref<1x1x84x32xf32, #tpu.memory_space<vmem>>
        %dma_wait3A_3029 = tpu.memref_squeeze %dma_wait3A_3028 : memref<1x1x84x32xf32, #tpu.memory_space<vmem>> -> memref<84x32xf32, #tpu.memory_space<vmem>>
        %dma_wait3A_3030 = arith.constant 112 : i32
        %dma_wait3A_3031 = arith.constant 0 : i32
        %dma_wait3A_3032 = tpu.memref_slice %arg5[%add3A_3001, %dma_wait3A_3030, %dma_wait3A_3031] : memref<1024x196x32xf32, #tpu.memory_space<hbm>> -> memref<1x84x32xf32, #tpu.memory_space<hbm>>
        %dma_wait3A_3033 = tpu.memref_squeeze %dma_wait3A_3032 : memref<1x84x32xf32, #tpu.memory_space<hbm>> -> memref<84x32xf32, #tpu.memory_space<hbm>>
        %dma_wait3A_3034 = tpu.memref_slice %arg13[%dma_wait3A_3025] : memref<2x!tpu.dma_semaphore, #tpu.memory_space<semaphore_mem>> -> memref<1x!tpu.dma_semaphore, #tpu.memory_space<semaphore_mem>>
        %dma_wait3A_3035 = tpu.memref_squeeze %dma_wait3A_3034 : memref<1x!tpu.dma_semaphore, #tpu.memory_space<semaphore_mem>> -> memref<!tpu.dma_semaphore, #tpu.memory_space<semaphore_mem>>
        %dma_wait3A_3036 = arith.constant 112 : i32
        %dma_wait3A_3037 = arith.constant 0 : i32
        %dma_wait3A_3038 = tpu.memref_slice %arg5[%add3A_3001, %dma_wait3A_3036, %dma_wait3A_3037] : memref<1024x196x32xf32, #tpu.memory_space<hbm>> -> memref<1x84x32xf32, #tpu.memory_space<hbm>>
        %dma_wait3A_3039 = tpu.memref_squeeze %dma_wait3A_3038 : memref<1x84x32xf32, #tpu.memory_space<hbm>> -> memref<84x32xf32, #tpu.memory_space<hbm>>
        %dma_wait3A_3040 = arith.constant 0 : i32
        %dma_wait3A_3041 = arith.constant 0 : i32
        %dma_wait3A_3042 = tpu.memref_slice %arg11[%dma_wait3A_3023, %dma_wait3A_3024, %dma_wait3A_3040, %dma_wait3A_3041] : memref<2x2x112x32xf32, #tpu.memory_space<vmem>> -> memref<1x1x84x32xf32, #tpu.memory_space<vmem>>
        %dma_wait3A_3043 = tpu.memref_squeeze %dma_wait3A_3042 : memref<1x1x84x32xf32, #tpu.memory_space<vmem>> -> memref<84x32xf32, #tpu.memory_space<vmem>>
        tpu.wait_dma2 semaphore(%dma_wait3A_3035 : memref<!tpu.dma_semaphore, #tpu.memory_space<semaphore_mem>>) src(%dma_wait3A_3043 : memref<84x32xf32, #tpu.memory_space<vmem>>) dst(%dma_wait3A_3039 : memref<84x32xf32, #tpu.memory_space<hbm>>)
      } else {
      }
      %add3A_2902 = arith.addi %mul3A_2, %add3A_1539 : i32
      %dma_start3A = arith.constant 0 : i32
      %dma_start3A_2903 = arith.constant 0 : i32
      %dma_start3A_2904 = arith.constant 0 : i32
      %dma_start3A_2905 = arith.constant 0 : i32
      %dma_start3A_2906 = arith.constant 0 : i32
      %dma_start3A_2907 = tpu.memref_slice %arg11[%dma_start3A, %dma_start3A_2903, %dma_start3A_2905, %dma_start3A_2906] : memref<2x2x112x32xf32, #tpu.memory_space<vmem>> -> memref<1x1x112x32xf32, #tpu.memory_space<vmem>>
      %dma_start3A_2908 = tpu.memref_squeeze %dma_start3A_2907 : memref<1x1x112x32xf32, #tpu.memory_space<vmem>> -> memref<112x32xf32, #tpu.memory_space<vmem>>
      %dma_start3A_2909 = arith.constant 0 : i32
      %dma_start3A_2910 = arith.constant 0 : i32
      %dma_start3A_2911 = tpu.memref_slice %arg5[%add3A_2902, %dma_start3A_2909, %dma_start3A_2910] : memref<1024x196x32xf32, #tpu.memory_space<hbm>> -> memref<1x112x32xf32, #tpu.memory_space<hbm>>
      %dma_start3A_2912 = tpu.memref_squeeze %dma_start3A_2911 : memref<1x112x32xf32, #tpu.memory_space<hbm>> -> memref<112x32xf32, #tpu.memory_space<hbm>>
      %dma_start3A_2913 = tpu.memref_slice %arg13[%dma_start3A_2904] : memref<2x!tpu.dma_semaphore, #tpu.memory_space<semaphore_mem>> -> memref<1x!tpu.dma_semaphore, #tpu.memory_space<semaphore_mem>>
      %dma_start3A_2914 = tpu.memref_squeeze %dma_start3A_2913 : memref<1x!tpu.dma_semaphore, #tpu.memory_space<semaphore_mem>> -> memref<!tpu.dma_semaphore, #tpu.memory_space<semaphore_mem>>
      %dma_start3A_2915 = arith.constant 0 : i32
      %dma_start3A_2916 = arith.constant 0 : i32
      %dma_start3A_2917 = tpu.memref_slice %arg5[%add3A_2902, %dma_start3A_2915, %dma_start3A_2916] : memref<1024x196x32xf32, #tpu.memory_space<hbm>> -> memref<1x112x32xf32, #tpu.memory_space<hbm>>
      %dma_start3A_2918 = tpu.memref_squeeze %dma_start3A_2917 : memref<1x112x32xf32, #tpu.memory_space<hbm>> -> memref<112x32xf32, #tpu.memory_space<hbm>>
      %dma_start3A_2919 = arith.constant 0 : i32
      %dma_start3A_2920 = arith.constant 0 : i32
      %dma_start3A_2921 = tpu.memref_slice %arg11[%dma_start3A, %dma_start3A_2903, %dma_start3A_2919, %dma_start3A_2920] : memref<2x2x112x32xf32, #tpu.memory_space<vmem>> -> memref<1x1x112x32xf32, #tpu.memory_space<vmem>>
      %dma_start3A_2922 = tpu.memref_squeeze %dma_start3A_2921 : memref<1x1x112x32xf32, #tpu.memory_space<vmem>> -> memref<112x32xf32, #tpu.memory_space<vmem>>
      tpu.enqueue_dma source(%dma_start3A_2922 : memref<112x32xf32, #tpu.memory_space<vmem>>) target(%dma_start3A_2918 : memref<112x32xf32, #tpu.memory_space<hbm>>) target_semaphore(%dma_start3A_2914 : memref<!tpu.dma_semaphore, #tpu.memory_space<semaphore_mem>>)
      %dma_start3A_2923 = arith.constant 0 : i32
      %dma_start3A_2924 = arith.constant 1 : i32
      %dma_start3A_2925 = arith.constant 0 : i32
      %dma_start3A_2926 = arith.constant 0 : i32
      %dma_start3A_2927 = arith.constant 0 : i32
      %dma_start3A_2928 = tpu.memref_slice %arg11[%dma_start3A_2923, %dma_start3A_2924, %dma_start3A_2926, %dma_start3A_2927] : memref<2x2x112x32xf32, #tpu.memory_space<vmem>> -> memref<1x1x84x32xf32, #tpu.memory_space<vmem>>
      %dma_start3A_2929 = tpu.memref_squeeze %dma_start3A_2928 : memref<1x1x84x32xf32, #tpu.memory_space<vmem>> -> memref<84x32xf32, #tpu.memory_space<vmem>>
      %dma_start3A_2930 = arith.constant 112 : i32
      %dma_start3A_2931 = arith.constant 0 : i32
      %dma_start3A_2932 = tpu.memref_slice %arg5[%add3A_2902, %dma_start3A_2930, %dma_start3A_2931] : memref<1024x196x32xf32, #tpu.memory_space<hbm>> -> memref<1x84x32xf32, #tpu.memory_space<hbm>>
      %dma_start3A_2933 = tpu.memref_squeeze %dma_start3A_2932 : memref<1x84x32xf32, #tpu.memory_space<hbm>> -> memref<84x32xf32, #tpu.memory_space<hbm>>
      %dma_start3A_2934 = tpu.memref_slice %arg13[%dma_start3A_2925] : memref<2x!tpu.dma_semaphore, #tpu.memory_space<semaphore_mem>> -> memref<1x!tpu.dma_semaphore, #tpu.memory_space<semaphore_mem>>
      %dma_start3A_2935 = tpu.memref_squeeze %dma_start3A_2934 : memref<1x!tpu.dma_semaphore, #tpu.memory_space<semaphore_mem>> -> memref<!tpu.dma_semaphore, #tpu.memory_space<semaphore_mem>>
      %dma_start3A_2936 = arith.constant 112 : i32
      %dma_start3A_2937 = arith.constant 0 : i32
      %dma_start3A_2938 = tpu.memref_slice %arg5[%add3A_2902, %dma_start3A_2936, %dma_start3A_2937] : memref<1024x196x32xf32, #tpu.memory_space<hbm>> -> memref<1x84x32xf32, #tpu.memory_space<hbm>>
      %dma_start3A_2939 = tpu.memref_squeeze %dma_start3A_2938 : memref<1x84x32xf32, #tpu.memory_space<hbm>> -> memref<84x32xf32, #tpu.memory_space<hbm>>
      %dma_start3A_2940 = arith.constant 0 : i32
      %dma_start3A_2941 = arith.constant 0 : i32
      %dma_start3A_2942 = tpu.memref_slice %arg11[%dma_start3A_2923, %dma_start3A_2924, %dma_start3A_2940, %dma_start3A_2941] : memref<2x2x112x32xf32, #tpu.memory_space<vmem>> -> memref<1x1x84x32xf32, #tpu.memory_space<vmem>>
      %dma_start3A_2943 = tpu.memref_squeeze %dma_start3A_2942 : memref<1x1x84x32xf32, #tpu.memory_space<vmem>> -> memref<84x32xf32, #tpu.memory_space<vmem>>
      tpu.enqueue_dma source(%dma_start3A_2943 : memref<84x32xf32, #tpu.memory_space<vmem>>) target(%dma_start3A_2939 : memref<84x32xf32, #tpu.memory_space<hbm>>) target_semaphore(%dma_start3A_2935 : memref<!tpu.dma_semaphore, #tpu.memory_space<semaphore_mem>>)
      %mul3A_2944 = arith.constant 2 : i32
      %mul3A_2945 = arith.muli %mul3A_2944, %scan3A_1535 : i32
      %add3A_2946 = arith.constant 1 : i32
      %add3A_2947 = arith.addi %mul3A_2945, %add3A_2946 : i32
      %lt3A = arith.constant 15 : i32
      %lt3A_2948 = arith.cmpi slt, %scan3A_1535, %lt3A : i32
      %convert_element_type3A_2949 = arith.extui %lt3A_2948 : i1 to i32
      %cond3A_2950 = arith.constant 0 : i32
      %cond3A_2951 = arith.cmpi ne, %convert_element_type3A_2949, %cond3A_2950 : i32
      scf.if %cond3A_2951 {
        %add3A_3000 = arith.constant 1 : i32
        %add3A_3001 = arith.addi %add3A_2947, %add3A_3000 : i32
        %get3A_3002 = arith.index_cast %add3A_3001 : i32 to index
        %get3A_3003 = arith.constant 0 : index
        %get3A_3004 = tpu.vector_load %arg6[%get3A_3002, %get3A_3003] {strides = array<i32>} : memref<32x240xi32, #tpu.memory_space<vmem>>, vector<1x16xi32>,
        %get3A_3005 = vector.shape_cast %get3A_3004 : vector<1x16xi32> to vector<16xi32>
        %add3A_3006 = arith.constant 0 : i32
        %add3A_3007 = vector.broadcast %add3A_3006 : i32 to vector<16xi32>
        %add3A_3008 = arith.addi %get3A_3005, %add3A_3007 : vector<16xi32>
        %swap3A_3009 = arith.constant 0 : i32
        %swap3A_3010 = arith.constant 0 : i32
        %swap3A_3011 = arith.constant 0 : i32
        %swap3A_3012 = arith.index_cast %swap3A_3009 : i32 to index
        %swap3A_3013 = arith.index_cast %swap3A_3010 : i32 to index
        %swap3A_3014 = arith.index_cast %swap3A_3011 : i32 to index
        %swap3A_3015 = arith.constant 0 : index
        %swap3A_3016 = tpu.vector_load %arg7[%swap3A_3012, %swap3A_3013, %swap3A_3014, %swap3A_3015] {strides = array<i32>} : memref<2x5x2x112xi32, #tpu.memory_space<vmem>>, vector<1x1x1x16xi32>,
        %swap3A_3017 = vector.shape_cast %swap3A_3016 : vector<1x1x1x16xi32> to vector<16xi32>
        %swap3A_3018 = vector.shape_cast %add3A_3008 : vector<16xi32> to vector<1x1x1x16xi32>
        tpu.vector_store %arg7[%swap3A_3012, %swap3A_3013, %swap3A_3014, %swap3A_3015], %swap3A_3018 {strides = array<i32>} : memref<2x5x2x112xi32, #tpu.memory_space<vmem>>, vector<1x1x1x16xi32>,
        %get3A_3019 = arith.index_cast %add3A_3001 : i32 to index
        %get3A_3020 = arith.constant 16 : index
        %get3A_3021 = tpu.vector_load %arg6[%get3A_3019, %get3A_3020] {strides = array<i32>} : memref<32x240xi32, #tpu.memory_space<vmem>>, vector<1x16xi32>,
        %get3A_3022 = vector.shape_cast %get3A_3021 : vector<1x16xi32> to vector<16xi32>
        %add3A_3023 = arith.constant 0 : i32
        %add3A_3024 = vector.broadcast %add3A_3023 : i32 to vector<16xi32>
        %add3A_3025 = arith.addi %get3A_3022, %add3A_3024 : vector<16xi32>
        %swap3A_3026 = arith.constant 0 : i32
        %swap3A_3027 = arith.constant 0 : i32
        %swap3A_3028 = arith.constant 0 : i32
        %swap3A_3029 = arith.index_cast %swap3A_3026 : i32 to index
        %swap3A_3030 = arith.index_cast %swap3A_3027 : i32 to index
        %swap3A_3031 = arith.index_cast %swap3A_3028 : i32 to index
        %swap3A_3032 = arith.constant 16 : index
        %swap3A_3033 = tpu.vector_load %arg7[%swap3A_3029, %swap3A_3030, %swap3A_3031, %swap3A_3032] {strides = array<i32>} : memref<2x5x2x112xi32, #tpu.memory_space<vmem>>, vector<1x1x1x16xi32>,
        %swap3A_3034 = vector.shape_cast %swap3A_3033 : vector<1x1x1x16xi32> to vector<16xi32>
        %swap3A_3035 = vector.shape_cast %add3A_3025 : vector<16xi32> to vector<1x1x1x16xi32>
        tpu.vector_store %arg7[%swap3A_3029, %swap3A_3030, %swap3A_3031, %swap3A_3032], %swap3A_3035 {strides = array<i32>} : memref<2x5x2x112xi32, #tpu.memory_space<vmem>>, vector<1x1x1x16xi32>,
        %get3A_3036 = arith.index_cast %add3A_3001 : i32 to index
        %get3A_3037 = arith.constant 32 : index
        %get3A_3038 = tpu.vector_load %arg6[%get3A_3036, %get3A_3037] {strides = array<i32>} : memref<32x240xi32, #tpu.memory_space<vmem>>, vector<1x16xi32>,
        %get3A_3039 = vector.shape_cast %get3A_3038 : vector<1x16xi32> to vector<16xi32>
        %add3A_3040 = arith.constant 0 : i32
        %add3A_3041 = vector.broadcast %add3A_3040 : i32 to vector<16xi32>
        %add3A_3042 = arith.addi %get3A_3039, %add3A_3041 : vector<16xi32>
        %swap3A_3043 = arith.constant 0 : i32
        %swap3A_3044 = arith.constant 0 : i32
        %swap3A_3045 = arith.constant 0 : i32
        %swap3A_3046 = arith.index_cast %swap3A_3043 : i32 to index
        %swap3A_3047 = arith.index_cast %swap3A_3044 : i32 to index
        %swap3A_3048 = arith.index_cast %swap3A_3045 : i32 to index
        %swap3A_3049 = arith.constant 32 : index
        %swap3A_3050 = tpu.vector_load %arg7[%swap3A_3046, %swap3A_3047, %swap3A_3048, %swap3A_3049] {strides = array<i32>} : memref<2x5x2x112xi32, #tpu.memory_space<vmem>>, vector<1x1x1x16xi32>,
        %swap3A_3051 = vector.shape_cast %swap3A_3050 : vector<1x1x1x16xi32> to vector<16xi32>
        %swap3A_3052 = vector.shape_cast %add3A_3042 : vector<16xi32> to vector<1x1x1x16xi32>
        tpu.vector_store %arg7[%swap3A_3046, %swap3A_3047, %swap3A_3048, %swap3A_3049], %swap3A_3052 {strides = array<i32>} : memref<2x5x2x112xi32, #tpu.memory_space<vmem>>, vector<1x1x1x16xi32>,
        %get3A_3053 = arith.index_cast %add3A_3001 : i32 to index
        %get3A_3054 = arith.constant 48 : index
        %get3A_3055 = tpu.vector_load %arg6[%get3A_3053, %get3A_3054] {strides = array<i32>} : memref<32x240xi32, #tpu.memory_space<vmem>>, vector<1x16xi32>,
        %get3A_3056 = vector.shape_cast %get3A_3055 : vector<1x16xi32> to vector<16xi32>
        %add3A_3057 = arith.constant 0 : i32
        %add3A_3058 = vector.broadcast %add3A_3057 : i32 to vector<16xi32>
        %add3A_3059 = arith.addi %get3A_3056, %add3A_3058 : vector<16xi32>
        %swap3A_3060 = arith.constant 0 : i32
        %swap3A_3061 = arith.constant 0 : i32
        %swap3A_3062 = arith.constant 0 : i32
        %swap3A_3063 = arith.index_cast %swap3A_3060 : i32 to index
        %swap3A_3064 = arith.index_cast %swap3A_3061 : i32 to index
        %swap3A_3065 = arith.index_cast %swap3A_3062 : i32 to index
        %swap3A_3066 = arith.constant 48 : index
        %swap3A_3067 = tpu.vector_load %arg7[%swap3A_3063, %swap3A_3064, %swap3A_3065, %swap3A_3066] {strides = array<i32>} : memref<2x5x2x112xi32, #tpu.memory_space<vmem>>, vector<1x1x1x16xi32>,
        %swap3A_3068 = vector.shape_cast %swap3A_3067 : vector<1x1x1x16xi32> to vector<16xi32>
        %swap3A_3069 = vector.shape_cast %add3A_3059 : vector<16xi32> to vector<1x1x1x16xi32>
        tpu.vector_store %arg7[%swap3A_3063, %swap3A_3064, %swap3A_3065, %swap3A_3066], %swap3A_3069 {strides = array<i32>} : memref<2x5x2x112xi32, #tpu.memory_space<vmem>>, vector<1x1x1x16xi32>,
        %get3A_3070 = arith.index_cast %add3A_3001 : i32 to index
        %get3A_3071 = arith.constant 64 : index
        %get3A_3072 = tpu.vector_load %arg6[%get3A_3070, %get3A_3071] {strides = array<i32>} : memref<32x240xi32, #tpu.memory_space<vmem>>, vector<1x16xi32>,
        %get3A_3073 = vector.shape_cast %get3A_3072 : vector<1x16xi32> to vector<16xi32>
        %add3A_3074 = arith.constant 0 : i32
        %add3A_3075 = vector.broadcast %add3A_3074 : i32 to vector<16xi32>
        %add3A_3076 = arith.addi %get3A_3073, %add3A_3075 : vector<16xi32>
        %swap3A_3077 = arith.constant 0 : i32
        %swap3A_3078 = arith.constant 0 : i32
        %swap3A_3079 = arith.constant 0 : i32
        %swap3A_3080 = arith.index_cast %swap3A_3077 : i32 to index
        %swap3A_3081 = arith.index_cast %swap3A_3078 : i32 to index
        %swap3A_3082 = arith.index_cast %swap3A_3079 : i32 to index
        %swap3A_3083 = arith.constant 64 : index
        %swap3A_3084 = tpu.vector_load %arg7[%swap3A_3080, %swap3A_3081, %swap3A_3082, %swap3A_3083] {strides = array<i32>} : memref<2x5x2x112xi32, #tpu.memory_space<vmem>>, vector<1x1x1x16xi32>,
        %swap3A_3085 = vector.shape_cast %swap3A_3084 : vector<1x1x1x16xi32> to vector<16xi32>
        %swap3A_3086 = vector.shape_cast %add3A_3076 : vector<16xi32> to vector<1x1x1x16xi32>
        tpu.vector_store %arg7[%swap3A_3080, %swap3A_3081, %swap3A_3082, %swap3A_3083], %swap3A_3086 {strides = array<i32>} : memref<2x5x2x112xi32, #tpu.memory_space<vmem>>, vector<1x1x1x16xi32>,
        %get3A_3087 = arith.index_cast %add3A_3001 : i32 to index
        %get3A_3088 = arith.constant 80 : index
        %get3A_3089 = tpu.vector_load %arg6[%get3A_3087, %get3A_3088] {strides = array<i32>} : memref<32x240xi32, #tpu.memory_space<vmem>>, vector<1x16xi32>,
        %get3A_3090 = vector.shape_cast %get3A_3089 : vector<1x16xi32> to vector<16xi32>
        %add3A_3091 = arith.constant 0 : i32
        %add3A_3092 = vector.broadcast %add3A_3091 : i32 to vector<16xi32>
        %add3A_3093 = arith.addi %get3A_3090, %add3A_3092 : vector<16xi32>
        %swap3A_3094 = arith.constant 0 : i32
        %swap3A_3095 = arith.constant 0 : i32
        %swap3A_3096 = arith.constant 0 : i32
        %swap3A_3097 = arith.index_cast %swap3A_3094 : i32 to index
        %swap3A_3098 = arith.index_cast %swap3A_3095 : i32 to index
        %swap3A_3099 = arith.index_cast %swap3A_3096 : i32 to index
        %swap3A_3100 = arith.constant 80 : index
        %swap3A_3101 = tpu.vector_load %arg7[%swap3A_3097, %swap3A_3098, %swap3A_3099, %swap3A_3100] {strides = array<i32>} : memref<2x5x2x112xi32, #tpu.memory_space<vmem>>, vector<1x1x1x16xi32>,
        %swap3A_3102 = vector.shape_cast %swap3A_3101 : vector<1x1x1x16xi32> to vector<16xi32>
        %swap3A_3103 = vector.shape_cast %add3A_3093 : vector<16xi32> to vector<1x1x1x16xi32>
        tpu.vector_store %arg7[%swap3A_3097, %swap3A_3098, %swap3A_3099, %swap3A_3100], %swap3A_3103 {strides = array<i32>} : memref<2x5x2x112xi32, #tpu.memory_space<vmem>>, vector<1x1x1x16xi32>,
        %get3A_3104 = arith.index_cast %add3A_3001 : i32 to index
        %get3A_3105 = arith.constant 96 : index
        %get3A_3106 = tpu.vector_load %arg6[%get3A_3104, %get3A_3105] {strides = array<i32>} : memref<32x240xi32, #tpu.memory_space<vmem>>, vector<1x16xi32>,
        %get3A_3107 = vector.shape_cast %get3A_3106 : vector<1x16xi32> to vector<16xi32>
        %add3A_3108 = arith.constant 0 : i32
        %add3A_3109 = vector.broadcast %add3A_3108 : i32 to vector<16xi32>
        %add3A_3110 = arith.addi %get3A_3107, %add3A_3109 : vector<16xi32>
        %swap3A_3111 = arith.constant 0 : i32
        %swap3A_3112 = arith.constant 0 : i32
        %swap3A_3113 = arith.constant 0 : i32
        %swap3A_3114 = arith.index_cast %swap3A_3111 : i32 to index
        %swap3A_3115 = arith.index_cast %swap3A_3112 : i32 to index
        %swap3A_3116 = arith.index_cast %swap3A_3113 : i32 to index
        %swap3A_3117 = arith.constant 96 : index
        %swap3A_3118 = tpu.vector_load %arg7[%swap3A_3114, %swap3A_3115, %swap3A_3116, %swap3A_3117] {strides = array<i32>} : memref<2x5x2x112xi32, #tpu.memory_space<vmem>>, vector<1x1x1x16xi32>,
        %swap3A_3119 = vector.shape_cast %swap3A_3118 : vector<1x1x1x16xi32> to vector<16xi32>
        %swap3A_3120 = vector.shape_cast %add3A_3110 : vector<16xi32> to vector<1x1x1x16xi32>
        tpu.vector_store %arg7[%swap3A_3114, %swap3A_3115, %swap3A_3116, %swap3A_3117], %swap3A_3120 {strides = array<i32>} : memref<2x5x2x112xi32, #tpu.memory_space<vmem>>, vector<1x1x1x16xi32>,
        %get3A_3121 = arith.index_cast %add3A_3001 : i32 to index
        %get3A_3122 = arith.constant 112 : index
        %get3A_3123 = tpu.vector_load %arg6[%get3A_3121, %get3A_3122] {strides = array<i32>} : memref<32x240xi32, #tpu.memory_space<vmem>>, vector<1x16xi32>,
        %get3A_3124 = vector.shape_cast %get3A_3123 : vector<1x16xi32> to vector<16xi32>
        %add3A_3125 = arith.constant 0 : i32
        %add3A_3126 = vector.broadcast %add3A_3125 : i32 to vector<16xi32>
        %add3A_3127 = arith.addi %get3A_3124, %add3A_3126 : vector<16xi32>
        %swap3A_3128 = arith.constant 0 : i32
        %swap3A_3129 = arith.constant 0 : i32
        %swap3A_3130 = arith.constant 1 : i32
        %swap3A_3131 = arith.index_cast %swap3A_3128 : i32 to index
        %swap3A_3132 = arith.index_cast %swap3A_3129 : i32 to index
        %swap3A_3133 = arith.index_cast %swap3A_3130 : i32 to index
        %swap3A_3134 = arith.constant 0 : index
        %swap3A_3135 = tpu.vector_load %arg7[%swap3A_3131, %swap3A_3132, %swap3A_3133, %swap3A_3134] {strides = array<i32>} : memref<2x5x2x112xi32, #tpu.memory_space<vmem>>, vector<1x1x1x16xi32>,
        %swap3A_3136 = vector.shape_cast %swap3A_3135 : vector<1x1x1x16xi32> to vector<16xi32>
        %swap3A_3137 = vector.shape_cast %add3A_3127 : vector<16xi32> to vector<1x1x1x16xi32>
        tpu.vector_store %arg7[%swap3A_3131, %swap3A_3132, %swap3A_3133, %swap3A_3134], %swap3A_3137 {strides = array<i32>} : memref<2x5x2x112xi32, #tpu.memory_space<vmem>>, vector<1x1x1x16xi32>,
        %get3A_3138 = arith.index_cast %add3A_3001 : i32 to index
        %get3A_3139 = arith.constant 128 : index
        %get3A_3140 = tpu.vector_load %arg6[%get3A_3138, %get3A_3139] {strides = array<i32>} : memref<32x240xi32, #tpu.memory_space<vmem>>, vector<1x16xi32>,
        %get3A_3141 = vector.shape_cast %get3A_3140 : vector<1x16xi32> to vector<16xi32>
        %add3A_3142 = arith.constant 0 : i32
        %add3A_3143 = vector.broadcast %add3A_3142 : i32 to vector<16xi32>
        %add3A_3144 = arith.addi %get3A_3141, %add3A_3143 : vector<16xi32>
        %swap3A_3145 = arith.constant 0 : i32
        %swap3A_3146 = arith.constant 0 : i32
        %swap3A_3147 = arith.constant 1 : i32
        %swap3A_3148 = arith.index_cast %swap3A_3145 : i32 to index
        %swap3A_3149 = arith.index_cast %swap3A_3146 : i32 to index
        %swap3A_3150 = arith.index_cast %swap3A_3147 : i32 to index
        %swap3A_3151 = arith.constant 16 : index
        %swap3A_3152 = tpu.vector_load %arg7[%swap3A_3148, %swap3A_3149, %swap3A_3150, %swap3A_3151] {strides = array<i32>} : memref<2x5x2x112xi32, #tpu.memory_space<vmem>>, vector<1x1x1x16xi32>,
        %swap3A_3153 = vector.shape_cast %swap3A_3152 : vector<1x1x1x16xi32> to vector<16xi32>
        %swap3A_3154 = vector.shape_cast %add3A_3144 : vector<16xi32> to vector<1x1x1x16xi32>
        tpu.vector_store %arg7[%swap3A_3148, %swap3A_3149, %swap3A_3150, %swap3A_3151], %swap3A_3154 {strides = array<i32>} : memref<2x5x2x112xi32, #tpu.memory_space<vmem>>, vector<1x1x1x16xi32>,
        %get3A_3155 = arith.index_cast %add3A_3001 : i32 to index
        %get3A_3156 = arith.constant 144 : index
        %get3A_3157 = tpu.vector_load %arg6[%get3A_3155, %get3A_3156] {strides = array<i32>} : memref<32x240xi32, #tpu.memory_space<vmem>>, vector<1x16xi32>,
        %get3A_3158 = vector.shape_cast %get3A_3157 : vector<1x16xi32> to vector<16xi32>
        %add3A_3159 = arith.constant 0 : i32
        %add3A_3160 = vector.broadcast %add3A_3159 : i32 to vector<16xi32>
        %add3A_3161 = arith.addi %get3A_3158, %add3A_3160 : vector<16xi32>
        %swap3A_3162 = arith.constant 0 : i32
        %swap3A_3163 = arith.constant 0 : i32
        %swap3A_3164 = arith.constant 1 : i32
        %swap3A_3165 = arith.index_cast %swap3A_3162 : i32 to index
        %swap3A_3166 = arith.index_cast %swap3A_3163 : i32 to index
        %swap3A_3167 = arith.index_cast %swap3A_3164 : i32 to index
        %swap3A_3168 = arith.constant 32 : index
        %swap3A_3169 = tpu.vector_load %arg7[%swap3A_3165, %swap3A_3166, %swap3A_3167, %swap3A_3168] {strides = array<i32>} : memref<2x5x2x112xi32, #tpu.memory_space<vmem>>, vector<1x1x1x16xi32>,
        %swap3A_3170 = vector.shape_cast %swap3A_3169 : vector<1x1x1x16xi32> to vector<16xi32>
        %swap3A_3171 = vector.shape_cast %add3A_3161 : vector<16xi32> to vector<1x1x1x16xi32>
        tpu.vector_store %arg7[%swap3A_3165, %swap3A_3166, %swap3A_3167, %swap3A_3168], %swap3A_3171 {strides = array<i32>} : memref<2x5x2x112xi32, #tpu.memory_space<vmem>>, vector<1x1x1x16xi32>,
        %get3A_3172 = arith.index_cast %add3A_3001 : i32 to index
        %get3A_3173 = arith.constant 160 : index
        %get3A_3174 = tpu.vector_load %arg6[%get3A_3172, %get3A_3173] {strides = array<i32>} : memref<32x240xi32, #tpu.memory_space<vmem>>, vector<1x16xi32>,
        %get3A_3175 = vector.shape_cast %get3A_3174 : vector<1x16xi32> to vector<16xi32>
        %add3A_3176 = arith.constant 0 : i32
        %add3A_3177 = vector.broadcast %add3A_3176 : i32 to vector<16xi32>
        %add3A_3178 = arith.addi %get3A_3175, %add3A_3177 : vector<16xi32>
        %swap3A_3179 = arith.constant 0 : i32
        %swap3A_3180 = arith.constant 0 : i32
        %swap3A_3181 = arith.constant 1 : i32
        %swap3A_3182 = arith.index_cast %swap3A_3179 : i32 to index
        %swap3A_3183 = arith.index_cast %swap3A_3180 : i32 to index
        %swap3A_3184 = arith.index_cast %swap3A_3181 : i32 to index
        %swap3A_3185 = arith.constant 48 : index
        %swap3A_3186 = tpu.vector_load %arg7[%swap3A_3182, %swap3A_3183, %swap3A_3184, %swap3A_3185] {strides = array<i32>} : memref<2x5x2x112xi32, #tpu.memory_space<vmem>>, vector<1x1x1x16xi32>,
        %swap3A_3187 = vector.shape_cast %swap3A_3186 : vector<1x1x1x16xi32> to vector<16xi32>
        %swap3A_3188 = vector.shape_cast %add3A_3178 : vector<16xi32> to vector<1x1x1x16xi32>
        tpu.vector_store %arg7[%swap3A_3182, %swap3A_3183, %swap3A_3184, %swap3A_3185], %swap3A_3188 {strides = array<i32>} : memref<2x5x2x112xi32, #tpu.memory_space<vmem>>, vector<1x1x1x16xi32>,
        %get3A_3189 = arith.index_cast %add3A_3001 : i32 to index
        %get3A_3190 = arith.constant 176 : index
        %get3A_3191 = tpu.vector_load %arg6[%get3A_3189, %get3A_3190] {strides = array<i32>} : memref<32x240xi32, #tpu.memory_space<vmem>>, vector<1x16xi32>,
        %get3A_3192 = vector.shape_cast %get3A_3191 : vector<1x16xi32> to vector<16xi32>
        %add3A_3193 = arith.constant 0 : i32
        %add3A_3194 = vector.broadcast %add3A_3193 : i32 to vector<16xi32>
        %add3A_3195 = arith.addi %get3A_3192, %add3A_3194 : vector<16xi32>
        %swap3A_3196 = arith.constant 0 : i32
        %swap3A_3197 = arith.constant 0 : i32
        %swap3A_3198 = arith.constant 1 : i32
        %swap3A_3199 = arith.index_cast %swap3A_3196 : i32 to index
        %swap3A_3200 = arith.index_cast %swap3A_3197 : i32 to index
        %swap3A_3201 = arith.index_cast %swap3A_3198 : i32 to index
        %swap3A_3202 = arith.constant 64 : index
        %swap3A_3203 = tpu.vector_load %arg7[%swap3A_3199, %swap3A_3200, %swap3A_3201, %swap3A_3202] {strides = array<i32>} : memref<2x5x2x112xi32, #tpu.memory_space<vmem>>, vector<1x1x1x16xi32>,
        %swap3A_3204 = vector.shape_cast %swap3A_3203 : vector<1x1x1x16xi32> to vector<16xi32>
        %swap3A_3205 = vector.shape_cast %add3A_3195 : vector<16xi32> to vector<1x1x1x16xi32>
        tpu.vector_store %arg7[%swap3A_3199, %swap3A_3200, %swap3A_3201, %swap3A_3202], %swap3A_3205 {strides = array<i32>} : memref<2x5x2x112xi32, #tpu.memory_space<vmem>>, vector<1x1x1x16xi32>,
        %get3A_3206 = arith.index_cast %add3A_3001 : i32 to index
        %get3A_3207 = arith.constant 192 : index
        %get3A_3208 = tpu.vector_load %arg6[%get3A_3206, %get3A_3207] {strides = array<i32>} : memref<32x240xi32, #tpu.memory_space<vmem>>, vector<1x16xi32>,
        %get3A_3209 = vector.shape_cast %get3A_3208 : vector<1x16xi32> to vector<16xi32>
        %add3A_3210 = arith.constant 0 : i32
        %add3A_3211 = vector.broadcast %add3A_3210 : i32 to vector<16xi32>
        %add3A_3212 = arith.addi %get3A_3209, %add3A_3211 : vector<16xi32>
        %swap3A_3213 = arith.constant 0 : i32
        %swap3A_3214 = arith.constant 0 : i32
        %swap3A_3215 = arith.constant 1 : i32
        %swap3A_3216 = arith.index_cast %swap3A_3213 : i32 to index
        %swap3A_3217 = arith.index_cast %swap3A_3214 : i32 to index
        %swap3A_3218 = arith.index_cast %swap3A_3215 : i32 to index
        %swap3A_3219 = arith.constant 80 : index
        %swap3A_3220 = tpu.vector_load %arg7[%swap3A_3216, %swap3A_3217, %swap3A_3218, %swap3A_3219] {strides = array<i32>} : memref<2x5x2x112xi32, #tpu.memory_space<vmem>>, vector<1x1x1x16xi32>,
        %swap3A_3221 = vector.shape_cast %swap3A_3220 : vector<1x1x1x16xi32> to vector<16xi32>
        %swap3A_3222 = vector.shape_cast %add3A_3212 : vector<16xi32> to vector<1x1x1x16xi32>
        tpu.vector_store %arg7[%swap3A_3216, %swap3A_3217, %swap3A_3218, %swap3A_3219], %swap3A_3222 {strides = array<i32>} : memref<2x5x2x112xi32, #tpu.memory_space<vmem>>, vector<1x1x1x16xi32>,
        %get3A_3223 = arith.index_cast %add3A_3001 : i32 to index
        %get3A_3224 = arith.constant 208 : index
        %get3A_3225 = tpu.vector_load %arg6[%get3A_3223, %get3A_3224] {strides = array<i32>} : memref<32x240xi32, #tpu.memory_space<vmem>>, vector<1x16xi32>,
        %get3A_3226 = vector.shape_cast %get3A_3225 : vector<1x16xi32> to vector<16xi32>
        %add3A_3227 = arith.constant 0 : i32
        %add3A_3228 = vector.broadcast %add3A_3227 : i32 to vector<16xi32>
        %add3A_3229 = arith.addi %get3A_3226, %add3A_3228 : vector<16xi32>
        %swap3A_3230 = arith.constant 0 : i32
        %swap3A_3231 = arith.constant 0 : i32
        %swap3A_3232 = arith.constant 1 : i32
        %swap3A_3233 = arith.index_cast %swap3A_3230 : i32 to index
        %swap3A_3234 = arith.index_cast %swap3A_3231 : i32 to index
        %swap3A_3235 = arith.index_cast %swap3A_3232 : i32 to index
        %swap3A_3236 = arith.constant 96 : index
        %swap3A_3237 = tpu.vector_load %arg7[%swap3A_3233, %swap3A_3234, %swap3A_3235, %swap3A_3236] {strides = array<i32>} : memref<2x5x2x112xi32, #tpu.memory_space<vmem>>, vector<1x1x1x16xi32>,
        %swap3A_3238 = vector.shape_cast %swap3A_3237 : vector<1x1x1x16xi32> to vector<16xi32>
        %swap3A_3239 = vector.shape_cast %add3A_3229 : vector<16xi32> to vector<1x1x1x16xi32>
        tpu.vector_store %arg7[%swap3A_3233, %swap3A_3234, %swap3A_3235, %swap3A_3236], %swap3A_3239 {strides = array<i32>} : memref<2x5x2x112xi32, #tpu.memory_space<vmem>>, vector<1x1x1x16xi32>,
        %get3A_3240 = arith.index_cast %add3A_3001 : i32 to index
        %get3A_3241 = arith.constant 1 : index
        %get3A_3242 = tpu.vector_load %arg6[%get3A_3240, %get3A_3241] {strides = array<i32>} : memref<32x240xi32, #tpu.memory_space<vmem>>, vector<1x16xi32>,
        %get3A_3243 = vector.shape_cast %get3A_3242 : vector<1x16xi32> to vector<16xi32>
        %add3A_3244 = arith.constant 100000 : i32
        %add3A_3245 = vector.broadcast %add3A_3244 : i32 to vector<16xi32>
        %add3A_3246 = arith.addi %get3A_3243, %add3A_3245 : vector<16xi32>
        %swap3A_3247 = arith.constant 0 : i32
        %swap3A_3248 = arith.constant 1 : i32
        %swap3A_3249 = arith.constant 0 : i32
        %swap3A_3250 = arith.index_cast %swap3A_3247 : i32 to index
        %swap3A_3251 = arith.index_cast %swap3A_3248 : i32 to index
        %swap3A_3252 = arith.index_cast %swap3A_3249 : i32 to index
        %swap3A_3253 = arith.constant 0 : index
        %swap3A_3254 = tpu.vector_load %arg7[%swap3A_3250, %swap3A_3251, %swap3A_3252, %swap3A_3253] {strides = array<i32>} : memref<2x5x2x112xi32, #tpu.memory_space<vmem>>, vector<1x1x1x16xi32>,
        %swap3A_3255 = vector.shape_cast %swap3A_3254 : vector<1x1x1x16xi32> to vector<16xi32>
        %swap3A_3256 = vector.shape_cast %add3A_3246 : vector<16xi32> to vector<1x1x1x16xi32>
        tpu.vector_store %arg7[%swap3A_3250, %swap3A_3251, %swap3A_3252, %swap3A_3253], %swap3A_3256 {strides = array<i32>} : memref<2x5x2x112xi32, #tpu.memory_space<vmem>>, vector<1x1x1x16xi32>,
        %get3A_3257 = arith.index_cast %add3A_3001 : i32 to index
        %get3A_3258 = arith.constant 17 : index
        %get3A_3259 = tpu.vector_load %arg6[%get3A_3257, %get3A_3258] {strides = array<i32>} : memref<32x240xi32, #tpu.memory_space<vmem>>, vector<1x16xi32>,
        %get3A_3260 = vector.shape_cast %get3A_3259 : vector<1x16xi32> to vector<16xi32>
        %add3A_3261 = arith.constant 100000 : i32
        %add3A_3262 = vector.broadcast %add3A_3261 : i32 to vector<16xi32>
        %add3A_3263 = arith.addi %get3A_3260, %add3A_3262 : vector<16xi32>
        %swap3A_3264 = arith.constant 0 : i32
        %swap3A_3265 = arith.constant 1 : i32
        %swap3A_3266 = arith.constant 0 : i32
        %swap3A_3267 = arith.index_cast %swap3A_3264 : i32 to index
        %swap3A_3268 = arith.index_cast %swap3A_3265 : i32 to index
        %swap3A_3269 = arith.index_cast %swap3A_3266 : i32 to index
        %swap3A_3270 = arith.constant 16 : index
        %swap3A_3271 = tpu.vector_load %arg7[%swap3A_3267, %swap3A_3268, %swap3A_3269, %swap3A_3270] {strides = array<i32>} : memref<2x5x2x112xi32, #tpu.memory_space<vmem>>, vector<1x1x1x16xi32>,
        %swap3A_3272 = vector.shape_cast %swap3A_3271 : vector<1x1x1x16xi32> to vector<16xi32>
        %swap3A_3273 = vector.shape_cast %add3A_3263 : vector<16xi32> to vector<1x1x1x16xi32>
        tpu.vector_store %arg7[%swap3A_3267, %swap3A_3268, %swap3A_3269, %swap3A_3270], %swap3A_3273 {strides = array<i32>} : memref<2x5x2x112xi32, #tpu.memory_space<vmem>>, vector<1x1x1x16xi32>,
        %get3A_3274 = arith.index_cast %add3A_3001 : i32 to index
        %get3A_3275 = arith.constant 33 : index
        %get3A_3276 = tpu.vector_load %arg6[%get3A_3274, %get3A_3275] {strides = array<i32>} : memref<32x240xi32, #tpu.memory_space<vmem>>, vector<1x16xi32>,
        %get3A_3277 = vector.shape_cast %get3A_3276 : vector<1x16xi32> to vector<16xi32>
        %add3A_3278 = arith.constant 100000 : i32
        %add3A_3279 = vector.broadcast %add3A_3278 : i32 to vector<16xi32>
        %add3A_3280 = arith.addi %get3A_3277, %add3A_3279 : vector<16xi32>
        %swap3A_3281 = arith.constant 0 : i32
        %swap3A_3282 = arith.constant 1 : i32
        %swap3A_3283 = arith.constant 0 : i32
        %swap3A_3284 = arith.index_cast %swap3A_3281 : i32 to index
        %swap3A_3285 = arith.index_cast %swap3A_3282 : i32 to index
        %swap3A_3286 = arith.index_cast %swap3A_3283 : i32 to index
        %swap3A_3287 = arith.constant 32 : index
        %swap3A_3288 = tpu.vector_load %arg7[%swap3A_3284, %swap3A_3285, %swap3A_3286, %swap3A_3287] {strides = array<i32>} : memref<2x5x2x112xi32, #tpu.memory_space<vmem>>, vector<1x1x1x16xi32>,
        %swap3A_3289 = vector.shape_cast %swap3A_3288 : vector<1x1x1x16xi32> to vector<16xi32>
        %swap3A_3290 = vector.shape_cast %add3A_3280 : vector<16xi32> to vector<1x1x1x16xi32>
        tpu.vector_store %arg7[%swap3A_3284, %swap3A_3285, %swap3A_3286, %swap3A_3287], %swap3A_3290 {strides = array<i32>} : memref<2x5x2x112xi32, #tpu.memory_space<vmem>>, vector<1x1x1x16xi32>,
        %get3A_3291 = arith.index_cast %add3A_3001 : i32 to index
        %get3A_3292 = arith.constant 49 : index
        %get3A_3293 = tpu.vector_load %arg6[%get3A_3291, %get3A_3292] {strides = array<i32>} : memref<32x240xi32, #tpu.memory_space<vmem>>, vector<1x16xi32>,
        %get3A_3294 = vector.shape_cast %get3A_3293 : vector<1x16xi32> to vector<16xi32>
        %add3A_3295 = arith.constant 100000 : i32
        %add3A_3296 = vector.broadcast %add3A_3295 : i32 to vector<16xi32>
        %add3A_3297 = arith.addi %get3A_3294, %add3A_3296 : vector<16xi32>
        %swap3A_3298 = arith.constant 0 : i32
        %swap3A_3299 = arith.constant 1 : i32
        %swap3A_3300 = arith.constant 0 : i32
        %swap3A_3301 = arith.index_cast %swap3A_3298 : i32 to index
        %swap3A_3302 = arith.index_cast %swap3A_3299 : i32 to index
        %swap3A_3303 = arith.index_cast %swap3A_3300 : i32 to index
        %swap3A_3304 = arith.constant 48 : index
        %swap3A_3305 = tpu.vector_load %arg7[%swap3A_3301, %swap3A_3302, %swap3A_3303, %swap3A_3304] {strides = array<i32>} : memref<2x5x2x112xi32, #tpu.memory_space<vmem>>, vector<1x1x1x16xi32>,
        %swap3A_3306 = vector.shape_cast %swap3A_3305 : vector<1x1x1x16xi32> to vector<16xi32>
        %swap3A_3307 = vector.shape_cast %add3A_3297 : vector<16xi32> to vector<1x1x1x16xi32>
        tpu.vector_store %arg7[%swap3A_3301, %swap3A_3302, %swap3A_3303, %swap3A_3304], %swap3A_3307 {strides = array<i32>} : memref<2x5x2x112xi32, #tpu.memory_space<vmem>>, vector<1x1x1x16xi32>,
        %get3A_3308 = arith.index_cast %add3A_3001 : i32 to index
        %get3A_3309 = arith.constant 65 : index
        %get3A_3310 = tpu.vector_load %arg6[%get3A_3308, %get3A_3309] {strides = array<i32>} : memref<32x240xi32, #tpu.memory_space<vmem>>, vector<1x16xi32>,
        %get3A_3311 = vector.shape_cast %get3A_3310 : vector<1x16xi32> to vector<16xi32>
        %add3A_3312 = arith.constant 100000 : i32
        %add3A_3313 = vector.broadcast %add3A_3312 : i32 to vector<16xi32>
        %add3A_3314 = arith.addi %get3A_3311, %add3A_3313 : vector<16xi32>
        %swap3A_3315 = arith.constant 0 : i32
        %swap3A_3316 = arith.constant 1 : i32
        %swap3A_3317 = arith.constant 0 : i32
        %swap3A_3318 = arith.index_cast %swap3A_3315 : i32 to index
        %swap3A_3319 = arith.index_cast %swap3A_3316 : i32 to index
        %swap3A_3320 = arith.index_cast %swap3A_3317 : i32 to index
        %swap3A_3321 = arith.constant 64 : index
        %swap3A_3322 = tpu.vector_load %arg7[%swap3A_3318, %swap3A_3319, %swap3A_3320, %swap3A_3321] {strides = array<i32>} : memref<2x5x2x112xi32, #tpu.memory_space<vmem>>, vector<1x1x1x16xi32>,
        %swap3A_3323 = vector.shape_cast %swap3A_3322 : vector<1x1x1x16xi32> to vector<16xi32>
        %swap3A_3324 = vector.shape_cast %add3A_3314 : vector<16xi32> to vector<1x1x1x16xi32>
        tpu.vector_store %arg7[%swap3A_3318, %swap3A_3319, %swap3A_3320, %swap3A_3321], %swap3A_3324 {strides = array<i32>} : memref<2x5x2x112xi32, #tpu.memory_space<vmem>>, vector<1x1x1x16xi32>,
        %get3A_3325 = arith.index_cast %add3A_3001 : i32 to index
        %get3A_3326 = arith.constant 81 : index
        %get3A_3327 = tpu.vector_load %arg6[%get3A_3325, %get3A_3326] {strides = array<i32>} : memref<32x240xi32, #tpu.memory_space<vmem>>, vector<1x16xi32>,
        %get3A_3328 = vector.shape_cast %get3A_3327 : vector<1x16xi32> to vector<16xi32>
        %add3A_3329 = arith.constant 100000 : i32
        %add3A_3330 = vector.broadcast %add3A_3329 : i32 to vector<16xi32>
        %add3A_3331 = arith.addi %get3A_3328, %add3A_3330 : vector<16xi32>
        %swap3A_3332 = arith.constant 0 : i32
        %swap3A_3333 = arith.constant 1 : i32
        %swap3A_3334 = arith.constant 0 : i32
        %swap3A_3335 = arith.index_cast %swap3A_3332 : i32 to index
        %swap3A_3336 = arith.index_cast %swap3A_3333 : i32 to index
        %swap3A_3337 = arith.index_cast %swap3A_3334 : i32 to index
        %swap3A_3338 = arith.constant 80 : index
        %swap3A_3339 = tpu.vector_load %arg7[%swap3A_3335, %swap3A_3336, %swap3A_3337, %swap3A_3338] {strides = array<i32>} : memref<2x5x2x112xi32, #tpu.memory_space<vmem>>, vector<1x1x1x16xi32>,
        %swap3A_3340 = vector.shape_cast %swap3A_3339 : vector<1x1x1x16xi32> to vector<16xi32>
        %swap3A_3341 = vector.shape_cast %add3A_3331 : vector<16xi32> to vector<1x1x1x16xi32>
        tpu.vector_store %arg7[%swap3A_3335, %swap3A_3336, %swap3A_3337, %swap3A_3338], %swap3A_3341 {strides = array<i32>} : memref<2x5x2x112xi32, #tpu.memory_space<vmem>>, vector<1x1x1x16xi32>,
        %get3A_3342 = arith.index_cast %add3A_3001 : i32 to index
        %get3A_3343 = arith.constant 97 : index
        %get3A_3344 = tpu.vector_load %arg6[%get3A_3342, %get3A_3343] {strides = array<i32>} : memref<32x240xi32, #tpu.memory_space<vmem>>, vector<1x16xi32>,
        %get3A_3345 = vector.shape_cast %get3A_3344 : vector<1x16xi32> to vector<16xi32>
        %add3A_3346 = arith.constant 100000 : i32
        %add3A_3347 = vector.broadcast %add3A_3346 : i32 to vector<16xi32>
        %add3A_3348 = arith.addi %get3A_3345, %add3A_3347 : vector<16xi32>
        %swap3A_3349 = arith.constant 0 : i32
        %swap3A_3350 = arith.constant 1 : i32
        %swap3A_3351 = arith.constant 0 : i32
        %swap3A_3352 = arith.index_cast %swap3A_3349 : i32 to index
        %swap3A_3353 = arith.index_cast %swap3A_3350 : i32 to index
        %swap3A_3354 = arith.index_cast %swap3A_3351 : i32 to index
        %swap3A_3355 = arith.constant 96 : index
        %swap3A_3356 = tpu.vector_load %arg7[%swap3A_3352, %swap3A_3353, %swap3A_3354, %swap3A_3355] {strides = array<i32>} : memref<2x5x2x112xi32, #tpu.memory_space<vmem>>, vector<1x1x1x16xi32>,
        %swap3A_3357 = vector.shape_cast %swap3A_3356 : vector<1x1x1x16xi32> to vector<16xi32>
        %swap3A_3358 = vector.shape_cast %add3A_3348 : vector<16xi32> to vector<1x1x1x16xi32>
        tpu.vector_store %arg7[%swap3A_3352, %swap3A_3353, %swap3A_3354, %swap3A_3355], %swap3A_3358 {strides = array<i32>} : memref<2x5x2x112xi32, #tpu.memory_space<vmem>>, vector<1x1x1x16xi32>,
        %get3A_3359 = arith.index_cast %add3A_3001 : i32 to index
        %get3A_3360 = arith.constant 113 : index
        %get3A_3361 = tpu.vector_load %arg6[%get3A_3359, %get3A_3360] {strides = array<i32>} : memref<32x240xi32, #tpu.memory_space<vmem>>, vector<1x16xi32>,
        %get3A_3362 = vector.shape_cast %get3A_3361 : vector<1x16xi32> to vector<16xi32>
        %add3A_3363 = arith.constant 100000 : i32
        %add3A_3364 = vector.broadcast %add3A_3363 : i32 to vector<16xi32>
        %add3A_3365 = arith.addi %get3A_3362, %add3A_3364 : vector<16xi32>
        %swap3A_3366 = arith.constant 0 : i32
        %swap3A_3367 = arith.constant 1 : i32
        %swap3A_3368 = arith.constant 1 : i32
        %swap3A_3369 = arith.index_cast %swap3A_3366 : i32 to index
        %swap3A_3370 = arith.index_cast %swap3A_3367 : i32 to index
        %swap3A_3371 = arith.index_cast %swap3A_3368 : i32 to index
        %swap3A_3372 = arith.constant 0 : index
        %swap3A_3373 = tpu.vector_load %arg7[%swap3A_3369, %swap3A_3370, %swap3A_3371, %swap3A_3372] {strides = array<i32>} : memref<2x5x2x112xi32, #tpu.memory_space<vmem>>, vector<1x1x1x16xi32>,
        %swap3A_3374 = vector.shape_cast %swap3A_3373 : vector<1x1x1x16xi32> to vector<16xi32>
        %swap3A_3375 = vector.shape_cast %add3A_3365 : vector<16xi32> to vector<1x1x1x16xi32>
        tpu.vector_store %arg7[%swap3A_3369, %swap3A_3370, %swap3A_3371, %swap3A_3372], %swap3A_3375 {strides = array<i32>} : memref<2x5x2x112xi32, #tpu.memory_space<vmem>>, vector<1x1x1x16xi32>,
        %get3A_3376 = arith.index_cast %add3A_3001 : i32 to index
        %get3A_3377 = arith.constant 129 : index
        %get3A_3378 = tpu.vector_load %arg6[%get3A_3376, %get3A_3377] {strides = array<i32>} : memref<32x240xi32, #tpu.memory_space<vmem>>, vector<1x16xi32>,
        %get3A_3379 = vector.shape_cast %get3A_3378 : vector<1x16xi32> to vector<16xi32>
        %add3A_3380 = arith.constant 100000 : i32
        %add3A_3381 = vector.broadcast %add3A_3380 : i32 to vector<16xi32>
        %add3A_3382 = arith.addi %get3A_3379, %add3A_3381 : vector<16xi32>
        %swap3A_3383 = arith.constant 0 : i32
        %swap3A_3384 = arith.constant 1 : i32
        %swap3A_3385 = arith.constant 1 : i32
        %swap3A_3386 = arith.index_cast %swap3A_3383 : i32 to index
        %swap3A_3387 = arith.index_cast %swap3A_3384 : i32 to index
        %swap3A_3388 = arith.index_cast %swap3A_3385 : i32 to index
        %swap3A_3389 = arith.constant 16 : index
        %swap3A_3390 = tpu.vector_load %arg7[%swap3A_3386, %swap3A_3387, %swap3A_3388, %swap3A_3389] {strides = array<i32>} : memref<2x5x2x112xi32, #tpu.memory_space<vmem>>, vector<1x1x1x16xi32>,
        %swap3A_3391 = vector.shape_cast %swap3A_3390 : vector<1x1x1x16xi32> to vector<16xi32>
        %swap3A_3392 = vector.shape_cast %add3A_3382 : vector<16xi32> to vector<1x1x1x16xi32>
        tpu.vector_store %arg7[%swap3A_3386, %swap3A_3387, %swap3A_3388, %swap3A_3389], %swap3A_3392 {strides = array<i32>} : memref<2x5x2x112xi32, #tpu.memory_space<vmem>>, vector<1x1x1x16xi32>,
        %get3A_3393 = arith.index_cast %add3A_3001 : i32 to index
        %get3A_3394 = arith.constant 145 : index
        %get3A_3395 = tpu.vector_load %arg6[%get3A_3393, %get3A_3394] {strides = array<i32>} : memref<32x240xi32, #tpu.memory_space<vmem>>, vector<1x16xi32>,
        %get3A_3396 = vector.shape_cast %get3A_3395 : vector<1x16xi32> to vector<16xi32>
        %add3A_3397 = arith.constant 100000 : i32
        %add3A_3398 = vector.broadcast %add3A_3397 : i32 to vector<16xi32>
        %add3A_3399 = arith.addi %get3A_3396, %add3A_3398 : vector<16xi32>
        %swap3A_3400 = arith.constant 0 : i32
        %swap3A_3401 = arith.constant 1 : i32
        %swap3A_3402 = arith.constant 1 : i32
        %swap3A_3403 = arith.index_cast %swap3A_3400 : i32 to index
        %swap3A_3404 = arith.index_cast %swap3A_3401 : i32 to index
        %swap3A_3405 = arith.index_cast %swap3A_3402 : i32 to index
        %swap3A_3406 = arith.constant 32 : index
        %swap3A_3407 = tpu.vector_load %arg7[%swap3A_3403, %swap3A_3404, %swap3A_3405, %swap3A_3406] {strides = array<i32>} : memref<2x5x2x112xi32, #tpu.memory_space<vmem>>, vector<1x1x1x16xi32>,
        %swap3A_3408 = vector.shape_cast %swap3A_3407 : vector<1x1x1x16xi32> to vector<16xi32>
        %swap3A_3409 = vector.shape_cast %add3A_3399 : vector<16xi32> to vector<1x1x1x16xi32>
        tpu.vector_store %arg7[%swap3A_3403, %swap3A_3404, %swap3A_3405, %swap3A_3406], %swap3A_3409 {strides = array<i32>} : memref<2x5x2x112xi32, #tpu.memory_space<vmem>>, vector<1x1x1x16xi32>,
        %get3A_3410 = arith.index_cast %add3A_3001 : i32 to index
        %get3A_3411 = arith.constant 161 : index
        %get3A_3412 = tpu.vector_load %arg6[%get3A_3410, %get3A_3411] {strides = array<i32>} : memref<32x240xi32, #tpu.memory_space<vmem>>, vector<1x16xi32>,
        %get3A_3413 = vector.shape_cast %get3A_3412 : vector<1x16xi32> to vector<16xi32>
        %add3A_3414 = arith.constant 100000 : i32
        %add3A_3415 = vector.broadcast %add3A_3414 : i32 to vector<16xi32>
        %add3A_3416 = arith.addi %get3A_3413, %add3A_3415 : vector<16xi32>
        %swap3A_3417 = arith.constant 0 : i32
        %swap3A_3418 = arith.constant 1 : i32
        %swap3A_3419 = arith.constant 1 : i32
        %swap3A_3420 = arith.index_cast %swap3A_3417 : i32 to index
        %swap3A_3421 = arith.index_cast %swap3A_3418 : i32 to index
        %swap3A_3422 = arith.index_cast %swap3A_3419 : i32 to index
        %swap3A_3423 = arith.constant 48 : index
        %swap3A_3424 = tpu.vector_load %arg7[%swap3A_3420, %swap3A_3421, %swap3A_3422, %swap3A_3423] {strides = array<i32>} : memref<2x5x2x112xi32, #tpu.memory_space<vmem>>, vector<1x1x1x16xi32>,
        %swap3A_3425 = vector.shape_cast %swap3A_3424 : vector<1x1x1x16xi32> to vector<16xi32>
        %swap3A_3426 = vector.shape_cast %add3A_3416 : vector<16xi32> to vector<1x1x1x16xi32>
        tpu.vector_store %arg7[%swap3A_3420, %swap3A_3421, %swap3A_3422, %swap3A_3423], %swap3A_3426 {strides = array<i32>} : memref<2x5x2x112xi32, #tpu.memory_space<vmem>>, vector<1x1x1x16xi32>,
        %get3A_3427 = arith.index_cast %add3A_3001 : i32 to index
        %get3A_3428 = arith.constant 177 : index
        %get3A_3429 = tpu.vector_load %arg6[%get3A_3427, %get3A_3428] {strides = array<i32>} : memref<32x240xi32, #tpu.memory_space<vmem>>, vector<1x16xi32>,
        %get3A_3430 = vector.shape_cast %get3A_3429 : vector<1x16xi32> to vector<16xi32>
        %add3A_3431 = arith.constant 100000 : i32
        %add3A_3432 = vector.broadcast %add3A_3431 : i32 to vector<16xi32>
        %add3A_3433 = arith.addi %get3A_3430, %add3A_3432 : vector<16xi32>
        %swap3A_3434 = arith.constant 0 : i32
        %swap3A_3435 = arith.constant 1 : i32
        %swap3A_3436 = arith.constant 1 : i32
        %swap3A_3437 = arith.index_cast %swap3A_3434 : i32 to index
        %swap3A_3438 = arith.index_cast %swap3A_3435 : i32 to index
        %swap3A_3439 = arith.index_cast %swap3A_3436 : i32 to index
        %swap3A_3440 = arith.constant 64 : index
        %swap3A_3441 = tpu.vector_load %arg7[%swap3A_3437, %swap3A_3438, %swap3A_3439, %swap3A_3440] {strides = array<i32>} : memref<2x5x2x112xi32, #tpu.memory_space<vmem>>, vector<1x1x1x16xi32>,
        %swap3A_3442 = vector.shape_cast %swap3A_3441 : vector<1x1x1x16xi32> to vector<16xi32>
        %swap3A_3443 = vector.shape_cast %add3A_3433 : vector<16xi32> to vector<1x1x1x16xi32>
        tpu.vector_store %arg7[%swap3A_3437, %swap3A_3438, %swap3A_3439, %swap3A_3440], %swap3A_3443 {strides = array<i32>} : memref<2x5x2x112xi32, #tpu.memory_space<vmem>>, vector<1x1x1x16xi32>,
        %get3A_3444 = arith.index_cast %add3A_3001 : i32 to index
        %get3A_3445 = arith.constant 193 : index
        %get3A_3446 = tpu.vector_load %arg6[%get3A_3444, %get3A_3445] {strides = array<i32>} : memref<32x240xi32, #tpu.memory_space<vmem>>, vector<1x16xi32>,
        %get3A_3447 = vector.shape_cast %get3A_3446 : vector<1x16xi32> to vector<16xi32>
        %add3A_3448 = arith.constant 100000 : i32
        %add3A_3449 = vector.broadcast %add3A_3448 : i32 to vector<16xi32>
        %add3A_3450 = arith.addi %get3A_3447, %add3A_3449 : vector<16xi32>
        %swap3A_3451 = arith.constant 0 : i32
        %swap3A_3452 = arith.constant 1 : i32
        %swap3A_3453 = arith.constant 1 : i32
        %swap3A_3454 = arith.index_cast %swap3A_3451 : i32 to index
        %swap3A_3455 = arith.index_cast %swap3A_3452 : i32 to index
        %swap3A_3456 = arith.index_cast %swap3A_3453 : i32 to index
        %swap3A_3457 = arith.constant 80 : index
        %swap3A_3458 = tpu.vector_load %arg7[%swap3A_3454, %swap3A_3455, %swap3A_3456, %swap3A_3457] {strides = array<i32>} : memref<2x5x2x112xi32, #tpu.memory_space<vmem>>, vector<1x1x1x16xi32>,
        %swap3A_3459 = vector.shape_cast %swap3A_3458 : vector<1x1x1x16xi32> to vector<16xi32>
        %swap3A_3460 = vector.shape_cast %add3A_3450 : vector<16xi32> to vector<1x1x1x16xi32>
        tpu.vector_store %arg7[%swap3A_3454, %swap3A_3455, %swap3A_3456, %swap3A_3457], %swap3A_3460 {strides = array<i32>} : memref<2x5x2x112xi32, #tpu.memory_space<vmem>>, vector<1x1x1x16xi32>,
        %get3A_3461 = arith.index_cast %add3A_3001 : i32 to index
        %get3A_3462 = arith.constant 209 : index
        %get3A_3463 = tpu.vector_load %arg6[%get3A_3461, %get3A_3462] {strides = array<i32>} : memref<32x240xi32, #tpu.memory_space<vmem>>, vector<1x16xi32>,
        %get3A_3464 = vector.shape_cast %get3A_3463 : vector<1x16xi32> to vector<16xi32>
        %add3A_3465 = arith.constant 100000 : i32
        %add3A_3466 = vector.broadcast %add3A_3465 : i32 to vector<16xi32>
        %add3A_3467 = arith.addi %get3A_3464, %add3A_3466 : vector<16xi32>
        %swap3A_3468 = arith.constant 0 : i32
        %swap3A_3469 = arith.constant 1 : i32
        %swap3A_3470 = arith.constant 1 : i32
        %swap3A_3471 = arith.index_cast %swap3A_3468 : i32 to index
        %swap3A_3472 = arith.index_cast %swap3A_3469 : i32 to index
        %swap3A_3473 = arith.index_cast %swap3A_3470 : i32 to index
        %swap3A_3474 = arith.constant 96 : index
        %swap3A_3475 = tpu.vector_load %arg7[%swap3A_3471, %swap3A_3472, %swap3A_3473, %swap3A_3474] {strides = array<i32>} : memref<2x5x2x112xi32, #tpu.memory_space<vmem>>, vector<1x1x1x16xi32>,
        %swap3A_3476 = vector.shape_cast %swap3A_3475 : vector<1x1x1x16xi32> to vector<16xi32>
        %swap3A_3477 = vector.shape_cast %add3A_3467 : vector<16xi32> to vector<1x1x1x16xi32>
        tpu.vector_store %arg7[%swap3A_3471, %swap3A_3472, %swap3A_3473, %swap3A_3474], %swap3A_3477 {strides = array<i32>} : memref<2x5x2x112xi32, #tpu.memory_space<vmem>>, vector<1x1x1x16xi32>,
        %get3A_3478 = arith.index_cast %add3A_3001 : i32 to index
        %get3A_3479 = arith.constant 2 : index
        %get3A_3480 = tpu.vector_load %arg6[%get3A_3478, %get3A_3479] {strides = array<i32>} : memref<32x240xi32, #tpu.memory_space<vmem>>, vector<1x16xi32>,
        %get3A_3481 = vector.shape_cast %get3A_3480 : vector<1x16xi32> to vector<16xi32>
        %add3A_3482 = arith.constant 200000 : i32
        %add3A_3483 = vector.broadcast %add3A_3482 : i32 to vector<16xi32>
        %add3A_3484 = arith.addi %get3A_3481, %add3A_3483 : vector<16xi32>
        %swap3A_3485 = arith.constant 0 : i32
        %swap3A_3486 = arith.constant 2 : i32
        %swap3A_3487 = arith.constant 0 : i32
        %swap3A_3488 = arith.index_cast %swap3A_3485 : i32 to index
        %swap3A_3489 = arith.index_cast %swap3A_3486 : i32 to index
        %swap3A_3490 = arith.index_cast %swap3A_3487 : i32 to index
        %swap3A_3491 = arith.constant 0 : index
        %swap3A_3492 = tpu.vector_load %arg7[%swap3A_3488, %swap3A_3489, %swap3A_3490, %swap3A_3491] {strides = array<i32>} : memref<2x5x2x112xi32, #tpu.memory_space<vmem>>, vector<1x1x1x16xi32>,
        %swap3A_3493 = vector.shape_cast %swap3A_3492 : vector<1x1x1x16xi32> to vector<16xi32>
        %swap3A_3494 = vector.shape_cast %add3A_3484 : vector<16xi32> to vector<1x1x1x16xi32>
        tpu.vector_store %arg7[%swap3A_3488, %swap3A_3489, %swap3A_3490, %swap3A_3491], %swap3A_3494 {strides = array<i32>} : memref<2x5x2x112xi32, #tpu.memory_space<vmem>>, vector<1x1x1x16xi32>,
        %get3A_3495 = arith.index_cast %add3A_3001 : i32 to index
        %get3A_3496 = arith.constant 18 : index
        %get3A_3497 = tpu.vector_load %arg6[%get3A_3495, %get3A_3496] {strides = array<i32>} : memref<32x240xi32, #tpu.memory_space<vmem>>, vector<1x16xi32>,
        %get3A_3498 = vector.shape_cast %get3A_3497 : vector<1x16xi32> to vector<16xi32>
        %add3A_3499 = arith.constant 200000 : i32
        %add3A_3500 = vector.broadcast %add3A_3499 : i32 to vector<16xi32>
        %add3A_3501 = arith.addi %get3A_3498, %add3A_3500 : vector<16xi32>
        %swap3A_3502 = arith.constant 0 : i32
        %swap3A_3503 = arith.constant 2 : i32
        %swap3A_3504 = arith.constant 0 : i32
        %swap3A_3505 = arith.index_cast %swap3A_3502 : i32 to index
        %swap3A_3506 = arith.index_cast %swap3A_3503 : i32 to index
        %swap3A_3507 = arith.index_cast %swap3A_3504 : i32 to index
        %swap3A_3508 = arith.constant 16 : index
        %swap3A_3509 = tpu.vector_load %arg7[%swap3A_3505, %swap3A_3506, %swap3A_3507, %swap3A_3508] {strides = array<i32>} : memref<2x5x2x112xi32, #tpu.memory_space<vmem>>, vector<1x1x1x16xi32>,
        %swap3A_3510 = vector.shape_cast %swap3A_3509 : vector<1x1x1x16xi32> to vector<16xi32>
        %swap3A_3511 = vector.shape_cast %add3A_3501 : vector<16xi32> to vector<1x1x1x16xi32>
        tpu.vector_store %arg7[%swap3A_3505, %swap3A_3506, %swap3A_3507, %swap3A_3508], %swap3A_3511 {strides = array<i32>} : memref<2x5x2x112xi32, #tpu.memory_space<vmem>>, vector<1x1x1x16xi32>,
        %get3A_3512 = arith.index_cast %add3A_3001 : i32 to index
        %get3A_3513 = arith.constant 34 : index
        %get3A_3514 = tpu.vector_load %arg6[%get3A_3512, %get3A_3513] {strides = array<i32>} : memref<32x240xi32, #tpu.memory_space<vmem>>, vector<1x16xi32>,
        %get3A_3515 = vector.shape_cast %get3A_3514 : vector<1x16xi32> to vector<16xi32>
        %add3A_3516 = arith.constant 200000 : i32
        %add3A_3517 = vector.broadcast %add3A_3516 : i32 to vector<16xi32>
        %add3A_3518 = arith.addi %get3A_3515, %add3A_3517 : vector<16xi32>
        %swap3A_3519 = arith.constant 0 : i32
        %swap3A_3520 = arith.constant 2 : i32
        %swap3A_3521 = arith.constant 0 : i32
        %swap3A_3522 = arith.index_cast %swap3A_3519 : i32 to index
        %swap3A_3523 = arith.index_cast %swap3A_3520 : i32 to index
        %swap3A_3524 = arith.index_cast %swap3A_3521 : i32 to index
        %swap3A_3525 = arith.constant 32 : index
        %swap3A_3526 = tpu.vector_load %arg7[%swap3A_3522, %swap3A_3523, %swap3A_3524, %swap3A_3525] {strides = array<i32>} : memref<2x5x2x112xi32, #tpu.memory_space<vmem>>, vector<1x1x1x16xi32>,
        %swap3A_3527 = vector.shape_cast %swap3A_3526 : vector<1x1x1x16xi32> to vector<16xi32>
        %swap3A_3528 = vector.shape_cast %add3A_3518 : vector<16xi32> to vector<1x1x1x16xi32>
        tpu.vector_store %arg7[%swap3A_3522, %swap3A_3523, %swap3A_3524, %swap3A_3525], %swap3A_3528 {strides = array<i32>} : memref<2x5x2x112xi32, #tpu.memory_space<vmem>>, vector<1x1x1x16xi32>,
        %get3A_3529 = arith.index_cast %add3A_3001 : i32 to index
        %get3A_3530 = arith.constant 50 : index
        %get3A_3531 = tpu.vector_load %arg6[%get3A_3529, %get3A_3530] {strides = array<i32>} : memref<32x240xi32, #tpu.memory_space<vmem>>, vector<1x16xi32>,
        %get3A_3532 = vector.shape_cast %get3A_3531 : vector<1x16xi32> to vector<16xi32>
        %add3A_3533 = arith.constant 200000 : i32
        %add3A_3534 = vector.broadcast %add3A_3533 : i32 to vector<16xi32>
        %add3A_3535 = arith.addi %get3A_3532, %add3A_3534 : vector<16xi32>
        %swap3A_3536 = arith.constant 0 : i32
        %swap3A_3537 = arith.constant 2 : i32
        %swap3A_3538 = arith.constant 0 : i32
        %swap3A_3539 = arith.index_cast %swap3A_3536 : i32 to index
        %swap3A_3540 = arith.index_cast %swap3A_3537 : i32 to index
        %swap3A_3541 = arith.index_cast %swap3A_3538 : i32 to index
        %swap3A_3542 = arith.constant 48 : index
        %swap3A_3543 = tpu.vector_load %arg7[%swap3A_3539, %swap3A_3540, %swap3A_3541, %swap3A_3542] {strides = array<i32>} : memref<2x5x2x112xi32, #tpu.memory_space<vmem>>, vector<1x1x1x16xi32>,
        %swap3A_3544 = vector.shape_cast %swap3A_3543 : vector<1x1x1x16xi32> to vector<16xi32>
        %swap3A_3545 = vector.shape_cast %add3A_3535 : vector<16xi32> to vector<1x1x1x16xi32>
        tpu.vector_store %arg7[%swap3A_3539, %swap3A_3540, %swap3A_3541, %swap3A_3542], %swap3A_3545 {strides = array<i32>} : memref<2x5x2x112xi32, #tpu.memory_space<vmem>>, vector<1x1x1x16xi32>,
        %get3A_3546 = arith.index_cast %add3A_3001 : i32 to index
        %get3A_3547 = arith.constant 66 : index
        %get3A_3548 = tpu.vector_load %arg6[%get3A_3546, %get3A_3547] {strides = array<i32>} : memref<32x240xi32, #tpu.memory_space<vmem>>, vector<1x16xi32>,
        %get3A_3549 = vector.shape_cast %get3A_3548 : vector<1x16xi32> to vector<16xi32>
        %add3A_3550 = arith.constant 200000 : i32
        %add3A_3551 = vector.broadcast %add3A_3550 : i32 to vector<16xi32>
        %add3A_3552 = arith.addi %get3A_3549, %add3A_3551 : vector<16xi32>
        %swap3A_3553 = arith.constant 0 : i32
        %swap3A_3554 = arith.constant 2 : i32
        %swap3A_3555 = arith.constant 0 : i32
        %swap3A_3556 = arith.index_cast %swap3A_3553 : i32 to index
        %swap3A_3557 = arith.index_cast %swap3A_3554 : i32 to index
        %swap3A_3558 = arith.index_cast %swap3A_3555 : i32 to index
        %swap3A_3559 = arith.constant 64 : index
        %swap3A_3560 = tpu.vector_load %arg7[%swap3A_3556, %swap3A_3557, %swap3A_3558, %swap3A_3559] {strides = array<i32>} : memref<2x5x2x112xi32, #tpu.memory_space<vmem>>, vector<1x1x1x16xi32>,
        %swap3A_3561 = vector.shape_cast %swap3A_3560 : vector<1x1x1x16xi32> to vector<16xi32>
        %swap3A_3562 = vector.shape_cast %add3A_3552 : vector<16xi32> to vector<1x1x1x16xi32>
        tpu.vector_store %arg7[%swap3A_3556, %swap3A_3557, %swap3A_3558, %swap3A_3559], %swap3A_3562 {strides = array<i32>} : memref<2x5x2x112xi32, #tpu.memory_space<vmem>>, vector<1x1x1x16xi32>,
        %get3A_3563 = arith.index_cast %add3A_3001 : i32 to index
        %get3A_3564 = arith.constant 82 : index
        %get3A_3565 = tpu.vector_load %arg6[%get3A_3563, %get3A_3564] {strides = array<i32>} : memref<32x240xi32, #tpu.memory_space<vmem>>, vector<1x16xi32>,
        %get3A_3566 = vector.shape_cast %get3A_3565 : vector<1x16xi32> to vector<16xi32>
        %add3A_3567 = arith.constant 200000 : i32
        %add3A_3568 = vector.broadcast %add3A_3567 : i32 to vector<16xi32>
        %add3A_3569 = arith.addi %get3A_3566, %add3A_3568 : vector<16xi32>
        %swap3A_3570 = arith.constant 0 : i32
        %swap3A_3571 = arith.constant 2 : i32
        %swap3A_3572 = arith.constant 0 : i32
        %swap3A_3573 = arith.index_cast %swap3A_3570 : i32 to index
        %swap3A_3574 = arith.index_cast %swap3A_3571 : i32 to index
        %swap3A_3575 = arith.index_cast %swap3A_3572 : i32 to index
        %swap3A_3576 = arith.constant 80 : index
        %swap3A_3577 = tpu.vector_load %arg7[%swap3A_3573, %swap3A_3574, %swap3A_3575, %swap3A_3576] {strides = array<i32>} : memref<2x5x2x112xi32, #tpu.memory_space<vmem>>, vector<1x1x1x16xi32>,
        %swap3A_3578 = vector.shape_cast %swap3A_3577 : vector<1x1x1x16xi32> to vector<16xi32>
        %swap3A_3579 = vector.shape_cast %add3A_3569 : vector<16xi32> to vector<1x1x1x16xi32>
        tpu.vector_store %arg7[%swap3A_3573, %swap3A_3574, %swap3A_3575, %swap3A_3576], %swap3A_3579 {strides = array<i32>} : memref<2x5x2x112xi32, #tpu.memory_space<vmem>>, vector<1x1x1x16xi32>,
        %get3A_3580 = arith.index_cast %add3A_3001 : i32 to index
        %get3A_3581 = arith.constant 98 : index
        %get3A_3582 = tpu.vector_load %arg6[%get3A_3580, %get3A_3581] {strides = array<i32>} : memref<32x240xi32, #tpu.memory_space<vmem>>, vector<1x16xi32>,
        %get3A_3583 = vector.shape_cast %get3A_3582 : vector<1x16xi32> to vector<16xi32>
        %add3A_3584 = arith.constant 200000 : i32
        %add3A_3585 = vector.broadcast %add3A_3584 : i32 to vector<16xi32>
        %add3A_3586 = arith.addi %get3A_3583, %add3A_3585 : vector<16xi32>
        %swap3A_3587 = arith.constant 0 : i32
        %swap3A_3588 = arith.constant 2 : i32
        %swap3A_3589 = arith.constant 0 : i32
        %swap3A_3590 = arith.index_cast %swap3A_3587 : i32 to index
        %swap3A_3591 = arith.index_cast %swap3A_3588 : i32 to index
        %swap3A_3592 = arith.index_cast %swap3A_3589 : i32 to index
        %swap3A_3593 = arith.constant 96 : index
        %swap3A_3594 = tpu.vector_load %arg7[%swap3A_3590, %swap3A_3591, %swap3A_3592, %swap3A_3593] {strides = array<i32>} : memref<2x5x2x112xi32, #tpu.memory_space<vmem>>, vector<1x1x1x16xi32>,
        %swap3A_3595 = vector.shape_cast %swap3A_3594 : vector<1x1x1x16xi32> to vector<16xi32>
        %swap3A_3596 = vector.shape_cast %add3A_3586 : vector<16xi32> to vector<1x1x1x16xi32>
        tpu.vector_store %arg7[%swap3A_3590, %swap3A_3591, %swap3A_3592, %swap3A_3593], %swap3A_3596 {strides = array<i32>} : memref<2x5x2x112xi32, #tpu.memory_space<vmem>>, vector<1x1x1x16xi32>,
        %get3A_3597 = arith.index_cast %add3A_3001 : i32 to index
        %get3A_3598 = arith.constant 114 : index
        %get3A_3599 = tpu.vector_load %arg6[%get3A_3597, %get3A_3598] {strides = array<i32>} : memref<32x240xi32, #tpu.memory_space<vmem>>, vector<1x16xi32>,
        %get3A_3600 = vector.shape_cast %get3A_3599 : vector<1x16xi32> to vector<16xi32>
        %add3A_3601 = arith.constant 200000 : i32
        %add3A_3602 = vector.broadcast %add3A_3601 : i32 to vector<16xi32>
        %add3A_3603 = arith.addi %get3A_3600, %add3A_3602 : vector<16xi32>
        %swap3A_3604 = arith.constant 0 : i32
        %swap3A_3605 = arith.constant 2 : i32
        %swap3A_3606 = arith.constant 1 : i32
        %swap3A_3607 = arith.index_cast %swap3A_3604 : i32 to index
        %swap3A_3608 = arith.index_cast %swap3A_3605 : i32 to index
        %swap3A_3609 = arith.index_cast %swap3A_3606 : i32 to index
        %swap3A_3610 = arith.constant 0 : index
        %swap3A_3611 = tpu.vector_load %arg7[%swap3A_3607, %swap3A_3608, %swap3A_3609, %swap3A_3610] {strides = array<i32>} : memref<2x5x2x112xi32, #tpu.memory_space<vmem>>, vector<1x1x1x16xi32>,
        %swap3A_3612 = vector.shape_cast %swap3A_3611 : vector<1x1x1x16xi32> to vector<16xi32>
        %swap3A_3613 = vector.shape_cast %add3A_3603 : vector<16xi32> to vector<1x1x1x16xi32>
        tpu.vector_store %arg7[%swap3A_3607, %swap3A_3608, %swap3A_3609, %swap3A_3610], %swap3A_3613 {strides = array<i32>} : memref<2x5x2x112xi32, #tpu.memory_space<vmem>>, vector<1x1x1x16xi32>,
        %get3A_3614 = arith.index_cast %add3A_3001 : i32 to index
        %get3A_3615 = arith.constant 130 : index
        %get3A_3616 = tpu.vector_load %arg6[%get3A_3614, %get3A_3615] {strides = array<i32>} : memref<32x240xi32, #tpu.memory_space<vmem>>, vector<1x16xi32>,
        %get3A_3617 = vector.shape_cast %get3A_3616 : vector<1x16xi32> to vector<16xi32>
        %add3A_3618 = arith.constant 200000 : i32
        %add3A_3619 = vector.broadcast %add3A_3618 : i32 to vector<16xi32>
        %add3A_3620 = arith.addi %get3A_3617, %add3A_3619 : vector<16xi32>
        %swap3A_3621 = arith.constant 0 : i32
        %swap3A_3622 = arith.constant 2 : i32
        %swap3A_3623 = arith.constant 1 : i32
        %swap3A_3624 = arith.index_cast %swap3A_3621 : i32 to index
        %swap3A_3625 = arith.index_cast %swap3A_3622 : i32 to index
        %swap3A_3626 = arith.index_cast %swap3A_3623 : i32 to index
        %swap3A_3627 = arith.constant 16 : index
        %swap3A_3628 = tpu.vector_load %arg7[%swap3A_3624, %swap3A_3625, %swap3A_3626, %swap3A_3627] {strides = array<i32>} : memref<2x5x2x112xi32, #tpu.memory_space<vmem>>, vector<1x1x1x16xi32>,
        %swap3A_3629 = vector.shape_cast %swap3A_3628 : vector<1x1x1x16xi32> to vector<16xi32>
        %swap3A_3630 = vector.shape_cast %add3A_3620 : vector<16xi32> to vector<1x1x1x16xi32>
        tpu.vector_store %arg7[%swap3A_3624, %swap3A_3625, %swap3A_3626, %swap3A_3627], %swap3A_3630 {strides = array<i32>} : memref<2x5x2x112xi32, #tpu.memory_space<vmem>>, vector<1x1x1x16xi32>,
        %get3A_3631 = arith.index_cast %add3A_3001 : i32 to index
        %get3A_3632 = arith.constant 146 : index
        %get3A_3633 = tpu.vector_load %arg6[%get3A_3631, %get3A_3632] {strides = array<i32>} : memref<32x240xi32, #tpu.memory_space<vmem>>, vector<1x16xi32>,
        %get3A_3634 = vector.shape_cast %get3A_3633 : vector<1x16xi32> to vector<16xi32>
        %add3A_3635 = arith.constant 200000 : i32
        %add3A_3636 = vector.broadcast %add3A_3635 : i32 to vector<16xi32>
        %add3A_3637 = arith.addi %get3A_3634, %add3A_3636 : vector<16xi32>
        %swap3A_3638 = arith.constant 0 : i32
        %swap3A_3639 = arith.constant 2 : i32
        %swap3A_3640 = arith.constant 1 : i32
        %swap3A_3641 = arith.index_cast %swap3A_3638 : i32 to index
        %swap3A_3642 = arith.index_cast %swap3A_3639 : i32 to index
        %swap3A_3643 = arith.index_cast %swap3A_3640 : i32 to index
        %swap3A_3644 = arith.constant 32 : index
        %swap3A_3645 = tpu.vector_load %arg7[%swap3A_3641, %swap3A_3642, %swap3A_3643, %swap3A_3644] {strides = array<i32>} : memref<2x5x2x112xi32, #tpu.memory_space<vmem>>, vector<1x1x1x16xi32>,
        %swap3A_3646 = vector.shape_cast %swap3A_3645 : vector<1x1x1x16xi32> to vector<16xi32>
        %swap3A_3647 = vector.shape_cast %add3A_3637 : vector<16xi32> to vector<1x1x1x16xi32>
        tpu.vector_store %arg7[%swap3A_3641, %swap3A_3642, %swap3A_3643, %swap3A_3644], %swap3A_3647 {strides = array<i32>} : memref<2x5x2x112xi32, #tpu.memory_space<vmem>>, vector<1x1x1x16xi32>,
        %get3A_3648 = arith.index_cast %add3A_3001 : i32 to index
        %get3A_3649 = arith.constant 162 : index
        %get3A_3650 = tpu.vector_load %arg6[%get3A_3648, %get3A_3649] {strides = array<i32>} : memref<32x240xi32, #tpu.memory_space<vmem>>, vector<1x16xi32>,
        %get3A_3651 = vector.shape_cast %get3A_3650 : vector<1x16xi32> to vector<16xi32>
        %add3A_3652 = arith.constant 200000 : i32
        %add3A_3653 = vector.broadcast %add3A_3652 : i32 to vector<16xi32>
        %add3A_3654 = arith.addi %get3A_3651, %add3A_3653 : vector<16xi32>
        %swap3A_3655 = arith.constant 0 : i32
        %swap3A_3656 = arith.constant 2 : i32
        %swap3A_3657 = arith.constant 1 : i32
        %swap3A_3658 = arith.index_cast %swap3A_3655 : i32 to index
        %swap3A_3659 = arith.index_cast %swap3A_3656 : i32 to index
        %swap3A_3660 = arith.index_cast %swap3A_3657 : i32 to index
        %swap3A_3661 = arith.constant 48 : index
        %swap3A_3662 = tpu.vector_load %arg7[%swap3A_3658, %swap3A_3659, %swap3A_3660, %swap3A_3661] {strides = array<i32>} : memref<2x5x2x112xi32, #tpu.memory_space<vmem>>, vector<1x1x1x16xi32>,
        %swap3A_3663 = vector.shape_cast %swap3A_3662 : vector<1x1x1x16xi32> to vector<16xi32>
        %swap3A_3664 = vector.shape_cast %add3A_3654 : vector<16xi32> to vector<1x1x1x16xi32>
        tpu.vector_store %arg7[%swap3A_3658, %swap3A_3659, %swap3A_3660, %swap3A_3661], %swap3A_3664 {strides = array<i32>} : memref<2x5x2x112xi32, #tpu.memory_space<vmem>>, vector<1x1x1x16xi32>,
        %get3A_3665 = arith.index_cast %add3A_3001 : i32 to index
        %get3A_3666 = arith.constant 178 : index
        %get3A_3667 = tpu.vector_load %arg6[%get3A_3665, %get3A_3666] {strides = array<i32>} : memref<32x240xi32, #tpu.memory_space<vmem>>, vector<1x16xi32>,
        %get3A_3668 = vector.shape_cast %get3A_3667 : vector<1x16xi32> to vector<16xi32>
        %add3A_3669 = arith.constant 200000 : i32
        %add3A_3670 = vector.broadcast %add3A_3669 : i32 to vector<16xi32>
        %add3A_3671 = arith.addi %get3A_3668, %add3A_3670 : vector<16xi32>
        %swap3A_3672 = arith.constant 0 : i32
        %swap3A_3673 = arith.constant 2 : i32
        %swap3A_3674 = arith.constant 1 : i32
        %swap3A_3675 = arith.index_cast %swap3A_3672 : i32 to index
        %swap3A_3676 = arith.index_cast %swap3A_3673 : i32 to index
        %swap3A_3677 = arith.index_cast %swap3A_3674 : i32 to index
        %swap3A_3678 = arith.constant 64 : index
        %swap3A_3679 = tpu.vector_load %arg7[%swap3A_3675, %swap3A_3676, %swap3A_3677, %swap3A_3678] {strides = array<i32>} : memref<2x5x2x112xi32, #tpu.memory_space<vmem>>, vector<1x1x1x16xi32>,
        %swap3A_3680 = vector.shape_cast %swap3A_3679 : vector<1x1x1x16xi32> to vector<16xi32>
        %swap3A_3681 = vector.shape_cast %add3A_3671 : vector<16xi32> to vector<1x1x1x16xi32>
        tpu.vector_store %arg7[%swap3A_3675, %swap3A_3676, %swap3A_3677, %swap3A_3678], %swap3A_3681 {strides = array<i32>} : memref<2x5x2x112xi32, #tpu.memory_space<vmem>>, vector<1x1x1x16xi32>,
        %get3A_3682 = arith.index_cast %add3A_3001 : i32 to index
        %get3A_3683 = arith.constant 194 : index
        %get3A_3684 = tpu.vector_load %arg6[%get3A_3682, %get3A_3683] {strides = array<i32>} : memref<32x240xi32, #tpu.memory_space<vmem>>, vector<1x16xi32>,
        %get3A_3685 = vector.shape_cast %get3A_3684 : vector<1x16xi32> to vector<16xi32>
        %add3A_3686 = arith.constant 200000 : i32
        %add3A_3687 = vector.broadcast %add3A_3686 : i32 to vector<16xi32>
        %add3A_3688 = arith.addi %get3A_3685, %add3A_3687 : vector<16xi32>
        %swap3A_3689 = arith.constant 0 : i32
        %swap3A_3690 = arith.constant 2 : i32
        %swap3A_3691 = arith.constant 1 : i32
        %swap3A_3692 = arith.index_cast %swap3A_3689 : i32 to index
        %swap3A_3693 = arith.index_cast %swap3A_3690 : i32 to index
        %swap3A_3694 = arith.index_cast %swap3A_3691 : i32 to index
        %swap3A_3695 = arith.constant 80 : index
        %swap3A_3696 = tpu.vector_load %arg7[%swap3A_3692, %swap3A_3693, %swap3A_3694, %swap3A_3695] {strides = array<i32>} : memref<2x5x2x112xi32, #tpu.memory_space<vmem>>, vector<1x1x1x16xi32>,
        %swap3A_3697 = vector.shape_cast %swap3A_3696 : vector<1x1x1x16xi32> to vector<16xi32>
        %swap3A_3698 = vector.shape_cast %add3A_3688 : vector<16xi32> to vector<1x1x1x16xi32>
        tpu.vector_store %arg7[%swap3A_3692, %swap3A_3693, %swap3A_3694, %swap3A_3695], %swap3A_3698 {strides = array<i32>} : memref<2x5x2x112xi32, #tpu.memory_space<vmem>>, vector<1x1x1x16xi32>,
        %get3A_3699 = arith.index_cast %add3A_3001 : i32 to index
        %get3A_3700 = arith.constant 210 : index
        %get3A_3701 = tpu.vector_load %arg6[%get3A_3699, %get3A_3700] {strides = array<i32>} : memref<32x240xi32, #tpu.memory_space<vmem>>, vector<1x16xi32>,
        %get3A_3702 = vector.shape_cast %get3A_3701 : vector<1x16xi32> to vector<16xi32>
        %add3A_3703 = arith.constant 200000 : i32
        %add3A_3704 = vector.broadcast %add3A_3703 : i32 to vector<16xi32>
        %add3A_3705 = arith.addi %get3A_3702, %add3A_3704 : vector<16xi32>
        %swap3A_3706 = arith.constant 0 : i32
        %swap3A_3707 = arith.constant 2 : i32
        %swap3A_3708 = arith.constant 1 : i32
        %swap3A_3709 = arith.index_cast %swap3A_3706 : i32 to index
        %swap3A_3710 = arith.index_cast %swap3A_3707 : i32 to index
        %swap3A_3711 = arith.index_cast %swap3A_3708 : i32 to index
        %swap3A_3712 = arith.constant 96 : index
        %swap3A_3713 = tpu.vector_load %arg7[%swap3A_3709, %swap3A_3710, %swap3A_3711, %swap3A_3712] {strides = array<i32>} : memref<2x5x2x112xi32, #tpu.memory_space<vmem>>, vector<1x1x1x16xi32>,
        %swap3A_3714 = vector.shape_cast %swap3A_3713 : vector<1x1x1x16xi32> to vector<16xi32>
        %swap3A_3715 = vector.shape_cast %add3A_3705 : vector<16xi32> to vector<1x1x1x16xi32>
        tpu.vector_store %arg7[%swap3A_3709, %swap3A_3710, %swap3A_3711, %swap3A_3712], %swap3A_3715 {strides = array<i32>} : memref<2x5x2x112xi32, #tpu.memory_space<vmem>>, vector<1x1x1x16xi32>,
        %get3A_3716 = arith.index_cast %add3A_3001 : i32 to index
        %get3A_3717 = arith.constant 3 : index
        %get3A_3718 = tpu.vector_load %arg6[%get3A_3716, %get3A_3717] {strides = array<i32>} : memref<32x240xi32, #tpu.memory_space<vmem>>, vector<1x16xi32>,
        %get3A_3719 = vector.shape_cast %get3A_3718 : vector<1x16xi32> to vector<16xi32>
        %add3A_3720 = arith.constant 300000 : i32
        %add3A_3721 = vector.broadcast %add3A_3720 : i32 to vector<16xi32>
        %add3A_3722 = arith.addi %get3A_3719, %add3A_3721 : vector<16xi32>
        %swap3A_3723 = arith.constant 0 : i32
        %swap3A_3724 = arith.constant 3 : i32
        %swap3A_3725 = arith.constant 0 : i32
        %swap3A_3726 = arith.index_cast %swap3A_3723 : i32 to index
        %swap3A_3727 = arith.index_cast %swap3A_3724 : i32 to index
        %swap3A_3728 = arith.index_cast %swap3A_3725 : i32 to index
        %swap3A_3729 = arith.constant 0 : index
        %swap3A_3730 = tpu.vector_load %arg7[%swap3A_3726, %swap3A_3727, %swap3A_3728, %swap3A_3729] {strides = array<i32>} : memref<2x5x2x112xi32, #tpu.memory_space<vmem>>, vector<1x1x1x16xi32>,
        %swap3A_3731 = vector.shape_cast %swap3A_3730 : vector<1x1x1x16xi32> to vector<16xi32>
        %swap3A_3732 = vector.shape_cast %add3A_3722 : vector<16xi32> to vector<1x1x1x16xi32>
        tpu.vector_store %arg7[%swap3A_3726, %swap3A_3727, %swap3A_3728, %swap3A_3729], %swap3A_3732 {strides = array<i32>} : memref<2x5x2x112xi32, #tpu.memory_space<vmem>>, vector<1x1x1x16xi32>,
        %get3A_3733 = arith.index_cast %add3A_3001 : i32 to index
        %get3A_3734 = arith.constant 19 : index
        %get3A_3735 = tpu.vector_load %arg6[%get3A_3733, %get3A_3734] {strides = array<i32>} : memref<32x240xi32, #tpu.memory_space<vmem>>, vector<1x16xi32>,
        %get3A_3736 = vector.shape_cast %get3A_3735 : vector<1x16xi32> to vector<16xi32>
        %add3A_3737 = arith.constant 300000 : i32
        %add3A_3738 = vector.broadcast %add3A_3737 : i32 to vector<16xi32>
        %add3A_3739 = arith.addi %get3A_3736, %add3A_3738 : vector<16xi32>
        %swap3A_3740 = arith.constant 0 : i32
        %swap3A_3741 = arith.constant 3 : i32
        %swap3A_3742 = arith.constant 0 : i32
        %swap3A_3743 = arith.index_cast %swap3A_3740 : i32 to index
        %swap3A_3744 = arith.index_cast %swap3A_3741 : i32 to index
        %swap3A_3745 = arith.index_cast %swap3A_3742 : i32 to index
        %swap3A_3746 = arith.constant 16 : index
        %swap3A_3747 = tpu.vector_load %arg7[%swap3A_3743, %swap3A_3744, %swap3A_3745, %swap3A_3746] {strides = array<i32>} : memref<2x5x2x112xi32, #tpu.memory_space<vmem>>, vector<1x1x1x16xi32>,
        %swap3A_3748 = vector.shape_cast %swap3A_3747 : vector<1x1x1x16xi32> to vector<16xi32>
        %swap3A_3749 = vector.shape_cast %add3A_3739 : vector<16xi32> to vector<1x1x1x16xi32>
        tpu.vector_store %arg7[%swap3A_3743, %swap3A_3744, %swap3A_3745, %swap3A_3746], %swap3A_3749 {strides = array<i32>} : memref<2x5x2x112xi32, #tpu.memory_space<vmem>>, vector<1x1x1x16xi32>,
        %get3A_3750 = arith.index_cast %add3A_3001 : i32 to index
        %get3A_3751 = arith.constant 35 : index
        %get3A_3752 = tpu.vector_load %arg6[%get3A_3750, %get3A_3751] {strides = array<i32>} : memref<32x240xi32, #tpu.memory_space<vmem>>, vector<1x16xi32>,
        %get3A_3753 = vector.shape_cast %get3A_3752 : vector<1x16xi32> to vector<16xi32>
        %add3A_3754 = arith.constant 300000 : i32
        %add3A_3755 = vector.broadcast %add3A_3754 : i32 to vector<16xi32>
        %add3A_3756 = arith.addi %get3A_3753, %add3A_3755 : vector<16xi32>
        %swap3A_3757 = arith.constant 0 : i32
        %swap3A_3758 = arith.constant 3 : i32
        %swap3A_3759 = arith.constant 0 : i32
        %swap3A_3760 = arith.index_cast %swap3A_3757 : i32 to index
        %swap3A_3761 = arith.index_cast %swap3A_3758 : i32 to index
        %swap3A_3762 = arith.index_cast %swap3A_3759 : i32 to index
        %swap3A_3763 = arith.constant 32 : index
        %swap3A_3764 = tpu.vector_load %arg7[%swap3A_3760, %swap3A_3761, %swap3A_3762, %swap3A_3763] {strides = array<i32>} : memref<2x5x2x112xi32, #tpu.memory_space<vmem>>, vector<1x1x1x16xi32>,
        %swap3A_3765 = vector.shape_cast %swap3A_3764 : vector<1x1x1x16xi32> to vector<16xi32>
        %swap3A_3766 = vector.shape_cast %add3A_3756 : vector<16xi32> to vector<1x1x1x16xi32>
        tpu.vector_store %arg7[%swap3A_3760, %swap3A_3761, %swap3A_3762, %swap3A_3763], %swap3A_3766 {strides = array<i32>} : memref<2x5x2x112xi32, #tpu.memory_space<vmem>>, vector<1x1x1x16xi32>,
        %get3A_3767 = arith.index_cast %add3A_3001 : i32 to index
        %get3A_3768 = arith.constant 51 : index
        %get3A_3769 = tpu.vector_load %arg6[%get3A_3767, %get3A_3768] {strides = array<i32>} : memref<32x240xi32, #tpu.memory_space<vmem>>, vector<1x16xi32>,
        %get3A_3770 = vector.shape_cast %get3A_3769 : vector<1x16xi32> to vector<16xi32>
        %add3A_3771 = arith.constant 300000 : i32
        %add3A_3772 = vector.broadcast %add3A_3771 : i32 to vector<16xi32>
        %add3A_3773 = arith.addi %get3A_3770, %add3A_3772 : vector<16xi32>
        %swap3A_3774 = arith.constant 0 : i32
        %swap3A_3775 = arith.constant 3 : i32
        %swap3A_3776 = arith.constant 0 : i32
        %swap3A_3777 = arith.index_cast %swap3A_3774 : i32 to index
        %swap3A_3778 = arith.index_cast %swap3A_3775 : i32 to index
        %swap3A_3779 = arith.index_cast %swap3A_3776 : i32 to index
        %swap3A_3780 = arith.constant 48 : index
        %swap3A_3781 = tpu.vector_load %arg7[%swap3A_3777, %swap3A_3778, %swap3A_3779, %swap3A_3780] {strides = array<i32>} : memref<2x5x2x112xi32, #tpu.memory_space<vmem>>, vector<1x1x1x16xi32>,
        %swap3A_3782 = vector.shape_cast %swap3A_3781 : vector<1x1x1x16xi32> to vector<16xi32>
        %swap3A_3783 = vector.shape_cast %add3A_3773 : vector<16xi32> to vector<1x1x1x16xi32>
        tpu.vector_store %arg7[%swap3A_3777, %swap3A_3778, %swap3A_3779, %swap3A_3780], %swap3A_3783 {strides = array<i32>} : memref<2x5x2x112xi32, #tpu.memory_space<vmem>>, vector<1x1x1x16xi32>,
        %get3A_3784 = arith.index_cast %add3A_3001 : i32 to index
        %get3A_3785 = arith.constant 67 : index
        %get3A_3786 = tpu.vector_load %arg6[%get3A_3784, %get3A_3785] {strides = array<i32>} : memref<32x240xi32, #tpu.memory_space<vmem>>, vector<1x16xi32>,
        %get3A_3787 = vector.shape_cast %get3A_3786 : vector<1x16xi32> to vector<16xi32>
        %add3A_3788 = arith.constant 300000 : i32
        %add3A_3789 = vector.broadcast %add3A_3788 : i32 to vector<16xi32>
        %add3A_3790 = arith.addi %get3A_3787, %add3A_3789 : vector<16xi32>
        %swap3A_3791 = arith.constant 0 : i32
        %swap3A_3792 = arith.constant 3 : i32
        %swap3A_3793 = arith.constant 0 : i32
        %swap3A_3794 = arith.index_cast %swap3A_3791 : i32 to index
        %swap3A_3795 = arith.index_cast %swap3A_3792 : i32 to index
        %swap3A_3796 = arith.index_cast %swap3A_3793 : i32 to index
        %swap3A_3797 = arith.constant 64 : index
        %swap3A_3798 = tpu.vector_load %arg7[%swap3A_3794, %swap3A_3795, %swap3A_3796, %swap3A_3797] {strides = array<i32>} : memref<2x5x2x112xi32, #tpu.memory_space<vmem>>, vector<1x1x1x16xi32>,
        %swap3A_3799 = vector.shape_cast %swap3A_3798 : vector<1x1x1x16xi32> to vector<16xi32>
        %swap3A_3800 = vector.shape_cast %add3A_3790 : vector<16xi32> to vector<1x1x1x16xi32>
        tpu.vector_store %arg7[%swap3A_3794, %swap3A_3795, %swap3A_3796, %swap3A_3797], %swap3A_3800 {strides = array<i32>} : memref<2x5x2x112xi32, #tpu.memory_space<vmem>>, vector<1x1x1x16xi32>,
        %get3A_3801 = arith.index_cast %add3A_3001 : i32 to index
        %get3A_3802 = arith.constant 83 : index
        %get3A_3803 = tpu.vector_load %arg6[%get3A_3801, %get3A_3802] {strides = array<i32>} : memref<32x240xi32, #tpu.memory_space<vmem>>, vector<1x16xi32>,
        %get3A_3804 = vector.shape_cast %get3A_3803 : vector<1x16xi32> to vector<16xi32>
        %add3A_3805 = arith.constant 300000 : i32
        %add3A_3806 = vector.broadcast %add3A_3805 : i32 to vector<16xi32>
        %add3A_3807 = arith.addi %get3A_3804, %add3A_3806 : vector<16xi32>
        %swap3A_3808 = arith.constant 0 : i32
        %swap3A_3809 = arith.constant 3 : i32
        %swap3A_3810 = arith.constant 0 : i32
        %swap3A_3811 = arith.index_cast %swap3A_3808 : i32 to index
        %swap3A_3812 = arith.index_cast %swap3A_3809 : i32 to index
        %swap3A_3813 = arith.index_cast %swap3A_3810 : i32 to index
        %swap3A_3814 = arith.constant 80 : index
        %swap3A_3815 = tpu.vector_load %arg7[%swap3A_3811, %swap3A_3812, %swap3A_3813, %swap3A_3814] {strides = array<i32>} : memref<2x5x2x112xi32, #tpu.memory_space<vmem>>, vector<1x1x1x16xi32>,
        %swap3A_3816 = vector.shape_cast %swap3A_3815 : vector<1x1x1x16xi32> to vector<16xi32>
        %swap3A_3817 = vector.shape_cast %add3A_3807 : vector<16xi32> to vector<1x1x1x16xi32>
        tpu.vector_store %arg7[%swap3A_3811, %swap3A_3812, %swap3A_3813, %swap3A_3814], %swap3A_3817 {strides = array<i32>} : memref<2x5x2x112xi32, #tpu.memory_space<vmem>>, vector<1x1x1x16xi32>,
        %get3A_3818 = arith.index_cast %add3A_3001 : i32 to index
        %get3A_3819 = arith.constant 99 : index
        %get3A_3820 = tpu.vector_load %arg6[%get3A_3818, %get3A_3819] {strides = array<i32>} : memref<32x240xi32, #tpu.memory_space<vmem>>, vector<1x16xi32>,
        %get3A_3821 = vector.shape_cast %get3A_3820 : vector<1x16xi32> to vector<16xi32>
        %add3A_3822 = arith.constant 300000 : i32
        %add3A_3823 = vector.broadcast %add3A_3822 : i32 to vector<16xi32>
        %add3A_3824 = arith.addi %get3A_3821, %add3A_3823 : vector<16xi32>
        %swap3A_3825 = arith.constant 0 : i32
        %swap3A_3826 = arith.constant 3 : i32
        %swap3A_3827 = arith.constant 0 : i32
        %swap3A_3828 = arith.index_cast %swap3A_3825 : i32 to index
        %swap3A_3829 = arith.index_cast %swap3A_3826 : i32 to index
        %swap3A_3830 = arith.index_cast %swap3A_3827 : i32 to index
        %swap3A_3831 = arith.constant 96 : index
        %swap3A_3832 = tpu.vector_load %arg7[%swap3A_3828, %swap3A_3829, %swap3A_3830, %swap3A_3831] {strides = array<i32>} : memref<2x5x2x112xi32, #tpu.memory_space<vmem>>, vector<1x1x1x16xi32>,
        %swap3A_3833 = vector.shape_cast %swap3A_3832 : vector<1x1x1x16xi32> to vector<16xi32>
        %swap3A_3834 = vector.shape_cast %add3A_3824 : vector<16xi32> to vector<1x1x1x16xi32>
        tpu.vector_store %arg7[%swap3A_3828, %swap3A_3829, %swap3A_3830, %swap3A_3831], %swap3A_3834 {strides = array<i32>} : memref<2x5x2x112xi32, #tpu.memory_space<vmem>>, vector<1x1x1x16xi32>,
        %get3A_3835 = arith.index_cast %add3A_3001 : i32 to index
        %get3A_3836 = arith.constant 115 : index
        %get3A_3837 = tpu.vector_load %arg6[%get3A_3835, %get3A_3836] {strides = array<i32>} : memref<32x240xi32, #tpu.memory_space<vmem>>, vector<1x16xi32>,
        %get3A_3838 = vector.shape_cast %get3A_3837 : vector<1x16xi32> to vector<16xi32>
        %add3A_3839 = arith.constant 300000 : i32
        %add3A_3840 = vector.broadcast %add3A_3839 : i32 to vector<16xi32>
        %add3A_3841 = arith.addi %get3A_3838, %add3A_3840 : vector<16xi32>
        %swap3A_3842 = arith.constant 0 : i32
        %swap3A_3843 = arith.constant 3 : i32
        %swap3A_3844 = arith.constant 1 : i32
        %swap3A_3845 = arith.index_cast %swap3A_3842 : i32 to index
        %swap3A_3846 = arith.index_cast %swap3A_3843 : i32 to index
        %swap3A_3847 = arith.index_cast %swap3A_3844 : i32 to index
        %swap3A_3848 = arith.constant 0 : index
        %swap3A_3849 = tpu.vector_load %arg7[%swap3A_3845, %swap3A_3846, %swap3A_3847, %swap3A_3848] {strides = array<i32>} : memref<2x5x2x112xi32, #tpu.memory_space<vmem>>, vector<1x1x1x16xi32>,
        %swap3A_3850 = vector.shape_cast %swap3A_3849 : vector<1x1x1x16xi32> to vector<16xi32>
        %swap3A_3851 = vector.shape_cast %add3A_3841 : vector<16xi32> to vector<1x1x1x16xi32>
        tpu.vector_store %arg7[%swap3A_3845, %swap3A_3846, %swap3A_3847, %swap3A_3848], %swap3A_3851 {strides = array<i32>} : memref<2x5x2x112xi32, #tpu.memory_space<vmem>>, vector<1x1x1x16xi32>,
        %get3A_3852 = arith.index_cast %add3A_3001 : i32 to index
        %get3A_3853 = arith.constant 131 : index
        %get3A_3854 = tpu.vector_load %arg6[%get3A_3852, %get3A_3853] {strides = array<i32>} : memref<32x240xi32, #tpu.memory_space<vmem>>, vector<1x16xi32>,
        %get3A_3855 = vector.shape_cast %get3A_3854 : vector<1x16xi32> to vector<16xi32>
        %add3A_3856 = arith.constant 300000 : i32
        %add3A_3857 = vector.broadcast %add3A_3856 : i32 to vector<16xi32>
        %add3A_3858 = arith.addi %get3A_3855, %add3A_3857 : vector<16xi32>
        %swap3A_3859 = arith.constant 0 : i32
        %swap3A_3860 = arith.constant 3 : i32
        %swap3A_3861 = arith.constant 1 : i32
        %swap3A_3862 = arith.index_cast %swap3A_3859 : i32 to index
        %swap3A_3863 = arith.index_cast %swap3A_3860 : i32 to index
        %swap3A_3864 = arith.index_cast %swap3A_3861 : i32 to index
        %swap3A_3865 = arith.constant 16 : index
        %swap3A_3866 = tpu.vector_load %arg7[%swap3A_3862, %swap3A_3863, %swap3A_3864, %swap3A_3865] {strides = array<i32>} : memref<2x5x2x112xi32, #tpu.memory_space<vmem>>, vector<1x1x1x16xi32>,
        %swap3A_3867 = vector.shape_cast %swap3A_3866 : vector<1x1x1x16xi32> to vector<16xi32>
        %swap3A_3868 = vector.shape_cast %add3A_3858 : vector<16xi32> to vector<1x1x1x16xi32>
        tpu.vector_store %arg7[%swap3A_3862, %swap3A_3863, %swap3A_3864, %swap3A_3865], %swap3A_3868 {strides = array<i32>} : memref<2x5x2x112xi32, #tpu.memory_space<vmem>>, vector<1x1x1x16xi32>,
        %get3A_3869 = arith.index_cast %add3A_3001 : i32 to index
        %get3A_3870 = arith.constant 147 : index
        %get3A_3871 = tpu.vector_load %arg6[%get3A_3869, %get3A_3870] {strides = array<i32>} : memref<32x240xi32, #tpu.memory_space<vmem>>, vector<1x16xi32>,
        %get3A_3872 = vector.shape_cast %get3A_3871 : vector<1x16xi32> to vector<16xi32>
        %add3A_3873 = arith.constant 300000 : i32
        %add3A_3874 = vector.broadcast %add3A_3873 : i32 to vector<16xi32>
        %add3A_3875 = arith.addi %get3A_3872, %add3A_3874 : vector<16xi32>
        %swap3A_3876 = arith.constant 0 : i32
        %swap3A_3877 = arith.constant 3 : i32
        %swap3A_3878 = arith.constant 1 : i32
        %swap3A_3879 = arith.index_cast %swap3A_3876 : i32 to index
        %swap3A_3880 = arith.index_cast %swap3A_3877 : i32 to index
        %swap3A_3881 = arith.index_cast %swap3A_3878 : i32 to index
        %swap3A_3882 = arith.constant 32 : index
        %swap3A_3883 = tpu.vector_load %arg7[%swap3A_3879, %swap3A_3880, %swap3A_3881, %swap3A_3882] {strides = array<i32>} : memref<2x5x2x112xi32, #tpu.memory_space<vmem>>, vector<1x1x1x16xi32>,
        %swap3A_3884 = vector.shape_cast %swap3A_3883 : vector<1x1x1x16xi32> to vector<16xi32>
        %swap3A_3885 = vector.shape_cast %add3A_3875 : vector<16xi32> to vector<1x1x1x16xi32>
        tpu.vector_store %arg7[%swap3A_3879, %swap3A_3880, %swap3A_3881, %swap3A_3882], %swap3A_3885 {strides = array<i32>} : memref<2x5x2x112xi32, #tpu.memory_space<vmem>>, vector<1x1x1x16xi32>,
        %get3A_3886 = arith.index_cast %add3A_3001 : i32 to index
        %get3A_3887 = arith.constant 163 : index
        %get3A_3888 = tpu.vector_load %arg6[%get3A_3886, %get3A_3887] {strides = array<i32>} : memref<32x240xi32, #tpu.memory_space<vmem>>, vector<1x16xi32>,
        %get3A_3889 = vector.shape_cast %get3A_3888 : vector<1x16xi32> to vector<16xi32>
        %add3A_3890 = arith.constant 300000 : i32
        %add3A_3891 = vector.broadcast %add3A_3890 : i32 to vector<16xi32>
        %add3A_3892 = arith.addi %get3A_3889, %add3A_3891 : vector<16xi32>
        %swap3A_3893 = arith.constant 0 : i32
        %swap3A_3894 = arith.constant 3 : i32
        %swap3A_3895 = arith.constant 1 : i32
        %swap3A_3896 = arith.index_cast %swap3A_3893 : i32 to index
        %swap3A_3897 = arith.index_cast %swap3A_3894 : i32 to index
        %swap3A_3898 = arith.index_cast %swap3A_3895 : i32 to index
        %swap3A_3899 = arith.constant 48 : index
        %swap3A_3900 = tpu.vector_load %arg7[%swap3A_3896, %swap3A_3897, %swap3A_3898, %swap3A_3899] {strides = array<i32>} : memref<2x5x2x112xi32, #tpu.memory_space<vmem>>, vector<1x1x1x16xi32>,
        %swap3A_3901 = vector.shape_cast %swap3A_3900 : vector<1x1x1x16xi32> to vector<16xi32>
        %swap3A_3902 = vector.shape_cast %add3A_3892 : vector<16xi32> to vector<1x1x1x16xi32>
        tpu.vector_store %arg7[%swap3A_3896, %swap3A_3897, %swap3A_3898, %swap3A_3899], %swap3A_3902 {strides = array<i32>} : memref<2x5x2x112xi32, #tpu.memory_space<vmem>>, vector<1x1x1x16xi32>,
        %get3A_3903 = arith.index_cast %add3A_3001 : i32 to index
        %get3A_3904 = arith.constant 179 : index
        %get3A_3905 = tpu.vector_load %arg6[%get3A_3903, %get3A_3904] {strides = array<i32>} : memref<32x240xi32, #tpu.memory_space<vmem>>, vector<1x16xi32>,
        %get3A_3906 = vector.shape_cast %get3A_3905 : vector<1x16xi32> to vector<16xi32>
        %add3A_3907 = arith.constant 300000 : i32
        %add3A_3908 = vector.broadcast %add3A_3907 : i32 to vector<16xi32>
        %add3A_3909 = arith.addi %get3A_3906, %add3A_3908 : vector<16xi32>
        %swap3A_3910 = arith.constant 0 : i32
        %swap3A_3911 = arith.constant 3 : i32
        %swap3A_3912 = arith.constant 1 : i32
        %swap3A_3913 = arith.index_cast %swap3A_3910 : i32 to index
        %swap3A_3914 = arith.index_cast %swap3A_3911 : i32 to index
        %swap3A_3915 = arith.index_cast %swap3A_3912 : i32 to index
        %swap3A_3916 = arith.constant 64 : index
        %swap3A_3917 = tpu.vector_load %arg7[%swap3A_3913, %swap3A_3914, %swap3A_3915, %swap3A_3916] {strides = array<i32>} : memref<2x5x2x112xi32, #tpu.memory_space<vmem>>, vector<1x1x1x16xi32>,
        %swap3A_3918 = vector.shape_cast %swap3A_3917 : vector<1x1x1x16xi32> to vector<16xi32>
        %swap3A_3919 = vector.shape_cast %add3A_3909 : vector<16xi32> to vector<1x1x1x16xi32>
        tpu.vector_store %arg7[%swap3A_3913, %swap3A_3914, %swap3A_3915, %swap3A_3916], %swap3A_3919 {strides = array<i32>} : memref<2x5x2x112xi32, #tpu.memory_space<vmem>>, vector<1x1x1x16xi32>,
        %get3A_3920 = arith.index_cast %add3A_3001 : i32 to index
        %get3A_3921 = arith.constant 195 : index
        %get3A_3922 = tpu.vector_load %arg6[%get3A_3920, %get3A_3921] {strides = array<i32>} : memref<32x240xi32, #tpu.memory_space<vmem>>, vector<1x16xi32>,
        %get3A_3923 = vector.shape_cast %get3A_3922 : vector<1x16xi32> to vector<16xi32>
        %add3A_3924 = arith.constant 300000 : i32
        %add3A_3925 = vector.broadcast %add3A_3924 : i32 to vector<16xi32>
        %add3A_3926 = arith.addi %get3A_3923, %add3A_3925 : vector<16xi32>
        %swap3A_3927 = arith.constant 0 : i32
        %swap3A_3928 = arith.constant 3 : i32
        %swap3A_3929 = arith.constant 1 : i32
        %swap3A_3930 = arith.index_cast %swap3A_3927 : i32 to index
        %swap3A_3931 = arith.index_cast %swap3A_3928 : i32 to index
        %swap3A_3932 = arith.index_cast %swap3A_3929 : i32 to index
        %swap3A_3933 = arith.constant 80 : index
        %swap3A_3934 = tpu.vector_load %arg7[%swap3A_3930, %swap3A_3931, %swap3A_3932, %swap3A_3933] {strides = array<i32>} : memref<2x5x2x112xi32, #tpu.memory_space<vmem>>, vector<1x1x1x16xi32>,
        %swap3A_3935 = vector.shape_cast %swap3A_3934 : vector<1x1x1x16xi32> to vector<16xi32>
        %swap3A_3936 = vector.shape_cast %add3A_3926 : vector<16xi32> to vector<1x1x1x16xi32>
        tpu.vector_store %arg7[%swap3A_3930, %swap3A_3931, %swap3A_3932, %swap3A_3933], %swap3A_3936 {strides = array<i32>} : memref<2x5x2x112xi32, #tpu.memory_space<vmem>>, vector<1x1x1x16xi32>,
        %get3A_3937 = arith.index_cast %add3A_3001 : i32 to index
        %get3A_3938 = arith.constant 211 : index
        %get3A_3939 = tpu.vector_load %arg6[%get3A_3937, %get3A_3938] {strides = array<i32>} : memref<32x240xi32, #tpu.memory_space<vmem>>, vector<1x16xi32>,
        %get3A_3940 = vector.shape_cast %get3A_3939 : vector<1x16xi32> to vector<16xi32>
        %add3A_3941 = arith.constant 300000 : i32
        %add3A_3942 = vector.broadcast %add3A_3941 : i32 to vector<16xi32>
        %add3A_3943 = arith.addi %get3A_3940, %add3A_3942 : vector<16xi32>
        %swap3A_3944 = arith.constant 0 : i32
        %swap3A_3945 = arith.constant 3 : i32
        %swap3A_3946 = arith.constant 1 : i32
        %swap3A_3947 = arith.index_cast %swap3A_3944 : i32 to index
        %swap3A_3948 = arith.index_cast %swap3A_3945 : i32 to index
        %swap3A_3949 = arith.index_cast %swap3A_3946 : i32 to index
        %swap3A_3950 = arith.constant 96 : index
        %swap3A_3951 = tpu.vector_load %arg7[%swap3A_3947, %swap3A_3948, %swap3A_3949, %swap3A_3950] {strides = array<i32>} : memref<2x5x2x112xi32, #tpu.memory_space<vmem>>, vector<1x1x1x16xi32>,
        %swap3A_3952 = vector.shape_cast %swap3A_3951 : vector<1x1x1x16xi32> to vector<16xi32>
        %swap3A_3953 = vector.shape_cast %add3A_3943 : vector<16xi32> to vector<1x1x1x16xi32>
        tpu.vector_store %arg7[%swap3A_3947, %swap3A_3948, %swap3A_3949, %swap3A_3950], %swap3A_3953 {strides = array<i32>} : memref<2x5x2x112xi32, #tpu.memory_space<vmem>>, vector<1x1x1x16xi32>,
        %get3A_3954 = arith.index_cast %add3A_3001 : i32 to index
        %get3A_3955 = arith.constant 4 : index
        %get3A_3956 = tpu.vector_load %arg6[%get3A_3954, %get3A_3955] {strides = array<i32>} : memref<32x240xi32, #tpu.memory_space<vmem>>, vector<1x16xi32>,
        %get3A_3957 = vector.shape_cast %get3A_3956 : vector<1x16xi32> to vector<16xi32>
        %add3A_3958 = arith.constant 400000 : i32
        %add3A_3959 = vector.broadcast %add3A_3958 : i32 to vector<16xi32>
        %add3A_3960 = arith.addi %get3A_3957, %add3A_3959 : vector<16xi32>
        %swap3A_3961 = arith.constant 0 : i32
        %swap3A_3962 = arith.constant 4 : i32
        %swap3A_3963 = arith.constant 0 : i32
        %swap3A_3964 = arith.index_cast %swap3A_3961 : i32 to index
        %swap3A_3965 = arith.index_cast %swap3A_3962 : i32 to index
        %swap3A_3966 = arith.index_cast %swap3A_3963 : i32 to index
        %swap3A_3967 = arith.constant 0 : index
        %swap3A_3968 = tpu.vector_load %arg7[%swap3A_3964, %swap3A_3965, %swap3A_3966, %swap3A_3967] {strides = array<i32>} : memref<2x5x2x112xi32, #tpu.memory_space<vmem>>, vector<1x1x1x16xi32>,
        %swap3A_3969 = vector.shape_cast %swap3A_3968 : vector<1x1x1x16xi32> to vector<16xi32>
        %swap3A_3970 = vector.shape_cast %add3A_3960 : vector<16xi32> to vector<1x1x1x16xi32>
        tpu.vector_store %arg7[%swap3A_3964, %swap3A_3965, %swap3A_3966, %swap3A_3967], %swap3A_3970 {strides = array<i32>} : memref<2x5x2x112xi32, #tpu.memory_space<vmem>>, vector<1x1x1x16xi32>,
        %get3A_3971 = arith.index_cast %add3A_3001 : i32 to index
        %get3A_3972 = arith.constant 20 : index
        %get3A_3973 = tpu.vector_load %arg6[%get3A_3971, %get3A_3972] {strides = array<i32>} : memref<32x240xi32, #tpu.memory_space<vmem>>, vector<1x16xi32>,
        %get3A_3974 = vector.shape_cast %get3A_3973 : vector<1x16xi32> to vector<16xi32>
        %add3A_3975 = arith.constant 400000 : i32
        %add3A_3976 = vector.broadcast %add3A_3975 : i32 to vector<16xi32>
        %add3A_3977 = arith.addi %get3A_3974, %add3A_3976 : vector<16xi32>
        %swap3A_3978 = arith.constant 0 : i32
        %swap3A_3979 = arith.constant 4 : i32
        %swap3A_3980 = arith.constant 0 : i32
        %swap3A_3981 = arith.index_cast %swap3A_3978 : i32 to index
        %swap3A_3982 = arith.index_cast %swap3A_3979 : i32 to index
        %swap3A_3983 = arith.index_cast %swap3A_3980 : i32 to index
        %swap3A_3984 = arith.constant 16 : index
        %swap3A_3985 = tpu.vector_load %arg7[%swap3A_3981, %swap3A_3982, %swap3A_3983, %swap3A_3984] {strides = array<i32>} : memref<2x5x2x112xi32, #tpu.memory_space<vmem>>, vector<1x1x1x16xi32>,
        %swap3A_3986 = vector.shape_cast %swap3A_3985 : vector<1x1x1x16xi32> to vector<16xi32>
        %swap3A_3987 = vector.shape_cast %add3A_3977 : vector<16xi32> to vector<1x1x1x16xi32>
        tpu.vector_store %arg7[%swap3A_3981, %swap3A_3982, %swap3A_3983, %swap3A_3984], %swap3A_3987 {strides = array<i32>} : memref<2x5x2x112xi32, #tpu.memory_space<vmem>>, vector<1x1x1x16xi32>,
        %get3A_3988 = arith.index_cast %add3A_3001 : i32 to index
        %get3A_3989 = arith.constant 36 : index
        %get3A_3990 = tpu.vector_load %arg6[%get3A_3988, %get3A_3989] {strides = array<i32>} : memref<32x240xi32, #tpu.memory_space<vmem>>, vector<1x16xi32>,
        %get3A_3991 = vector.shape_cast %get3A_3990 : vector<1x16xi32> to vector<16xi32>
        %add3A_3992 = arith.constant 400000 : i32
        %add3A_3993 = vector.broadcast %add3A_3992 : i32 to vector<16xi32>
        %add3A_3994 = arith.addi %get3A_3991, %add3A_3993 : vector<16xi32>
        %swap3A_3995 = arith.constant 0 : i32
        %swap3A_3996 = arith.constant 4 : i32
        %swap3A_3997 = arith.constant 0 : i32
        %swap3A_3998 = arith.index_cast %swap3A_3995 : i32 to index
        %swap3A_3999 = arith.index_cast %swap3A_3996 : i32 to index
        %swap3A_4000 = arith.index_cast %swap3A_3997 : i32 to index
        %swap3A_4001 = arith.constant 32 : index
        %swap3A_4002 = tpu.vector_load %arg7[%swap3A_3998, %swap3A_3999, %swap3A_4000, %swap3A_4001] {strides = array<i32>} : memref<2x5x2x112xi32, #tpu.memory_space<vmem>>, vector<1x1x1x16xi32>,
        %swap3A_4003 = vector.shape_cast %swap3A_4002 : vector<1x1x1x16xi32> to vector<16xi32>
        %swap3A_4004 = vector.shape_cast %add3A_3994 : vector<16xi32> to vector<1x1x1x16xi32>
        tpu.vector_store %arg7[%swap3A_3998, %swap3A_3999, %swap3A_4000, %swap3A_4001], %swap3A_4004 {strides = array<i32>} : memref<2x5x2x112xi32, #tpu.memory_space<vmem>>, vector<1x1x1x16xi32>,
        %get3A_4005 = arith.index_cast %add3A_3001 : i32 to index
        %get3A_4006 = arith.constant 52 : index
        %get3A_4007 = tpu.vector_load %arg6[%get3A_4005, %get3A_4006] {strides = array<i32>} : memref<32x240xi32, #tpu.memory_space<vmem>>, vector<1x16xi32>,
        %get3A_4008 = vector.shape_cast %get3A_4007 : vector<1x16xi32> to vector<16xi32>
        %add3A_4009 = arith.constant 400000 : i32
        %add3A_4010 = vector.broadcast %add3A_4009 : i32 to vector<16xi32>
        %add3A_4011 = arith.addi %get3A_4008, %add3A_4010 : vector<16xi32>
        %swap3A_4012 = arith.constant 0 : i32
        %swap3A_4013 = arith.constant 4 : i32
        %swap3A_4014 = arith.constant 0 : i32
        %swap3A_4015 = arith.index_cast %swap3A_4012 : i32 to index
        %swap3A_4016 = arith.index_cast %swap3A_4013 : i32 to index
        %swap3A_4017 = arith.index_cast %swap3A_4014 : i32 to index
        %swap3A_4018 = arith.constant 48 : index
        %swap3A_4019 = tpu.vector_load %arg7[%swap3A_4015, %swap3A_4016, %swap3A_4017, %swap3A_4018] {strides = array<i32>} : memref<2x5x2x112xi32, #tpu.memory_space<vmem>>, vector<1x1x1x16xi32>,
        %swap3A_4020 = vector.shape_cast %swap3A_4019 : vector<1x1x1x16xi32> to vector<16xi32>
        %swap3A_4021 = vector.shape_cast %add3A_4011 : vector<16xi32> to vector<1x1x1x16xi32>
        tpu.vector_store %arg7[%swap3A_4015, %swap3A_4016, %swap3A_4017, %swap3A_4018], %swap3A_4021 {strides = array<i32>} : memref<2x5x2x112xi32, #tpu.memory_space<vmem>>, vector<1x1x1x16xi32>,
        %get3A_4022 = arith.index_cast %add3A_3001 : i32 to index
        %get3A_4023 = arith.constant 68 : index
        %get3A_4024 = tpu.vector_load %arg6[%get3A_4022, %get3A_4023] {strides = array<i32>} : memref<32x240xi32, #tpu.memory_space<vmem>>, vector<1x16xi32>,
        %get3A_4025 = vector.shape_cast %get3A_4024 : vector<1x16xi32> to vector<16xi32>
        %add3A_4026 = arith.constant 400000 : i32
        %add3A_4027 = vector.broadcast %add3A_4026 : i32 to vector<16xi32>
        %add3A_4028 = arith.addi %get3A_4025, %add3A_4027 : vector<16xi32>
        %swap3A_4029 = arith.constant 0 : i32
        %swap3A_4030 = arith.constant 4 : i32
        %swap3A_4031 = arith.constant 0 : i32
        %swap3A_4032 = arith.index_cast %swap3A_4029 : i32 to index
        %swap3A_4033 = arith.index_cast %swap3A_4030 : i32 to index
        %swap3A_4034 = arith.index_cast %swap3A_4031 : i32 to index
        %swap3A_4035 = arith.constant 64 : index
        %swap3A_4036 = tpu.vector_load %arg7[%swap3A_4032, %swap3A_4033, %swap3A_4034, %swap3A_4035] {strides = array<i32>} : memref<2x5x2x112xi32, #tpu.memory_space<vmem>>, vector<1x1x1x16xi32>,
        %swap3A_4037 = vector.shape_cast %swap3A_4036 : vector<1x1x1x16xi32> to vector<16xi32>
        %swap3A_4038 = vector.shape_cast %add3A_4028 : vector<16xi32> to vector<1x1x1x16xi32>
        tpu.vector_store %arg7[%swap3A_4032, %swap3A_4033, %swap3A_4034, %swap3A_4035], %swap3A_4038 {strides = array<i32>} : memref<2x5x2x112xi32, #tpu.memory_space<vmem>>, vector<1x1x1x16xi32>,
        %get3A_4039 = arith.index_cast %add3A_3001 : i32 to index
        %get3A_4040 = arith.constant 84 : index
        %get3A_4041 = tpu.vector_load %arg6[%get3A_4039, %get3A_4040] {strides = array<i32>} : memref<32x240xi32, #tpu.memory_space<vmem>>, vector<1x16xi32>,
        %get3A_4042 = vector.shape_cast %get3A_4041 : vector<1x16xi32> to vector<16xi32>
        %add3A_4043 = arith.constant 400000 : i32
        %add3A_4044 = vector.broadcast %add3A_4043 : i32 to vector<16xi32>
        %add3A_4045 = arith.addi %get3A_4042, %add3A_4044 : vector<16xi32>
        %swap3A_4046 = arith.constant 0 : i32
        %swap3A_4047 = arith.constant 4 : i32
        %swap3A_4048 = arith.constant 0 : i32
        %swap3A_4049 = arith.index_cast %swap3A_4046 : i32 to index
        %swap3A_4050 = arith.index_cast %swap3A_4047 : i32 to index
        %swap3A_4051 = arith.index_cast %swap3A_4048 : i32 to index
        %swap3A_4052 = arith.constant 80 : index
        %swap3A_4053 = tpu.vector_load %arg7[%swap3A_4049, %swap3A_4050, %swap3A_4051, %swap3A_4052] {strides = array<i32>} : memref<2x5x2x112xi32, #tpu.memory_space<vmem>>, vector<1x1x1x16xi32>,
        %swap3A_4054 = vector.shape_cast %swap3A_4053 : vector<1x1x1x16xi32> to vector<16xi32>
        %swap3A_4055 = vector.shape_cast %add3A_4045 : vector<16xi32> to vector<1x1x1x16xi32>
        tpu.vector_store %arg7[%swap3A_4049, %swap3A_4050, %swap3A_4051, %swap3A_4052], %swap3A_4055 {strides = array<i32>} : memref<2x5x2x112xi32, #tpu.memory_space<vmem>>, vector<1x1x1x16xi32>,
        %get3A_4056 = arith.index_cast %add3A_3001 : i32 to index
        %get3A_4057 = arith.constant 100 : index
        %get3A_4058 = tpu.vector_load %arg6[%get3A_4056, %get3A_4057] {strides = array<i32>} : memref<32x240xi32, #tpu.memory_space<vmem>>, vector<1x16xi32>,
        %get3A_4059 = vector.shape_cast %get3A_4058 : vector<1x16xi32> to vector<16xi32>
        %add3A_4060 = arith.constant 400000 : i32
        %add3A_4061 = vector.broadcast %add3A_4060 : i32 to vector<16xi32>
        %add3A_4062 = arith.addi %get3A_4059, %add3A_4061 : vector<16xi32>
        %swap3A_4063 = arith.constant 0 : i32
        %swap3A_4064 = arith.constant 4 : i32
        %swap3A_4065 = arith.constant 0 : i32
        %swap3A_4066 = arith.index_cast %swap3A_4063 : i32 to index
        %swap3A_4067 = arith.index_cast %swap3A_4064 : i32 to index
        %swap3A_4068 = arith.index_cast %swap3A_4065 : i32 to index
        %swap3A_4069 = arith.constant 96 : index
        %swap3A_4070 = tpu.vector_load %arg7[%swap3A_4066, %swap3A_4067, %swap3A_4068, %swap3A_4069] {strides = array<i32>} : memref<2x5x2x112xi32, #tpu.memory_space<vmem>>, vector<1x1x1x16xi32>,
        %swap3A_4071 = vector.shape_cast %swap3A_4070 : vector<1x1x1x16xi32> to vector<16xi32>
        %swap3A_4072 = vector.shape_cast %add3A_4062 : vector<16xi32> to vector<1x1x1x16xi32>
        tpu.vector_store %arg7[%swap3A_4066, %swap3A_4067, %swap3A_4068, %swap3A_4069], %swap3A_4072 {strides = array<i32>} : memref<2x5x2x112xi32, #tpu.memory_space<vmem>>, vector<1x1x1x16xi32>,
        %get3A_4073 = arith.index_cast %add3A_3001 : i32 to index
        %get3A_4074 = arith.constant 116 : index
        %get3A_4075 = tpu.vector_load %arg6[%get3A_4073, %get3A_4074] {strides = array<i32>} : memref<32x240xi32, #tpu.memory_space<vmem>>, vector<1x16xi32>,
        %get3A_4076 = vector.shape_cast %get3A_4075 : vector<1x16xi32> to vector<16xi32>
        %add3A_4077 = arith.constant 400000 : i32
        %add3A_4078 = vector.broadcast %add3A_4077 : i32 to vector<16xi32>
        %add3A_4079 = arith.addi %get3A_4076, %add3A_4078 : vector<16xi32>
        %swap3A_4080 = arith.constant 0 : i32
        %swap3A_4081 = arith.constant 4 : i32
        %swap3A_4082 = arith.constant 1 : i32
        %swap3A_4083 = arith.index_cast %swap3A_4080 : i32 to index
        %swap3A_4084 = arith.index_cast %swap3A_4081 : i32 to index
        %swap3A_4085 = arith.index_cast %swap3A_4082 : i32 to index
        %swap3A_4086 = arith.constant 0 : index
        %swap3A_4087 = tpu.vector_load %arg7[%swap3A_4083, %swap3A_4084, %swap3A_4085, %swap3A_4086] {strides = array<i32>} : memref<2x5x2x112xi32, #tpu.memory_space<vmem>>, vector<1x1x1x16xi32>,
        %swap3A_4088 = vector.shape_cast %swap3A_4087 : vector<1x1x1x16xi32> to vector<16xi32>
        %swap3A_4089 = vector.shape_cast %add3A_4079 : vector<16xi32> to vector<1x1x1x16xi32>
        tpu.vector_store %arg7[%swap3A_4083, %swap3A_4084, %swap3A_4085, %swap3A_4086], %swap3A_4089 {strides = array<i32>} : memref<2x5x2x112xi32, #tpu.memory_space<vmem>>, vector<1x1x1x16xi32>,
        %get3A_4090 = arith.index_cast %add3A_3001 : i32 to index
        %get3A_4091 = arith.constant 132 : index
        %get3A_4092 = tpu.vector_load %arg6[%get3A_4090, %get3A_4091] {strides = array<i32>} : memref<32x240xi32, #tpu.memory_space<vmem>>, vector<1x16xi32>,
        %get3A_4093 = vector.shape_cast %get3A_4092 : vector<1x16xi32> to vector<16xi32>
        %add3A_4094 = arith.constant 400000 : i32
        %add3A_4095 = vector.broadcast %add3A_4094 : i32 to vector<16xi32>
        %add3A_4096 = arith.addi %get3A_4093, %add3A_4095 : vector<16xi32>
        %swap3A_4097 = arith.constant 0 : i32
        %swap3A_4098 = arith.constant 4 : i32
        %swap3A_4099 = arith.constant 1 : i32
        %swap3A_4100 = arith.index_cast %swap3A_4097 : i32 to index
        %swap3A_4101 = arith.index_cast %swap3A_4098 : i32 to index
        %swap3A_4102 = arith.index_cast %swap3A_4099 : i32 to index
        %swap3A_4103 = arith.constant 16 : index
        %swap3A_4104 = tpu.vector_load %arg7[%swap3A_4100, %swap3A_4101, %swap3A_4102, %swap3A_4103] {strides = array<i32>} : memref<2x5x2x112xi32, #tpu.memory_space<vmem>>, vector<1x1x1x16xi32>,
        %swap3A_4105 = vector.shape_cast %swap3A_4104 : vector<1x1x1x16xi32> to vector<16xi32>
        %swap3A_4106 = vector.shape_cast %add3A_4096 : vector<16xi32> to vector<1x1x1x16xi32>
        tpu.vector_store %arg7[%swap3A_4100, %swap3A_4101, %swap3A_4102, %swap3A_4103], %swap3A_4106 {strides = array<i32>} : memref<2x5x2x112xi32, #tpu.memory_space<vmem>>, vector<1x1x1x16xi32>,
        %get3A_4107 = arith.index_cast %add3A_3001 : i32 to index
        %get3A_4108 = arith.constant 148 : index
        %get3A_4109 = tpu.vector_load %arg6[%get3A_4107, %get3A_4108] {strides = array<i32>} : memref<32x240xi32, #tpu.memory_space<vmem>>, vector<1x16xi32>,
        %get3A_4110 = vector.shape_cast %get3A_4109 : vector<1x16xi32> to vector<16xi32>
        %add3A_4111 = arith.constant 400000 : i32
        %add3A_4112 = vector.broadcast %add3A_4111 : i32 to vector<16xi32>
        %add3A_4113 = arith.addi %get3A_4110, %add3A_4112 : vector<16xi32>
        %swap3A_4114 = arith.constant 0 : i32
        %swap3A_4115 = arith.constant 4 : i32
        %swap3A_4116 = arith.constant 1 : i32
        %swap3A_4117 = arith.index_cast %swap3A_4114 : i32 to index
        %swap3A_4118 = arith.index_cast %swap3A_4115 : i32 to index
        %swap3A_4119 = arith.index_cast %swap3A_4116 : i32 to index
        %swap3A_4120 = arith.constant 32 : index
        %swap3A_4121 = tpu.vector_load %arg7[%swap3A_4117, %swap3A_4118, %swap3A_4119, %swap3A_4120] {strides = array<i32>} : memref<2x5x2x112xi32, #tpu.memory_space<vmem>>, vector<1x1x1x16xi32>,
        %swap3A_4122 = vector.shape_cast %swap3A_4121 : vector<1x1x1x16xi32> to vector<16xi32>
        %swap3A_4123 = vector.shape_cast %add3A_4113 : vector<16xi32> to vector<1x1x1x16xi32>
        tpu.vector_store %arg7[%swap3A_4117, %swap3A_4118, %swap3A_4119, %swap3A_4120], %swap3A_4123 {strides = array<i32>} : memref<2x5x2x112xi32, #tpu.memory_space<vmem>>, vector<1x1x1x16xi32>,
        %get3A_4124 = arith.index_cast %add3A_3001 : i32 to index
        %get3A_4125 = arith.constant 164 : index
        %get3A_4126 = tpu.vector_load %arg6[%get3A_4124, %get3A_4125] {strides = array<i32>} : memref<32x240xi32, #tpu.memory_space<vmem>>, vector<1x16xi32>,
        %get3A_4127 = vector.shape_cast %get3A_4126 : vector<1x16xi32> to vector<16xi32>
        %add3A_4128 = arith.constant 400000 : i32
        %add3A_4129 = vector.broadcast %add3A_4128 : i32 to vector<16xi32>
        %add3A_4130 = arith.addi %get3A_4127, %add3A_4129 : vector<16xi32>
        %swap3A_4131 = arith.constant 0 : i32
        %swap3A_4132 = arith.constant 4 : i32
        %swap3A_4133 = arith.constant 1 : i32
        %swap3A_4134 = arith.index_cast %swap3A_4131 : i32 to index
        %swap3A_4135 = arith.index_cast %swap3A_4132 : i32 to index
        %swap3A_4136 = arith.index_cast %swap3A_4133 : i32 to index
        %swap3A_4137 = arith.constant 48 : index
        %swap3A_4138 = tpu.vector_load %arg7[%swap3A_4134, %swap3A_4135, %swap3A_4136, %swap3A_4137] {strides = array<i32>} : memref<2x5x2x112xi32, #tpu.memory_space<vmem>>, vector<1x1x1x16xi32>,
        %swap3A_4139 = vector.shape_cast %swap3A_4138 : vector<1x1x1x16xi32> to vector<16xi32>
        %swap3A_4140 = vector.shape_cast %add3A_4130 : vector<16xi32> to vector<1x1x1x16xi32>
        tpu.vector_store %arg7[%swap3A_4134, %swap3A_4135, %swap3A_4136, %swap3A_4137], %swap3A_4140 {strides = array<i32>} : memref<2x5x2x112xi32, #tpu.memory_space<vmem>>, vector<1x1x1x16xi32>,
        %get3A_4141 = arith.index_cast %add3A_3001 : i32 to index
        %get3A_4142 = arith.constant 180 : index
        %get3A_4143 = tpu.vector_load %arg6[%get3A_4141, %get3A_4142] {strides = array<i32>} : memref<32x240xi32, #tpu.memory_space<vmem>>, vector<1x16xi32>,
        %get3A_4144 = vector.shape_cast %get3A_4143 : vector<1x16xi32> to vector<16xi32>
        %add3A_4145 = arith.constant 400000 : i32
        %add3A_4146 = vector.broadcast %add3A_4145 : i32 to vector<16xi32>
        %add3A_4147 = arith.addi %get3A_4144, %add3A_4146 : vector<16xi32>
        %swap3A_4148 = arith.constant 0 : i32
        %swap3A_4149 = arith.constant 4 : i32
        %swap3A_4150 = arith.constant 1 : i32
        %swap3A_4151 = arith.index_cast %swap3A_4148 : i32 to index
        %swap3A_4152 = arith.index_cast %swap3A_4149 : i32 to index
        %swap3A_4153 = arith.index_cast %swap3A_4150 : i32 to index
        %swap3A_4154 = arith.constant 64 : index
        %swap3A_4155 = tpu.vector_load %arg7[%swap3A_4151, %swap3A_4152, %swap3A_4153, %swap3A_4154] {strides = array<i32>} : memref<2x5x2x112xi32, #tpu.memory_space<vmem>>, vector<1x1x1x16xi32>,
        %swap3A_4156 = vector.shape_cast %swap3A_4155 : vector<1x1x1x16xi32> to vector<16xi32>
        %swap3A_4157 = vector.shape_cast %add3A_4147 : vector<16xi32> to vector<1x1x1x16xi32>
        tpu.vector_store %arg7[%swap3A_4151, %swap3A_4152, %swap3A_4153, %swap3A_4154], %swap3A_4157 {strides = array<i32>} : memref<2x5x2x112xi32, #tpu.memory_space<vmem>>, vector<1x1x1x16xi32>,
        %get3A_4158 = arith.index_cast %add3A_3001 : i32 to index
        %get3A_4159 = arith.constant 196 : index
        %get3A_4160 = tpu.vector_load %arg6[%get3A_4158, %get3A_4159] {strides = array<i32>} : memref<32x240xi32, #tpu.memory_space<vmem>>, vector<1x16xi32>,
        %get3A_4161 = vector.shape_cast %get3A_4160 : vector<1x16xi32> to vector<16xi32>
        %add3A_4162 = arith.constant 400000 : i32
        %add3A_4163 = vector.broadcast %add3A_4162 : i32 to vector<16xi32>
        %add3A_4164 = arith.addi %get3A_4161, %add3A_4163 : vector<16xi32>
        %swap3A_4165 = arith.constant 0 : i32
        %swap3A_4166 = arith.constant 4 : i32
        %swap3A_4167 = arith.constant 1 : i32
        %swap3A_4168 = arith.index_cast %swap3A_4165 : i32 to index
        %swap3A_4169 = arith.index_cast %swap3A_4166 : i32 to index
        %swap3A_4170 = arith.index_cast %swap3A_4167 : i32 to index
        %swap3A_4171 = arith.constant 80 : index
        %swap3A_4172 = tpu.vector_load %arg7[%swap3A_4168, %swap3A_4169, %swap3A_4170, %swap3A_4171] {strides = array<i32>} : memref<2x5x2x112xi32, #tpu.memory_space<vmem>>, vector<1x1x1x16xi32>,
        %swap3A_4173 = vector.shape_cast %swap3A_4172 : vector<1x1x1x16xi32> to vector<16xi32>
        %swap3A_4174 = vector.shape_cast %add3A_4164 : vector<16xi32> to vector<1x1x1x16xi32>
        tpu.vector_store %arg7[%swap3A_4168, %swap3A_4169, %swap3A_4170, %swap3A_4171], %swap3A_4174 {strides = array<i32>} : memref<2x5x2x112xi32, #tpu.memory_space<vmem>>, vector<1x1x1x16xi32>,
        %get3A_4175 = arith.index_cast %add3A_3001 : i32 to index
        %get3A_4176 = arith.constant 212 : index
        %get3A_4177 = tpu.vector_load %arg6[%get3A_4175, %get3A_4176] {strides = array<i32>} : memref<32x240xi32, #tpu.memory_space<vmem>>, vector<1x16xi32>,
        %get3A_4178 = vector.shape_cast %get3A_4177 : vector<1x16xi32> to vector<16xi32>
        %add3A_4179 = arith.constant 400000 : i32
        %add3A_4180 = vector.broadcast %add3A_4179 : i32 to vector<16xi32>
        %add3A_4181 = arith.addi %get3A_4178, %add3A_4180 : vector<16xi32>
        %swap3A_4182 = arith.constant 0 : i32
        %swap3A_4183 = arith.constant 4 : i32
        %swap3A_4184 = arith.constant 1 : i32
        %swap3A_4185 = arith.index_cast %swap3A_4182 : i32 to index
        %swap3A_4186 = arith.index_cast %swap3A_4183 : i32 to index
        %swap3A_4187 = arith.index_cast %swap3A_4184 : i32 to index
        %swap3A_4188 = arith.constant 96 : index
        %swap3A_4189 = tpu.vector_load %arg7[%swap3A_4185, %swap3A_4186, %swap3A_4187, %swap3A_4188] {strides = array<i32>} : memref<2x5x2x112xi32, #tpu.memory_space<vmem>>, vector<1x1x1x16xi32>,
        %swap3A_4190 = vector.shape_cast %swap3A_4189 : vector<1x1x1x16xi32> to vector<16xi32>
        %swap3A_4191 = vector.shape_cast %add3A_4181 : vector<16xi32> to vector<1x1x1x16xi32>
        tpu.vector_store %arg7[%swap3A_4185, %swap3A_4186, %swap3A_4187, %swap3A_4188], %swap3A_4191 {strides = array<i32>} : memref<2x5x2x112xi32, #tpu.memory_space<vmem>>, vector<1x1x1x16xi32>,
        %get3A_4192 = arith.index_cast %add3A_3001 : i32 to index
        %get3A_4193 = arith.constant 2 : index
        %get3A_4194 = tpu.vector_load %arg6[%get3A_4192, %get3A_4193] {strides = array<i32>} : memref<32x240xi32, #tpu.memory_space<vmem>>, vector<1x16xi32>,
        %get3A_4195 = vector.shape_cast %get3A_4194 : vector<1x16xi32> to vector<16xi32>
        %swap3A_4196 = arith.constant 0 : i32
        %swap3A_4197 = arith.constant 0 : i32
        %swap3A_4198 = arith.index_cast %swap3A_4196 : i32 to index
        %swap3A_4199 = arith.index_cast %swap3A_4197 : i32 to index
        %swap3A_4200 = arith.constant 0 : index
        %swap3A_4201 = tpu.vector_load %arg8[%swap3A_4198, %swap3A_4199, %swap3A_4200] {strides = array<i32>} : memref<2x2x112xi32, #tpu.memory_space<vmem>>, vector<1x1x16xi32>,
        %swap3A_4202 = vector.shape_cast %swap3A_4201 : vector<1x1x16xi32> to vector<16xi32>
        %swap3A_4203 = vector.shape_cast %get3A_4195 : vector<16xi32> to vector<1x1x16xi32>
        tpu.vector_store %arg8[%swap3A_4198, %swap3A_4199, %swap3A_4200], %swap3A_4203 {strides = array<i32>} : memref<2x2x112xi32, #tpu.memory_space<vmem>>, vector<1x1x16xi32>,
        %get3A_4204 = arith.index_cast %add3A_3001 : i32 to index
        %get3A_4205 = arith.constant 18 : index
        %get3A_4206 = tpu.vector_load %arg6[%get3A_4204, %get3A_4205] {strides = array<i32>} : memref<32x240xi32, #tpu.memory_space<vmem>>, vector<1x16xi32>,
        %get3A_4207 = vector.shape_cast %get3A_4206 : vector<1x16xi32> to vector<16xi32>
        %swap3A_4208 = arith.constant 0 : i32
        %swap3A_4209 = arith.constant 0 : i32
        %swap3A_4210 = arith.index_cast %swap3A_4208 : i32 to index
        %swap3A_4211 = arith.index_cast %swap3A_4209 : i32 to index
        %swap3A_4212 = arith.constant 16 : index
        %swap3A_4213 = tpu.vector_load %arg8[%swap3A_4210, %swap3A_4211, %swap3A_4212] {strides = array<i32>} : memref<2x2x112xi32, #tpu.memory_space<vmem>>, vector<1x1x16xi32>,
        %swap3A_4214 = vector.shape_cast %swap3A_4213 : vector<1x1x16xi32> to vector<16xi32>
        %swap3A_4215 = vector.shape_cast %get3A_4207 : vector<16xi32> to vector<1x1x16xi32>
        tpu.vector_store %arg8[%swap3A_4210, %swap3A_4211, %swap3A_4212], %swap3A_4215 {strides = array<i32>} : memref<2x2x112xi32, #tpu.memory_space<vmem>>, vector<1x1x16xi32>,
        %get3A_4216 = arith.index_cast %add3A_3001 : i32 to index
        %get3A_4217 = arith.constant 34 : index
        %get3A_4218 = tpu.vector_load %arg6[%get3A_4216, %get3A_4217] {strides = array<i32>} : memref<32x240xi32, #tpu.memory_space<vmem>>, vector<1x16xi32>,
        %get3A_4219 = vector.shape_cast %get3A_4218 : vector<1x16xi32> to vector<16xi32>
        %swap3A_4220 = arith.constant 0 : i32
        %swap3A_4221 = arith.constant 0 : i32
        %swap3A_4222 = arith.index_cast %swap3A_4220 : i32 to index
        %swap3A_4223 = arith.index_cast %swap3A_4221 : i32 to index
        %swap3A_4224 = arith.constant 32 : index
        %swap3A_4225 = tpu.vector_load %arg8[%swap3A_4222, %swap3A_4223, %swap3A_4224] {strides = array<i32>} : memref<2x2x112xi32, #tpu.memory_space<vmem>>, vector<1x1x16xi32>,
        %swap3A_4226 = vector.shape_cast %swap3A_4225 : vector<1x1x16xi32> to vector<16xi32>
        %swap3A_4227 = vector.shape_cast %get3A_4219 : vector<16xi32> to vector<1x1x16xi32>
        tpu.vector_store %arg8[%swap3A_4222, %swap3A_4223, %swap3A_4224], %swap3A_4227 {strides = array<i32>} : memref<2x2x112xi32, #tpu.memory_space<vmem>>, vector<1x1x16xi32>,
        %get3A_4228 = arith.index_cast %add3A_3001 : i32 to index
        %get3A_4229 = arith.constant 50 : index
        %get3A_4230 = tpu.vector_load %arg6[%get3A_4228, %get3A_4229] {strides = array<i32>} : memref<32x240xi32, #tpu.memory_space<vmem>>, vector<1x16xi32>,
        %get3A_4231 = vector.shape_cast %get3A_4230 : vector<1x16xi32> to vector<16xi32>
        %swap3A_4232 = arith.constant 0 : i32
        %swap3A_4233 = arith.constant 0 : i32
        %swap3A_4234 = arith.index_cast %swap3A_4232 : i32 to index
        %swap3A_4235 = arith.index_cast %swap3A_4233 : i32 to index
        %swap3A_4236 = arith.constant 48 : index
        %swap3A_4237 = tpu.vector_load %arg8[%swap3A_4234, %swap3A_4235, %swap3A_4236] {strides = array<i32>} : memref<2x2x112xi32, #tpu.memory_space<vmem>>, vector<1x1x16xi32>,
        %swap3A_4238 = vector.shape_cast %swap3A_4237 : vector<1x1x16xi32> to vector<16xi32>
        %swap3A_4239 = vector.shape_cast %get3A_4231 : vector<16xi32> to vector<1x1x16xi32>
        tpu.vector_store %arg8[%swap3A_4234, %swap3A_4235, %swap3A_4236], %swap3A_4239 {strides = array<i32>} : memref<2x2x112xi32, #tpu.memory_space<vmem>>, vector<1x1x16xi32>,
        %get3A_4240 = arith.index_cast %add3A_3001 : i32 to index
        %get3A_4241 = arith.constant 66 : index
        %get3A_4242 = tpu.vector_load %arg6[%get3A_4240, %get3A_4241] {strides = array<i32>} : memref<32x240xi32, #tpu.memory_space<vmem>>, vector<1x16xi32>,
        %get3A_4243 = vector.shape_cast %get3A_4242 : vector<1x16xi32> to vector<16xi32>
        %swap3A_4244 = arith.constant 0 : i32
        %swap3A_4245 = arith.constant 0 : i32
        %swap3A_4246 = arith.index_cast %swap3A_4244 : i32 to index
        %swap3A_4247 = arith.index_cast %swap3A_4245 : i32 to index
        %swap3A_4248 = arith.constant 64 : index
        %swap3A_4249 = tpu.vector_load %arg8[%swap3A_4246, %swap3A_4247, %swap3A_4248] {strides = array<i32>} : memref<2x2x112xi32, #tpu.memory_space<vmem>>, vector<1x1x16xi32>,
        %swap3A_4250 = vector.shape_cast %swap3A_4249 : vector<1x1x16xi32> to vector<16xi32>
        %swap3A_4251 = vector.shape_cast %get3A_4243 : vector<16xi32> to vector<1x1x16xi32>
        tpu.vector_store %arg8[%swap3A_4246, %swap3A_4247, %swap3A_4248], %swap3A_4251 {strides = array<i32>} : memref<2x2x112xi32, #tpu.memory_space<vmem>>, vector<1x1x16xi32>,
        %get3A_4252 = arith.index_cast %add3A_3001 : i32 to index
        %get3A_4253 = arith.constant 82 : index
        %get3A_4254 = tpu.vector_load %arg6[%get3A_4252, %get3A_4253] {strides = array<i32>} : memref<32x240xi32, #tpu.memory_space<vmem>>, vector<1x16xi32>,
        %get3A_4255 = vector.shape_cast %get3A_4254 : vector<1x16xi32> to vector<16xi32>
        %swap3A_4256 = arith.constant 0 : i32
        %swap3A_4257 = arith.constant 0 : i32
        %swap3A_4258 = arith.index_cast %swap3A_4256 : i32 to index
        %swap3A_4259 = arith.index_cast %swap3A_4257 : i32 to index
        %swap3A_4260 = arith.constant 80 : index
        %swap3A_4261 = tpu.vector_load %arg8[%swap3A_4258, %swap3A_4259, %swap3A_4260] {strides = array<i32>} : memref<2x2x112xi32, #tpu.memory_space<vmem>>, vector<1x1x16xi32>,
        %swap3A_4262 = vector.shape_cast %swap3A_4261 : vector<1x1x16xi32> to vector<16xi32>
        %swap3A_4263 = vector.shape_cast %get3A_4255 : vector<16xi32> to vector<1x1x16xi32>
        tpu.vector_store %arg8[%swap3A_4258, %swap3A_4259, %swap3A_4260], %swap3A_4263 {strides = array<i32>} : memref<2x2x112xi32, #tpu.memory_space<vmem>>, vector<1x1x16xi32>,
        %get3A_4264 = arith.index_cast %add3A_3001 : i32 to index
        %get3A_4265 = arith.constant 98 : index
        %get3A_4266 = tpu.vector_load %arg6[%get3A_4264, %get3A_4265] {strides = array<i32>} : memref<32x240xi32, #tpu.memory_space<vmem>>, vector<1x16xi32>,
        %get3A_4267 = vector.shape_cast %get3A_4266 : vector<1x16xi32> to vector<16xi32>
        %swap3A_4268 = arith.constant 0 : i32
        %swap3A_4269 = arith.constant 0 : i32
        %swap3A_4270 = arith.index_cast %swap3A_4268 : i32 to index
        %swap3A_4271 = arith.index_cast %swap3A_4269 : i32 to index
        %swap3A_4272 = arith.constant 96 : index
        %swap3A_4273 = tpu.vector_load %arg8[%swap3A_4270, %swap3A_4271, %swap3A_4272] {strides = array<i32>} : memref<2x2x112xi32, #tpu.memory_space<vmem>>, vector<1x1x16xi32>,
        %swap3A_4274 = vector.shape_cast %swap3A_4273 : vector<1x1x16xi32> to vector<16xi32>
        %swap3A_4275 = vector.shape_cast %get3A_4267 : vector<16xi32> to vector<1x1x16xi32>
        tpu.vector_store %arg8[%swap3A_4270, %swap3A_4271, %swap3A_4272], %swap3A_4275 {strides = array<i32>} : memref<2x2x112xi32, #tpu.memory_space<vmem>>, vector<1x1x16xi32>,
        %get3A_4276 = arith.index_cast %add3A_3001 : i32 to index
        %get3A_4277 = arith.constant 114 : index
        %get3A_4278 = tpu.vector_load %arg6[%get3A_4276, %get3A_4277] {strides = array<i32>} : memref<32x240xi32, #tpu.memory_space<vmem>>, vector<1x16xi32>,
        %get3A_4279 = vector.shape_cast %get3A_4278 : vector<1x16xi32> to vector<16xi32>
        %swap3A_4280 = arith.constant 0 : i32
        %swap3A_4281 = arith.constant 1 : i32
        %swap3A_4282 = arith.index_cast %swap3A_4280 : i32 to index
        %swap3A_4283 = arith.index_cast %swap3A_4281 : i32 to index
        %swap3A_4284 = arith.constant 0 : index
        %swap3A_4285 = tpu.vector_load %arg8[%swap3A_4282, %swap3A_4283, %swap3A_4284] {strides = array<i32>} : memref<2x2x112xi32, #tpu.memory_space<vmem>>, vector<1x1x16xi32>,
        %swap3A_4286 = vector.shape_cast %swap3A_4285 : vector<1x1x16xi32> to vector<16xi32>
        %swap3A_4287 = vector.shape_cast %get3A_4279 : vector<16xi32> to vector<1x1x16xi32>
        tpu.vector_store %arg8[%swap3A_4282, %swap3A_4283, %swap3A_4284], %swap3A_4287 {strides = array<i32>} : memref<2x2x112xi32, #tpu.memory_space<vmem>>, vector<1x1x16xi32>,
        %get3A_4288 = arith.index_cast %add3A_3001 : i32 to index
        %get3A_4289 = arith.constant 130 : index
        %get3A_4290 = tpu.vector_load %arg6[%get3A_4288, %get3A_4289] {strides = array<i32>} : memref<32x240xi32, #tpu.memory_space<vmem>>, vector<1x16xi32>,
        %get3A_4291 = vector.shape_cast %get3A_4290 : vector<1x16xi32> to vector<16xi32>
        %swap3A_4292 = arith.constant 0 : i32
        %swap3A_4293 = arith.constant 1 : i32
        %swap3A_4294 = arith.index_cast %swap3A_4292 : i32 to index
        %swap3A_4295 = arith.index_cast %swap3A_4293 : i32 to index
        %swap3A_4296 = arith.constant 16 : index
        %swap3A_4297 = tpu.vector_load %arg8[%swap3A_4294, %swap3A_4295, %swap3A_4296] {strides = array<i32>} : memref<2x2x112xi32, #tpu.memory_space<vmem>>, vector<1x1x16xi32>,
        %swap3A_4298 = vector.shape_cast %swap3A_4297 : vector<1x1x16xi32> to vector<16xi32>
        %swap3A_4299 = vector.shape_cast %get3A_4291 : vector<16xi32> to vector<1x1x16xi32>
        tpu.vector_store %arg8[%swap3A_4294, %swap3A_4295, %swap3A_4296], %swap3A_4299 {strides = array<i32>} : memref<2x2x112xi32, #tpu.memory_space<vmem>>, vector<1x1x16xi32>,
        %get3A_4300 = arith.index_cast %add3A_3001 : i32 to index
        %get3A_4301 = arith.constant 146 : index
        %get3A_4302 = tpu.vector_load %arg6[%get3A_4300, %get3A_4301] {strides = array<i32>} : memref<32x240xi32, #tpu.memory_space<vmem>>, vector<1x16xi32>,
        %get3A_4303 = vector.shape_cast %get3A_4302 : vector<1x16xi32> to vector<16xi32>
        %swap3A_4304 = arith.constant 0 : i32
        %swap3A_4305 = arith.constant 1 : i32
        %swap3A_4306 = arith.index_cast %swap3A_4304 : i32 to index
        %swap3A_4307 = arith.index_cast %swap3A_4305 : i32 to index
        %swap3A_4308 = arith.constant 32 : index
        %swap3A_4309 = tpu.vector_load %arg8[%swap3A_4306, %swap3A_4307, %swap3A_4308] {strides = array<i32>} : memref<2x2x112xi32, #tpu.memory_space<vmem>>, vector<1x1x16xi32>,
        %swap3A_4310 = vector.shape_cast %swap3A_4309 : vector<1x1x16xi32> to vector<16xi32>
        %swap3A_4311 = vector.shape_cast %get3A_4303 : vector<16xi32> to vector<1x1x16xi32>
        tpu.vector_store %arg8[%swap3A_4306, %swap3A_4307, %swap3A_4308], %swap3A_4311 {strides = array<i32>} : memref<2x2x112xi32, #tpu.memory_space<vmem>>, vector<1x1x16xi32>,
        %get3A_4312 = arith.index_cast %add3A_3001 : i32 to index
        %get3A_4313 = arith.constant 162 : index
        %get3A_4314 = tpu.vector_load %arg6[%get3A_4312, %get3A_4313] {strides = array<i32>} : memref<32x240xi32, #tpu.memory_space<vmem>>, vector<1x16xi32>,
        %get3A_4315 = vector.shape_cast %get3A_4314 : vector<1x16xi32> to vector<16xi32>
        %swap3A_4316 = arith.constant 0 : i32
        %swap3A_4317 = arith.constant 1 : i32
        %swap3A_4318 = arith.index_cast %swap3A_4316 : i32 to index
        %swap3A_4319 = arith.index_cast %swap3A_4317 : i32 to index
        %swap3A_4320 = arith.constant 48 : index
        %swap3A_4321 = tpu.vector_load %arg8[%swap3A_4318, %swap3A_4319, %swap3A_4320] {strides = array<i32>} : memref<2x2x112xi32, #tpu.memory_space<vmem>>, vector<1x1x16xi32>,
        %swap3A_4322 = vector.shape_cast %swap3A_4321 : vector<1x1x16xi32> to vector<16xi32>
        %swap3A_4323 = vector.shape_cast %get3A_4315 : vector<16xi32> to vector<1x1x16xi32>
        tpu.vector_store %arg8[%swap3A_4318, %swap3A_4319, %swap3A_4320], %swap3A_4323 {strides = array<i32>} : memref<2x2x112xi32, #tpu.memory_space<vmem>>, vector<1x1x16xi32>,
        %get3A_4324 = arith.index_cast %add3A_3001 : i32 to index
        %get3A_4325 = arith.constant 178 : index
        %get3A_4326 = tpu.vector_load %arg6[%get3A_4324, %get3A_4325] {strides = array<i32>} : memref<32x240xi32, #tpu.memory_space<vmem>>, vector<1x16xi32>,
        %get3A_4327 = vector.shape_cast %get3A_4326 : vector<1x16xi32> to vector<16xi32>
        %swap3A_4328 = arith.constant 0 : i32
        %swap3A_4329 = arith.constant 1 : i32
        %swap3A_4330 = arith.index_cast %swap3A_4328 : i32 to index
        %swap3A_4331 = arith.index_cast %swap3A_4329 : i32 to index
        %swap3A_4332 = arith.constant 64 : index
        %swap3A_4333 = tpu.vector_load %arg8[%swap3A_4330, %swap3A_4331, %swap3A_4332] {strides = array<i32>} : memref<2x2x112xi32, #tpu.memory_space<vmem>>, vector<1x1x16xi32>,
        %swap3A_4334 = vector.shape_cast %swap3A_4333 : vector<1x1x16xi32> to vector<16xi32>
        %swap3A_4335 = vector.shape_cast %get3A_4327 : vector<16xi32> to vector<1x1x16xi32>
        tpu.vector_store %arg8[%swap3A_4330, %swap3A_4331, %swap3A_4332], %swap3A_4335 {strides = array<i32>} : memref<2x2x112xi32, #tpu.memory_space<vmem>>, vector<1x1x16xi32>,
        %get3A_4336 = arith.index_cast %add3A_3001 : i32 to index
        %get3A_4337 = arith.constant 194 : index
        %get3A_4338 = tpu.vector_load %arg6[%get3A_4336, %get3A_4337] {strides = array<i32>} : memref<32x240xi32, #tpu.memory_space<vmem>>, vector<1x16xi32>,
        %get3A_4339 = vector.shape_cast %get3A_4338 : vector<1x16xi32> to vector<16xi32>
        %swap3A_4340 = arith.constant 0 : i32
        %swap3A_4341 = arith.constant 1 : i32
        %swap3A_4342 = arith.index_cast %swap3A_4340 : i32 to index
        %swap3A_4343 = arith.index_cast %swap3A_4341 : i32 to index
        %swap3A_4344 = arith.constant 80 : index
        %swap3A_4345 = tpu.vector_load %arg8[%swap3A_4342, %swap3A_4343, %swap3A_4344] {strides = array<i32>} : memref<2x2x112xi32, #tpu.memory_space<vmem>>, vector<1x1x16xi32>,
        %swap3A_4346 = vector.shape_cast %swap3A_4345 : vector<1x1x16xi32> to vector<16xi32>
        %swap3A_4347 = vector.shape_cast %get3A_4339 : vector<16xi32> to vector<1x1x16xi32>
        tpu.vector_store %arg8[%swap3A_4342, %swap3A_4343, %swap3A_4344], %swap3A_4347 {strides = array<i32>} : memref<2x2x112xi32, #tpu.memory_space<vmem>>, vector<1x1x16xi32>,
        %get3A_4348 = arith.index_cast %add3A_3001 : i32 to index
        %get3A_4349 = arith.constant 210 : index
        %get3A_4350 = tpu.vector_load %arg6[%get3A_4348, %get3A_4349] {strides = array<i32>} : memref<32x240xi32, #tpu.memory_space<vmem>>, vector<1x16xi32>,
        %get3A_4351 = vector.shape_cast %get3A_4350 : vector<1x16xi32> to vector<16xi32>
        %swap3A_4352 = arith.constant 0 : i32
        %swap3A_4353 = arith.constant 1 : i32
        %swap3A_4354 = arith.index_cast %swap3A_4352 : i32 to index
        %swap3A_4355 = arith.index_cast %swap3A_4353 : i32 to index
        %swap3A_4356 = arith.constant 96 : index
        %swap3A_4357 = tpu.vector_load %arg8[%swap3A_4354, %swap3A_4355, %swap3A_4356] {strides = array<i32>} : memref<2x2x112xi32, #tpu.memory_space<vmem>>, vector<1x1x16xi32>,
        %swap3A_4358 = vector.shape_cast %swap3A_4357 : vector<1x1x16xi32> to vector<16xi32>
        %swap3A_4359 = vector.shape_cast %get3A_4351 : vector<16xi32> to vector<1x1x16xi32>
        tpu.vector_store %arg8[%swap3A_4354, %swap3A_4355, %swap3A_4356], %swap3A_4359 {strides = array<i32>} : memref<2x2x112xi32, #tpu.memory_space<vmem>>, vector<1x1x16xi32>,
      } else {
      }
      %ge3A_2952 = arith.constant 1 : i32
      %ge3A_2953 = arith.cmpi sge, %scan3A_1535, %ge3A_2952 : i32
      %convert_element_type3A_2954 = arith.extui %ge3A_2953 : i1 to i32
      %cond3A_2955 = arith.constant 0 : i32
      %cond3A_2956 = arith.cmpi ne, %convert_element_type3A_2954, %cond3A_2955 : i32
      scf.if %cond3A_2956 {
        %sub3A = arith.constant 2 : i32
        %sub3A_3000 = arith.subi %add3A_2947, %sub3A : i32
        %add3A_3001 = arith.addi %mul3A_2, %sub3A_3000 : i32
        %dma_wait3A_3002 = arith.constant 1 : i32
        %dma_wait3A_3003 = arith.constant 0 : i32
        %dma_wait3A_3004 = arith.constant 1 : i32
        %dma_wait3A_3005 = arith.constant 0 : i32
        %dma_wait3A_3006 = arith.constant 0 : i32
        %dma_wait3A_3007 = tpu.memref_slice %arg11[%dma_wait3A_3002, %dma_wait3A_3003, %dma_wait3A_3005, %dma_wait3A_3006] : memref<2x2x112x32xf32, #tpu.memory_space<vmem>> -> memref<1x1x112x32xf32, #tpu.memory_space<vmem>>
        %dma_wait3A_3008 = tpu.memref_squeeze %dma_wait3A_3007 : memref<1x1x112x32xf32, #tpu.memory_space<vmem>> -> memref<112x32xf32, #tpu.memory_space<vmem>>
        %dma_wait3A_3009 = arith.constant 0 : i32
        %dma_wait3A_3010 = arith.constant 0 : i32
        %dma_wait3A_3011 = tpu.memref_slice %arg5[%add3A_3001, %dma_wait3A_3009, %dma_wait3A_3010] : memref<1024x196x32xf32, #tpu.memory_space<hbm>> -> memref<1x112x32xf32, #tpu.memory_space<hbm>>
        %dma_wait3A_3012 = tpu.memref_squeeze %dma_wait3A_3011 : memref<1x112x32xf32, #tpu.memory_space<hbm>> -> memref<112x32xf32, #tpu.memory_space<hbm>>
        %dma_wait3A_3013 = tpu.memref_slice %arg13[%dma_wait3A_3004] : memref<2x!tpu.dma_semaphore, #tpu.memory_space<semaphore_mem>> -> memref<1x!tpu.dma_semaphore, #tpu.memory_space<semaphore_mem>>
        %dma_wait3A_3014 = tpu.memref_squeeze %dma_wait3A_3013 : memref<1x!tpu.dma_semaphore, #tpu.memory_space<semaphore_mem>> -> memref<!tpu.dma_semaphore, #tpu.memory_space<semaphore_mem>>
        %dma_wait3A_3015 = arith.constant 0 : i32
        %dma_wait3A_3016 = arith.constant 0 : i32
        %dma_wait3A_3017 = tpu.memref_slice %arg5[%add3A_3001, %dma_wait3A_3015, %dma_wait3A_3016] : memref<1024x196x32xf32, #tpu.memory_space<hbm>> -> memref<1x112x32xf32, #tpu.memory_space<hbm>>
        %dma_wait3A_3018 = tpu.memref_squeeze %dma_wait3A_3017 : memref<1x112x32xf32, #tpu.memory_space<hbm>> -> memref<112x32xf32, #tpu.memory_space<hbm>>
        %dma_wait3A_3019 = arith.constant 0 : i32
        %dma_wait3A_3020 = arith.constant 0 : i32
        %dma_wait3A_3021 = tpu.memref_slice %arg11[%dma_wait3A_3002, %dma_wait3A_3003, %dma_wait3A_3019, %dma_wait3A_3020] : memref<2x2x112x32xf32, #tpu.memory_space<vmem>> -> memref<1x1x112x32xf32, #tpu.memory_space<vmem>>
        %dma_wait3A_3022 = tpu.memref_squeeze %dma_wait3A_3021 : memref<1x1x112x32xf32, #tpu.memory_space<vmem>> -> memref<112x32xf32, #tpu.memory_space<vmem>>
        tpu.wait_dma2 semaphore(%dma_wait3A_3014 : memref<!tpu.dma_semaphore, #tpu.memory_space<semaphore_mem>>) src(%dma_wait3A_3022 : memref<112x32xf32, #tpu.memory_space<vmem>>) dst(%dma_wait3A_3018 : memref<112x32xf32, #tpu.memory_space<hbm>>)
        %dma_wait3A_3023 = arith.constant 1 : i32
        %dma_wait3A_3024 = arith.constant 1 : i32
        %dma_wait3A_3025 = arith.constant 1 : i32
        %dma_wait3A_3026 = arith.constant 0 : i32
        %dma_wait3A_3027 = arith.constant 0 : i32
        %dma_wait3A_3028 = tpu.memref_slice %arg11[%dma_wait3A_3023, %dma_wait3A_3024, %dma_wait3A_3026, %dma_wait3A_3027] : memref<2x2x112x32xf32, #tpu.memory_space<vmem>> -> memref<1x1x84x32xf32, #tpu.memory_space<vmem>>
        %dma_wait3A_3029 = tpu.memref_squeeze %dma_wait3A_3028 : memref<1x1x84x32xf32, #tpu.memory_space<vmem>> -> memref<84x32xf32, #tpu.memory_space<vmem>>
        %dma_wait3A_3030 = arith.constant 112 : i32
        %dma_wait3A_3031 = arith.constant 0 : i32
        %dma_wait3A_3032 = tpu.memref_slice %arg5[%add3A_3001, %dma_wait3A_3030, %dma_wait3A_3031] : memref<1024x196x32xf32, #tpu.memory_space<hbm>> -> memref<1x84x32xf32, #tpu.memory_space<hbm>>
        %dma_wait3A_3033 = tpu.memref_squeeze %dma_wait3A_3032 : memref<1x84x32xf32, #tpu.memory_space<hbm>> -> memref<84x32xf32, #tpu.memory_space<hbm>>
        %dma_wait3A_3034 = tpu.memref_slice %arg13[%dma_wait3A_3025] : memref<2x!tpu.dma_semaphore, #tpu.memory_space<semaphore_mem>> -> memref<1x!tpu.dma_semaphore, #tpu.memory_space<semaphore_mem>>
        %dma_wait3A_3035 = tpu.memref_squeeze %dma_wait3A_3034 : memref<1x!tpu.dma_semaphore, #tpu.memory_space<semaphore_mem>> -> memref<!tpu.dma_semaphore, #tpu.memory_space<semaphore_mem>>
        %dma_wait3A_3036 = arith.constant 112 : i32
        %dma_wait3A_3037 = arith.constant 0 : i32
        %dma_wait3A_3038 = tpu.memref_slice %arg5[%add3A_3001, %dma_wait3A_3036, %dma_wait3A_3037] : memref<1024x196x32xf32, #tpu.memory_space<hbm>> -> memref<1x84x32xf32, #tpu.memory_space<hbm>>
        %dma_wait3A_3039 = tpu.memref_squeeze %dma_wait3A_3038 : memref<1x84x32xf32, #tpu.memory_space<hbm>> -> memref<84x32xf32, #tpu.memory_space<hbm>>
        %dma_wait3A_3040 = arith.constant 0 : i32
        %dma_wait3A_3041 = arith.constant 0 : i32
        %dma_wait3A_3042 = tpu.memref_slice %arg11[%dma_wait3A_3023, %dma_wait3A_3024, %dma_wait3A_3040, %dma_wait3A_3041] : memref<2x2x112x32xf32, #tpu.memory_space<vmem>> -> memref<1x1x84x32xf32, #tpu.memory_space<vmem>>
        %dma_wait3A_3043 = tpu.memref_squeeze %dma_wait3A_3042 : memref<1x1x84x32xf32, #tpu.memory_space<vmem>> -> memref<84x32xf32, #tpu.memory_space<vmem>>
        tpu.wait_dma2 semaphore(%dma_wait3A_3035 : memref<!tpu.dma_semaphore, #tpu.memory_space<semaphore_mem>>) src(%dma_wait3A_3043 : memref<84x32xf32, #tpu.memory_space<vmem>>) dst(%dma_wait3A_3039 : memref<84x32xf32, #tpu.memory_space<hbm>>)
      } else {
      }
      %add3A_2957 = arith.addi %mul3A_2, %add3A_2947 : i32
      %dma_start3A_2958 = arith.constant 1 : i32
      %dma_start3A_2959 = arith.constant 0 : i32
      %dma_start3A_2960 = arith.constant 1 : i32
      %dma_start3A_2961 = arith.constant 0 : i32
      %dma_start3A_2962 = arith.constant 0 : i32
      %dma_start3A_2963 = tpu.memref_slice %arg11[%dma_start3A_2958, %dma_start3A_2959, %dma_start3A_2961, %dma_start3A_2962] : memref<2x2x112x32xf32, #tpu.memory_space<vmem>> -> memref<1x1x112x32xf32, #tpu.memory_space<vmem>>
      %dma_start3A_2964 = tpu.memref_squeeze %dma_start3A_2963 : memref<1x1x112x32xf32, #tpu.memory_space<vmem>> -> memref<112x32xf32, #tpu.memory_space<vmem>>
      %dma_start3A_2965 = arith.constant 0 : i32
      %dma_start3A_2966 = arith.constant 0 : i32
      %dma_start3A_2967 = tpu.memref_slice %arg5[%add3A_2957, %dma_start3A_2965, %dma_start3A_2966] : memref<1024x196x32xf32, #tpu.memory_space<hbm>> -> memref<1x112x32xf32, #tpu.memory_space<hbm>>
      %dma_start3A_2968 = tpu.memref_squeeze %dma_start3A_2967 : memref<1x112x32xf32, #tpu.memory_space<hbm>> -> memref<112x32xf32, #tpu.memory_space<hbm>>
      %dma_start3A_2969 = tpu.memref_slice %arg13[%dma_start3A_2960] : memref<2x!tpu.dma_semaphore, #tpu.memory_space<semaphore_mem>> -> memref<1x!tpu.dma_semaphore, #tpu.memory_space<semaphore_mem>>
      %dma_start3A_2970 = tpu.memref_squeeze %dma_start3A_2969 : memref<1x!tpu.dma_semaphore, #tpu.memory_space<semaphore_mem>> -> memref<!tpu.dma_semaphore, #tpu.memory_space<semaphore_mem>>
      %dma_start3A_2971 = arith.constant 0 : i32
      %dma_start3A_2972 = arith.constant 0 : i32
      %dma_start3A_2973 = tpu.memref_slice %arg5[%add3A_2957, %dma_start3A_2971, %dma_start3A_2972] : memref<1024x196x32xf32, #tpu.memory_space<hbm>> -> memref<1x112x32xf32, #tpu.memory_space<hbm>>
      %dma_start3A_2974 = tpu.memref_squeeze %dma_start3A_2973 : memref<1x112x32xf32, #tpu.memory_space<hbm>> -> memref<112x32xf32, #tpu.memory_space<hbm>>
      %dma_start3A_2975 = arith.constant 0 : i32
      %dma_start3A_2976 = arith.constant 0 : i32
      %dma_start3A_2977 = tpu.memref_slice %arg11[%dma_start3A_2958, %dma_start3A_2959, %dma_start3A_2975, %dma_start3A_2976] : memref<2x2x112x32xf32, #tpu.memory_space<vmem>> -> memref<1x1x112x32xf32, #tpu.memory_space<vmem>>
      %dma_start3A_2978 = tpu.memref_squeeze %dma_start3A_2977 : memref<1x1x112x32xf32, #tpu.memory_space<vmem>> -> memref<112x32xf32, #tpu.memory_space<vmem>>
      tpu.enqueue_dma source(%dma_start3A_2978 : memref<112x32xf32, #tpu.memory_space<vmem>>) target(%dma_start3A_2974 : memref<112x32xf32, #tpu.memory_space<hbm>>) target_semaphore(%dma_start3A_2970 : memref<!tpu.dma_semaphore, #tpu.memory_space<semaphore_mem>>)
      %dma_start3A_2979 = arith.constant 1 : i32
      %dma_start3A_2980 = arith.constant 1 : i32
      %dma_start3A_2981 = arith.constant 1 : i32
      %dma_start3A_2982 = arith.constant 0 : i32
      %dma_start3A_2983 = arith.constant 0 : i32
      %dma_start3A_2984 = tpu.memref_slice %arg11[%dma_start3A_2979, %dma_start3A_2980, %dma_start3A_2982, %dma_start3A_2983] : memref<2x2x112x32xf32, #tpu.memory_space<vmem>> -> memref<1x1x84x32xf32, #tpu.memory_space<vmem>>
      %dma_start3A_2985 = tpu.memref_squeeze %dma_start3A_2984 : memref<1x1x84x32xf32, #tpu.memory_space<vmem>> -> memref<84x32xf32, #tpu.memory_space<vmem>>
      %dma_start3A_2986 = arith.constant 112 : i32
      %dma_start3A_2987 = arith.constant 0 : i32
      %dma_start3A_2988 = tpu.memref_slice %arg5[%add3A_2957, %dma_start3A_2986, %dma_start3A_2987] : memref<1024x196x32xf32, #tpu.memory_space<hbm>> -> memref<1x84x32xf32, #tpu.memory_space<hbm>>
      %dma_start3A_2989 = tpu.memref_squeeze %dma_start3A_2988 : memref<1x84x32xf32, #tpu.memory_space<hbm>> -> memref<84x32xf32, #tpu.memory_space<hbm>>
      %dma_start3A_2990 = tpu.memref_slice %arg13[%dma_start3A_2981] : memref<2x!tpu.dma_semaphore, #tpu.memory_space<semaphore_mem>> -> memref<1x!tpu.dma_semaphore, #tpu.memory_space<semaphore_mem>>
      %dma_start3A_2991 = tpu.memref_squeeze %dma_start3A_2990 : memref<1x!tpu.dma_semaphore, #tpu.memory_space<semaphore_mem>> -> memref<!tpu.dma_semaphore, #tpu.memory_space<semaphore_mem>>
      %dma_start3A_2992 = arith.constant 112 : i32
      %dma_start3A_2993 = arith.constant 0 : i32
      %dma_start3A_2994 = tpu.memref_slice %arg5[%add3A_2957, %dma_start3A_2992, %dma_start3A_2993] : memref<1024x196x32xf32, #tpu.memory_space<hbm>> -> memref<1x84x32xf32, #tpu.memory_space<hbm>>
      %dma_start3A_2995 = tpu.memref_squeeze %dma_start3A_2994 : memref<1x84x32xf32, #tpu.memory_space<hbm>> -> memref<84x32xf32, #tpu.memory_space<hbm>>
      %dma_start3A_2996 = arith.constant 0 : i32
      %dma_start3A_2997 = arith.constant 0 : i32
      %dma_start3A_2998 = tpu.memref_slice %arg11[%dma_start3A_2979, %dma_start3A_2980, %dma_start3A_2996, %dma_start3A_2997] : memref<2x2x112x32xf32, #tpu.memory_space<vmem>> -> memref<1x1x84x32xf32, #tpu.memory_space<vmem>>
      %dma_start3A_2999 = tpu.memref_squeeze %dma_start3A_2998 : memref<1x1x84x32xf32, #tpu.memory_space<vmem>> -> memref<84x32xf32, #tpu.memory_space<vmem>>
      tpu.enqueue_dma source(%dma_start3A_2999 : memref<84x32xf32, #tpu.memory_space<vmem>>) target(%dma_start3A_2995 : memref<84x32xf32, #tpu.memory_space<hbm>>) target_semaphore(%dma_start3A_2991 : memref<!tpu.dma_semaphore, #tpu.memory_space<semaphore_mem>>)
    }
    %scan3A_1447 = arith.constant 16 : i32
    %add3A_1448 = arith.constant 30 : i32
    %add3A_1449 = arith.addi %mul3A_2, %add3A_1448 : i32
    %dma_wait3A = arith.constant 0 : i32
    %dma_wait3A_1450 = arith.constant 0 : i32
    %dma_wait3A_1451 = arith.constant 0 : i32
    %dma_wait3A_1452 = arith.constant 0 : i32
    %dma_wait3A_1453 = arith.constant 0 : i32
    %dma_wait3A_1454 = tpu.memref_slice %arg11[%dma_wait3A, %dma_wait3A_1450, %dma_wait3A_1452, %dma_wait3A_1453] : memref<2x2x112x32xf32, #tpu.memory_space<vmem>> -> memref<1x1x112x32xf32, #tpu.memory_space<vmem>>
    %dma_wait3A_1455 = tpu.memref_squeeze %dma_wait3A_1454 : memref<1x1x112x32xf32, #tpu.memory_space<vmem>> -> memref<112x32xf32, #tpu.memory_space<vmem>>
    %dma_wait3A_1456 = arith.constant 0 : i32
    %dma_wait3A_1457 = arith.constant 0 : i32
    %dma_wait3A_1458 = tpu.memref_slice %arg5[%add3A_1449, %dma_wait3A_1456, %dma_wait3A_1457] : memref<1024x196x32xf32, #tpu.memory_space<hbm>> -> memref<1x112x32xf32, #tpu.memory_space<hbm>>
    %dma_wait3A_1459 = tpu.memref_squeeze %dma_wait3A_1458 : memref<1x112x32xf32, #tpu.memory_space<hbm>> -> memref<112x32xf32, #tpu.memory_space<hbm>>
    %dma_wait3A_1460 = tpu.memref_slice %arg13[%dma_wait3A_1451] : memref<2x!tpu.dma_semaphore, #tpu.memory_space<semaphore_mem>> -> memref<1x!tpu.dma_semaphore, #tpu.memory_space<semaphore_mem>>
    %dma_wait3A_1461 = tpu.memref_squeeze %dma_wait3A_1460 : memref<1x!tpu.dma_semaphore, #tpu.memory_space<semaphore_mem>> -> memref<!tpu.dma_semaphore, #tpu.memory_space<semaphore_mem>>
    %dma_wait3A_1462 = arith.constant 0 : i32
    %dma_wait3A_1463 = arith.constant 0 : i32
    %dma_wait3A_1464 = tpu.memref_slice %arg5[%add3A_1449, %dma_wait3A_1462, %dma_wait3A_1463] : memref<1024x196x32xf32, #tpu.memory_space<hbm>> -> memref<1x112x32xf32, #tpu.memory_space<hbm>>
    %dma_wait3A_1465 = tpu.memref_squeeze %dma_wait3A_1464 : memref<1x112x32xf32, #tpu.memory_space<hbm>> -> memref<112x32xf32, #tpu.memory_space<hbm>>
    %dma_wait3A_1466 = arith.constant 0 : i32
    %dma_wait3A_1467 = arith.constant 0 : i32
    %dma_wait3A_1468 = tpu.memref_slice %arg11[%dma_wait3A, %dma_wait3A_1450, %dma_wait3A_1466, %dma_wait3A_1467] : memref<2x2x112x32xf32, #tpu.memory_space<vmem>> -> memref<1x1x112x32xf32, #tpu.memory_space<vmem>>
    %dma_wait3A_1469 = tpu.memref_squeeze %dma_wait3A_1468 : memref<1x1x112x32xf32, #tpu.memory_space<vmem>> -> memref<112x32xf32, #tpu.memory_space<vmem>>
    tpu.wait_dma2 semaphore(%dma_wait3A_1461 : memref<!tpu.dma_semaphore, #tpu.memory_space<semaphore_mem>>) src(%dma_wait3A_1469 : memref<112x32xf32, #tpu.memory_space<vmem>>) dst(%dma_wait3A_1465 : memref<112x32xf32, #tpu.memory_space<hbm>>)
    %dma_wait3A_1470 = arith.constant 0 : i32
    %dma_wait3A_1471 = arith.constant 1 : i32
    %dma_wait3A_1472 = arith.constant 0 : i32
    %dma_wait3A_1473 = arith.constant 0 : i32
    %dma_wait3A_1474 = arith.constant 0 : i32
    %dma_wait3A_1475 = tpu.memref_slice %arg11[%dma_wait3A_1470, %dma_wait3A_1471, %dma_wait3A_1473, %dma_wait3A_1474] : memref<2x2x112x32xf32, #tpu.memory_space<vmem>> -> memref<1x1x84x32xf32, #tpu.memory_space<vmem>>
    %dma_wait3A_1476 = tpu.memref_squeeze %dma_wait3A_1475 : memref<1x1x84x32xf32, #tpu.memory_space<vmem>> -> memref<84x32xf32, #tpu.memory_space<vmem>>
    %dma_wait3A_1477 = arith.constant 112 : i32
    %dma_wait3A_1478 = arith.constant 0 : i32
    %dma_wait3A_1479 = tpu.memref_slice %arg5[%add3A_1449, %dma_wait3A_1477, %dma_wait3A_1478] : memref<1024x196x32xf32, #tpu.memory_space<hbm>> -> memref<1x84x32xf32, #tpu.memory_space<hbm>>
    %dma_wait3A_1480 = tpu.memref_squeeze %dma_wait3A_1479 : memref<1x84x32xf32, #tpu.memory_space<hbm>> -> memref<84x32xf32, #tpu.memory_space<hbm>>
    %dma_wait3A_1481 = tpu.memref_slice %arg13[%dma_wait3A_1472] : memref<2x!tpu.dma_semaphore, #tpu.memory_space<semaphore_mem>> -> memref<1x!tpu.dma_semaphore, #tpu.memory_space<semaphore_mem>>
    %dma_wait3A_1482 = tpu.memref_squeeze %dma_wait3A_1481 : memref<1x!tpu.dma_semaphore, #tpu.memory_space<semaphore_mem>> -> memref<!tpu.dma_semaphore, #tpu.memory_space<semaphore_mem>>
    %dma_wait3A_1483 = arith.constant 112 : i32
    %dma_wait3A_1484 = arith.constant 0 : i32
    %dma_wait3A_1485 = tpu.memref_slice %arg5[%add3A_1449, %dma_wait3A_1483, %dma_wait3A_1484] : memref<1024x196x32xf32, #tpu.memory_space<hbm>> -> memref<1x84x32xf32, #tpu.memory_space<hbm>>
    %dma_wait3A_1486 = tpu.memref_squeeze %dma_wait3A_1485 : memref<1x84x32xf32, #tpu.memory_space<hbm>> -> memref<84x32xf32, #tpu.memory_space<hbm>>
    %dma_wait3A_1487 = arith.constant 0 : i32
    %dma_wait3A_1488 = arith.constant 0 : i32
    %dma_wait3A_1489 = tpu.memref_slice %arg11[%dma_wait3A_1470, %dma_wait3A_1471, %dma_wait3A_1487, %dma_wait3A_1488] : memref<2x2x112x32xf32, #tpu.memory_space<vmem>> -> memref<1x1x84x32xf32, #tpu.memory_space<vmem>>
    %dma_wait3A_1490 = tpu.memref_squeeze %dma_wait3A_1489 : memref<1x1x84x32xf32, #tpu.memory_space<vmem>> -> memref<84x32xf32, #tpu.memory_space<vmem>>
    tpu.wait_dma2 semaphore(%dma_wait3A_1482 : memref<!tpu.dma_semaphore, #tpu.memory_space<semaphore_mem>>) src(%dma_wait3A_1490 : memref<84x32xf32, #tpu.memory_space<vmem>>) dst(%dma_wait3A_1486 : memref<84x32xf32, #tpu.memory_space<hbm>>)
    %add3A_1491 = arith.constant 31 : i32
    %add3A_1492 = arith.addi %mul3A_2, %add3A_1491 : i32
    %dma_wait3A_1493 = arith.constant 1 : i32
    %dma_wait3A_1494 = arith.constant 0 : i32
    %dma_wait3A_1495 = arith.constant 1 : i32
    %dma_wait3A_1496 = arith.constant 0 : i32
    %dma_wait3A_1497 = arith.constant 0 : i32
    %dma_wait3A_1498 = tpu.memref_slice %arg11[%dma_wait3A_1493, %dma_wait3A_1494, %dma_wait3A_1496, %dma_wait3A_1497] : memref<2x2x112x32xf32, #tpu.memory_space<vmem>> -> memref<1x1x112x32xf32, #tpu.memory_space<vmem>>
    %dma_wait3A_1499 = tpu.memref_squeeze %dma_wait3A_1498 : memref<1x1x112x32xf32, #tpu.memory_space<vmem>> -> memref<112x32xf32, #tpu.memory_space<vmem>>
    %dma_wait3A_1500 = arith.constant 0 : i32
    %dma_wait3A_1501 = arith.constant 0 : i32
    %dma_wait3A_1502 = tpu.memref_slice %arg5[%add3A_1492, %dma_wait3A_1500, %dma_wait3A_1501] : memref<1024x196x32xf32, #tpu.memory_space<hbm>> -> memref<1x112x32xf32, #tpu.memory_space<hbm>>
    %dma_wait3A_1503 = tpu.memref_squeeze %dma_wait3A_1502 : memref<1x112x32xf32, #tpu.memory_space<hbm>> -> memref<112x32xf32, #tpu.memory_space<hbm>>
    %dma_wait3A_1504 = tpu.memref_slice %arg13[%dma_wait3A_1495] : memref<2x!tpu.dma_semaphore, #tpu.memory_space<semaphore_mem>> -> memref<1x!tpu.dma_semaphore, #tpu.memory_space<semaphore_mem>>
    %dma_wait3A_1505 = tpu.memref_squeeze %dma_wait3A_1504 : memref<1x!tpu.dma_semaphore, #tpu.memory_space<semaphore_mem>> -> memref<!tpu.dma_semaphore, #tpu.memory_space<semaphore_mem>>
    %dma_wait3A_1506 = arith.constant 0 : i32
    %dma_wait3A_1507 = arith.constant 0 : i32
    %dma_wait3A_1508 = tpu.memref_slice %arg5[%add3A_1492, %dma_wait3A_1506, %dma_wait3A_1507] : memref<1024x196x32xf32, #tpu.memory_space<hbm>> -> memref<1x112x32xf32, #tpu.memory_space<hbm>>
    %dma_wait3A_1509 = tpu.memref_squeeze %dma_wait3A_1508 : memref<1x112x32xf32, #tpu.memory_space<hbm>> -> memref<112x32xf32, #tpu.memory_space<hbm>>
    %dma_wait3A_1510 = arith.constant 0 : i32
    %dma_wait3A_1511 = arith.constant 0 : i32
    %dma_wait3A_1512 = tpu.memref_slice %arg11[%dma_wait3A_1493, %dma_wait3A_1494, %dma_wait3A_1510, %dma_wait3A_1511] : memref<2x2x112x32xf32, #tpu.memory_space<vmem>> -> memref<1x1x112x32xf32, #tpu.memory_space<vmem>>
    %dma_wait3A_1513 = tpu.memref_squeeze %dma_wait3A_1512 : memref<1x1x112x32xf32, #tpu.memory_space<vmem>> -> memref<112x32xf32, #tpu.memory_space<vmem>>
    tpu.wait_dma2 semaphore(%dma_wait3A_1505 : memref<!tpu.dma_semaphore, #tpu.memory_space<semaphore_mem>>) src(%dma_wait3A_1513 : memref<112x32xf32, #tpu.memory_space<vmem>>) dst(%dma_wait3A_1509 : memref<112x32xf32, #tpu.memory_space<hbm>>)
    %dma_wait3A_1514 = arith.constant 1 : i32
    %dma_wait3A_1515 = arith.constant 1 : i32
    %dma_wait3A_1516 = arith.constant 1 : i32
    %dma_wait3A_1517 = arith.constant 0 : i32
    %dma_wait3A_1518 = arith.constant 0 : i32
    %dma_wait3A_1519 = tpu.memref_slice %arg11[%dma_wait3A_1514, %dma_wait3A_1515, %dma_wait3A_1517, %dma_wait3A_1518] : memref<2x2x112x32xf32, #tpu.memory_space<vmem>> -> memref<1x1x84x32xf32, #tpu.memory_space<vmem>>
    %dma_wait3A_1520 = tpu.memref_squeeze %dma_wait3A_1519 : memref<1x1x84x32xf32, #tpu.memory_space<vmem>> -> memref<84x32xf32, #tpu.memory_space<vmem>>
    %dma_wait3A_1521 = arith.constant 112 : i32
    %dma_wait3A_1522 = arith.constant 0 : i32
    %dma_wait3A_1523 = tpu.memref_slice %arg5[%add3A_1492, %dma_wait3A_1521, %dma_wait3A_1522] : memref<1024x196x32xf32, #tpu.memory_space<hbm>> -> memref<1x84x32xf32, #tpu.memory_space<hbm>>
    %dma_wait3A_1524 = tpu.memref_squeeze %dma_wait3A_1523 : memref<1x84x32xf32, #tpu.memory_space<hbm>> -> memref<84x32xf32, #tpu.memory_space<hbm>>
    %dma_wait3A_1525 = tpu.memref_slice %arg13[%dma_wait3A_1516] : memref<2x!tpu.dma_semaphore, #tpu.memory_space<semaphore_mem>> -> memref<1x!tpu.dma_semaphore, #tpu.memory_space<semaphore_mem>>
    %dma_wait3A_1526 = tpu.memref_squeeze %dma_wait3A_1525 : memref<1x!tpu.dma_semaphore, #tpu.memory_space<semaphore_mem>> -> memref<!tpu.dma_semaphore, #tpu.memory_space<semaphore_mem>>
    %dma_wait3A_1527 = arith.constant 112 : i32
    %dma_wait3A_1528 = arith.constant 0 : i32
    %dma_wait3A_1529 = tpu.memref_slice %arg5[%add3A_1492, %dma_wait3A_1527, %dma_wait3A_1528] : memref<1024x196x32xf32, #tpu.memory_space<hbm>> -> memref<1x84x32xf32, #tpu.memory_space<hbm>>
    %dma_wait3A_1530 = tpu.memref_squeeze %dma_wait3A_1529 : memref<1x84x32xf32, #tpu.memory_space<hbm>> -> memref<84x32xf32, #tpu.memory_space<hbm>>
    %dma_wait3A_1531 = arith.constant 0 : i32
    %dma_wait3A_1532 = arith.constant 0 : i32
    %dma_wait3A_1533 = tpu.memref_slice %arg11[%dma_wait3A_1514, %dma_wait3A_1515, %dma_wait3A_1531, %dma_wait3A_1532] : memref<2x2x112x32xf32, #tpu.memory_space<vmem>> -> memref<1x1x84x32xf32, #tpu.memory_space<vmem>>
    %dma_wait3A_1534 = tpu.memref_squeeze %dma_wait3A_1533 : memref<1x1x84x32xf32, #tpu.memory_space<vmem>> -> memref<84x32xf32, #tpu.memory_space<vmem>>
    tpu.wait_dma2 semaphore(%dma_wait3A_1526 : memref<!tpu.dma_semaphore, #tpu.memory_space<semaphore_mem>>) src(%dma_wait3A_1534 : memref<84x32xf32, #tpu.memory_space<vmem>>) dst(%dma_wait3A_1530 : memref<84x32xf32, #tpu.memory_space<hbm>>)
    return
  }
}

</mosaic_0001>

<sc_bundles>
// kernel: _run.3.cloned.1.call-start
scs
__scs_entry_jumppad:
0x0: {  	(pc) =	sbr.rel $0x88, $3  }
0x1: {  	(tag) =	ssettag $0x0;
	lr =	simm.s32 $0x1  }
0x2: {  	[smem:$0x3F9E] =	sst lr;
	_ =	strace $0xD0000000  }
0x3: {  	_ = 	snop  }
0x4: {  	_ = 	snop  }
0x5: {  	_ = 	snop  }
0x6: {  	_ = 	snop  }
0x7: {  	_ = 	snop  }
__scs_overlays_trampoline_lowered:
0x8: {  	[smem:$0x3FAD] =	sst s0  }
0x9: {  	[smem:$0x3FAE] =	sst s1  }
0xa: {  	[smem:$0x3FAF] =	sst s2  }
0xb: {  	[smem:$0x3FB0] =	sst s3  }
0xc: {  	[smem:$0x3FB1] =	sst s4  }
0xd: {  	[smem:$0x3FB2] =	sst s5  }
0xe: {  	[smem:$0x3FB3] =	sst s6  }
0xf: {  	[smem:$0x3FB4] =	sst s7  }
0x10: {  	[smem:$0x3FB5] =	sst s8  }
0x11: {  	[smem:$0x3FB6] =	sst s9;
	s0 =	simm.s32 @!p0 $0x0  }
0x12: {  	s1 =	sld [smem:$0x3F9C];
	s0 =	simm.s32 @p0 $0x1  }
0x13: {  	[smem:$0x3FB7] =	sst s0;
	s0 =	simm.s32 @!p1 $0x0  }
0x14: {  	s2 =	sld [smem:$0x3F9B];
	s0 =	simm.s32 @p1 $0x1  }
0x15: {  	[smem:$0x3FB8] =	sst s0;
	s0 =	simm.s32 @!p2 $0x0  }
0x16: {  	s3 =	sld [smem:$0x3FDB];
	s0 =	simm.s32 @p2 $0x1  }
0x17: {  	s4 =	simm.s32 $0x1BF5;
	[smem:$0x3FBA] =	sst s0  }
0x18: {  	s0 =	sld [smem:$0x3F9D];
	_ =	swait.ge [sflag:s4], $0x0  }
0x19: {  	s7 =	sld [smem:$0x3F9E]  }
0x1a: {  	s8 =	sadd.s32 $0xFFFFE003, lr  }
0x1b: {  	s9 =	sadd.s32 $0xFFFFFEF7, lr;
	s5 =	simm.s32 $0xFFFFFFFF;
	p2 =	slt.u32 s8, $0xFFFFF086  }
0x1c: {  	p1 =	slt.u32 s9, $0xF7A;
	s5 =	simm.s32 @!p2 $0x0  }
0x1d: {  	s5 =	simm.s32 @p1 $0x1;
	p0 =	seq.s32 s7, s2  }
0x1e: {  	s7 =	smul.u32 @!p0 $0xF7A, s2;
	p2 =	seq.s32 @!p0 s5, $0x0  }
0x1f: {  	s9 =	smul.u32 $0xF7A, s1;
	s8 =	simm.s32 @!p0 $0x1BF5;
	p2 =	por !p2, p0  }
0x20: {  	[sflag:s8] =	ssyncset.s32 @!p0 $0xFFFFF086;
	s6 =	sadd.s32 @!p0 s3, s7;
	s7 =	simm.s32 @!p0 $0x108  }
0x21: {  	s3 =	sadd.s32 s3, s9;
	s6 =	sadd.s32 @!p0 $0x88, s6;
	s7 =	simm.s32 @p2 $0x1082  }
0x22: {  	[simem:s7], [sflag:s8] =	dma.local @!p0 [hbm:s6], $0xF7A  }
0x23: {  	s9 =	sor.u32 $0xD0000000, s2;
	s6 =	simm.s32 $0x108;
	_ =	swait.ge @!p0 [sflag:s8], $0x0  }
0x24: {  	s3 =	sadd.s32 $0x88, s3;
	s6 =	simm.s32 @!p1 $0x1082;
	[sflag:s4] =	ssyncset.s32 $0xFFFFF086  }
0x25: {  	[simem:s6], [sflag:s4] =	dma.local [hbm:s3], $0xF7A  }
0x26: {  	[smem:$0x3F9E] =	sst s1;
	(tag) =	ssettag s2;
	_ =	strace s9  }
0x27: {  	s1 =	sld [smem:$0x3FAE]  }
0x28: {  	s2 =	sld [smem:$0x3FAF]  }
0x29: {  	s4 =	sld [smem:$0x3FB1]  }
0x2a: {  	p0 =	seq.s32 s5, $0x0;
	s5 =	sld [smem:$0x3FB2]  }
0x2b: {  	s6 =	sld [smem:$0x3FB3]  }
0x2c: {  	s7 =	sld [smem:$0x3FB4]  }
0x2d: {  	s3 =	simm.s32 $0x108;
	s8 =	sld [smem:$0x3FB5]  }
0x2e: {  	s3 =	simm.s32 @!p0 $0x1082;
	s9 =	sld [smem:$0x3FB6]  }
0x2f: {  	lr =	sadd.s32 s0, s3;
	s0 =	sld [smem:$0x3FAD]  }
0x30: {  	s3 =	sld [smem:$0x3FB0]  }
0x31: {  	[smem:$0x3FB9] =	sst s10  }
0x32: {  	s10 =	sld [smem:$0x3FB7];
	_ =	sdelay $0x3  }
0x33: {  	p0 =	seq.s32 s10, $0x1;
	s10 =	sld [smem:$0x3FB9];
	_ =	sdelay $0x3  }
0x34: {  	[smem:$0x3FB9] =	sst s10  }
0x35: {  	s10 =	sld [smem:$0x3FB8];
	_ =	sdelay $0x3  }
0x36: {  	p1 =	seq.s32 s10, $0x1;
	s10 =	sld [smem:$0x3FB9];
	_ =	sdelay $0x3  }
0x37: {  	[smem:$0x3FB9] =	sst s10  }
0x38: {  	s10 =	sld [smem:$0x3FBA]  }
0x39: {  	_ = 	snop;
	(pc) =	sbr.ind lr, $3  }
0x3a: {  	_ = 	snop  }
0x3b: {  	_ = 	snop  }
0x3c: {  	p2 =	seq.s32 s10, $0x1;
	s10 =	sld [smem:$0x3FB9]  }
0x3d: {  	_ =	shalt  }
0x3e: {  	_ =	shalt  }
0x3f: {  	_ =	shalt  }
0x40: {  	_ =	shalt  }
0x41: {  	_ =	shalt  }
0x42: {  	_ =	shalt  }
0x43: {  	_ =	shalt  }
0x44: {  	_ =	shalt  }
0x45: {  	_ =	shalt  }
0x46: {  	_ =	shalt  }
0x47: {  	_ =	shalt  }
0x48: {  	_ =	shalt  }
0x49: {  	_ =	shalt  }
0x4a: {  	_ =	shalt  }
0x4b: {  	_ =	shalt  }
0x4c: {  	_ =	shalt  }
0x4d: {  	_ =	shalt  }
0x4e: {  	_ =	shalt  }
0x4f: {  	_ =	shalt  }
0x50: {  	_ =	shalt  }
0x51: {  	_ =	shalt  }
0x52: {  	_ =	shalt  }
0x53: {  	_ =	shalt  }
0x54: {  	_ =	shalt  }
0x55: {  	_ =	shalt  }
0x56: {  	_ =	shalt  }
0x57: {  	_ =	shalt  }
0x58: {  	_ =	shalt  }
0x59: {  	_ =	shalt  }
0x5a: {  	_ =	shalt  }
0x5b: {  	_ =	shalt  }
0x5c: {  	_ =	shalt  }
0x5d: {  	_ =	shalt  }
0x5e: {  	_ =	shalt  }
0x5f: {  	_ =	shalt  }
0x60: {  	_ =	shalt  }
0x61: {  	_ =	shalt  }
0x62: {  	_ =	shalt  }
0x63: {  	_ =	shalt  }
0x64: {  	_ =	shalt  }
0x65: {  	_ =	shalt  }
0x66: {  	_ =	shalt  }
0x67: {  	_ =	shalt  }
0x68: {  	_ =	shalt  }
0x69: {  	_ =	shalt  }
0x6a: {  	_ =	shalt  }
0x6b: {  	_ =	shalt  }
0x6c: {  	_ =	shalt  }
0x6d: {  	_ =	shalt  }
0x6e: {  	_ =	shalt  }
0x6f: {  	_ =	shalt  }
0x70: {  	_ =	shalt  }
0x71: {  	_ =	shalt  }
0x72: {  	_ =	shalt  }
0x73: {  	_ =	shalt  }
0x74: {  	_ =	shalt  }
0x75: {  	_ =	shalt  }
0x76: {  	_ =	shalt  }
0x77: {  	_ =	shalt  }
0x78: {  	_ =	shalt  }
0x79: {  	_ =	shalt  }
0x7a: {  	_ =	shalt  }
0x7b: {  	_ =	shalt  }
0x7c: {  	_ =	shalt  }
0x7d: {  	_ =	shalt  }
0x7e: {  	_ =	shalt  }
0x7f: {  	_ =	shalt  }
0x80: {  	_ =	shalt  }
0x81: {  	_ =	shalt  }
0x82: {  	_ =	shalt  }
0x83: {  	_ =	shalt  }
0x84: {  	_ =	shalt  }
0x85: {  	_ =	shalt  }
0x86: {  	_ =	shalt  }
0x87: {  	_ =	shalt  }
.Lfunc_end0:
.L_simem_size_0:
called_computation_lowered:
.L_overlay_start_0:
0x88: {  	s2 =	sld [smem:$0x3FD9]  }
0x89: {  	s3 =	sld [smem:$0x3FFE];
	_ =	sdelay $0x1  }
0x8a: {  	s1 =	srdreg.scid  }
0x8b: {  	s0 =	sand.u32 $0x1, s1  }
0x8c: {  	s17 =	sshll.u32 s0, $0xA;
	s2 =	sadd.s32 s3, s2  }
0x8d: {  	s2 =	sadd.s32 s2, s17  }
0x8e: {  	[smem:$0x3FC5] =	sst s2  }
0x8f: {  	_ = 	snop  }
0x90: {  	s2 =	sld [smem:$0x3FD0];
	(tm) =	ssettm $0x1  }
0x91: {  	s18 =	sld [smem:$0x3FFB];
	_ =	sdelay $0x3  }
0x92: {  	_ =	strace s18  }
0x93: {  	s3 =	sld [smem:$0x3FFC];
	_ =	sdelay $0x3  }
0x94: {  	_ =	strace s3  }
0x95: {  	s3 =	sld [smem:$0x3FFD];
	_ =	sdelay $0x3  }
0x96: {  	_ =	strace s3  }
0x97: {  	_ =	strace $0x8FFFFFFF  }
0x98: {  	s19 =	sld [smem:$0x3FDB];
	_ =	sdelay $0x1  }
0x99: {  	s4 =	simm.s32 $_scs_section_size  }
0x9a: {  	s5 =	simm.s32 $_size__tile_overlayer_lowered;
	s6 =	simm.s32 $_tile_overlayer_lowered  }
0x9b: {  	s22 =	simm.s32 $0x1BFF;
	s21 =	sshll.u32 s6, $0x1;
	s3 =	sadd.s32 s4, s19  }
0x9c: {  	s7 =	simm.s32 $0x0;
	s20 =	sshll.u32 s5, $0x1;
	s5 =	sadd.s32 s21, s3  }
0x9d: {  	[timem:s7], [sflag:s22] =	dma.local [hbm:s5], s20  }
0x9e: {  	_ =	swait.ge [sflag:s22], s20  }
0x9f: {  	s4 =	ssub.s32 $0x0, s20;
	[sflag:s22] =	ssyncset.done $0x0  }
0xa0: {  	[sflag:s22] =	ssyncadd.s32 s4;
	_ =	sdelay $0x1  }
0xa1: {  	s23 =	simm.s32 $0x1B8B  }
0xa2: {  	_ =	swait.ge [sflag:s23], $0x1  }
0xa3: {  	[sflag:s23] =	ssyncset.done $0x0  }
0xa4: {  	s25 =	simm.s32 $0x1B8E;
	s24 =	sld [smem:$0x3FFE];
	[sflag:s23] =	ssyncadd.s32 $0xFFFFFFFF  }
0xa5: {  	s26 =	simm.s32 $execute0_lowered;
	[smem:$0x3FD2] =	sst s25  }
0xa6: {  	s5 =	sshll.u32 s26, $0x1;
	_ =	strace $0x80000046;
	[dreg:$0x1] =	wrdreg $0xFFFFFFFF  }
0xa7: {  	s28 =	simm.s32 $_size_execute0_lowered;
	s3 =	sadd.s32 s3, s5;
	[dreg:$0x0] =	wrdreg $0x0  }
0xa8: {  	s5 =	sshll.u32 s28, $0x1;
	[dreg:$0x2] =	wrdreg s3  }
0xa9: {  	[dreg:$0x3] =	wrdreg s5  }
0xaa: {  	[dreg:$0x4] =	wrdreg $0xC0  }
0xab: {  	_ =	task [dreg:s7], $0x5FFFF  }
0xac: {  	[dreg:$0x1] =	wrdreg $0xFFFFFFFF  }
0xad: {  	[dreg:$0x0] =	wrdreg $0x60  }
0xae: {  	[dreg:$0x2] =	wrdreg s24  }
0xaf: {  	[dreg:$0x3] =	wrdreg s2  }
0xb0: {  	[dreg:$0x4] =	wrdreg $0x9  }
0xb1: {  	_ =	task.clear_ibuf [dreg:s7], $0x5FFFF;
	_ =	strace $0x90000046  }
0xb2: {  	s29 =	simm.s32 $0x9;
	_ =	strace $0x80000048  }
0xb3: {  	_ =	swait.ge [sflag:s29], $0x1  }
0xb4: {  	[sflag:s29] =	ssyncadd.s32 $0xFFFFFFFF  }
0xb5: {  	_ =	strace $0x90000048  }
0xb6: {  	_ =	sfence  }
0xb7: {  	s30 =	sld [smem:$0x0];
	_ =	sdelay $0x2  }
0xb8: {  	s31 =	sshll.u32 s1, $0xD;
	s1 =	sshrl.u32 s1, $0x2  }
0xb9: {  	s3 =	sand.u32 $0x4000, s31;
	s1 =	sadd.s32 s1, s30  }
0xba: {  	s0 =	sor.u32 s3, s0;
	s1 =	sshll.u32 s1, $0x11  }
0xbb: {  	s0 =	sor.u32 s1, s0  }
0xbc: {  	s0 =	sadd.s32 $0x8F2B, s0  }
0xbd: {  	[sflag:s0] =	ssyncadd.remote.s32 $0x1  }
0xbe: {  	_ =	sfence.sel $0xFFFF  }
0xbf: {  	[dreg:$0x0] =	wrdreg $0xFFFFFFFF;
	(pc) =	sbr.abs _section_cstart, $3  }
0xc0: {  	[dreg:$0x1] =	wrdreg $0xFFFFFFFF  }
0xc1: {  	_ =	task.clear_ibuf [dreg:s7], $0x2FFFF;
	_ =	strace $0x9FFFFFFF  }
0xc2: {  	(tm) =	ssettm $0x7FFFFFFF  }
0xc3: {  	_ =	shalt  }
tec
execute0_lowered:
.L_overlay_start_1:
0x0: {  	(tag) =	ssettag $0x1  }
0x1: {  	s1 =	srdreg.scid;
	s4 =	rddreg [dreg:$0x0]  }
0x2: {  	s0 =	stileid.u32;
	s8 =	rddreg [dreg:$0x1]  }
0x3: {  	s13 =	simm.s32 $0x5280;
	s14 =	simm.s32 $0x1;
	s6 =	smul.u32 $0xC400, s0  }
0x4: {  	s15 =	simm.s32 $0x2;
	s3 =	sand.u32 $0x1, s1;
	s10 =	smul.u32 $0x62000, s0  }
0x5: {  	s16 =	simm.s32 $0x0;
	s23 =	sshll.u32 s0, $0x6;
	s7 =	smul.u32 $0x6200, s3  }
0x6: {  	s2 =	sshll.u32 s3, $0x5;
	s9 =	ssub.s32 $0x2, s3;
	s12 =	smul.u32 $0x31000, s3  }
0x7: {  	s1 =	sor.u32 s2, s23;
	s2 =	simm.s32 $0x0;
	s11 =	sshrl.u32 s9, $0x1  }
0x8: {  	s26 =	sadd.s32 s6, s8;
	s5 =	smul.u32 $0x1E, s1;
	s1 =	rddreg [dreg:$0x2]  }
0x9: {  	[smem:$0x7FF] =	sst s2;
	s25 =	ssub.s32 s9, s11;
	s28 =	sadd.s32 s12, s10  }
0xa: {  	s9 =	simm.s32 $0x3;
	s11 =	simm.s32 $0x3680;
	s12 =	simm.s32 $0x4480  }
0xb: {  	_ =	strace $0x80000047;
	s29 =	sadd.s32 $0x2680, s28;
	s30 =	sshrl.u32 s28, $0x3  }
0xc: {  	s10 =	sor.u32 $0xE00, s28;
	s24 =	sadd.s32 s5, s4;
	s5 =	sadd.s32 s7, s26  }
0xd: {  	s4 =	smax.u32 s25, $0x1;
	s7 =	sshrl.u32 s29, $0x3;
	s31 =	sshrl.u32 s10, $0x3  }
0xe: {  	s10 =	simm.s32 $0x2880;
	s3 =	sadd.s32 $0x800, s24;
	s5 =	sadd.s32 $0x310, s5  }
0xf: {  	s6 =	sadd.s32 s7, s8;
	s7 =	sadd.s32 s30, s8;
	s8 =	sadd.s32 s31, s8  }
.LBB2_1:
0x10: {  	[tilespmem:s2], [sflag:$0x3] =	stream.linear.gather [hbm4b:s3+s2], $0x1E00, $0x38;
	[tilespmem:$0x6080] =	vst v63  }
0x11: {  	_ =	swait.ge [sflag:s9], $0x1E00  }
0x12: {  	[sflag:s9] =	ssyncset.done $0x0  }
0x13: {  	[sflag:s9] =	ssyncadd.s32 $0xFFFFE200  }
0x14: {  	v0 =	vld [tilespmem:$0x0]  }
0x15: {  	v1 =	vld [tilespmem:$0x10]  }
0x16: {  	v2 =	vld [tilespmem:$0x20]  }
0x17: {  	v3 =	vld [tilespmem:$0x30]  }
0x18: {  	v4 =	vld [tilespmem:$0x40]  }
0x19: {  	v5 =	vld [tilespmem:$0x50]  }
0x1a: {  	v43 =	vld [tilespmem:$0x60];
	[tilespmem:$0x1E00] =	vst v0  }
0x1b: {  	v44 =	vld [tilespmem:$0x70];
	[tilespmem:$0x1E10] =	vst v1  }
0x1c: {  	v45 =	vld [tilespmem:$0x80];
	[tilespmem:$0x1E20] =	vst v2  }
0x1d: {  	v46 =	vld [tilespmem:$0x90];
	[tilespmem:$0x1E30] =	vst v3  }
0x1e: {  	v47 =	vld [tilespmem:$0xA0];
	[tilespmem:$0x1E40] =	vst v4  }
0x1f: {  	v48 =	vld [tilespmem:$0xB0];
	[tilespmem:$0x1E50] =	vst v5  }
0x20: {  	v49 =	vld [tilespmem:$0xC0];
	[tilespmem:$0x1E60] =	vst v43  }
0x21: {  	v50 =	vld [tilespmem:$0xD0];
	[tilespmem:$0x1E70] =	vst v44  }
0x22: {  	v51 =	vld [tilespmem:$0x1];
	[tilespmem:$0x1E80] =	vst v45  }
0x23: {  	v52 =	vld [tilespmem:$0x11];
	[tilespmem:$0x1E90] =	vst v46  }
0x24: {  	v53 =	vld [tilespmem:$0x21];
	[tilespmem:$0x1EA0] =	vst v47  }
0x25: {  	v54 =	vld [tilespmem:$0x31];
	[tilespmem:$0x1EB0] =	vst v48  }
0x26: {  	v55 =	vld [tilespmem:$0x41];
	[tilespmem:$0x1EC0] =	vst v49  }
0x27: {  	v57 =	vld [tilespmem:$0x51];
	[tilespmem:$0x1ED0] =	vst v50;
	v56 =	vadd.s32 $0x186A0, v51  }
0x28: {  	v59 =	vld [tilespmem:$0x61];
	v58 =	vadd.s32 $0x186A0, v52;
	[tilespmem:$0x1EE0] =	vst v56  }
0x29: {  	v61 =	vld [tilespmem:$0x71];
	v60 =	vadd.s32 $0x186A0, v53;
	[tilespmem:$0x1EF0] =	vst v58  }
0x2a: {  	v63 =	vld [tilespmem:$0x81];
	v62 =	vadd.s32 $0x186A0, v54;
	[tilespmem:$0x1F00] =	vst v60  }
0x2b: {  	v8 =	vld [tilespmem:$0x91];
	v0 =	vadd.s32 $0x186A0, v55;
	[tilespmem:$0x1F10] =	vst v62  }
0x2c: {  	v10 =	vld [tilespmem:$0xA1];
	v9 =	vadd.s32 $0x186A0, v57;
	[tilespmem:$0x1F20] =	vst v0  }
0x2d: {  	v12 =	vld [tilespmem:$0xB1];
	v11 =	vadd.s32 $0x186A0, v59;
	[tilespmem:$0x1F30] =	vst v9  }
0x2e: {  	v14 =	vld [tilespmem:$0xC1];
	v13 =	vadd.s32 $0x186A0, v61;
	[tilespmem:$0x1F40] =	vst v11  }
0x2f: {  	v16 =	vld [tilespmem:$0xD1];
	v15 =	vadd.s32 $0x186A0, v63;
	[tilespmem:$0x1F50] =	vst v13  }
0x30: {  	v18 =	vld [tilespmem:$0x2];
	v17 =	vadd.s32 $0x186A0, v8;
	[tilespmem:$0x1F60] =	vst v15  }
0x31: {  	v20 =	vld [tilespmem:$0x12];
	v19 =	vadd.s32 $0x186A0, v10;
	[tilespmem:$0x1F70] =	vst v17  }
0x32: {  	v22 =	vld [tilespmem:$0x22];
	v21 =	vadd.s32 $0x186A0, v12;
	[tilespmem:$0x1F80] =	vst v19  }
0x33: {  	v24 =	vld [tilespmem:$0x32];
	v23 =	vadd.s32 $0x186A0, v14;
	[tilespmem:$0x1F90] =	vst v21  }
0x34: {  	v26 =	vld [tilespmem:$0x42];
	v25 =	vadd.s32 $0x186A0, v16;
	[tilespmem:$0x1FA0] =	vst v23  }
0x35: {  	v28 =	vld [tilespmem:$0x52];
	v27 =	vadd.s32 $0x30D40, v18;
	[tilespmem:$0x1FB0] =	vst v25  }
0x36: {  	v30 =	vld [tilespmem:$0x62];
	v29 =	vadd.s32 $0x30D40, v20;
	[tilespmem:$0x1FC0] =	vst v27  }
0x37: {  	v32 =	vld [tilespmem:$0x72];
	v31 =	vadd.s32 $0x30D40, v22;
	[tilespmem:$0x1FD0] =	vst v29  }
0x38: {  	v34 =	vld [tilespmem:$0x82];
	v33 =	vadd.s32 $0x30D40, v24;
	[tilespmem:$0x1FE0] =	vst v31  }
0x39: {  	v36 =	vld [tilespmem:$0x92];
	v35 =	vadd.s32 $0x30D40, v26;
	[tilespmem:$0x1FF0] =	vst v33  }
0x3a: {  	v38 =	vld [tilespmem:$0xA2];
	v37 =	vadd.s32 $0x30D40, v28;
	[tilespmem:$0x2000] =	vst v35  }
0x3b: {  	v40 =	vld [tilespmem:$0xB2];
	v39 =	vadd.s32 $0x30D40, v30;
	[tilespmem:$0x2010] =	vst v37  }
0x3c: {  	v42 =	vld [tilespmem:$0xC2];
	v41 =	vadd.s32 $0x30D40, v32;
	[tilespmem:$0x2020] =	vst v39  }
0x3d: {  	v43 =	vadd.s32 $0x30D40, v34;
	v44 =	vld [tilespmem:$0xD2];
	[tilespmem:$0x2030] =	vst v41  }
0x3e: {  	v45 =	vadd.s32 $0x30D40, v36;
	v46 =	vld [tilespmem:$0x3];
	[tilespmem:$0x2040] =	vst v43  }
0x3f: {  	v47 =	vadd.s32 $0x30D40, v38;
	v48 =	vld [tilespmem:$0x13];
	[tilespmem:$0x2050] =	vst v45  }
0x40: {  	v49 =	vadd.s32 $0x30D40, v40;
	v50 =	vld [tilespmem:$0x23];
	[tilespmem:$0x2060] =	vst v47  }
0x41: {  	v51 =	vadd.s32 $0x30D40, v42;
	v52 =	vld [tilespmem:$0x33];
	[tilespmem:$0x2070] =	vst v49  }
0x42: {  	v54 =	vld [tilespmem:$0x43];
	[tilespmem:$0x2080] =	vst v51;
	v53 =	vadd.s32 $0x30D40, v44  }
0x43: {  	v8 =	vld [tilespmem:$0x93];
	v55 =	vadd.s32 $0x493E0, v46;
	[tilespmem:$0x2090] =	vst v53  }
0x44: {  	v10 =	vld [tilespmem:$0xA3];
	v57 =	vadd.s32 $0x493E0, v48;
	[tilespmem:$0x20A0] =	vst v55  }
0x45: {  	v12 =	vld [tilespmem:$0xB3];
	v59 =	vadd.s32 $0x493E0, v50;
	[tilespmem:$0x20B0] =	vst v57  }
0x46: {  	v14 =	vld [tilespmem:$0xC3];
	v61 =	vadd.s32 $0x493E0, v52;
	[tilespmem:$0x20C0] =	vst v59  }
0x47: {  	v16 =	vld [tilespmem:$0xD3];
	v63 =	vadd.s32 $0x493E0, v54;
	[tilespmem:$0x20D0] =	vst v61  }
0x48: {  	v18 =	vld [tilespmem:$0x4];
	v17 =	vadd.s32 $0x493E0, v8;
	[tilespmem:$0x20E0] =	vst v63  }
0x49: {  	v20 =	vld [tilespmem:$0x14];
	v19 =	vadd.s32 $0x493E0, v10;
	[tilespmem:$0x2130] =	vst v17  }
0x4a: {  	v22 =	vld [tilespmem:$0x24];
	v21 =	vadd.s32 $0x493E0, v12;
	[tilespmem:$0x2140] =	vst v19  }
0x4b: {  	v24 =	vld [tilespmem:$0x34];
	v23 =	vadd.s32 $0x493E0, v14;
	[tilespmem:$0x2150] =	vst v21  }
0x4c: {  	v26 =	vld [tilespmem:$0x44];
	v25 =	vadd.s32 $0x493E0, v16;
	[tilespmem:$0x2160] =	vst v23  }
0x4d: {  	v28 =	vld [tilespmem:$0x54];
	v27 =	vadd.s32 $0x61A80, v18;
	[tilespmem:$0x2170] =	vst v25  }
0x4e: {  	v30 =	vld [tilespmem:$0x64];
	v29 =	vadd.s32 $0x61A80, v20;
	[tilespmem:$0x2180] =	vst v27  }
0x4f: {  	v32 =	vld [tilespmem:$0x74];
	v31 =	vadd.s32 $0x61A80, v22;
	[tilespmem:$0x2190] =	vst v29  }
0x50: {  	v34 =	vld [tilespmem:$0x84];
	v33 =	vadd.s32 $0x61A80, v24;
	[tilespmem:$0x21A0] =	vst v31  }
0x51: {  	v36 =	vld [tilespmem:$0x94];
	v35 =	vadd.s32 $0x61A80, v26;
	[tilespmem:$0x21B0] =	vst v33  }
0x52: {  	v38 =	vld [tilespmem:$0xA4];
	v37 =	vadd.s32 $0x61A80, v28;
	[tilespmem:$0x21C0] =	vst v35  }
0x53: {  	v40 =	vld [tilespmem:$0xB4];
	v39 =	vadd.s32 $0x61A80, v30;
	[tilespmem:$0x21D0] =	vst v37  }
0x54: {  	v42 =	vld [tilespmem:$0xC4];
	v41 =	vadd.s32 $0x61A80, v32;
	[tilespmem:$0x21E0] =	vst v39  }
0x55: {  	v56 =	vld [tilespmem:$0x53];
	v43 =	vadd.s32 $0x61A80, v34;
	[tilespmem:$0x21F0] =	vst v41  }
0x56: {  	v47 =	vld [tilespmem:$0x2];
	v45 =	vadd.s32 $0x61A80, v36;
	[tilespmem:$0x2200] =	vst v43  }
0x57: {  	v49 =	vld [tilespmem:$0x12];
	v46 =	vadd.s32 $0x61A80, v38;
	[tilespmem:$0x2210] =	vst v45  }
0x58: {  	v51 =	vld [tilespmem:$0x22];
	v48 =	vadd.s32 $0x61A80, v40;
	[tilespmem:$0x2220] =	vst v46  }
0x59: {  	v58 =	vld [tilespmem:$0x63];
	v50 =	vadd.s32 $0x61A80, v42;
	[tilespmem:$0x2230] =	vst v48  }
0x5a: {  	v60 =	vld [tilespmem:$0x73];
	[tilespmem:$0x2240] =	vst v50  }
0x5b: {  	v62 =	vld [tilespmem:$0x83];
	[tilespmem:$0x26C0] =	vst v47  }
0x5c: {  	v44 =	vld [tilespmem:$0xD4];
	[tilespmem:$0x26D0] =	vst v49  }
0x5d: {  	v54 =	vld [tilespmem:$0x42];
	v9 =	vadd.s32 $0x493E0, v56;
	[tilespmem:$0x26E0] =	vst v51  }
0x5e: {  	v11 =	vadd.s32 $0x493E0, v58;
	[tilespmem:$0x20F0] =	vst v9  }
0x5f: {  	v13 =	vadd.s32 $0x493E0, v60;
	v53 =	vld [tilespmem:$0x32];
	[tilespmem:$0x2100] =	vst v11  }
0x60: {  	v15 =	vadd.s32 $0x493E0, v62;
	v55 =	vld [tilespmem:$0x52];
	[tilespmem:$0x2110] =	vst v13  }
0x61: {  	v56 =	vld [tilespmem:$0x62];
	[tilespmem:$0x2120] =	vst v15  }
0x62: {  	v57 =	vld [tilespmem:$0x72];
	v52 =	vadd.s32 $0x61A80, v44;
	[tilespmem:$0x2700] =	vst v54  }
0x63: {  	v58 =	vld [tilespmem:$0x82];
	[tilespmem:$0x2250] =	vst v52  }
0x64: {  	v59 =	vld [tilespmem:$0x92];
	[tilespmem:$0x26F0] =	vst v53  }
0x65: {  	v60 =	vld [tilespmem:$0xA2];
	[tilespmem:$0x2710] =	vst v55  }
0x66: {  	v61 =	vld [tilespmem:$0xB2];
	[tilespmem:$0x2720] =	vst v56  }
0x67: {  	v62 =	vld [tilespmem:$0xC2];
	[tilespmem:$0x2730] =	vst v57  }
0x68: {  	v63 =	vld [tilespmem:$0xD2];
	[tilespmem:$0x2740] =	vst v58  }
0x69: {  	[tilespmem:$0x2750] =	vst v59  }
0x6a: {  	[tilespmem:$0x2760] =	vst v60  }
0x6b: {  	[tilespmem:$0x2770] =	vst v61  }
0x6c: {  	[tilespmem:$0x2780] =	vst v62  }
0x6d: {  	s17 =	simm.s32 $0x160;
	s18 =	simm.s32 $0x0;
	[tilespmem:$0x2790] =	vst v63  }
.LBB2_2:
0x6e: {  	v0 =	vld [tilespmem:s17+$0xFFFFFF90];
	_ =	sdelay $0x4  }
0x6f: {  	[tilespmem:$0x2260] =	vst v0  }
0x70: {  	v0 =	vld [tilespmem:s17+$0xFFFFFFA0];
	_ =	sdelay $0x4  }
0x71: {  	[tilespmem:$0x2270] =	vst v0  }
0x72: {  	v0 =	vld [tilespmem:s17+$0xFFFFFFB0];
	_ =	sdelay $0x4  }
0x73: {  	[tilespmem:$0x2280] =	vst v0  }
0x74: {  	v0 =	vld [tilespmem:s17+$0xFFFFFFC0];
	_ =	sdelay $0x4  }
0x75: {  	[tilespmem:$0x2290] =	vst v0  }
0x76: {  	v0 =	vld [tilespmem:s17+$0xFFFFFFD0];
	_ =	sdelay $0x4  }
0x77: {  	[tilespmem:$0x22A0] =	vst v0  }
0x78: {  	v0 =	vld [tilespmem:s17+$0xFFFFFFE0];
	_ =	sdelay $0x4  }
0x79: {  	[tilespmem:$0x22B0] =	vst v0  }
0x7a: {  	v0 =	vld [tilespmem:s17+$0xFFFFFFF0];
	_ =	sdelay $0x4  }
0x7b: {  	[tilespmem:$0x22C0] =	vst v0  }
0x7c: {  	v0 =	vld [tilespmem:s17+$0x0];
	_ =	sdelay $0x4  }
0x7d: {  	[tilespmem:$0x22D0] =	vst v0  }
0x7e: {  	v0 =	vld [tilespmem:s17+$0x10];
	_ =	sdelay $0x4  }
0x7f: {  	[tilespmem:$0x22E0] =	vst v0  }
0x80: {  	v0 =	vld [tilespmem:s17+$0x20];
	_ =	sdelay $0x4  }
0x81: {  	[tilespmem:$0x22F0] =	vst v0  }
0x82: {  	v0 =	vld [tilespmem:s17+$0x30];
	_ =	sdelay $0x4  }
0x83: {  	[tilespmem:$0x2300] =	vst v0  }
0x84: {  	v0 =	vld [tilespmem:s17+$0x40];
	_ =	sdelay $0x4  }
0x85: {  	[tilespmem:$0x2310] =	vst v0  }
0x86: {  	v0 =	vld [tilespmem:s17+$0x50];
	_ =	sdelay $0x4  }
0x87: {  	[tilespmem:$0x2320] =	vst v0  }
0x88: {  	v0 =	vld [tilespmem:s17+$0x60];
	_ =	sdelay $0x4  }
0x89: {  	[tilespmem:$0x2330] =	vst v0  }
0x8a: {  	v0 =	vld [tilespmem:s17+$0xFFFFFF91];
	_ =	sdelay $0x4  }
0x8b: {  	v0 =	vadd.s32 $0x186A0, v0  }
0x8c: {  	[tilespmem:$0x2340] =	vst v0  }
0x8d: {  	v0 =	vld [tilespmem:s17+$0xFFFFFFA1];
	_ =	sdelay $0x4  }
0x8e: {  	v0 =	vadd.s32 $0x186A0, v0  }
0x8f: {  	[tilespmem:$0x2350] =	vst v0  }
0x90: {  	v0 =	vld [tilespmem:s17+$0xFFFFFFB1];
	_ =	sdelay $0x4  }
0x91: {  	v0 =	vadd.s32 $0x186A0, v0  }
0x92: {  	[tilespmem:$0x2360] =	vst v0  }
0x93: {  	v0 =	vld [tilespmem:s17+$0xFFFFFFC1];
	_ =	sdelay $0x4  }
0x94: {  	v0 =	vadd.s32 $0x186A0, v0  }
0x95: {  	[tilespmem:$0x2370] =	vst v0  }
0x96: {  	v0 =	vld [tilespmem:s17+$0xFFFFFFD1];
	_ =	sdelay $0x4  }
0x97: {  	v0 =	vadd.s32 $0x186A0, v0  }
0x98: {  	[tilespmem:$0x2380] =	vst v0  }
0x99: {  	v0 =	vld [tilespmem:s17+$0xFFFFFFE1];
	_ =	sdelay $0x4  }
0x9a: {  	v0 =	vadd.s32 $0x186A0, v0  }
0x9b: {  	[tilespmem:$0x2390] =	vst v0  }
0x9c: {  	v0 =	vld [tilespmem:s17+$0xFFFFFFF1];
	_ =	sdelay $0x4  }
0x9d: {  	v0 =	vadd.s32 $0x186A0, v0  }
0x9e: {  	[tilespmem:$0x23A0] =	vst v0  }
0x9f: {  	v0 =	vld [tilespmem:s17+$0x1];
	_ =	sdelay $0x4  }
0xa0: {  	v0 =	vadd.s32 $0x186A0, v0  }
0xa1: {  	[tilespmem:$0x23B0] =	vst v0  }
0xa2: {  	v0 =	vld [tilespmem:s17+$0x11];
	_ =	sdelay $0x4  }
0xa3: {  	v0 =	vadd.s32 $0x186A0, v0  }
0xa4: {  	[tilespmem:$0x23C0] =	vst v0  }
0xa5: {  	v0 =	vld [tilespmem:s17+$0x21];
	_ =	sdelay $0x4  }
0xa6: {  	v0 =	vadd.s32 $0x186A0, v0  }
0xa7: {  	[tilespmem:$0x23D0] =	vst v0  }
0xa8: {  	v0 =	vld [tilespmem:s17+$0x31];
	_ =	sdelay $0x4  }
0xa9: {  	v0 =	vadd.s32 $0x186A0, v0  }
0xaa: {  	[tilespmem:$0x23E0] =	vst v0  }
0xab: {  	v0 =	vld [tilespmem:s17+$0x41];
	_ =	sdelay $0x4  }
0xac: {  	v0 =	vadd.s32 $0x186A0, v0  }
0xad: {  	[tilespmem:$0x23F0] =	vst v0  }
0xae: {  	v0 =	vld [tilespmem:s17+$0x51];
	_ =	sdelay $0x4  }
0xaf: {  	v0 =	vadd.s32 $0x186A0, v0  }
0xb0: {  	[tilespmem:$0x2400] =	vst v0  }
0xb1: {  	v0 =	vld [tilespmem:s17+$0x61];
	_ =	sdelay $0x4  }
0xb2: {  	v0 =	vadd.s32 $0x186A0, v0  }
0xb3: {  	[tilespmem:$0x2410] =	vst v0  }
0xb4: {  	v0 =	vld [tilespmem:s17+$0xFFFFFF92];
	_ =	sdelay $0x4  }
0xb5: {  	v0 =	vadd.s32 $0x30D40, v0  }
0xb6: {  	[tilespmem:$0x2420] =	vst v0  }
0xb7: {  	v0 =	vld [tilespmem:s17+$0xFFFFFFA2];
	_ =	sdelay $0x4  }
0xb8: {  	v0 =	vadd.s32 $0x30D40, v0  }
0xb9: {  	[tilespmem:$0x2430] =	vst v0  }
0xba: {  	v0 =	vld [tilespmem:s17+$0xFFFFFFB2];
	_ =	sdelay $0x4  }
0xbb: {  	v0 =	vadd.s32 $0x30D40, v0  }
0xbc: {  	[tilespmem:$0x2440] =	vst v0  }
0xbd: {  	v0 =	vld [tilespmem:s17+$0xFFFFFFC2];
	_ =	sdelay $0x4  }
0xbe: {  	v0 =	vadd.s32 $0x30D40, v0  }
0xbf: {  	[tilespmem:$0x2450] =	vst v0  }
0xc0: {  	v0 =	vld [tilespmem:s17+$0xFFFFFFD2];
	_ =	sdelay $0x4  }
0xc1: {  	v0 =	vadd.s32 $0x30D40, v0  }
0xc2: {  	[tilespmem:$0x2460] =	vst v0  }
0xc3: {  	v0 =	vld [tilespmem:s17+$0xFFFFFFE2];
	_ =	sdelay $0x4  }
0xc4: {  	v0 =	vadd.s32 $0x30D40, v0  }
0xc5: {  	[tilespmem:$0x2470] =	vst v0  }
0xc6: {  	v0 =	vld [tilespmem:s17+$0xFFFFFFF2];
	_ =	sdelay $0x4  }
0xc7: {  	v0 =	vadd.s32 $0x30D40, v0  }
0xc8: {  	[tilespmem:$0x2480] =	vst v0  }
0xc9: {  	v0 =	vld [tilespmem:s17+$0x2];
	_ =	sdelay $0x4  }
0xca: {  	v0 =	vadd.s32 $0x30D40, v0  }
0xcb: {  	[tilespmem:$0x2490] =	vst v0  }
0xcc: {  	v0 =	vld [tilespmem:s17+$0x12];
	_ =	sdelay $0x4  }
0xcd: {  	v0 =	vadd.s32 $0x30D40, v0  }
0xce: {  	[tilespmem:$0x24A0] =	vst v0  }
0xcf: {  	v0 =	vld [tilespmem:s17+$0x22];
	_ =	sdelay $0x4  }
0xd0: {  	v0 =	vadd.s32 $0x30D40, v0  }
0xd1: {  	[tilespmem:$0x24B0] =	vst v0  }
0xd2: {  	v0 =	vld [tilespmem:s17+$0x32];
	_ =	sdelay $0x4  }
0xd3: {  	v0 =	vadd.s32 $0x30D40, v0  }
0xd4: {  	[tilespmem:$0x24C0] =	vst v0  }
0xd5: {  	v0 =	vld [tilespmem:s17+$0x42];
	_ =	sdelay $0x4  }
0xd6: {  	v0 =	vadd.s32 $0x30D40, v0  }
0xd7: {  	[tilespmem:$0x24D0] =	vst v0  }
0xd8: {  	v0 =	vld [tilespmem:s17+$0x52];
	_ =	sdelay $0x4  }
0xd9: {  	v0 =	vadd.s32 $0x30D40, v0  }
0xda: {  	[tilespmem:$0x24E0] =	vst v0  }
0xdb: {  	v0 =	vld [tilespmem:s17+$0x62];
	_ =	sdelay $0x4  }
0xdc: {  	v0 =	vadd.s32 $0x30D40, v0  }
0xdd: {  	[tilespmem:$0x24F0] =	vst v0  }
0xde: {  	v0 =	vld [tilespmem:s17+$0xFFFFFF93];
	_ =	sdelay $0x4  }
0xdf: {  	v0 =	vadd.s32 $0x493E0, v0  }
0xe0: {  	[tilespmem:$0x2500] =	vst v0  }
0xe1: {  	v0 =	vld [tilespmem:s17+$0xFFFFFFA3];
	_ =	sdelay $0x4  }
0xe2: {  	v0 =	vadd.s32 $0x493E0, v0  }
0xe3: {  	[tilespmem:$0x2510] =	vst v0  }
0xe4: {  	v0 =	vld [tilespmem:s17+$0xFFFFFFB3];
	_ =	sdelay $0x4  }
0xe5: {  	v0 =	vadd.s32 $0x493E0, v0  }
0xe6: {  	[tilespmem:$0x2520] =	vst v0  }
0xe7: {  	v0 =	vld [tilespmem:s17+$0xFFFFFFC3];
	_ =	sdelay $0x4  }
0xe8: {  	v0 =	vadd.s32 $0x493E0, v0  }
0xe9: {  	[tilespmem:$0x2530] =	vst v0  }
0xea: {  	v0 =	vld [tilespmem:s17+$0xFFFFFFD3];
	_ =	sdelay $0x4  }
0xeb: {  	v0 =	vadd.s32 $0x493E0, v0  }
0xec: {  	[tilespmem:$0x2540] =	vst v0  }
0xed: {  	v0 =	vld [tilespmem:s17+$0xFFFFFFE3];
	_ =	sdelay $0x4  }
0xee: {  	v0 =	vadd.s32 $0x493E0, v0  }
0xef: {  	[tilespmem:$0x2550] =	vst v0  }
0xf0: {  	v0 =	vld [tilespmem:s17+$0xFFFFFFF3];
	_ =	sdelay $0x4  }
0xf1: {  	v0 =	vadd.s32 $0x493E0, v0  }
0xf2: {  	[tilespmem:$0x2560] =	vst v0  }
0xf3: {  	v0 =	vld [tilespmem:s17+$0x3];
	_ =	sdelay $0x4  }
0xf4: {  	v0 =	vadd.s32 $0x493E0, v0  }
0xf5: {  	[tilespmem:$0x2570] =	vst v0  }
0xf6: {  	v0 =	vld [tilespmem:s17+$0x13];
	_ =	sdelay $0x4  }
0xf7: {  	v0 =	vadd.s32 $0x493E0, v0  }
0xf8: {  	[tilespmem:$0x2580] =	vst v0  }
0xf9: {  	v0 =	vld [tilespmem:s17+$0x23];
	_ =	sdelay $0x4  }
0xfa: {  	v0 =	vadd.s32 $0x493E0, v0  }
0xfb: {  	[tilespmem:$0x2590] =	vst v0  }
0xfc: {  	v0 =	vld [tilespmem:s17+$0x33];
	_ =	sdelay $0x4  }
0xfd: {  	v0 =	vadd.s32 $0x493E0, v0  }
0xfe: {  	[tilespmem:$0x25A0] =	vst v0  }
0xff: {  	v0 =	vld [tilespmem:s17+$0x43];
	_ =	sdelay $0x4  }
0x100: {  	v0 =	vadd.s32 $0x493E0, v0  }
0x101: {  	[tilespmem:$0x25B0] =	vst v0  }
0x102: {  	v0 =	vld [tilespmem:s17+$0x53];
	_ =	sdelay $0x4  }
0x103: {  	v0 =	vadd.s32 $0x493E0, v0  }
0x104: {  	[tilespmem:$0x25C0] =	vst v0  }
0x105: {  	v0 =	vld [tilespmem:s17+$0x63];
	_ =	sdelay $0x4  }
0x106: {  	v0 =	vadd.s32 $0x493E0, v0  }
0x107: {  	[tilespmem:$0x25D0] =	vst v0  }
0x108: {  	v0 =	vld [tilespmem:s17+$0xFFFFFF94];
	_ =	sdelay $0x4  }
0x109: {  	v0 =	vadd.s32 $0x61A80, v0  }
0x10a: {  	[tilespmem:$0x25E0] =	vst v0  }
0x10b: {  	v0 =	vld [tilespmem:s17+$0xFFFFFFA4];
	_ =	sdelay $0x4  }
0x10c: {  	v0 =	vadd.s32 $0x61A80, v0  }
0x10d: {  	[tilespmem:$0x25F0] =	vst v0  }
0x10e: {  	v0 =	vld [tilespmem:s17+$0xFFFFFFB4];
	_ =	sdelay $0x4  }
0x10f: {  	v0 =	vadd.s32 $0x61A80, v0  }
0x110: {  	[tilespmem:$0x2600] =	vst v0  }
0x111: {  	v0 =	vld [tilespmem:s17+$0xFFFFFFC4];
	_ =	sdelay $0x4  }
0x112: {  	v0 =	vadd.s32 $0x61A80, v0  }
0x113: {  	[tilespmem:$0x2610] =	vst v0  }
0x114: {  	v0 =	vld [tilespmem:s17+$0xFFFFFFD4];
	_ =	sdelay $0x4  }
0x115: {  	v0 =	vadd.s32 $0x61A80, v0  }
0x116: {  	[tilespmem:$0x2620] =	vst v0  }
0x117: {  	v0 =	vld [tilespmem:s17+$0xFFFFFFE4];
	_ =	sdelay $0x4  }
0x118: {  	v0 =	vadd.s32 $0x61A80, v0  }
0x119: {  	[tilespmem:$0x2630] =	vst v0  }
0x11a: {  	v0 =	vld [tilespmem:s17+$0xFFFFFFF4];
	_ =	sdelay $0x4  }
0x11b: {  	v0 =	vadd.s32 $0x61A80, v0  }
0x11c: {  	[tilespmem:$0x2640] =	vst v0  }
0x11d: {  	v0 =	vld [tilespmem:s17+$0x4];
	_ =	sdelay $0x4  }
0x11e: {  	v0 =	vadd.s32 $0x61A80, v0  }
0x11f: {  	[tilespmem:$0x2650] =	vst v0  }
0x120: {  	v0 =	vld [tilespmem:s17+$0x14];
	_ =	sdelay $0x4  }
0x121: {  	v0 =	vadd.s32 $0x61A80, v0  }
0x122: {  	[tilespmem:$0x2660] =	vst v0  }
0x123: {  	v0 =	vld [tilespmem:s17+$0x24];
	_ =	sdelay $0x4  }
0x124: {  	v0 =	vadd.s32 $0x61A80, v0  }
0x125: {  	[tilespmem:$0x2670] =	vst v0  }
0x126: {  	v0 =	vld [tilespmem:s17+$0x34];
	_ =	sdelay $0x4  }
0x127: {  	v0 =	vadd.s32 $0x61A80, v0  }
0x128: {  	[tilespmem:$0x2680] =	vst v0  }
0x129: {  	v0 =	vld [tilespmem:s17+$0x44];
	_ =	sdelay $0x4  }
0x12a: {  	v0 =	vadd.s32 $0x61A80, v0  }
0x12b: {  	[tilespmem:$0x2690] =	vst v0  }
0x12c: {  	v0 =	vld [tilespmem:s17+$0x54];
	_ =	sdelay $0x4  }
0x12d: {  	v0 =	vadd.s32 $0x61A80, v0  }
0x12e: {  	[tilespmem:$0x26A0] =	vst v0  }
0x12f: {  	v0 =	vld [tilespmem:s17+$0x64];
	_ =	sdelay $0x4  }
0x130: {  	v0 =	vadd.s32 $0x61A80, v0  }
0x131: {  	[tilespmem:$0x26B0] =	vst v0  }
0x132: {  	v0 =	vld [tilespmem:s17+$0xFFFFFF92];
	_ =	sdelay $0x4  }
0x133: {  	[tilespmem:$0x27A0] =	vst v0  }
0x134: {  	v0 =	vld [tilespmem:s17+$0xFFFFFFA2];
	_ =	sdelay $0x4  }
0x135: {  	[tilespmem:$0x27B0] =	vst v0  }
0x136: {  	v0 =	vld [tilespmem:s17+$0xFFFFFFB2];
	_ =	sdelay $0x4  }
0x137: {  	[tilespmem:$0x27C0] =	vst v0  }
0x138: {  	v0 =	vld [tilespmem:s17+$0xFFFFFFC2];
	_ =	sdelay $0x4  }
0x139: {  	[tilespmem:$0x27D0] =	vst v0  }
0x13a: {  	v0 =	vld [tilespmem:s17+$0xFFFFFFD2];
	_ =	sdelay $0x4  }
0x13b: {  	[tilespmem:$0x27E0] =	vst v0  }
0x13c: {  	v0 =	vld [tilespmem:s17+$0xFFFFFFE2];
	_ =	sdelay $0x4  }
0x13d: {  	[tilespmem:$0x27F0] =	vst v0  }
0x13e: {  	v0 =	vld [tilespmem:s17+$0xFFFFFFF2];
	_ =	sdelay $0x4  }
0x13f: {  	[tilespmem:$0x2800] =	vst v0  }
0x140: {  	v0 =	vld [tilespmem:s17+$0x2];
	_ =	sdelay $0x4  }
0x141: {  	[tilespmem:$0x2810] =	vst v0  }
0x142: {  	v0 =	vld [tilespmem:s17+$0x12];
	_ =	sdelay $0x4  }
0x143: {  	[tilespmem:$0x2820] =	vst v0  }
0x144: {  	v0 =	vld [tilespmem:s17+$0x22];
	_ =	sdelay $0x4  }
0x145: {  	[tilespmem:$0x2830] =	vst v0  }
0x146: {  	v0 =	vld [tilespmem:s17+$0x32];
	_ =	sdelay $0x4  }
0x147: {  	[tilespmem:$0x2840] =	vst v0  }
0x148: {  	v0 =	vld [tilespmem:s17+$0x42];
	_ =	sdelay $0x4  }
0x149: {  	[tilespmem:$0x2850] =	vst v0  }
0x14a: {  	v0 =	vld [tilespmem:s17+$0x52];
	_ =	sdelay $0x4  }
0x14b: {  	[tilespmem:$0x2860] =	vst v0  }
0x14c: {  	v0 =	vld [tilespmem:s17+$0x62];
	_ =	sdelay $0x3  }
0x14d: {  	p0 =	seq.s32 s18, $0x0  }
0x14e: {  	s19 =	simm.s32 @!p0 $0x1;
	[tilespmem:$0x2870] =	vst v0  }
0x14f: {  	_ =	swait.ge @!p0 [sflag:s19], $0xE00  }
0x150: {  	[sflag:s19] =	ssyncset.done @!p0 $0x0  }
0x151: {  	[sflag:s19] =	ssyncadd.s32 @!p0 $0xFFFFF200  }
0x152: {  	_ =	swait.ge @!p0 [sflag:s19], $0xA80  }
0x153: {  	[sflag:s19] =	ssyncset.done @!p0 $0x0  }
0x154: {  	s28 =	sadd.s32 s18, s7;
	[sflag:s19] =	ssyncadd.s32 @!p0 $0xFFFFF580  }
0x155: {  	[hbm4b:s28+s2] =	stream.linear.scatter [tilespmem:s10], [sflag:$0x1], $0xE00, $0x38;
	[tilespmem:$0x6080] =	vst v63  }
0x156: {  	s29 =	sadd.s32 s18, s8;
	p0 =	seq.s32 s18, $0x5BE0  }
0x157: {  	[hbm4b:s29+s2] =	stream.linear.scatter [tilespmem:s11], [sflag:$0x1], $0xA80, $0x38;
	[tilespmem:$0x6080] =	vst v63  }
0x158: {  	v0 =	vld @!p0 [tilespmem:s17+$0x80];
	_ =	sdelay $0x4  }
0x159: {  	[tilespmem:$0x1E00] =	vst @!p0 v0  }
0x15a: {  	v0 =	vld @!p0 [tilespmem:s17+$0x90];
	_ =	sdelay $0x4  }
0x15b: {  	[tilespmem:$0x1E10] =	vst @!p0 v0  }
0x15c: {  	v0 =	vld @!p0 [tilespmem:s17+$0xA0];
	_ =	sdelay $0x4  }
0x15d: {  	[tilespmem:$0x1E20] =	vst @!p0 v0  }
0x15e: {  	v0 =	vld @!p0 [tilespmem:s17+$0xB0];
	_ =	sdelay $0x4  }
0x15f: {  	[tilespmem:$0x1E30] =	vst @!p0 v0  }
0x160: {  	v0 =	vld @!p0 [tilespmem:s17+$0xC0];
	_ =	sdelay $0x4  }
0x161: {  	[tilespmem:$0x1E40] =	vst @!p0 v0  }
0x162: {  	v0 =	vld @!p0 [tilespmem:s17+$0xD0];
	_ =	sdelay $0x4  }
0x163: {  	[tilespmem:$0x1E50] =	vst @!p0 v0  }
0x164: {  	v0 =	vld @!p0 [tilespmem:s17+$0xE0];
	_ =	sdelay $0x4  }
0x165: {  	[tilespmem:$0x1E60] =	vst @!p0 v0  }
0x166: {  	v0 =	vld @!p0 [tilespmem:s17+$0xF0];
	_ =	sdelay $0x4  }
0x167: {  	[tilespmem:$0x1E70] =	vst @!p0 v0  }
0x168: {  	v0 =	vld @!p0 [tilespmem:s17+$0x100];
	_ =	sdelay $0x4  }
0x169: {  	[tilespmem:$0x1E80] =	vst @!p0 v0  }
0x16a: {  	v0 =	vld @!p0 [tilespmem:s17+$0x110];
	_ =	sdelay $0x4  }
0x16b: {  	[tilespmem:$0x1E90] =	vst @!p0 v0  }
0x16c: {  	v0 =	vld @!p0 [tilespmem:s17+$0x120];
	_ =	sdelay $0x4  }
0x16d: {  	[tilespmem:$0x1EA0] =	vst @!p0 v0  }
0x16e: {  	v0 =	vld @!p0 [tilespmem:s17+$0x130];
	_ =	sdelay $0x4  }
0x16f: {  	[tilespmem:$0x1EB0] =	vst @!p0 v0  }
0x170: {  	v0 =	vld @!p0 [tilespmem:s17+$0x140];
	_ =	sdelay $0x4  }
0x171: {  	[tilespmem:$0x1EC0] =	vst @!p0 v0  }
0x172: {  	v0 =	vld @!p0 [tilespmem:s17+$0x150];
	_ =	sdelay $0x4  }
0x173: {  	[tilespmem:$0x1ED0] =	vst @!p0 v0  }
0x174: {  	v0 =	vld @!p0 [tilespmem:s17+$0x81];
	_ =	sdelay $0x4  }
0x175: {  	v0 =	vadd.s32 @!p0 $0x186A0, v0  }
0x176: {  	[tilespmem:$0x1EE0] =	vst @!p0 v0  }
0x177: {  	v0 =	vld @!p0 [tilespmem:s17+$0x91];
	_ =	sdelay $0x4  }
0x178: {  	v0 =	vadd.s32 @!p0 $0x186A0, v0  }
0x179: {  	[tilespmem:$0x1EF0] =	vst @!p0 v0  }
0x17a: {  	v0 =	vld @!p0 [tilespmem:s17+$0xA1];
	_ =	sdelay $0x4  }
0x17b: {  	v0 =	vadd.s32 @!p0 $0x186A0, v0  }
0x17c: {  	[tilespmem:$0x1F00] =	vst @!p0 v0  }
0x17d: {  	v0 =	vld @!p0 [tilespmem:s17+$0xB1];
	_ =	sdelay $0x4  }
0x17e: {  	v0 =	vadd.s32 @!p0 $0x186A0, v0  }
0x17f: {  	[tilespmem:$0x1F10] =	vst @!p0 v0  }
0x180: {  	v0 =	vld @!p0 [tilespmem:s17+$0xC1];
	_ =	sdelay $0x4  }
0x181: {  	v0 =	vadd.s32 @!p0 $0x186A0, v0  }
0x182: {  	[tilespmem:$0x1F20] =	vst @!p0 v0  }
0x183: {  	v0 =	vld @!p0 [tilespmem:s17+$0xD1];
	_ =	sdelay $0x4  }
0x184: {  	v0 =	vadd.s32 @!p0 $0x186A0, v0  }
0x185: {  	[tilespmem:$0x1F30] =	vst @!p0 v0  }
0x186: {  	v0 =	vld @!p0 [tilespmem:s17+$0xE1];
	_ =	sdelay $0x4  }
0x187: {  	v0 =	vadd.s32 @!p0 $0x186A0, v0  }
0x188: {  	[tilespmem:$0x1F40] =	vst @!p0 v0  }
0x189: {  	v0 =	vld @!p0 [tilespmem:s17+$0xF1];
	_ =	sdelay $0x4  }
0x18a: {  	v0 =	vadd.s32 @!p0 $0x186A0, v0  }
0x18b: {  	[tilespmem:$0x1F50] =	vst @!p0 v0  }
0x18c: {  	v0 =	vld @!p0 [tilespmem:s17+$0x101];
	_ =	sdelay $0x4  }
0x18d: {  	v0 =	vadd.s32 @!p0 $0x186A0, v0  }
0x18e: {  	[tilespmem:$0x1F60] =	vst @!p0 v0  }
0x18f: {  	v0 =	vld @!p0 [tilespmem:s17+$0x111];
	_ =	sdelay $0x4  }
0x190: {  	v0 =	vadd.s32 @!p0 $0x186A0, v0  }
0x191: {  	[tilespmem:$0x1F70] =	vst @!p0 v0  }
0x192: {  	v0 =	vld @!p0 [tilespmem:s17+$0x121];
	_ =	sdelay $0x4  }
0x193: {  	v0 =	vadd.s32 @!p0 $0x186A0, v0  }
0x194: {  	[tilespmem:$0x1F80] =	vst @!p0 v0  }
0x195: {  	v0 =	vld @!p0 [tilespmem:s17+$0x131];
	_ =	sdelay $0x4  }
0x196: {  	v0 =	vadd.s32 @!p0 $0x186A0, v0  }
0x197: {  	[tilespmem:$0x1F90] =	vst @!p0 v0  }
0x198: {  	v0 =	vld @!p0 [tilespmem:s17+$0x141];
	_ =	sdelay $0x4  }
0x199: {  	v0 =	vadd.s32 @!p0 $0x186A0, v0  }
0x19a: {  	[tilespmem:$0x1FA0] =	vst @!p0 v0  }
0x19b: {  	v0 =	vld @!p0 [tilespmem:s17+$0x151];
	_ =	sdelay $0x4  }
0x19c: {  	v0 =	vadd.s32 @!p0 $0x186A0, v0  }
0x19d: {  	[tilespmem:$0x1FB0] =	vst @!p0 v0  }
0x19e: {  	v0 =	vld @!p0 [tilespmem:s17+$0x82];
	_ =	sdelay $0x4  }
0x19f: {  	v0 =	vadd.s32 @!p0 $0x30D40, v0  }
0x1a0: {  	[tilespmem:$0x1FC0] =	vst @!p0 v0  }
0x1a1: {  	v0 =	vld @!p0 [tilespmem:s17+$0x92];
	_ =	sdelay $0x4  }
0x1a2: {  	v0 =	vadd.s32 @!p0 $0x30D40, v0  }
0x1a3: {  	[tilespmem:$0x1FD0] =	vst @!p0 v0  }
0x1a4: {  	v0 =	vld @!p0 [tilespmem:s17+$0xA2];
	_ =	sdelay $0x4  }
0x1a5: {  	v0 =	vadd.s32 @!p0 $0x30D40, v0  }
0x1a6: {  	[tilespmem:$0x1FE0] =	vst @!p0 v0  }
0x1a7: {  	v0 =	vld @!p0 [tilespmem:s17+$0xB2];
	_ =	sdelay $0x4  }
0x1a8: {  	v0 =	vadd.s32 @!p0 $0x30D40, v0  }
0x1a9: {  	[tilespmem:$0x1FF0] =	vst @!p0 v0  }
0x1aa: {  	v0 =	vld @!p0 [tilespmem:s17+$0xC2];
	_ =	sdelay $0x4  }
0x1ab: {  	v0 =	vadd.s32 @!p0 $0x30D40, v0  }
0x1ac: {  	[tilespmem:$0x2000] =	vst @!p0 v0  }
0x1ad: {  	v0 =	vld @!p0 [tilespmem:s17+$0xD2];
	_ =	sdelay $0x4  }
0x1ae: {  	v0 =	vadd.s32 @!p0 $0x30D40, v0  }
0x1af: {  	[tilespmem:$0x2010] =	vst @!p0 v0  }
0x1b0: {  	v0 =	vld @!p0 [tilespmem:s17+$0xE2];
	_ =	sdelay $0x4  }
0x1b1: {  	v0 =	vadd.s32 @!p0 $0x30D40, v0  }
0x1b2: {  	[tilespmem:$0x2020] =	vst @!p0 v0  }
0x1b3: {  	v0 =	vld @!p0 [tilespmem:s17+$0xF2];
	_ =	sdelay $0x4  }
0x1b4: {  	v0 =	vadd.s32 @!p0 $0x30D40, v0  }
0x1b5: {  	[tilespmem:$0x2030] =	vst @!p0 v0  }
0x1b6: {  	v0 =	vld @!p0 [tilespmem:s17+$0x102];
	_ =	sdelay $0x4  }
0x1b7: {  	v0 =	vadd.s32 @!p0 $0x30D40, v0  }
0x1b8: {  	[tilespmem:$0x2040] =	vst @!p0 v0  }
0x1b9: {  	v0 =	vld @!p0 [tilespmem:s17+$0x112];
	_ =	sdelay $0x4  }
0x1ba: {  	v0 =	vadd.s32 @!p0 $0x30D40, v0  }
0x1bb: {  	[tilespmem:$0x2050] =	vst @!p0 v0  }
0x1bc: {  	v0 =	vld @!p0 [tilespmem:s17+$0x122];
	_ =	sdelay $0x4  }
0x1bd: {  	v0 =	vadd.s32 @!p0 $0x30D40, v0  }
0x1be: {  	[tilespmem:$0x2060] =	vst @!p0 v0  }
0x1bf: {  	v0 =	vld @!p0 [tilespmem:s17+$0x132];
	_ =	sdelay $0x4  }
0x1c0: {  	v0 =	vadd.s32 @!p0 $0x30D40, v0  }
0x1c1: {  	[tilespmem:$0x2070] =	vst @!p0 v0  }
0x1c2: {  	v0 =	vld @!p0 [tilespmem:s17+$0x142];
	_ =	sdelay $0x4  }
0x1c3: {  	v0 =	vadd.s32 @!p0 $0x30D40, v0  }
0x1c4: {  	[tilespmem:$0x2080] =	vst @!p0 v0  }
0x1c5: {  	v0 =	vld @!p0 [tilespmem:s17+$0x152];
	_ =	sdelay $0x4  }
0x1c6: {  	v0 =	vadd.s32 @!p0 $0x30D40, v0  }
0x1c7: {  	[tilespmem:$0x2090] =	vst @!p0 v0  }
0x1c8: {  	v0 =	vld @!p0 [tilespmem:s17+$0x83];
	_ =	sdelay $0x4  }
0x1c9: {  	v0 =	vadd.s32 @!p0 $0x493E0, v0  }
0x1ca: {  	[tilespmem:$0x20A0] =	vst @!p0 v0  }
0x1cb: {  	v0 =	vld @!p0 [tilespmem:s17+$0x93];
	_ =	sdelay $0x4  }
0x1cc: {  	v0 =	vadd.s32 @!p0 $0x493E0, v0  }
0x1cd: {  	[tilespmem:$0x20B0] =	vst @!p0 v0  }
0x1ce: {  	v0 =	vld @!p0 [tilespmem:s17+$0xA3];
	_ =	sdelay $0x4  }
0x1cf: {  	v0 =	vadd.s32 @!p0 $0x493E0, v0  }
0x1d0: {  	[tilespmem:$0x20C0] =	vst @!p0 v0  }
0x1d1: {  	v0 =	vld @!p0 [tilespmem:s17+$0xB3];
	_ =	sdelay $0x4  }
0x1d2: {  	v0 =	vadd.s32 @!p0 $0x493E0, v0  }
0x1d3: {  	[tilespmem:$0x20D0] =	vst @!p0 v0  }
0x1d4: {  	v0 =	vld @!p0 [tilespmem:s17+$0xC3];
	_ =	sdelay $0x4  }
0x1d5: {  	v0 =	vadd.s32 @!p0 $0x493E0, v0  }
0x1d6: {  	[tilespmem:$0x20E0] =	vst @!p0 v0  }
0x1d7: {  	v0 =	vld @!p0 [tilespmem:s17+$0xD3];
	_ =	sdelay $0x4  }
0x1d8: {  	v0 =	vadd.s32 @!p0 $0x493E0, v0  }
0x1d9: {  	[tilespmem:$0x20F0] =	vst @!p0 v0  }
0x1da: {  	v0 =	vld @!p0 [tilespmem:s17+$0xE3];
	_ =	sdelay $0x4  }
0x1db: {  	v0 =	vadd.s32 @!p0 $0x493E0, v0  }
0x1dc: {  	[tilespmem:$0x2100] =	vst @!p0 v0  }
0x1dd: {  	v0 =	vld @!p0 [tilespmem:s17+$0xF3];
	_ =	sdelay $0x4  }
0x1de: {  	v0 =	vadd.s32 @!p0 $0x493E0, v0  }
0x1df: {  	[tilespmem:$0x2110] =	vst @!p0 v0  }
0x1e0: {  	v0 =	vld @!p0 [tilespmem:s17+$0x103];
	_ =	sdelay $0x4  }
0x1e1: {  	v0 =	vadd.s32 @!p0 $0x493E0, v0  }
0x1e2: {  	[tilespmem:$0x2120] =	vst @!p0 v0  }
0x1e3: {  	v0 =	vld @!p0 [tilespmem:s17+$0x113];
	_ =	sdelay $0x4  }
0x1e4: {  	v0 =	vadd.s32 @!p0 $0x493E0, v0  }
0x1e5: {  	[tilespmem:$0x2130] =	vst @!p0 v0  }
0x1e6: {  	v0 =	vld @!p0 [tilespmem:s17+$0x123];
	_ =	sdelay $0x4  }
0x1e7: {  	v0 =	vadd.s32 @!p0 $0x493E0, v0  }
0x1e8: {  	[tilespmem:$0x2140] =	vst @!p0 v0  }
0x1e9: {  	v0 =	vld @!p0 [tilespmem:s17+$0x133];
	_ =	sdelay $0x4  }
0x1ea: {  	v0 =	vadd.s32 @!p0 $0x493E0, v0  }
0x1eb: {  	[tilespmem:$0x2150] =	vst @!p0 v0  }
0x1ec: {  	v0 =	vld @!p0 [tilespmem:s17+$0x143];
	_ =	sdelay $0x4  }
0x1ed: {  	v0 =	vadd.s32 @!p0 $0x493E0, v0  }
0x1ee: {  	[tilespmem:$0x2160] =	vst @!p0 v0  }
0x1ef: {  	v0 =	vld @!p0 [tilespmem:s17+$0x153];
	_ =	sdelay $0x4  }
0x1f0: {  	v0 =	vadd.s32 @!p0 $0x493E0, v0  }
0x1f1: {  	[tilespmem:$0x2170] =	vst @!p0 v0  }
0x1f2: {  	v0 =	vld @!p0 [tilespmem:s17+$0x84];
	_ =	sdelay $0x4  }
0x1f3: {  	v0 =	vadd.s32 @!p0 $0x61A80, v0  }
0x1f4: {  	[tilespmem:$0x2180] =	vst @!p0 v0  }
0x1f5: {  	v0 =	vld @!p0 [tilespmem:s17+$0x94];
	_ =	sdelay $0x4  }
0x1f6: {  	v0 =	vadd.s32 @!p0 $0x61A80, v0  }
0x1f7: {  	[tilespmem:$0x2190] =	vst @!p0 v0  }
0x1f8: {  	v0 =	vld @!p0 [tilespmem:s17+$0xA4];
	_ =	sdelay $0x4  }
0x1f9: {  	v0 =	vadd.s32 @!p0 $0x61A80, v0  }
0x1fa: {  	[tilespmem:$0x21A0] =	vst @!p0 v0  }
0x1fb: {  	v0 =	vld @!p0 [tilespmem:s17+$0xB4];
	_ =	sdelay $0x4  }
0x1fc: {  	v0 =	vadd.s32 @!p0 $0x61A80, v0  }
0x1fd: {  	[tilespmem:$0x21B0] =	vst @!p0 v0  }
0x1fe: {  	v0 =	vld @!p0 [tilespmem:s17+$0xC4];
	_ =	sdelay $0x4  }
0x1ff: {  	v0 =	vadd.s32 @!p0 $0x61A80, v0  }
0x200: {  	[tilespmem:$0x21C0] =	vst @!p0 v0  }
0x201: {  	v0 =	vld @!p0 [tilespmem:s17+$0xD4];
	_ =	sdelay $0x4  }
0x202: {  	v0 =	vadd.s32 @!p0 $0x61A80, v0  }
0x203: {  	[tilespmem:$0x21D0] =	vst @!p0 v0  }
0x204: {  	v0 =	vld @!p0 [tilespmem:s17+$0xE4];
	_ =	sdelay $0x4  }
0x205: {  	v0 =	vadd.s32 @!p0 $0x61A80, v0  }
0x206: {  	[tilespmem:$0x21E0] =	vst @!p0 v0  }
0x207: {  	v0 =	vld @!p0 [tilespmem:s17+$0xF4];
	_ =	sdelay $0x4  }
0x208: {  	v0 =	vadd.s32 @!p0 $0x61A80, v0  }
0x209: {  	[tilespmem:$0x21F0] =	vst @!p0 v0  }
0x20a: {  	v0 =	vld @!p0 [tilespmem:s17+$0x104];
	_ =	sdelay $0x4  }
0x20b: {  	v0 =	vadd.s32 @!p0 $0x61A80, v0  }
0x20c: {  	[tilespmem:$0x2200] =	vst @!p0 v0  }
0x20d: {  	v0 =	vld @!p0 [tilespmem:s17+$0x114];
	_ =	sdelay $0x4  }
0x20e: {  	v0 =	vadd.s32 @!p0 $0x61A80, v0  }
0x20f: {  	[tilespmem:$0x2210] =	vst @!p0 v0  }
0x210: {  	v0 =	vld @!p0 [tilespmem:s17+$0x124];
	_ =	sdelay $0x4  }
0x211: {  	v0 =	vadd.s32 @!p0 $0x61A80, v0  }
0x212: {  	[tilespmem:$0x2220] =	vst @!p0 v0  }
0x213: {  	v0 =	vld @!p0 [tilespmem:s17+$0x134];
	_ =	sdelay $0x4  }
0x214: {  	v0 =	vadd.s32 @!p0 $0x61A80, v0  }
0x215: {  	[tilespmem:$0x2230] =	vst @!p0 v0  }
0x216: {  	v0 =	vld @!p0 [tilespmem:s17+$0x144];
	_ =	sdelay $0x4  }
0x217: {  	v0 =	vadd.s32 @!p0 $0x61A80, v0  }
0x218: {  	[tilespmem:$0x2240] =	vst @!p0 v0  }
0x219: {  	v0 =	vld @!p0 [tilespmem:s17+$0x154];
	_ =	sdelay $0x4  }
0x21a: {  	v0 =	vadd.s32 @!p0 $0x61A80, v0  }
0x21b: {  	[tilespmem:$0x2250] =	vst @!p0 v0  }
0x21c: {  	v0 =	vld @!p0 [tilespmem:s17+$0x82];
	_ =	sdelay $0x4  }
0x21d: {  	[tilespmem:$0x26C0] =	vst @!p0 v0  }
0x21e: {  	v0 =	vld @!p0 [tilespmem:s17+$0x92];
	_ =	sdelay $0x4  }
0x21f: {  	[tilespmem:$0x26D0] =	vst @!p0 v0  }
0x220: {  	v0 =	vld @!p0 [tilespmem:s17+$0xA2];
	_ =	sdelay $0x4  }
0x221: {  	[tilespmem:$0x26E0] =	vst @!p0 v0  }
0x222: {  	v0 =	vld @!p0 [tilespmem:s17+$0xB2];
	_ =	sdelay $0x4  }
0x223: {  	[tilespmem:$0x26F0] =	vst @!p0 v0  }
0x224: {  	v0 =	vld @!p0 [tilespmem:s17+$0xC2];
	_ =	sdelay $0x4  }
0x225: {  	[tilespmem:$0x2700] =	vst @!p0 v0  }
0x226: {  	v0 =	vld @!p0 [tilespmem:s17+$0xD2];
	_ =	sdelay $0x4  }
0x227: {  	[tilespmem:$0x2710] =	vst @!p0 v0  }
0x228: {  	v0 =	vld @!p0 [tilespmem:s17+$0xE2];
	_ =	sdelay $0x4  }
0x229: {  	[tilespmem:$0x2720] =	vst @!p0 v0  }
0x22a: {  	v0 =	vld @!p0 [tilespmem:s17+$0xF2];
	_ =	sdelay $0x4  }
0x22b: {  	[tilespmem:$0x2730] =	vst @!p0 v0  }
0x22c: {  	v0 =	vld @!p0 [tilespmem:s17+$0x102];
	_ =	sdelay $0x4  }
0x22d: {  	[tilespmem:$0x2740] =	vst @!p0 v0  }
0x22e: {  	v0 =	vld @!p0 [tilespmem:s17+$0x112];
	_ =	sdelay $0x4  }
0x22f: {  	[tilespmem:$0x2750] =	vst @!p0 v0  }
0x230: {  	v0 =	vld @!p0 [tilespmem:s17+$0x122];
	_ =	sdelay $0x4  }
0x231: {  	[tilespmem:$0x2760] =	vst @!p0 v0  }
0x232: {  	v0 =	vld @!p0 [tilespmem:s17+$0x132];
	_ =	sdelay $0x4  }
0x233: {  	[tilespmem:$0x2770] =	vst @!p0 v0  }
0x234: {  	v0 =	vld @!p0 [tilespmem:s17+$0x142];
	_ =	sdelay $0x4  }
0x235: {  	[tilespmem:$0x2780] =	vst @!p0 v0  }
0x236: {  	v0 =	vld @!p0 [tilespmem:s17+$0x152];
	_ =	sdelay $0x3  }
0x237: {  	p1 =	seq.s32 @!p0 s18, $0x0  }
0x238: {  	p1 =	por p0, !p1;
	[tilespmem:$0x2790] =	vst @!p0 v0  }
0x239: {  	_ =	swait.ge @p1 [sflag:s15], $0xE00  }
0x23a: {  	s30 =	sadd.s32 s18, s5;
	[sflag:s15] =	ssyncset.done @p1 $0x0  }
0x23b: {  	s31 =	sadd.s32 s18, s6;
	s18 =	sadd.s32 $0x620, s18;
	[sflag:s15] =	ssyncadd.s32 @p1 $0xFFFFF200  }
0x23c: {  	p0 =	sne.s32 s18, $0x6200;
	_ =	swait.ge @p1 [sflag:s15], $0xA80  }
.Ltmp0:
0x23d: {  	[sflag:s15] =	ssyncset.done @p1 $0x0;
	(pc) =	sbr.rel @p0 .LBB2_2-.Ltmp0, $4  }
0x23e: {  	[sflag:s15] =	ssyncadd.s32 @p1 $0xFFFFF580  }
0x23f: {  	[hbm4b:s30+s2] =	stream.linear.scatter [tilespmem:s12], [sflag:$0x2], $0xE00, $0x38;
	[tilespmem:$0x6080] =	vst v63  }
0x240: {  	s17 =	sadd.s32 $0x1E0, s17  }
0x241: {  	[hbm4b:s31+s2] =	stream.linear.scatter [tilespmem:s13], [sflag:$0x2], $0xA80, $0x38;
	[tilespmem:$0x6080] =	vst v63  }
0x242: {  	_ =	swait.ge [sflag:s14], $0xE00  }
0x243: {  	[sflag:s14] =	ssyncset.done $0x0  }
0x244: {  	[sflag:s14] =	ssyncadd.s32 $0xFFFFF200  }
0x245: {  	_ =	swait.ge [sflag:s14], $0xA80  }
0x246: {  	[sflag:s14] =	ssyncset.done $0x0  }
0x247: {  	s16 =	sadd.s32 $0x1, s16;
	[sflag:s14] =	ssyncadd.s32 $0xFFFFF580  }
0x248: {  	p0 =	sne.s32 s16, s4;
	_ =	swait.ge [sflag:s15], $0xE00  }
.Ltmp1:
0x249: {  	[sflag:s15] =	ssyncset.done $0x0;
	(pc) =	sbr.rel @p0 .LBB2_1-.Ltmp1, $4  }
0x24a: {  	[sflag:s15] =	ssyncadd.s32 $0xFFFFF200  }
0x24b: {  	_ =	swait.ge [sflag:s15], $0xA80  }
0x24c: {  	[sflag:s15] =	ssyncset.done $0x0  }
0x24d: {  	[sflag:s15] =	ssyncadd.s32 $0xFFFFF580  }
0x24e: {  	_ =	sfence.sel $0x180000  }
0x24f: {  	[bflag:$0x0] =	sbarrier.arrive $0xFFFF  }
0x250: {  	p0 =	sne.s32 s0, $0x0;
	_ =	strace $0x90000047  }
0x251: {  	s0 =	sadd.s32 @!p0 $0x100000, s1;
	[bflag:$0x2] =	sbarrier.arrive $0xFFFF  }
0x252: {  	[sflag:s0] =	ssyncadd.tile.s32 @!p0 $0x1;
	_ =	shalt  }
.Lfunc_end2:
_tile_overlayer_lowered:
.L_overlay_start_2:
0x253: {  	(tag) =	ssettag $0x2  }
0x254: {  	s0 =	rddreg [dreg:$0x0];
	s2 =	stileid.u32  }
0x255: {  	s1 =	rddreg [dreg:$0x1];
	p0 =	sne.s32 s2, $0x0  }
0x256: {  	s3 =	rddreg [dreg:$0x2];
	[bflag:$0x3] =	sbarrier.arrive $0xFFFF;
	s2 =	simm.s32 @!p0 $0x1C03  }
0x257: {  	[timem:s3], [sflag:s2] =	dma.local @!p0 [hbm:s0], s1  }
0x258: {  	s0 =	simm.s32 @!p0 $0x3  }
0x259: {  	_ =	swait.ge @!p0 [sflag:s0], s1  }
0x25a: {  	s1 =	ssub.s32 @!p0 $0x0, s1;
	[sflag:s0] =	ssyncset.done @!p0 $0x0  }
0x25b: {  	[sflag:s0] =	ssyncadd.s32 @!p0 s1  }
0x25c: {  	[bflag:$0x3] =	sbarrier.arrive $0xFFFF  }
0x25d: {  	_ =	shalt  }

</sc_bundles>
